<compile_context>
chip_gen: v7x
topology: tpu7x:2x2x1
jax: 0.10.2.dev20260603
libtpu: 0.0.44.dev20260713+nightly
codegen_flags: <defaults>
</compile_context>

<pallas_src>
import functools

import jax
import jax.numpy as jnp
import numpy as np
from jax import lax
from jax.experimental import pallas as pl
from jax.experimental.pallas import tpu as pltpu
from jax.experimental.pallas import tpu_sc as plsc

N_NODES = 10000
N_EDGES = 160000
D_IN = 256
D_HID = 256
N_CLASSES = 40
N_EXPERTS = 8

NUM_SC_CORES = 2
NUM_SUBCORES = 16
ROWS_PER_TILE = 624
ROWS_LAST_TILE = N_NODES - ROWS_PER_TILE * (NUM_SUBCORES - 1)

EC = N_EXPERTS * N_CLASSES

NODE_BLOCK = 1000
NUM_NODE_BLOCKS = N_NODES // NODE_BLOCK


@functools.cache
def _mesh():
    return plsc.VectorSubcoreMesh(
        core_axis_name="c", subcore_axis_name="s",
        num_cores=NUM_SC_CORES, num_subcores=NUM_SUBCORES)


DH = 128


def _zero_my_rows(zer_hbm, acc_sh, s):
    row0 = s * ROWS_PER_TILE

    @pl.when(s < NUM_SUBCORES - 1)
    def _():
        pltpu.sync_copy(zer_hbm.at[pl.ds(row0, ROWS_PER_TILE)],
                        acc_sh.at[pl.ds(row0, ROWS_PER_TILE)])

    @pl.when(s == NUM_SUBCORES - 1)
    def _():
        pltpu.sync_copy(zer_hbm.at[pl.ds(row0, ROWS_LAST_TILE)],
                        acc_sh.at[pl.ds(row0, ROWS_LAST_TILE)])


def _writeback_my_rows(acc_sh, out, s):
    row0 = s * ROWS_PER_TILE

    @pl.when(s < NUM_SUBCORES - 1)
    def _():
        pltpu.sync_copy(acc_sh.at[pl.ds(row0, ROWS_PER_TILE)],
                        out.at[pl.ds(row0, ROWS_PER_TILE)])

    @pl.when(s == NUM_SUBCORES - 1)
    def _():
        pltpu.sync_copy(acc_sh.at[pl.ds(row0, ROWS_LAST_TILE)],
                        out.at[pl.ds(row0, ROWS_LAST_TILE)])


EDGES_PER_WORKER = N_EDGES // (NUM_SC_CORES * NUM_SUBCORES)
MAIN_BATCH = 88
N_MAIN = 56
TAIL_BATCH = EDGES_PER_WORKER - N_MAIN * MAIN_BATCH


@functools.cache
def _build_segsum():
    @functools.partial(
        pl.kernel,
        out_type=(
            jax.ShapeDtypeStruct((N_NODES, DH), jnp.float32),
            jax.ShapeDtypeStruct((N_NODES, DH), jnp.float32),
        ),
        mesh=_mesh(),
        scratch_types=[
            pltpu.VMEM((N_MAIN, MAIN_BATCH), jnp.int32),
            pltpu.VMEM((N_MAIN, MAIN_BATCH), jnp.int32),
            pltpu.VMEM((1, TAIL_BATCH), jnp.int32),
            pltpu.VMEM((1, TAIL_BATCH), jnp.int32),
            pltpu.VMEM((MAIN_BATCH, DH), jnp.float32),
            pltpu.VMEM((MAIN_BATCH, DH), jnp.float32),
            pltpu.VMEM((MAIN_BATCH, DH), jnp.float32),
            pltpu.VMEM_SHARED((N_NODES, DH), jnp.float32),
            pltpu.SemaphoreType.DMA,
            pltpu.SemaphoreType.DMA,
            pltpu.SemaphoreType.DMA,
            pltpu.SemaphoreType.DMA,
        ],
    )
    def segsum(h, srcm_hbm, dstm_hbm, srct_hbm, dstt_hbm, zer_hbm,
               outa, outb,
               srcm_v, dstm_v, srct_v, dstt_v, r0, r1, r2, acc_sh,
               g0, g1, g2, ss):
        c = lax.axis_index("c")
        s = lax.axis_index("s")
        bufs = (r0, r1, r2)

        pltpu.sync_copy(srcm_hbm.at[c, s], srcm_v)
        d1 = pltpu.async_copy(dstm_hbm.at[c, s], dstm_v, ss)
        d2 = pltpu.async_copy(srct_hbm.at[c, s], srct_v, ss)
        d3 = pltpu.async_copy(dstt_hbm.at[c, s], dstt_v, ss)

        pltpu.async_copy(h.at[srcm_v.at[0]], r0, g0)
        pltpu.async_copy(h.at[srcm_v.at[1]], r1, g1)
        _zero_my_rows(zer_hbm, acc_sh, s)
        d1.wait()
        d2.wait()
        d3.wait()
        plsc.subcore_barrier()

        def step(j, cur, gcur, prv, tw0):
            pltpu.make_async_copy(h.at[srcm_v.at[j]], cur, gcur).wait()

            @pl.when(j >= 1)
            def _():
                pltpu.make_async_copy(
                    prv, acc_sh.at[dstm_v.at[j - 1]], ss).wait()

            @pl.when(j < N_MAIN - 2)
            def _():
                pltpu.async_copy(h.at[srcm_v.at[j + 2]], prv, tw0)

            pltpu.async_copy(cur, acc_sh.at[dstm_v.at[j]], ss, add=True)

        def body(j, carry):
            @pl.when(j % 3 == 0)
            def _():
                step(j, r0, g0, r2, g2)

            @pl.when(j % 3 == 1)
            def _():
                step(j, r1, g1, r0, g0)

            @pl.when(j % 3 == 2)
            def _():
                step(j, r2, g2, r1, g1)

            return carry

        lax.fori_loop(0, N_MAIN, body, 0)

        pltpu.make_async_copy(
            bufs[(N_MAIN - 1) % 3],
            acc_sh.at[dstm_v.at[N_MAIN - 1]], ss).wait()
        rtail = r0.at[pl.ds(0, TAIL_BATCH)]
        pltpu.async_copy(h.at[srct_v.at[0]], rtail, g0).wait()
        pltpu.sync_copy(rtail, acc_sh.at[dstt_v.at[0]], add=True)
        plsc.subcore_barrier()

        @pl.when(c == 0)
        def _():
            _writeback_my_rows(acc_sh, outa, s)

        @pl.when(c == 1)
        def _():
            _writeback_my_rows(acc_sh, outb, s)

    return segsum


def _segsum(h, srcm, dstm, srct, dstt, zer):
    return _build_segsum()(h, srcm, dstm, srct, dstt, zer)


def _tc_experts_body(x_ref, a0a_ref, a0b_ref, a1a_ref, a1b_ref, noise_ref,
                     wg_ref, wn_ref, thr_ref, w1_ref, w2_ref,
                     u0_ref, u1_ref, u2_ref, gates_ref):
    x = x_ref[...]
    z = x + jnp.concatenate([a0a_ref[...] + a0b_ref[...],
                             a1a_ref[...] + a1b_ref[...]], axis=1)

    clean = jnp.dot(x, wg_ref[...], preferred_element_type=jnp.float32)
    t = jnp.dot(x, wn_ref[...], preferred_element_type=jnp.float32)
    std = jnp.log1p(jnp.exp(-jnp.abs(t))) + jnp.maximum(t, 0.0) + 1e-2
    noisy = clean + noise_ref[...] * std
    scores = noisy - thr_ref[...]
    open_mask = (scores > 0.0).astype(jnp.float32)
    m = jnp.max(noisy, axis=1, keepdims=True)
    ex = jnp.exp(noisy - m)
    sm = ex / jnp.sum(ex, axis=1, keepdims=True)
    raw = sm * open_mask
    gates_ref[...] = raw / (jnp.sum(raw, axis=1, keepdims=True) + 1e-9)

    h = jnp.maximum(
        jnp.dot(z.astype(jnp.bfloat16), w1_ref[...],
                preferred_element_type=jnp.float32), 0.0)
    hb = h.astype(jnp.bfloat16)
    us = [jnp.dot(hb[:, e * D_HID:(e + 1) * D_HID], w2_ref[e],
                  preferred_element_type=jnp.float32)
          for e in range(N_EXPERTS)]
    u = jnp.concatenate(
        us + [jnp.zeros((NODE_BLOCK, 3 * DH - EC), jnp.float32)], axis=1)
    u0_ref[...] = u[:, :DH]
    u1_ref[...] = u[:, DH:2 * DH]
    u2_ref[...] = u[:, 2 * DH:]


def _tc_experts(x, a0a, a0b, a1a, a1b, noise, w_gate, w_noise, thr,
                w1cat, w2bd):
    blk = lambda shape: pl.BlockSpec(shape, lambda i: (0, 0))
    return pl.pallas_call(
        _tc_experts_body,
        grid=(NUM_NODE_BLOCKS,),
        in_specs=[
            pl.BlockSpec((NODE_BLOCK, D_IN), lambda i: (i, 0)),
            pl.BlockSpec((NODE_BLOCK, DH), lambda i: (i, 0)),
            pl.BlockSpec((NODE_BLOCK, DH), lambda i: (i, 0)),
            pl.BlockSpec((NODE_BLOCK, DH), lambda i: (i, 0)),
            pl.BlockSpec((NODE_BLOCK, DH), lambda i: (i, 0)),
            pl.BlockSpec((NODE_BLOCK, N_EXPERTS), lambda i: (i, 0)),
            blk((D_IN, N_EXPERTS)),
            blk((D_IN, N_EXPERTS)),
            blk((1, N_EXPERTS)),
            blk((D_IN, N_EXPERTS * D_HID)),
            pl.BlockSpec((N_EXPERTS, D_HID, N_CLASSES), lambda i: (0, 0, 0)),
        ],
        out_specs=[
            pl.BlockSpec((NODE_BLOCK, DH), lambda i: (i, 0)),
            pl.BlockSpec((NODE_BLOCK, DH), lambda i: (i, 0)),
            pl.BlockSpec((NODE_BLOCK, DH), lambda i: (i, 0)),
            pl.BlockSpec((NODE_BLOCK, N_EXPERTS), lambda i: (i, 0)),
        ],
        out_shape=[
            jax.ShapeDtypeStruct((N_NODES, DH), jnp.float32),
            jax.ShapeDtypeStruct((N_NODES, DH), jnp.float32),
            jax.ShapeDtypeStruct((N_NODES, DH), jnp.float32),
            jax.ShapeDtypeStruct((N_NODES, N_EXPERTS), jnp.float32),
        ],
    )(x, a0a, a0b, a1a, a1b, noise, w_gate, w_noise, thr, w1cat, w2bd)


_REP_FULL = np.kron(np.eye(N_EXPERTS), np.ones((1, N_CLASSES))).astype(np.float32)
_SEL_FULL = np.kron(np.ones((N_EXPERTS, 1)), np.eye(N_CLASSES)).astype(np.float32)


_REP_PAD = np.concatenate(
    [_REP_FULL, np.zeros((N_EXPERTS, 3 * DH - EC), np.float32)], axis=1)
_SEL_PAD = np.concatenate(
    [_SEL_FULL, np.zeros((3 * DH - EC, N_CLASSES), np.float32)], axis=0)


def _tc_combine_body(u0_ref, u1_ref, u2_ref, p0a_ref, p0b_ref, p1a_ref,
                     p1b_ref, p2a_ref, p2b_ref, gates_ref, repp_ref,
                     selp_ref, y_ref):
    g = gates_ref[...]
    su = jnp.concatenate(
        [u0_ref[...] + p0a_ref[...] + p0b_ref[...],
         u1_ref[...] + p1a_ref[...] + p1b_ref[...],
         u2_ref[...] + p2a_ref[...] + p2b_ref[...]], axis=1)
    gp = jnp.dot(g, repp_ref[...], preferred_element_type=jnp.float32)
    y_ref[...] = jnp.dot(su * gp, selp_ref[...],
                         preferred_element_type=jnp.float32)


def _tc_combine(u0, u1, u2, p0a, p0b, p1a, p1b, p2a, p2b, gates):
    blk = lambda shape: pl.BlockSpec(shape, lambda i: (0, 0))
    consts = (jnp.asarray(_REP_PAD), jnp.asarray(_SEL_PAD))
    nb = lambda: pl.BlockSpec((NODE_BLOCK, DH), lambda i: (i, 0))
    return pl.pallas_call(
        _tc_combine_body,
        grid=(NUM_NODE_BLOCKS,),
        in_specs=[
            nb(), nb(), nb(), nb(), nb(), nb(), nb(), nb(), nb(),
            pl.BlockSpec((NODE_BLOCK, N_EXPERTS), lambda i: (i, 0)),
            blk((N_EXPERTS, 3 * DH)), blk((3 * DH, N_CLASSES)),
        ],
        out_specs=pl.BlockSpec((NODE_BLOCK, N_CLASSES), lambda i: (i, 0)),
        out_shape=jax.ShapeDtypeStruct((N_NODES, N_CLASSES), jnp.float32),
    )(u0, u1, u2, p0a, p0b, p1a, p1b, p2a, p2b, gates, *consts)


def kernel(x, edge_index, noise, w_gate, w_noise, gate_threshold, W1, W2):
    ncut = N_MAIN * MAIN_BATCH
    src = edge_index[0].astype(jnp.int32).reshape(
        NUM_SC_CORES, NUM_SUBCORES, EDGES_PER_WORKER)
    dst = edge_index[1].astype(jnp.int32).reshape(
        NUM_SC_CORES, NUM_SUBCORES, EDGES_PER_WORKER)
    srcm = src[:, :, :ncut].reshape(NUM_SC_CORES, NUM_SUBCORES,
                                    N_MAIN, MAIN_BATCH)
    dstm = dst[:, :, :ncut].reshape(NUM_SC_CORES, NUM_SUBCORES,
                                    N_MAIN, MAIN_BATCH)
    srct = src[:, :, ncut:].reshape(NUM_SC_CORES, NUM_SUBCORES,
                                    1, TAIL_BATCH)
    dstt = dst[:, :, ncut:].reshape(NUM_SC_CORES, NUM_SUBCORES,
                                    1, TAIL_BATCH)
    idx = (srcm, dstm, srct, dstt)

    zer = jnp.zeros((N_NODES, DH), jnp.float32)
    x0 = x[:, :DH]
    x1 = x[:, DH:]
    x0a, x0b = _segsum(x0, *idx, zer)
    x1a, x1b = _segsum(x1, *idx, zer)

    w1cat = jnp.transpose(W1, (1, 0, 2)).reshape(
        D_IN, N_EXPERTS * D_HID).astype(jnp.bfloat16)
    w2b = W2.astype(jnp.bfloat16)
    thr = gate_threshold.reshape(1, N_EXPERTS)

    u0, u1, u2, gates = _tc_experts(x, x0a, x0b, x1a, x1b, noise, w_gate,
                                    w_noise, thr, w1cat, w2b)

    p0a, p0b = _segsum(u0, *idx, zer)
    p1a, p1b = _segsum(u1, *idx, zer)
    p2a, p2b = _segsum(u2, *idx, zer)

    return _tc_combine(u0, u1, u2, p0a, p0b, p1a, p1b, p2a, p2b, gates)

# --- scband reference (transcript-rebuilt; emitter-appended) ---
"""Pipeline reference for scband-sagmm-network-1623497638190 (READ-ONLY COPY).

The authoritative reference and input builder live on the scoring server;
editing this copy changes nothing except your own understanding.
"""

import jax, jax.numpy as jnp
import numpy as np

N_NODES = 10000
N_EDGES = 160000
D_IN = 256
D_HID = 256
N_CLASSES = 40
N_EXPERTS = 8


def setup_inputs(seed: int = 0) -> dict:
    key = jax.random.key(seed)
    ks = jax.random.split(key, 8)
    x = jax.random.normal(ks[0], (N_NODES, D_IN), dtype=jnp.float32)
    edge_index = jax.random.randint(ks[1], (2, N_EDGES), 0, N_NODES, dtype=jnp.int64)
    noise = jax.random.normal(ks[2], (N_NODES, N_EXPERTS), dtype=jnp.float32)
    # gating parameters (noisy_top_any): initialized zeros in the module, use small values so gates are non-degenerate
    w_gate = jax.random.normal(ks[3], (D_IN, N_EXPERTS), dtype=jnp.float32) * 0.02
    w_noise = jax.random.normal(ks[4], (D_IN, N_EXPERTS), dtype=jnp.float32) * 0.02
    # gate_type == 'zeros' -> threshold initialized to zeros
    gate_threshold = jnp.zeros((N_EXPERTS,), dtype=jnp.float32)
    # stand-in expert parameters: each expert is a 2-layer message-passing GNN
    W1 = jax.random.normal(ks[5], (N_EXPERTS, D_IN, D_HID), dtype=jnp.float32) * (1.0 / np.sqrt(D_IN))
    W2 = jax.random.normal(ks[6], (N_EXPERTS, D_HID, N_CLASSES), dtype=jnp.float32) * (1.0 / np.sqrt(D_HID))
    return {"x": x, "edge_index": edge_index, "noise": noise, "w_gate": w_gate,
            "w_noise": w_noise, "gate_threshold": gate_threshold, "W1": W1, "W2": W2}


def reference(x, edge_index, noise, w_gate, w_noise, gate_threshold, W1, W2):
    N = x.shape[0]
    src = edge_index[0]
    dst = edge_index[1]
    # ---- noisy gating (noisy_top_any) ----
    clean_logits = x @ w_gate
    noise_std = jax.nn.softplus(x @ w_noise) + 1e-2
    noisy_logits = clean_logits + noise * noise_std
    scores = noisy_logits - gate_threshold[None, :]
    # SAGMMGateBackward: sign in forward, straight-through (identity) in backward
    sign_st = scores + jax.lax.stop_gradient(jnp.sign(scores) - scores)
    open_mask = jax.nn.relu(sign_st)  # 1 where gate open, 0 otherwise (ST grad)
    raw_gates = jax.nn.softmax(noisy_logits, axis=1) * open_mask
    gates = raw_gates / (jnp.sum(raw_gates, axis=1, keepdims=True) + 1e-9)
    # ---- expert forward (message passing per expert) ----
    expert_outs = []
    for e in range(W1.shape[0]):
        agg1 = jax.ops.segment_sum(x[src], dst, num_segments=N)
        h = jax.nn.relu((agg1 + x) @ W1[e])
        agg2 = jax.ops.segment_sum(h[src], dst, num_segments=N)
        o = (agg2 + h) @ W2[e]
        expert_outs.append(o)
    expert_out = jnp.stack(expert_outs, axis=0)  # [E, N, C]
    y = jnp.einsum('ne,enc->nc', gates, expert_out)
    return y

if __name__ == "__main__":
    import jax
    _d = setup_inputs()
    print(jax.jit(kernel)(*tuple(_d.values())))

</pallas_src>

<mosaic_0001>
#map = affine_map<(d0, d1) -> (0, 0)>
#map1 = affine_map<(d0, d1) -> (0, 0, 0, 0)>
module attributes {stable_mosaic.version = 14 : i64} {
  func.func @segsum(%arg0: i32, %arg1: i32, %arg2: memref<10000x128xf32, #tpu.memory_space<hbm>>, %arg3: memref<2x16x56x88xi32, #tpu.memory_space<hbm>>, %arg4: memref<2x16x56x88xi32, #tpu.memory_space<hbm>>, %arg5: memref<2x16x1x72xi32, #tpu.memory_space<hbm>>, %arg6: memref<2x16x1x72xi32, #tpu.memory_space<hbm>>, %arg7: memref<10000x128xf32, #tpu.memory_space<hbm>>, %arg8: memref<10000x128xf32, #tpu.memory_space<hbm>>, %arg9: memref<10000x128xf32, #tpu.memory_space<hbm>>, %arg10: memref<56x88xi32, #tpu.memory_space<vmem>>, %arg11: memref<56x88xi32, #tpu.memory_space<vmem>>, %arg12: memref<1x72xi32, #tpu.memory_space<vmem>>, %arg13: memref<1x72xi32, #tpu.memory_space<vmem>>, %arg14: memref<88x128xf32, #tpu.memory_space<vmem>>, %arg15: memref<88x128xf32, #tpu.memory_space<vmem>>, %arg16: memref<88x128xf32, #tpu.memory_space<vmem>>, %arg17: memref<10000x128xf32, #tpu.memory_space<vmem_shared>>, %arg18: memref<!tpu.dma_semaphore, #tpu.memory_space<semaphore_mem>>, %arg19: memref<!tpu.dma_semaphore, #tpu.memory_space<semaphore_mem>>, %arg20: memref<!tpu.dma_semaphore, #tpu.memory_space<semaphore_mem>>, %arg21: memref<!tpu.dma_semaphore, #tpu.memory_space<semaphore_mem>>) attributes {dimension_semantics = [#tpu.dimension_semantics<core_parallel>, #tpu.dimension_semantics<subcore_parallel>], iteration_bounds = array<i64: 2, 16>, scalar_prefetch = 0 : i64, scratch_operands = 12 : i64, tpu.core_type = #tpu.core_type<sc_vector_subcore>, window_params = [{transform_indices = #map}, {transform_indices = #map1}, {transform_indices = #map1}, {transform_indices = #map1}, {transform_indices = #map1}, {transform_indices = #map}, {transform_indices = #map}, {transform_indices = #map}]} {
    "tpu.region"() ({
      %run_scoped3A_110 = tpu.sem_alloc : memref<!tpu.dma_semaphore, #tpu.memory_space<semaphore_mem>>
      %dma_start3A_111 = arith.constant 0 : i32
      %dma_start3A_112 = arith.constant 0 : i32
      %dma_start3A_113 = tpu.memref_slice %arg3[%arg0, %arg1, %dma_start3A_111, %dma_start3A_112] : memref<2x16x56x88xi32, #tpu.memory_space<hbm>> -> memref<1x1x56x88xi32, #tpu.memory_space<hbm>>
      %dma_start3A_114 = tpu.memref_squeeze %dma_start3A_113 : memref<1x1x56x88xi32, #tpu.memory_space<hbm>> -> memref<56x88xi32, #tpu.memory_space<hbm>>
      %dma_start3A_115 = arith.constant 0 : i32
      %dma_start3A_116 = arith.constant 0 : i32
      %dma_start3A_117 = tpu.memref_slice %arg3[%arg0, %arg1, %dma_start3A_115, %dma_start3A_116] : memref<2x16x56x88xi32, #tpu.memory_space<hbm>> -> memref<1x1x56x88xi32, #tpu.memory_space<hbm>>
      %dma_start3A_118 = tpu.memref_squeeze %dma_start3A_117 : memref<1x1x56x88xi32, #tpu.memory_space<hbm>> -> memref<56x88xi32, #tpu.memory_space<hbm>>
      tpu.enqueue_dma source(%dma_start3A_118 : memref<56x88xi32, #tpu.memory_space<hbm>>) target(%arg10 : memref<56x88xi32, #tpu.memory_space<vmem>>) target_semaphore(%run_scoped3A_110 : memref<!tpu.dma_semaphore, #tpu.memory_space<semaphore_mem>>)
      %dma_wait3A_119 = arith.constant 0 : i32
      %dma_wait3A_120 = arith.constant 0 : i32
      %dma_wait3A_121 = tpu.memref_slice %arg3[%arg0, %arg1, %dma_wait3A_119, %dma_wait3A_120] : memref<2x16x56x88xi32, #tpu.memory_space<hbm>> -> memref<1x1x56x88xi32, #tpu.memory_space<hbm>>
      %dma_wait3A_122 = tpu.memref_squeeze %dma_wait3A_121 : memref<1x1x56x88xi32, #tpu.memory_space<hbm>> -> memref<56x88xi32, #tpu.memory_space<hbm>>
      %dma_wait3A_123 = arith.constant 0 : i32
      %dma_wait3A_124 = arith.constant 0 : i32
      %dma_wait3A_125 = tpu.memref_slice %arg3[%arg0, %arg1, %dma_wait3A_123, %dma_wait3A_124] : memref<2x16x56x88xi32, #tpu.memory_space<hbm>> -> memref<1x1x56x88xi32, #tpu.memory_space<hbm>>
      %dma_wait3A_126 = tpu.memref_squeeze %dma_wait3A_125 : memref<1x1x56x88xi32, #tpu.memory_space<hbm>> -> memref<56x88xi32, #tpu.memory_space<hbm>>
      tpu.wait_dma2 semaphore(%run_scoped3A_110 : memref<!tpu.dma_semaphore, #tpu.memory_space<semaphore_mem>>) src(%dma_wait3A_126 : memref<56x88xi32, #tpu.memory_space<hbm>>) dst(%arg10 : memref<56x88xi32, #tpu.memory_space<vmem>>)
      tpu.yield
    }) : () -> ()
    %dma_start3A = arith.constant 0 : i32
    %dma_start3A_0 = arith.constant 0 : i32
    %dma_start3A_1 = tpu.memref_slice %arg4[%arg0, %arg1, %dma_start3A, %dma_start3A_0] : memref<2x16x56x88xi32, #tpu.memory_space<hbm>> -> memref<1x1x56x88xi32, #tpu.memory_space<hbm>>
    %dma_start3A_2 = tpu.memref_squeeze %dma_start3A_1 : memref<1x1x56x88xi32, #tpu.memory_space<hbm>> -> memref<56x88xi32, #tpu.memory_space<hbm>>
    %dma_start3A_3 = arith.constant 0 : i32
    %dma_start3A_4 = arith.constant 0 : i32
    %dma_start3A_5 = tpu.memref_slice %arg4[%arg0, %arg1, %dma_start3A_3, %dma_start3A_4] : memref<2x16x56x88xi32, #tpu.memory_space<hbm>> -> memref<1x1x56x88xi32, #tpu.memory_space<hbm>>
    %dma_start3A_6 = tpu.memref_squeeze %dma_start3A_5 : memref<1x1x56x88xi32, #tpu.memory_space<hbm>> -> memref<56x88xi32, #tpu.memory_space<hbm>>
    tpu.enqueue_dma source(%dma_start3A_6 : memref<56x88xi32, #tpu.memory_space<hbm>>) target(%arg11 : memref<56x88xi32, #tpu.memory_space<vmem>>) target_semaphore(%arg21 : memref<!tpu.dma_semaphore, #tpu.memory_space<semaphore_mem>>)
    %dma_start3A_7 = arith.constant 0 : i32
    %dma_start3A_8 = arith.constant 0 : i32
    %dma_start3A_9 = tpu.memref_slice %arg5[%arg0, %arg1, %dma_start3A_7, %dma_start3A_8] : memref<2x16x1x72xi32, #tpu.memory_space<hbm>> -> memref<1x1x1x72xi32, #tpu.memory_space<hbm>>
    %dma_start3A_10 = tpu.memref_squeeze %dma_start3A_9 : memref<1x1x1x72xi32, #tpu.memory_space<hbm>> -> memref<1x72xi32, #tpu.memory_space<hbm>>
    %dma_start3A_11 = arith.constant 0 : i32
    %dma_start3A_12 = arith.constant 0 : i32
    %dma_start3A_13 = tpu.memref_slice %arg5[%arg0, %arg1, %dma_start3A_11, %dma_start3A_12] : memref<2x16x1x72xi32, #tpu.memory_space<hbm>> -> memref<1x1x1x72xi32, #tpu.memory_space<hbm>>
    %dma_start3A_14 = tpu.memref_squeeze %dma_start3A_13 : memref<1x1x1x72xi32, #tpu.memory_space<hbm>> -> memref<1x72xi32, #tpu.memory_space<hbm>>
    tpu.enqueue_dma source(%dma_start3A_14 : memref<1x72xi32, #tpu.memory_space<hbm>>) target(%arg12 : memref<1x72xi32, #tpu.memory_space<vmem>>) target_semaphore(%arg21 : memref<!tpu.dma_semaphore, #tpu.memory_space<semaphore_mem>>)
    %dma_start3A_15 = arith.constant 0 : i32
    %dma_start3A_16 = arith.constant 0 : i32
    %dma_start3A_17 = tpu.memref_slice %arg6[%arg0, %arg1, %dma_start3A_15, %dma_start3A_16] : memref<2x16x1x72xi32, #tpu.memory_space<hbm>> -> memref<1x1x1x72xi32, #tpu.memory_space<hbm>>
    %dma_start3A_18 = tpu.memref_squeeze %dma_start3A_17 : memref<1x1x1x72xi32, #tpu.memory_space<hbm>> -> memref<1x72xi32, #tpu.memory_space<hbm>>
    %dma_start3A_19 = arith.constant 0 : i32
    %dma_start3A_20 = arith.constant 0 : i32
    %dma_start3A_21 = tpu.memref_slice %arg6[%arg0, %arg1, %dma_start3A_19, %dma_start3A_20] : memref<2x16x1x72xi32, #tpu.memory_space<hbm>> -> memref<1x1x1x72xi32, #tpu.memory_space<hbm>>
    %dma_start3A_22 = tpu.memref_squeeze %dma_start3A_21 : memref<1x1x1x72xi32, #tpu.memory_space<hbm>> -> memref<1x72xi32, #tpu.memory_space<hbm>>
    tpu.enqueue_dma source(%dma_start3A_22 : memref<1x72xi32, #tpu.memory_space<hbm>>) target(%arg13 : memref<1x72xi32, #tpu.memory_space<vmem>>) target_semaphore(%arg21 : memref<!tpu.dma_semaphore, #tpu.memory_space<semaphore_mem>>)
    %dma_start3A_23 = arith.constant 0 : i32
    %dma_start3A_24 = arith.constant 0 : i32
    %dma_start3A_25 = tpu.memref_slice %arg10[%dma_start3A_23, %dma_start3A_24] : memref<56x88xi32, #tpu.memory_space<vmem>> -> memref<1x88xi32, #tpu.memory_space<vmem>>
    %dma_start3A_26 = tpu.memref_squeeze %dma_start3A_25 : memref<1x88xi32, #tpu.memory_space<vmem>> -> memref<88xi32, #tpu.memory_space<vmem>>
    %dma_start3A_27 = arith.constant 0 : i32
    %dma_start3A_28 = arith.constant 0 : i32
    %dma_start3A_29 = tpu.memref_slice %arg2[%dma_start3A_27, %dma_start3A_28] : memref<10000x128xf32, #tpu.memory_space<hbm>> -> memref<10000x128xf32, #tpu.memory_space<hbm>>
    tpu.enqueue_indirect_dma source(%dma_start3A_29 : memref<10000x128xf32, #tpu.memory_space<hbm>>) target(%arg14 : memref<88x128xf32, #tpu.memory_space<vmem>>) offsets(%dma_start3A_26 : memref<88xi32, #tpu.memory_space<vmem>>) semaphore(%arg18 : memref<!tpu.dma_semaphore, #tpu.memory_space<semaphore_mem>>)
    %dma_start3A_30 = arith.constant 1 : i32
    %dma_start3A_31 = arith.constant 0 : i32
    %dma_start3A_32 = tpu.memref_slice %arg10[%dma_start3A_30, %dma_start3A_31] : memref<56x88xi32, #tpu.memory_space<vmem>> -> memref<1x88xi32, #tpu.memory_space<vmem>>
    %dma_start3A_33 = tpu.memref_squeeze %dma_start3A_32 : memref<1x88xi32, #tpu.memory_space<vmem>> -> memref<88xi32, #tpu.memory_space<vmem>>
    %dma_start3A_34 = arith.constant 0 : i32
    %dma_start3A_35 = arith.constant 0 : i32
    %dma_start3A_36 = tpu.memref_slice %arg2[%dma_start3A_34, %dma_start3A_35] : memref<10000x128xf32, #tpu.memory_space<hbm>> -> memref<10000x128xf32, #tpu.memory_space<hbm>>
    tpu.enqueue_indirect_dma source(%dma_start3A_36 : memref<10000x128xf32, #tpu.memory_space<hbm>>) target(%arg15 : memref<88x128xf32, #tpu.memory_space<vmem>>) offsets(%dma_start3A_33 : memref<88xi32, #tpu.memory_space<vmem>>) semaphore(%arg19 : memref<!tpu.dma_semaphore, #tpu.memory_space<semaphore_mem>>)
    %mul3A = arith.constant 624 : i32
    %mul3A_37 = arith.muli %arg1, %mul3A : i32
    %lt3A = arith.constant 15 : i32
    %lt3A_38 = arith.cmpi slt, %arg1, %lt3A : i32
    %convert_element_type3A = arith.extui %lt3A_38 : i1 to i32
    %cond3A = arith.constant 0 : i32
    %cond3A_39 = arith.cmpi ne, %convert_element_type3A, %cond3A : i32
    scf.if %cond3A_39 {
      "tpu.region"() ({
        %run_scoped3A_110 = tpu.sem_alloc : memref<!tpu.dma_semaphore, #tpu.memory_space<semaphore_mem>>
        %dma_start3A_111 = arith.constant 0 : i32
        %dma_start3A_112 = tpu.memref_slice %arg17[%mul3A_37, %dma_start3A_111] : memref<10000x128xf32, #tpu.memory_space<vmem_shared>> -> memref<624x128xf32, #tpu.memory_space<vmem_shared>>
        %dma_start3A_113 = arith.constant 0 : i32
        %dma_start3A_114 = tpu.memref_slice %arg7[%mul3A_37, %dma_start3A_113] : memref<10000x128xf32, #tpu.memory_space<hbm>> -> memref<624x128xf32, #tpu.memory_space<hbm>>
        tpu.enqueue_dma source(%dma_start3A_114 : memref<624x128xf32, #tpu.memory_space<hbm>>) target(%dma_start3A_112 : memref<624x128xf32, #tpu.memory_space<vmem_shared>>) target_semaphore(%run_scoped3A_110 : memref<!tpu.dma_semaphore, #tpu.memory_space<semaphore_mem>>)
        %dma_wait3A_115 = arith.constant 0 : i32
        %dma_wait3A_116 = tpu.memref_slice %arg17[%mul3A_37, %dma_wait3A_115] : memref<10000x128xf32, #tpu.memory_space<vmem_shared>> -> memref<624x128xf32, #tpu.memory_space<vmem_shared>>
        %dma_wait3A_117 = arith.constant 0 : i32
        %dma_wait3A_118 = tpu.memref_slice %arg7[%mul3A_37, %dma_wait3A_117] : memref<10000x128xf32, #tpu.memory_space<hbm>> -> memref<624x128xf32, #tpu.memory_space<hbm>>
        tpu.wait_dma2 semaphore(%run_scoped3A_110 : memref<!tpu.dma_semaphore, #tpu.memory_space<semaphore_mem>>) src(%dma_wait3A_118 : memref<624x128xf32, #tpu.memory_space<hbm>>) dst(%dma_wait3A_116 : memref<624x128xf32, #tpu.memory_space<vmem_shared>>)
        tpu.yield
      }) : () -> ()
    } else {
    }
    %eq3A = arith.constant 15 : i32
    %eq3A_40 = arith.cmpi eq, %arg1, %eq3A : i32
    %convert_element_type3A_41 = arith.extui %eq3A_40 : i1 to i32
    %cond3A_42 = arith.constant 0 : i32
    %cond3A_43 = arith.cmpi ne, %convert_element_type3A_41, %cond3A_42 : i32
    scf.if %cond3A_43 {
      "tpu.region"() ({
        %run_scoped3A_110 = tpu.sem_alloc : memref<!tpu.dma_semaphore, #tpu.memory_space<semaphore_mem>>
        %dma_start3A_111 = arith.constant 0 : i32
        %dma_start3A_112 = tpu.memref_slice %arg17[%mul3A_37, %dma_start3A_111] : memref<10000x128xf32, #tpu.memory_space<vmem_shared>> -> memref<640x128xf32, #tpu.memory_space<vmem_shared>>
        %dma_start3A_113 = arith.constant 0 : i32
        %dma_start3A_114 = tpu.memref_slice %arg7[%mul3A_37, %dma_start3A_113] : memref<10000x128xf32, #tpu.memory_space<hbm>> -> memref<640x128xf32, #tpu.memory_space<hbm>>
        tpu.enqueue_dma source(%dma_start3A_114 : memref<640x128xf32, #tpu.memory_space<hbm>>) target(%dma_start3A_112 : memref<640x128xf32, #tpu.memory_space<vmem_shared>>) target_semaphore(%run_scoped3A_110 : memref<!tpu.dma_semaphore, #tpu.memory_space<semaphore_mem>>)
        %dma_wait3A_115 = arith.constant 0 : i32
        %dma_wait3A_116 = tpu.memref_slice %arg17[%mul3A_37, %dma_wait3A_115] : memref<10000x128xf32, #tpu.memory_space<vmem_shared>> -> memref<640x128xf32, #tpu.memory_space<vmem_shared>>
        %dma_wait3A_117 = arith.constant 0 : i32
        %dma_wait3A_118 = tpu.memref_slice %arg7[%mul3A_37, %dma_wait3A_117] : memref<10000x128xf32, #tpu.memory_space<hbm>> -> memref<640x128xf32, #tpu.memory_space<hbm>>
        tpu.wait_dma2 semaphore(%run_scoped3A_110 : memref<!tpu.dma_semaphore, #tpu.memory_space<semaphore_mem>>) src(%dma_wait3A_118 : memref<640x128xf32, #tpu.memory_space<hbm>>) dst(%dma_wait3A_116 : memref<640x128xf32, #tpu.memory_space<vmem_shared>>)
        tpu.yield
      }) : () -> ()
    } else {
    }
    %dma_wait3A = arith.constant 0 : i32
    %dma_wait3A_44 = arith.constant 0 : i32
    %dma_wait3A_45 = tpu.memref_slice %arg4[%arg0, %arg1, %dma_wait3A, %dma_wait3A_44] : memref<2x16x56x88xi32, #tpu.memory_space<hbm>> -> memref<1x1x56x88xi32, #tpu.memory_space<hbm>>
    %dma_wait3A_46 = tpu.memref_squeeze %dma_wait3A_45 : memref<1x1x56x88xi32, #tpu.memory_space<hbm>> -> memref<56x88xi32, #tpu.memory_space<hbm>>
    %dma_wait3A_47 = arith.constant 0 : i32
    %dma_wait3A_48 = arith.constant 0 : i32
    %dma_wait3A_49 = tpu.memref_slice %arg4[%arg0, %arg1, %dma_wait3A_47, %dma_wait3A_48] : memref<2x16x56x88xi32, #tpu.memory_space<hbm>> -> memref<1x1x56x88xi32, #tpu.memory_space<hbm>>
    %dma_wait3A_50 = tpu.memref_squeeze %dma_wait3A_49 : memref<1x1x56x88xi32, #tpu.memory_space<hbm>> -> memref<56x88xi32, #tpu.memory_space<hbm>>
    tpu.wait_dma2 semaphore(%arg21 : memref<!tpu.dma_semaphore, #tpu.memory_space<semaphore_mem>>) src(%dma_wait3A_50 : memref<56x88xi32, #tpu.memory_space<hbm>>) dst(%arg11 : memref<56x88xi32, #tpu.memory_space<vmem>>)
    %dma_wait3A_51 = arith.constant 0 : i32
    %dma_wait3A_52 = arith.constant 0 : i32
    %dma_wait3A_53 = tpu.memref_slice %arg5[%arg0, %arg1, %dma_wait3A_51, %dma_wait3A_52] : memref<2x16x1x72xi32, #tpu.memory_space<hbm>> -> memref<1x1x1x72xi32, #tpu.memory_space<hbm>>
    %dma_wait3A_54 = tpu.memref_squeeze %dma_wait3A_53 : memref<1x1x1x72xi32, #tpu.memory_space<hbm>> -> memref<1x72xi32, #tpu.memory_space<hbm>>
    %dma_wait3A_55 = arith.constant 0 : i32
    %dma_wait3A_56 = arith.constant 0 : i32
    %dma_wait3A_57 = tpu.memref_slice %arg5[%arg0, %arg1, %dma_wait3A_55, %dma_wait3A_56] : memref<2x16x1x72xi32, #tpu.memory_space<hbm>> -> memref<1x1x1x72xi32, #tpu.memory_space<hbm>>
    %dma_wait3A_58 = tpu.memref_squeeze %dma_wait3A_57 : memref<1x1x1x72xi32, #tpu.memory_space<hbm>> -> memref<1x72xi32, #tpu.memory_space<hbm>>
    tpu.wait_dma2 semaphore(%arg21 : memref<!tpu.dma_semaphore, #tpu.memory_space<semaphore_mem>>) src(%dma_wait3A_58 : memref<1x72xi32, #tpu.memory_space<hbm>>) dst(%arg12 : memref<1x72xi32, #tpu.memory_space<vmem>>)
    %dma_wait3A_59 = arith.constant 0 : i32
    %dma_wait3A_60 = arith.constant 0 : i32
    %dma_wait3A_61 = tpu.memref_slice %arg6[%arg0, %arg1, %dma_wait3A_59, %dma_wait3A_60] : memref<2x16x1x72xi32, #tpu.memory_space<hbm>> -> memref<1x1x1x72xi32, #tpu.memory_space<hbm>>
    %dma_wait3A_62 = tpu.memref_squeeze %dma_wait3A_61 : memref<1x1x1x72xi32, #tpu.memory_space<hbm>> -> memref<1x72xi32, #tpu.memory_space<hbm>>
    %dma_wait3A_63 = arith.constant 0 : i32
    %dma_wait3A_64 = arith.constant 0 : i32
    %dma_wait3A_65 = tpu.memref_slice %arg6[%arg0, %arg1, %dma_wait3A_63, %dma_wait3A_64] : memref<2x16x1x72xi32, #tpu.memory_space<hbm>> -> memref<1x1x1x72xi32, #tpu.memory_space<hbm>>
    %dma_wait3A_66 = tpu.memref_squeeze %dma_wait3A_65 : memref<1x1x1x72xi32, #tpu.memory_space<hbm>> -> memref<1x72xi32, #tpu.memory_space<hbm>>
    tpu.wait_dma2 semaphore(%arg21 : memref<!tpu.dma_semaphore, #tpu.memory_space<semaphore_mem>>) src(%dma_wait3A_66 : memref<1x72xi32, #tpu.memory_space<hbm>>) dst(%arg13 : memref<1x72xi32, #tpu.memory_space<vmem>>)
    %barrier3A = arith.constant 0 : index
    tpu.barrier barrier_id(%barrier3A)
    %scan3A = arith.constant 0 : i32
    %scan3A_67 = arith.constant 0 : i32
    %scan3A_68 = arith.constant 56 : i32
    %scan3A_69 = arith.addi %scan3A_67, %scan3A_68 : i32
    %scan3A_70 = arith.constant 1 : i32
    scf.for %scan3A_110 = %scan3A_67 to %scan3A_69 step %scan3A_70  : i32 {
      %jit3A = arith.constant 3 : i32
      %eq3A_111 = arith.constant 0 : i32
      %eq3A_112 = arith.cmpi eq, %jit3A, %eq3A_111 : i32
      %jit3A_113 = arith.constant 1 : i32
      %select_n3A = arith.select %eq3A_112, %jit3A_113, %jit3A : i32
      %rem3A = arith.remsi %scan3A_110, %select_n3A : i32
      %ne3A = arith.constant 0 : i32
      %ne3A_114 = arith.cmpi ne, %rem3A, %ne3A : i32
      %lt3A_115 = arith.constant 0 : i32
      %lt3A_116 = arith.cmpi slt, %rem3A, %lt3A_115 : i32
      %lt3A_117 = arith.constant 0 : i32
      %lt3A_118 = arith.cmpi slt, %select_n3A, %lt3A_117 : i32
      %ne3A_119 = arith.xori %lt3A_116, %lt3A_118 : i1
      %and3A = arith.andi %ne3A_119, %ne3A_114 : i1
      %add3A = arith.addi %rem3A, %select_n3A : i32
      %select_n3A_120 = arith.select %and3A, %add3A, %rem3A : i32
      %eq3A_121 = arith.constant 0 : i32
      %eq3A_122 = arith.cmpi eq, %select_n3A_120, %eq3A_121 : i32
      %convert_element_type3A_123 = arith.extui %eq3A_122 : i1 to i32
      %cond3A_124 = arith.constant 0 : i32
      %cond3A_125 = arith.cmpi ne, %convert_element_type3A_123, %cond3A_124 : i32
      scf.if %cond3A_125 {
        %dma_wait3A_168 = arith.constant 0 : i32
        %dma_wait3A_169 = tpu.memref_slice %arg10[%scan3A_110, %dma_wait3A_168] : memref<56x88xi32, #tpu.memory_space<vmem>> -> memref<1x88xi32, #tpu.memory_space<vmem>>
        %dma_wait3A_170 = tpu.memref_squeeze %dma_wait3A_169 : memref<1x88xi32, #tpu.memory_space<vmem>> -> memref<88xi32, #tpu.memory_space<vmem>>
        %dma_wait3A_171 = arith.constant 0 : i32
        %dma_wait3A_172 = arith.constant 0 : i32
        %dma_wait3A_173 = tpu.memref_slice %arg2[%dma_wait3A_171, %dma_wait3A_172] : memref<10000x128xf32, #tpu.memory_space<hbm>> -> memref<10000x128xf32, #tpu.memory_space<hbm>>
        tpu.wait_indirect_dma semaphore(%arg18 : memref<!tpu.dma_semaphore, #tpu.memory_space<semaphore_mem>>) src(%dma_wait3A_173 : memref<10000x128xf32, #tpu.memory_space<hbm>>) dst(%arg14 : memref<88x128xf32, #tpu.memory_space<vmem>>)
        %ge3A = arith.constant 1 : i32
        %ge3A_174 = arith.cmpi sge, %scan3A_110, %ge3A : i32
        %convert_element_type3A_175 = arith.extui %ge3A_174 : i1 to i32
        %cond3A_176 = arith.constant 0 : i32
        %cond3A_177 = arith.cmpi ne, %convert_element_type3A_175, %cond3A_176 : i32
        scf.if %cond3A_177 {
          %sub3A = arith.constant 1 : i32
          %sub3A_189 = arith.subi %scan3A_110, %sub3A : i32
          %dma_wait3A_190 = arith.constant 0 : i32
          %dma_wait3A_191 = tpu.memref_slice %arg11[%sub3A_189, %dma_wait3A_190] : memref<56x88xi32, #tpu.memory_space<vmem>> -> memref<1x88xi32, #tpu.memory_space<vmem>>
          %dma_wait3A_192 = tpu.memref_squeeze %dma_wait3A_191 : memref<1x88xi32, #tpu.memory_space<vmem>> -> memref<88xi32, #tpu.memory_space<vmem>>
          %dma_wait3A_193 = arith.constant 0 : i32
          %dma_wait3A_194 = arith.constant 0 : i32
          %dma_wait3A_195 = tpu.memref_slice %arg17[%dma_wait3A_193, %dma_wait3A_194] : memref<10000x128xf32, #tpu.memory_space<vmem_shared>> -> memref<10000x128xf32, #tpu.memory_space<vmem_shared>>
          tpu.wait_indirect_dma semaphore(%arg21 : memref<!tpu.dma_semaphore, #tpu.memory_space<semaphore_mem>>) src(%arg16 : memref<88x128xf32, #tpu.memory_space<vmem>>) dst(%dma_wait3A_195 : memref<10000x128xf32, #tpu.memory_space<vmem_shared>>)
        } else {
        }
        %lt3A_178 = arith.constant 54 : i32
        %lt3A_179 = arith.cmpi slt, %scan3A_110, %lt3A_178 : i32
        %convert_element_type3A_180 = arith.extui %lt3A_179 : i1 to i32
        %cond3A_181 = arith.constant 0 : i32
        %cond3A_182 = arith.cmpi ne, %convert_element_type3A_180, %cond3A_181 : i32
        scf.if %cond3A_182 {
          %add3A_189 = arith.constant 2 : i32
          %add3A_190 = arith.addi %scan3A_110, %add3A_189 : i32
          %dma_start3A_191 = arith.constant 0 : i32
          %dma_start3A_192 = tpu.memref_slice %arg10[%add3A_190, %dma_start3A_191] : memref<56x88xi32, #tpu.memory_space<vmem>> -> memref<1x88xi32, #tpu.memory_space<vmem>>
          %dma_start3A_193 = tpu.memref_squeeze %dma_start3A_192 : memref<1x88xi32, #tpu.memory_space<vmem>> -> memref<88xi32, #tpu.memory_space<vmem>>
          %dma_start3A_194 = arith.constant 0 : i32
          %dma_start3A_195 = arith.constant 0 : i32
          %dma_start3A_196 = tpu.memref_slice %arg2[%dma_start3A_194, %dma_start3A_195] : memref<10000x128xf32, #tpu.memory_space<hbm>> -> memref<10000x128xf32, #tpu.memory_space<hbm>>
          tpu.enqueue_indirect_dma source(%dma_start3A_196 : memref<10000x128xf32, #tpu.memory_space<hbm>>) target(%arg16 : memref<88x128xf32, #tpu.memory_space<vmem>>) offsets(%dma_start3A_193 : memref<88xi32, #tpu.memory_space<vmem>>) semaphore(%arg20 : memref<!tpu.dma_semaphore, #tpu.memory_space<semaphore_mem>>)
        } else {
        }
        %dma_start3A_183 = arith.constant 0 : i32
        %dma_start3A_184 = tpu.memref_slice %arg11[%scan3A_110, %dma_start3A_183] : memref<56x88xi32, #tpu.memory_space<vmem>> -> memref<1x88xi32, #tpu.memory_space<vmem>>
        %dma_start3A_185 = tpu.memref_squeeze %dma_start3A_184 : memref<1x88xi32, #tpu.memory_space<vmem>> -> memref<88xi32, #tpu.memory_space<vmem>>
        %dma_start3A_186 = arith.constant 0 : i32
        %dma_start3A_187 = arith.constant 0 : i32
        %dma_start3A_188 = tpu.memref_slice %arg17[%dma_start3A_186, %dma_start3A_187] : memref<10000x128xf32, #tpu.memory_space<vmem_shared>> -> memref<10000x128xf32, #tpu.memory_space<vmem_shared>>
        tpu.enqueue_indirect_dma source(%arg14 : memref<88x128xf32, #tpu.memory_space<vmem>>) target(%dma_start3A_188 : memref<10000x128xf32, #tpu.memory_space<vmem_shared>>) offsets(%dma_start3A_185 : memref<88xi32, #tpu.memory_space<vmem>>) semaphore(%arg21 : memref<!tpu.dma_semaphore, #tpu.memory_space<semaphore_mem>>) {add = true}
      } else {
      }
      %jit3A_126 = arith.constant 3 : i32
      %eq3A_127 = arith.constant 0 : i32
      %eq3A_128 = arith.cmpi eq, %jit3A_126, %eq3A_127 : i32
      %jit3A_129 = arith.constant 1 : i32
      %select_n3A_130 = arith.select %eq3A_128, %jit3A_129, %jit3A_126 : i32
      %rem3A_131 = arith.remsi %scan3A_110, %select_n3A_130 : i32
      %ne3A_132 = arith.constant 0 : i32
      %ne3A_133 = arith.cmpi ne, %rem3A_131, %ne3A_132 : i32
      %lt3A_134 = arith.constant 0 : i32
      %lt3A_135 = arith.cmpi slt, %rem3A_131, %lt3A_134 : i32
      %lt3A_136 = arith.constant 0 : i32
      %lt3A_137 = arith.cmpi slt, %select_n3A_130, %lt3A_136 : i32
      %ne3A_138 = arith.xori %lt3A_135, %lt3A_137 : i1
      %and3A_139 = arith.andi %ne3A_138, %ne3A_133 : i1
      %add3A_140 = arith.addi %rem3A_131, %select_n3A_130 : i32
      %select_n3A_141 = arith.select %and3A_139, %add3A_140, %rem3A_131 : i32
      %eq3A_142 = arith.constant 1 : i32
      %eq3A_143 = arith.cmpi eq, %select_n3A_141, %eq3A_142 : i32
      %convert_element_type3A_144 = arith.extui %eq3A_143 : i1 to i32
      %cond3A_145 = arith.constant 0 : i32
      %cond3A_146 = arith.cmpi ne, %convert_element_type3A_144, %cond3A_145 : i32
      scf.if %cond3A_146 {
        %dma_wait3A_168 = arith.constant 0 : i32
        %dma_wait3A_169 = tpu.memref_slice %arg10[%scan3A_110, %dma_wait3A_168] : memref<56x88xi32, #tpu.memory_space<vmem>> -> memref<1x88xi32, #tpu.memory_space<vmem>>
        %dma_wait3A_170 = tpu.memref_squeeze %dma_wait3A_169 : memref<1x88xi32, #tpu.memory_space<vmem>> -> memref<88xi32, #tpu.memory_space<vmem>>
        %dma_wait3A_171 = arith.constant 0 : i32
        %dma_wait3A_172 = arith.constant 0 : i32
        %dma_wait3A_173 = tpu.memref_slice %arg2[%dma_wait3A_171, %dma_wait3A_172] : memref<10000x128xf32, #tpu.memory_space<hbm>> -> memref<10000x128xf32, #tpu.memory_space<hbm>>
        tpu.wait_indirect_dma semaphore(%arg19 : memref<!tpu.dma_semaphore, #tpu.memory_space<semaphore_mem>>) src(%dma_wait3A_173 : memref<10000x128xf32, #tpu.memory_space<hbm>>) dst(%arg15 : memref<88x128xf32, #tpu.memory_space<vmem>>)
        %ge3A = arith.constant 1 : i32
        %ge3A_174 = arith.cmpi sge, %scan3A_110, %ge3A : i32
        %convert_element_type3A_175 = arith.extui %ge3A_174 : i1 to i32
        %cond3A_176 = arith.constant 0 : i32
        %cond3A_177 = arith.cmpi ne, %convert_element_type3A_175, %cond3A_176 : i32
        scf.if %cond3A_177 {
          %sub3A = arith.constant 1 : i32
          %sub3A_189 = arith.subi %scan3A_110, %sub3A : i32
          %dma_wait3A_190 = arith.constant 0 : i32
          %dma_wait3A_191 = tpu.memref_slice %arg11[%sub3A_189, %dma_wait3A_190] : memref<56x88xi32, #tpu.memory_space<vmem>> -> memref<1x88xi32, #tpu.memory_space<vmem>>
          %dma_wait3A_192 = tpu.memref_squeeze %dma_wait3A_191 : memref<1x88xi32, #tpu.memory_space<vmem>> -> memref<88xi32, #tpu.memory_space<vmem>>
          %dma_wait3A_193 = arith.constant 0 : i32
          %dma_wait3A_194 = arith.constant 0 : i32
          %dma_wait3A_195 = tpu.memref_slice %arg17[%dma_wait3A_193, %dma_wait3A_194] : memref<10000x128xf32, #tpu.memory_space<vmem_shared>> -> memref<10000x128xf32, #tpu.memory_space<vmem_shared>>
          tpu.wait_indirect_dma semaphore(%arg21 : memref<!tpu.dma_semaphore, #tpu.memory_space<semaphore_mem>>) src(%arg14 : memref<88x128xf32, #tpu.memory_space<vmem>>) dst(%dma_wait3A_195 : memref<10000x128xf32, #tpu.memory_space<vmem_shared>>)
        } else {
        }
        %lt3A_178 = arith.constant 54 : i32
        %lt3A_179 = arith.cmpi slt, %scan3A_110, %lt3A_178 : i32
        %convert_element_type3A_180 = arith.extui %lt3A_179 : i1 to i32
        %cond3A_181 = arith.constant 0 : i32
        %cond3A_182 = arith.cmpi ne, %convert_element_type3A_180, %cond3A_181 : i32
        scf.if %cond3A_182 {
          %add3A_189 = arith.constant 2 : i32
          %add3A_190 = arith.addi %scan3A_110, %add3A_189 : i32
          %dma_start3A_191 = arith.constant 0 : i32
          %dma_start3A_192 = tpu.memref_slice %arg10[%add3A_190, %dma_start3A_191] : memref<56x88xi32, #tpu.memory_space<vmem>> -> memref<1x88xi32, #tpu.memory_space<vmem>>
          %dma_start3A_193 = tpu.memref_squeeze %dma_start3A_192 : memref<1x88xi32, #tpu.memory_space<vmem>> -> memref<88xi32, #tpu.memory_space<vmem>>
          %dma_start3A_194 = arith.constant 0 : i32
          %dma_start3A_195 = arith.constant 0 : i32
          %dma_start3A_196 = tpu.memref_slice %arg2[%dma_start3A_194, %dma_start3A_195] : memref<10000x128xf32, #tpu.memory_space<hbm>> -> memref<10000x128xf32, #tpu.memory_space<hbm>>
          tpu.enqueue_indirect_dma source(%dma_start3A_196 : memref<10000x128xf32, #tpu.memory_space<hbm>>) target(%arg14 : memref<88x128xf32, #tpu.memory_space<vmem>>) offsets(%dma_start3A_193 : memref<88xi32, #tpu.memory_space<vmem>>) semaphore(%arg18 : memref<!tpu.dma_semaphore, #tpu.memory_space<semaphore_mem>>)
        } else {
        }
        %dma_start3A_183 = arith.constant 0 : i32
        %dma_start3A_184 = tpu.memref_slice %arg11[%scan3A_110, %dma_start3A_183] : memref<56x88xi32, #tpu.memory_space<vmem>> -> memref<1x88xi32, #tpu.memory_space<vmem>>
        %dma_start3A_185 = tpu.memref_squeeze %dma_start3A_184 : memref<1x88xi32, #tpu.memory_space<vmem>> -> memref<88xi32, #tpu.memory_space<vmem>>
        %dma_start3A_186 = arith.constant 0 : i32
        %dma_start3A_187 = arith.constant 0 : i32
        %dma_start3A_188 = tpu.memref_slice %arg17[%dma_start3A_186, %dma_start3A_187] : memref<10000x128xf32, #tpu.memory_space<vmem_shared>> -> memref<10000x128xf32, #tpu.memory_space<vmem_shared>>
        tpu.enqueue_indirect_dma source(%arg15 : memref<88x128xf32, #tpu.memory_space<vmem>>) target(%dma_start3A_188 : memref<10000x128xf32, #tpu.memory_space<vmem_shared>>) offsets(%dma_start3A_185 : memref<88xi32, #tpu.memory_space<vmem>>) semaphore(%arg21 : memref<!tpu.dma_semaphore, #tpu.memory_space<semaphore_mem>>) {add = true}
      } else {
      }
      %jit3A_147 = arith.constant 3 : i32
      %eq3A_148 = arith.constant 0 : i32
      %eq3A_149 = arith.cmpi eq, %jit3A_147, %eq3A_148 : i32
      %jit3A_150 = arith.constant 1 : i32
      %select_n3A_151 = arith.select %eq3A_149, %jit3A_150, %jit3A_147 : i32
      %rem3A_152 = arith.remsi %scan3A_110, %select_n3A_151 : i32
      %ne3A_153 = arith.constant 0 : i32
      %ne3A_154 = arith.cmpi ne, %rem3A_152, %ne3A_153 : i32
      %lt3A_155 = arith.constant 0 : i32
      %lt3A_156 = arith.cmpi slt, %rem3A_152, %lt3A_155 : i32
      %lt3A_157 = arith.constant 0 : i32
      %lt3A_158 = arith.cmpi slt, %select_n3A_151, %lt3A_157 : i32
      %ne3A_159 = arith.xori %lt3A_156, %lt3A_158 : i1
      %and3A_160 = arith.andi %ne3A_159, %ne3A_154 : i1
      %add3A_161 = arith.addi %rem3A_152, %select_n3A_151 : i32
      %select_n3A_162 = arith.select %and3A_160, %add3A_161, %rem3A_152 : i32
      %eq3A_163 = arith.constant 2 : i32
      %eq3A_164 = arith.cmpi eq, %select_n3A_162, %eq3A_163 : i32
      %convert_element_type3A_165 = arith.extui %eq3A_164 : i1 to i32
      %cond3A_166 = arith.constant 0 : i32
      %cond3A_167 = arith.cmpi ne, %convert_element_type3A_165, %cond3A_166 : i32
      scf.if %cond3A_167 {
        %dma_wait3A_168 = arith.constant 0 : i32
        %dma_wait3A_169 = tpu.memref_slice %arg10[%scan3A_110, %dma_wait3A_168] : memref<56x88xi32, #tpu.memory_space<vmem>> -> memref<1x88xi32, #tpu.memory_space<vmem>>
        %dma_wait3A_170 = tpu.memref_squeeze %dma_wait3A_169 : memref<1x88xi32, #tpu.memory_space<vmem>> -> memref<88xi32, #tpu.memory_space<vmem>>
        %dma_wait3A_171 = arith.constant 0 : i32
        %dma_wait3A_172 = arith.constant 0 : i32
        %dma_wait3A_173 = tpu.memref_slice %arg2[%dma_wait3A_171, %dma_wait3A_172] : memref<10000x128xf32, #tpu.memory_space<hbm>> -> memref<10000x128xf32, #tpu.memory_space<hbm>>
        tpu.wait_indirect_dma semaphore(%arg20 : memref<!tpu.dma_semaphore, #tpu.memory_space<semaphore_mem>>) src(%dma_wait3A_173 : memref<10000x128xf32, #tpu.memory_space<hbm>>) dst(%arg16 : memref<88x128xf32, #tpu.memory_space<vmem>>)
        %ge3A = arith.constant 1 : i32
        %ge3A_174 = arith.cmpi sge, %scan3A_110, %ge3A : i32
        %convert_element_type3A_175 = arith.extui %ge3A_174 : i1 to i32
        %cond3A_176 = arith.constant 0 : i32
        %cond3A_177 = arith.cmpi ne, %convert_element_type3A_175, %cond3A_176 : i32
        scf.if %cond3A_177 {
          %sub3A = arith.constant 1 : i32
          %sub3A_189 = arith.subi %scan3A_110, %sub3A : i32
          %dma_wait3A_190 = arith.constant 0 : i32
          %dma_wait3A_191 = tpu.memref_slice %arg11[%sub3A_189, %dma_wait3A_190] : memref<56x88xi32, #tpu.memory_space<vmem>> -> memref<1x88xi32, #tpu.memory_space<vmem>>
          %dma_wait3A_192 = tpu.memref_squeeze %dma_wait3A_191 : memref<1x88xi32, #tpu.memory_space<vmem>> -> memref<88xi32, #tpu.memory_space<vmem>>
          %dma_wait3A_193 = arith.constant 0 : i32
          %dma_wait3A_194 = arith.constant 0 : i32
          %dma_wait3A_195 = tpu.memref_slice %arg17[%dma_wait3A_193, %dma_wait3A_194] : memref<10000x128xf32, #tpu.memory_space<vmem_shared>> -> memref<10000x128xf32, #tpu.memory_space<vmem_shared>>
          tpu.wait_indirect_dma semaphore(%arg21 : memref<!tpu.dma_semaphore, #tpu.memory_space<semaphore_mem>>) src(%arg15 : memref<88x128xf32, #tpu.memory_space<vmem>>) dst(%dma_wait3A_195 : memref<10000x128xf32, #tpu.memory_space<vmem_shared>>)
        } else {
        }
        %lt3A_178 = arith.constant 54 : i32
        %lt3A_179 = arith.cmpi slt, %scan3A_110, %lt3A_178 : i32
        %convert_element_type3A_180 = arith.extui %lt3A_179 : i1 to i32
        %cond3A_181 = arith.constant 0 : i32
        %cond3A_182 = arith.cmpi ne, %convert_element_type3A_180, %cond3A_181 : i32
        scf.if %cond3A_182 {
          %add3A_189 = arith.constant 2 : i32
          %add3A_190 = arith.addi %scan3A_110, %add3A_189 : i32
          %dma_start3A_191 = arith.constant 0 : i32
          %dma_start3A_192 = tpu.memref_slice %arg10[%add3A_190, %dma_start3A_191] : memref<56x88xi32, #tpu.memory_space<vmem>> -> memref<1x88xi32, #tpu.memory_space<vmem>>
          %dma_start3A_193 = tpu.memref_squeeze %dma_start3A_192 : memref<1x88xi32, #tpu.memory_space<vmem>> -> memref<88xi32, #tpu.memory_space<vmem>>
          %dma_start3A_194 = arith.constant 0 : i32
          %dma_start3A_195 = arith.constant 0 : i32
          %dma_start3A_196 = tpu.memref_slice %arg2[%dma_start3A_194, %dma_start3A_195] : memref<10000x128xf32, #tpu.memory_space<hbm>> -> memref<10000x128xf32, #tpu.memory_space<hbm>>
          tpu.enqueue_indirect_dma source(%dma_start3A_196 : memref<10000x128xf32, #tpu.memory_space<hbm>>) target(%arg15 : memref<88x128xf32, #tpu.memory_space<vmem>>) offsets(%dma_start3A_193 : memref<88xi32, #tpu.memory_space<vmem>>) semaphore(%arg19 : memref<!tpu.dma_semaphore, #tpu.memory_space<semaphore_mem>>)
        } else {
        }
        %dma_start3A_183 = arith.constant 0 : i32
        %dma_start3A_184 = tpu.memref_slice %arg11[%scan3A_110, %dma_start3A_183] : memref<56x88xi32, #tpu.memory_space<vmem>> -> memref<1x88xi32, #tpu.memory_space<vmem>>
        %dma_start3A_185 = tpu.memref_squeeze %dma_start3A_184 : memref<1x88xi32, #tpu.memory_space<vmem>> -> memref<88xi32, #tpu.memory_space<vmem>>
        %dma_start3A_186 = arith.constant 0 : i32
        %dma_start3A_187 = arith.constant 0 : i32
        %dma_start3A_188 = tpu.memref_slice %arg17[%dma_start3A_186, %dma_start3A_187] : memref<10000x128xf32, #tpu.memory_space<vmem_shared>> -> memref<10000x128xf32, #tpu.memory_space<vmem_shared>>
        tpu.enqueue_indirect_dma source(%arg16 : memref<88x128xf32, #tpu.memory_space<vmem>>) target(%dma_start3A_188 : memref<10000x128xf32, #tpu.memory_space<vmem_shared>>) offsets(%dma_start3A_185 : memref<88xi32, #tpu.memory_space<vmem>>) semaphore(%arg21 : memref<!tpu.dma_semaphore, #tpu.memory_space<semaphore_mem>>) {add = true}
      } else {
      }
    }
    %scan3A_71 = arith.constant 56 : i32
    %dma_wait3A_72 = arith.constant 55 : i32
    %dma_wait3A_73 = arith.constant 0 : i32
    %dma_wait3A_74 = tpu.memref_slice %arg11[%dma_wait3A_72, %dma_wait3A_73] : memref<56x88xi32, #tpu.memory_space<vmem>> -> memref<1x88xi32, #tpu.memory_space<vmem>>
    %dma_wait3A_75 = tpu.memref_squeeze %dma_wait3A_74 : memref<1x88xi32, #tpu.memory_space<vmem>> -> memref<88xi32, #tpu.memory_space<vmem>>
    %dma_wait3A_76 = arith.constant 0 : i32
    %dma_wait3A_77 = arith.constant 0 : i32
    %dma_wait3A_78 = tpu.memref_slice %arg17[%dma_wait3A_76, %dma_wait3A_77] : memref<10000x128xf32, #tpu.memory_space<vmem_shared>> -> memref<10000x128xf32, #tpu.memory_space<vmem_shared>>
    tpu.wait_indirect_dma semaphore(%arg21 : memref<!tpu.dma_semaphore, #tpu.memory_space<semaphore_mem>>) src(%arg15 : memref<88x128xf32, #tpu.memory_space<vmem>>) dst(%dma_wait3A_78 : memref<10000x128xf32, #tpu.memory_space<vmem_shared>>)
    %dma_start3A_79 = arith.constant 0 : i32
    %dma_start3A_80 = arith.constant 0 : i32
    %dma_start3A_81 = arith.constant 0 : i32
    %dma_start3A_82 = tpu.memref_slice %arg14[%dma_start3A_80, %dma_start3A_81] : memref<88x128xf32, #tpu.memory_space<vmem>> -> memref<72x128xf32, #tpu.memory_space<vmem>>
    %dma_start3A_83 = arith.constant 0 : i32
    %dma_start3A_84 = tpu.memref_slice %arg12[%dma_start3A_79, %dma_start3A_83] : memref<1x72xi32, #tpu.memory_space<vmem>> -> memref<1x72xi32, #tpu.memory_space<vmem>>
    %dma_start3A_85 = tpu.memref_squeeze %dma_start3A_84 : memref<1x72xi32, #tpu.memory_space<vmem>> -> memref<72xi32, #tpu.memory_space<vmem>>
    %dma_start3A_86 = arith.constant 0 : i32
    %dma_start3A_87 = arith.constant 0 : i32
    %dma_start3A_88 = tpu.memref_slice %arg2[%dma_start3A_86, %dma_start3A_87] : memref<10000x128xf32, #tpu.memory_space<hbm>> -> memref<10000x128xf32, #tpu.memory_space<hbm>>
    tpu.enqueue_indirect_dma source(%dma_start3A_88 : memref<10000x128xf32, #tpu.memory_space<hbm>>) target(%dma_start3A_82 : memref<72x128xf32, #tpu.memory_space<vmem>>) offsets(%dma_start3A_85 : memref<72xi32, #tpu.memory_space<vmem>>) semaphore(%arg18 : memref<!tpu.dma_semaphore, #tpu.memory_space<semaphore_mem>>)
    %dma_wait3A_89 = arith.constant 0 : i32
    %dma_wait3A_90 = arith.constant 0 : i32
    %dma_wait3A_91 = arith.constant 0 : i32
    %dma_wait3A_92 = tpu.memref_slice %arg14[%dma_wait3A_90, %dma_wait3A_91] : memref<88x128xf32, #tpu.memory_space<vmem>> -> memref<72x128xf32, #tpu.memory_space<vmem>>
    %dma_wait3A_93 = arith.constant 0 : i32
    %dma_wait3A_94 = tpu.memref_slice %arg12[%dma_wait3A_89, %dma_wait3A_93] : memref<1x72xi32, #tpu.memory_space<vmem>> -> memref<1x72xi32, #tpu.memory_space<vmem>>
    %dma_wait3A_95 = tpu.memref_squeeze %dma_wait3A_94 : memref<1x72xi32, #tpu.memory_space<vmem>> -> memref<72xi32, #tpu.memory_space<vmem>>
    %dma_wait3A_96 = arith.constant 0 : i32
    %dma_wait3A_97 = arith.constant 0 : i32
    %dma_wait3A_98 = tpu.memref_slice %arg2[%dma_wait3A_96, %dma_wait3A_97] : memref<10000x128xf32, #tpu.memory_space<hbm>> -> memref<10000x128xf32, #tpu.memory_space<hbm>>
    tpu.wait_indirect_dma semaphore(%arg18 : memref<!tpu.dma_semaphore, #tpu.memory_space<semaphore_mem>>) src(%dma_wait3A_98 : memref<10000x128xf32, #tpu.memory_space<hbm>>) dst(%dma_wait3A_92 : memref<72x128xf32, #tpu.memory_space<vmem>>)
    %run_scoped3A = arith.constant 0 : i32
    "tpu.region"() ({
      %run_scoped3A_110 = tpu.sem_alloc : memref<!tpu.dma_semaphore, #tpu.memory_space<semaphore_mem>>
      %dma_start3A_111 = arith.constant 0 : i32
      %dma_start3A_112 = arith.constant 0 : i32
      %dma_start3A_113 = tpu.memref_slice %arg14[%dma_start3A_111, %dma_start3A_112] : memref<88x128xf32, #tpu.memory_space<vmem>> -> memref<72x128xf32, #tpu.memory_space<vmem>>
      %dma_start3A_114 = arith.constant 0 : i32
      %dma_start3A_115 = tpu.memref_slice %arg13[%run_scoped3A, %dma_start3A_114] : memref<1x72xi32, #tpu.memory_space<vmem>> -> memref<1x72xi32, #tpu.memory_space<vmem>>
      %dma_start3A_116 = tpu.memref_squeeze %dma_start3A_115 : memref<1x72xi32, #tpu.memory_space<vmem>> -> memref<72xi32, #tpu.memory_space<vmem>>
      %dma_start3A_117 = arith.constant 0 : i32
      %dma_start3A_118 = arith.constant 0 : i32
      %dma_start3A_119 = tpu.memref_slice %arg17[%dma_start3A_117, %dma_start3A_118] : memref<10000x128xf32, #tpu.memory_space<vmem_shared>> -> memref<10000x128xf32, #tpu.memory_space<vmem_shared>>
      tpu.enqueue_indirect_dma source(%dma_start3A_113 : memref<72x128xf32, #tpu.memory_space<vmem>>) target(%dma_start3A_119 : memref<10000x128xf32, #tpu.memory_space<vmem_shared>>) offsets(%dma_start3A_116 : memref<72xi32, #tpu.memory_space<vmem>>) semaphore(%run_scoped3A_110 : memref<!tpu.dma_semaphore, #tpu.memory_space<semaphore_mem>>) {add = true}
      %dma_wait3A_120 = arith.constant 0 : i32
      %dma_wait3A_121 = arith.constant 0 : i32
      %dma_wait3A_122 = tpu.memref_slice %arg14[%dma_wait3A_120, %dma_wait3A_121] : memref<88x128xf32, #tpu.memory_space<vmem>> -> memref<72x128xf32, #tpu.memory_space<vmem>>
      %dma_wait3A_123 = arith.constant 0 : i32
      %dma_wait3A_124 = tpu.memref_slice %arg13[%run_scoped3A, %dma_wait3A_123] : memref<1x72xi32, #tpu.memory_space<vmem>> -> memref<1x72xi32, #tpu.memory_space<vmem>>
      %dma_wait3A_125 = tpu.memref_squeeze %dma_wait3A_124 : memref<1x72xi32, #tpu.memory_space<vmem>> -> memref<72xi32, #tpu.memory_space<vmem>>
      %dma_wait3A_126 = arith.constant 0 : i32
      %dma_wait3A_127 = arith.constant 0 : i32
      %dma_wait3A_128 = tpu.memref_slice %arg17[%dma_wait3A_126, %dma_wait3A_127] : memref<10000x128xf32, #tpu.memory_space<vmem_shared>> -> memref<10000x128xf32, #tpu.memory_space<vmem_shared>>
      tpu.wait_indirect_dma semaphore(%run_scoped3A_110 : memref<!tpu.dma_semaphore, #tpu.memory_space<semaphore_mem>>) src(%dma_wait3A_122 : memref<72x128xf32, #tpu.memory_space<vmem>>) dst(%dma_wait3A_128 : memref<10000x128xf32, #tpu.memory_space<vmem_shared>>)
      tpu.yield
    }) : () -> ()
    %barrier3A_99 = arith.constant 0 : index
    tpu.barrier barrier_id(%barrier3A_99)
    %eq3A_100 = arith.constant 0 : i32
    %eq3A_101 = arith.cmpi eq, %arg0, %eq3A_100 : i32
    %convert_element_type3A_102 = arith.extui %eq3A_101 : i1 to i32
    %cond3A_103 = arith.constant 0 : i32
    %cond3A_104 = arith.cmpi ne, %convert_element_type3A_102, %cond3A_103 : i32
    scf.if %cond3A_104 {
      %mul3A_110 = arith.constant 624 : i32
      %mul3A_111 = arith.muli %arg1, %mul3A_110 : i32
      %lt3A_112 = arith.constant 15 : i32
      %lt3A_113 = arith.cmpi slt, %arg1, %lt3A_112 : i32
      %convert_element_type3A_114 = arith.extui %lt3A_113 : i1 to i32
      %cond3A_115 = arith.constant 0 : i32
      %cond3A_116 = arith.cmpi ne, %convert_element_type3A_114, %cond3A_115 : i32
      scf.if %cond3A_116 {
        "tpu.region"() ({
          %run_scoped3A_122 = tpu.sem_alloc : memref<!tpu.dma_semaphore, #tpu.memory_space<semaphore_mem>>
          %dma_start3A_123 = arith.constant 0 : i32
          %dma_start3A_124 = tpu.memref_slice %arg8[%mul3A_111, %dma_start3A_123] : memref<10000x128xf32, #tpu.memory_space<hbm>> -> memref<624x128xf32, #tpu.memory_space<hbm>>
          %dma_start3A_125 = arith.constant 0 : i32
          %dma_start3A_126 = tpu.memref_slice %arg17[%mul3A_111, %dma_start3A_125] : memref<10000x128xf32, #tpu.memory_space<vmem_shared>> -> memref<624x128xf32, #tpu.memory_space<vmem_shared>>
          tpu.enqueue_dma source(%dma_start3A_126 : memref<624x128xf32, #tpu.memory_space<vmem_shared>>) target(%dma_start3A_124 : memref<624x128xf32, #tpu.memory_space<hbm>>) target_semaphore(%run_scoped3A_122 : memref<!tpu.dma_semaphore, #tpu.memory_space<semaphore_mem>>)
          %dma_wait3A_127 = arith.constant 0 : i32
          %dma_wait3A_128 = tpu.memref_slice %arg8[%mul3A_111, %dma_wait3A_127] : memref<10000x128xf32, #tpu.memory_space<hbm>> -> memref<624x128xf32, #tpu.memory_space<hbm>>
          %dma_wait3A_129 = arith.constant 0 : i32
          %dma_wait3A_130 = tpu.memref_slice %arg17[%mul3A_111, %dma_wait3A_129] : memref<10000x128xf32, #tpu.memory_space<vmem_shared>> -> memref<624x128xf32, #tpu.memory_space<vmem_shared>>
          tpu.wait_dma2 semaphore(%run_scoped3A_122 : memref<!tpu.dma_semaphore, #tpu.memory_space<semaphore_mem>>) src(%dma_wait3A_130 : memref<624x128xf32, #tpu.memory_space<vmem_shared>>) dst(%dma_wait3A_128 : memref<624x128xf32, #tpu.memory_space<hbm>>)
          tpu.yield
        }) : () -> ()
      } else {
      }
      %eq3A_117 = arith.constant 15 : i32
      %eq3A_118 = arith.cmpi eq, %arg1, %eq3A_117 : i32
      %convert_element_type3A_119 = arith.extui %eq3A_118 : i1 to i32
      %cond3A_120 = arith.constant 0 : i32
      %cond3A_121 = arith.cmpi ne, %convert_element_type3A_119, %cond3A_120 : i32
      scf.if %cond3A_121 {
        "tpu.region"() ({
          %run_scoped3A_122 = tpu.sem_alloc : memref<!tpu.dma_semaphore, #tpu.memory_space<semaphore_mem>>
          %dma_start3A_123 = arith.constant 0 : i32
          %dma_start3A_124 = tpu.memref_slice %arg8[%mul3A_111, %dma_start3A_123] : memref<10000x128xf32, #tpu.memory_space<hbm>> -> memref<640x128xf32, #tpu.memory_space<hbm>>
          %dma_start3A_125 = arith.constant 0 : i32
          %dma_start3A_126 = tpu.memref_slice %arg17[%mul3A_111, %dma_start3A_125] : memref<10000x128xf32, #tpu.memory_space<vmem_shared>> -> memref<640x128xf32, #tpu.memory_space<vmem_shared>>
          tpu.enqueue_dma source(%dma_start3A_126 : memref<640x128xf32, #tpu.memory_space<vmem_shared>>) target(%dma_start3A_124 : memref<640x128xf32, #tpu.memory_space<hbm>>) target_semaphore(%run_scoped3A_122 : memref<!tpu.dma_semaphore, #tpu.memory_space<semaphore_mem>>)
          %dma_wait3A_127 = arith.constant 0 : i32
          %dma_wait3A_128 = tpu.memref_slice %arg8[%mul3A_111, %dma_wait3A_127] : memref<10000x128xf32, #tpu.memory_space<hbm>> -> memref<640x128xf32, #tpu.memory_space<hbm>>
          %dma_wait3A_129 = arith.constant 0 : i32
          %dma_wait3A_130 = tpu.memref_slice %arg17[%mul3A_111, %dma_wait3A_129] : memref<10000x128xf32, #tpu.memory_space<vmem_shared>> -> memref<640x128xf32, #tpu.memory_space<vmem_shared>>
          tpu.wait_dma2 semaphore(%run_scoped3A_122 : memref<!tpu.dma_semaphore, #tpu.memory_space<semaphore_mem>>) src(%dma_wait3A_130 : memref<640x128xf32, #tpu.memory_space<vmem_shared>>) dst(%dma_wait3A_128 : memref<640x128xf32, #tpu.memory_space<hbm>>)
          tpu.yield
        }) : () -> ()
      } else {
      }
    } else {
    }
    %eq3A_105 = arith.constant 1 : i32
    %eq3A_106 = arith.cmpi eq, %arg0, %eq3A_105 : i32
    %convert_element_type3A_107 = arith.extui %eq3A_106 : i1 to i32
    %cond3A_108 = arith.constant 0 : i32
    %cond3A_109 = arith.cmpi ne, %convert_element_type3A_107, %cond3A_108 : i32
    scf.if %cond3A_109 {
      %mul3A_110 = arith.constant 624 : i32
      %mul3A_111 = arith.muli %arg1, %mul3A_110 : i32
      %lt3A_112 = arith.constant 15 : i32
      %lt3A_113 = arith.cmpi slt, %arg1, %lt3A_112 : i32
      %convert_element_type3A_114 = arith.extui %lt3A_113 : i1 to i32
      %cond3A_115 = arith.constant 0 : i32
      %cond3A_116 = arith.cmpi ne, %convert_element_type3A_114, %cond3A_115 : i32
      scf.if %cond3A_116 {
        "tpu.region"() ({
          %run_scoped3A_122 = tpu.sem_alloc : memref<!tpu.dma_semaphore, #tpu.memory_space<semaphore_mem>>
          %dma_start3A_123 = arith.constant 0 : i32
          %dma_start3A_124 = tpu.memref_slice %arg9[%mul3A_111, %dma_start3A_123] : memref<10000x128xf32, #tpu.memory_space<hbm>> -> memref<624x128xf32, #tpu.memory_space<hbm>>
          %dma_start3A_125 = arith.constant 0 : i32
          %dma_start3A_126 = tpu.memref_slice %arg17[%mul3A_111, %dma_start3A_125] : memref<10000x128xf32, #tpu.memory_space<vmem_shared>> -> memref<624x128xf32, #tpu.memory_space<vmem_shared>>
          tpu.enqueue_dma source(%dma_start3A_126 : memref<624x128xf32, #tpu.memory_space<vmem_shared>>) target(%dma_start3A_124 : memref<624x128xf32, #tpu.memory_space<hbm>>) target_semaphore(%run_scoped3A_122 : memref<!tpu.dma_semaphore, #tpu.memory_space<semaphore_mem>>)
          %dma_wait3A_127 = arith.constant 0 : i32
          %dma_wait3A_128 = tpu.memref_slice %arg9[%mul3A_111, %dma_wait3A_127] : memref<10000x128xf32, #tpu.memory_space<hbm>> -> memref<624x128xf32, #tpu.memory_space<hbm>>
          %dma_wait3A_129 = arith.constant 0 : i32
          %dma_wait3A_130 = tpu.memref_slice %arg17[%mul3A_111, %dma_wait3A_129] : memref<10000x128xf32, #tpu.memory_space<vmem_shared>> -> memref<624x128xf32, #tpu.memory_space<vmem_shared>>
          tpu.wait_dma2 semaphore(%run_scoped3A_122 : memref<!tpu.dma_semaphore, #tpu.memory_space<semaphore_mem>>) src(%dma_wait3A_130 : memref<624x128xf32, #tpu.memory_space<vmem_shared>>) dst(%dma_wait3A_128 : memref<624x128xf32, #tpu.memory_space<hbm>>)
          tpu.yield
        }) : () -> ()
      } else {
      }
      %eq3A_117 = arith.constant 15 : i32
      %eq3A_118 = arith.cmpi eq, %arg1, %eq3A_117 : i32
      %convert_element_type3A_119 = arith.extui %eq3A_118 : i1 to i32
      %cond3A_120 = arith.constant 0 : i32
      %cond3A_121 = arith.cmpi ne, %convert_element_type3A_119, %cond3A_120 : i32
      scf.if %cond3A_121 {
        "tpu.region"() ({
          %run_scoped3A_122 = tpu.sem_alloc : memref<!tpu.dma_semaphore, #tpu.memory_space<semaphore_mem>>
          %dma_start3A_123 = arith.constant 0 : i32
          %dma_start3A_124 = tpu.memref_slice %arg9[%mul3A_111, %dma_start3A_123] : memref<10000x128xf32, #tpu.memory_space<hbm>> -> memref<640x128xf32, #tpu.memory_space<hbm>>
          %dma_start3A_125 = arith.constant 0 : i32
          %dma_start3A_126 = tpu.memref_slice %arg17[%mul3A_111, %dma_start3A_125] : memref<10000x128xf32, #tpu.memory_space<vmem_shared>> -> memref<640x128xf32, #tpu.memory_space<vmem_shared>>
          tpu.enqueue_dma source(%dma_start3A_126 : memref<640x128xf32, #tpu.memory_space<vmem_shared>>) target(%dma_start3A_124 : memref<640x128xf32, #tpu.memory_space<hbm>>) target_semaphore(%run_scoped3A_122 : memref<!tpu.dma_semaphore, #tpu.memory_space<semaphore_mem>>)
          %dma_wait3A_127 = arith.constant 0 : i32
          %dma_wait3A_128 = tpu.memref_slice %arg9[%mul3A_111, %dma_wait3A_127] : memref<10000x128xf32, #tpu.memory_space<hbm>> -> memref<640x128xf32, #tpu.memory_space<hbm>>
          %dma_wait3A_129 = arith.constant 0 : i32
          %dma_wait3A_130 = tpu.memref_slice %arg17[%mul3A_111, %dma_wait3A_129] : memref<10000x128xf32, #tpu.memory_space<vmem_shared>> -> memref<640x128xf32, #tpu.memory_space<vmem_shared>>
          tpu.wait_dma2 semaphore(%run_scoped3A_122 : memref<!tpu.dma_semaphore, #tpu.memory_space<semaphore_mem>>) src(%dma_wait3A_130 : memref<640x128xf32, #tpu.memory_space<vmem_shared>>) dst(%dma_wait3A_128 : memref<640x128xf32, #tpu.memory_space<hbm>>)
          tpu.yield
        }) : () -> ()
      } else {
      }
    } else {
    }
    return
  }
}

#map = affine_map<(d0, d1) -> (0, 0)>
#map1 = affine_map<(d0, d1) -> (0, 0, 0, 0)>
module attributes {stable_mosaic.version = 14 : i64} {
  func.func @segsum(%arg0: i32, %arg1: i32, %arg2: memref<10000x128xf32, #tpu.memory_space<hbm>>, %arg3: memref<2x16x56x88xi32, #tpu.memory_space<hbm>>, %arg4: memref<2x16x56x88xi32, #tpu.memory_space<hbm>>, %arg5: memref<2x16x1x72xi32, #tpu.memory_space<hbm>>, %arg6: memref<2x16x1x72xi32, #tpu.memory_space<hbm>>, %arg7: memref<10000x128xf32, #tpu.memory_space<hbm>>, %arg8: memref<10000x128xf32, #tpu.memory_space<hbm>>, %arg9: memref<10000x128xf32, #tpu.memory_space<hbm>>, %arg10: memref<56x88xi32, #tpu.memory_space<vmem>>, %arg11: memref<56x88xi32, #tpu.memory_space<vmem>>, %arg12: memref<1x72xi32, #tpu.memory_space<vmem>>, %arg13: memref<1x72xi32, #tpu.memory_space<vmem>>, %arg14: memref<88x128xf32, #tpu.memory_space<vmem>>, %arg15: memref<88x128xf32, #tpu.memory_space<vmem>>, %arg16: memref<88x128xf32, #tpu.memory_space<vmem>>, %arg17: memref<10000x128xf32, #tpu.memory_space<vmem_shared>>, %arg18: memref<!tpu.dma_semaphore, #tpu.memory_space<semaphore_mem>>, %arg19: memref<!tpu.dma_semaphore, #tpu.memory_space<semaphore_mem>>, %arg20: memref<!tpu.dma_semaphore, #tpu.memory_space<semaphore_mem>>, %arg21: memref<!tpu.dma_semaphore, #tpu.memory_space<semaphore_mem>>) attributes {dimension_semantics = [#tpu.dimension_semantics<core_parallel>, #tpu.dimension_semantics<subcore_parallel>], iteration_bounds = array<i64: 2, 16>, scalar_prefetch = 0 : i64, scratch_operands = 12 : i64, tpu.core_type = #tpu.core_type<sc_vector_subcore>, window_params = [{transform_indices = #map}, {transform_indices = #map1}, {transform_indices = #map1}, {transform_indices = #map1}, {transform_indices = #map1}, {transform_indices = #map}, {transform_indices = #map}, {transform_indices = #map}]} {
    "tpu.region"() ({
      %run_scoped3A_110 = tpu.sem_alloc : memref<!tpu.dma_semaphore, #tpu.memory_space<semaphore_mem>>
      %dma_start3A_111 = arith.constant 0 : i32
      %dma_start3A_112 = arith.constant 0 : i32
      %dma_start3A_113 = tpu.memref_slice %arg3[%arg0, %arg1, %dma_start3A_111, %dma_start3A_112] : memref<2x16x56x88xi32, #tpu.memory_space<hbm>> -> memref<1x1x56x88xi32, #tpu.memory_space<hbm>>
      %dma_start3A_114 = tpu.memref_squeeze %dma_start3A_113 : memref<1x1x56x88xi32, #tpu.memory_space<hbm>> -> memref<56x88xi32, #tpu.memory_space<hbm>>
      %dma_start3A_115 = arith.constant 0 : i32
      %dma_start3A_116 = arith.constant 0 : i32
      %dma_start3A_117 = tpu.memref_slice %arg3[%arg0, %arg1, %dma_start3A_115, %dma_start3A_116] : memref<2x16x56x88xi32, #tpu.memory_space<hbm>> -> memref<1x1x56x88xi32, #tpu.memory_space<hbm>>
      %dma_start3A_118 = tpu.memref_squeeze %dma_start3A_117 : memref<1x1x56x88xi32, #tpu.memory_space<hbm>> -> memref<56x88xi32, #tpu.memory_space<hbm>>
      tpu.enqueue_dma source(%dma_start3A_118 : memref<56x88xi32, #tpu.memory_space<hbm>>) target(%arg10 : memref<56x88xi32, #tpu.memory_space<vmem>>) target_semaphore(%run_scoped3A_110 : memref<!tpu.dma_semaphore, #tpu.memory_space<semaphore_mem>>)
      %dma_wait3A_119 = arith.constant 0 : i32
      %dma_wait3A_120 = arith.constant 0 : i32
      %dma_wait3A_121 = tpu.memref_slice %arg3[%arg0, %arg1, %dma_wait3A_119, %dma_wait3A_120] : memref<2x16x56x88xi32, #tpu.memory_space<hbm>> -> memref<1x1x56x88xi32, #tpu.memory_space<hbm>>
      %dma_wait3A_122 = tpu.memref_squeeze %dma_wait3A_121 : memref<1x1x56x88xi32, #tpu.memory_space<hbm>> -> memref<56x88xi32, #tpu.memory_space<hbm>>
      %dma_wait3A_123 = arith.constant 0 : i32
      %dma_wait3A_124 = arith.constant 0 : i32
      %dma_wait3A_125 = tpu.memref_slice %arg3[%arg0, %arg1, %dma_wait3A_123, %dma_wait3A_124] : memref<2x16x56x88xi32, #tpu.memory_space<hbm>> -> memref<1x1x56x88xi32, #tpu.memory_space<hbm>>
      %dma_wait3A_126 = tpu.memref_squeeze %dma_wait3A_125 : memref<1x1x56x88xi32, #tpu.memory_space<hbm>> -> memref<56x88xi32, #tpu.memory_space<hbm>>
      tpu.wait_dma2 semaphore(%run_scoped3A_110 : memref<!tpu.dma_semaphore, #tpu.memory_space<semaphore_mem>>) src(%dma_wait3A_126 : memref<56x88xi32, #tpu.memory_space<hbm>>) dst(%arg10 : memref<56x88xi32, #tpu.memory_space<vmem>>)
      tpu.yield
    }) : () -> ()
    %dma_start3A = arith.constant 0 : i32
    %dma_start3A_0 = arith.constant 0 : i32
    %dma_start3A_1 = tpu.memref_slice %arg4[%arg0, %arg1, %dma_start3A, %dma_start3A_0] : memref<2x16x56x88xi32, #tpu.memory_space<hbm>> -> memref<1x1x56x88xi32, #tpu.memory_space<hbm>>
    %dma_start3A_2 = tpu.memref_squeeze %dma_start3A_1 : memref<1x1x56x88xi32, #tpu.memory_space<hbm>> -> memref<56x88xi32, #tpu.memory_space<hbm>>
    %dma_start3A_3 = arith.constant 0 : i32
    %dma_start3A_4 = arith.constant 0 : i32
    %dma_start3A_5 = tpu.memref_slice %arg4[%arg0, %arg1, %dma_start3A_3, %dma_start3A_4] : memref<2x16x56x88xi32, #tpu.memory_space<hbm>> -> memref<1x1x56x88xi32, #tpu.memory_space<hbm>>
    %dma_start3A_6 = tpu.memref_squeeze %dma_start3A_5 : memref<1x1x56x88xi32, #tpu.memory_space<hbm>> -> memref<56x88xi32, #tpu.memory_space<hbm>>
    tpu.enqueue_dma source(%dma_start3A_6 : memref<56x88xi32, #tpu.memory_space<hbm>>) target(%arg11 : memref<56x88xi32, #tpu.memory_space<vmem>>) target_semaphore(%arg21 : memref<!tpu.dma_semaphore, #tpu.memory_space<semaphore_mem>>)
    %dma_start3A_7 = arith.constant 0 : i32
    %dma_start3A_8 = arith.constant 0 : i32
    %dma_start3A_9 = tpu.memref_slice %arg5[%arg0, %arg1, %dma_start3A_7, %dma_start3A_8] : memref<2x16x1x72xi32, #tpu.memory_space<hbm>> -> memref<1x1x1x72xi32, #tpu.memory_space<hbm>>
    %dma_start3A_10 = tpu.memref_squeeze %dma_start3A_9 : memref<1x1x1x72xi32, #tpu.memory_space<hbm>> -> memref<1x72xi32, #tpu.memory_space<hbm>>
    %dma_start3A_11 = arith.constant 0 : i32
    %dma_start3A_12 = arith.constant 0 : i32
    %dma_start3A_13 = tpu.memref_slice %arg5[%arg0, %arg1, %dma_start3A_11, %dma_start3A_12] : memref<2x16x1x72xi32, #tpu.memory_space<hbm>> -> memref<1x1x1x72xi32, #tpu.memory_space<hbm>>
    %dma_start3A_14 = tpu.memref_squeeze %dma_start3A_13 : memref<1x1x1x72xi32, #tpu.memory_space<hbm>> -> memref<1x72xi32, #tpu.memory_space<hbm>>
    tpu.enqueue_dma source(%dma_start3A_14 : memref<1x72xi32, #tpu.memory_space<hbm>>) target(%arg12 : memref<1x72xi32, #tpu.memory_space<vmem>>) target_semaphore(%arg21 : memref<!tpu.dma_semaphore, #tpu.memory_space<semaphore_mem>>)
    %dma_start3A_15 = arith.constant 0 : i32
    %dma_start3A_16 = arith.constant 0 : i32
    %dma_start3A_17 = tpu.memref_slice %arg6[%arg0, %arg1, %dma_start3A_15, %dma_start3A_16] : memref<2x16x1x72xi32, #tpu.memory_space<hbm>> -> memref<1x1x1x72xi32, #tpu.memory_space<hbm>>
    %dma_start3A_18 = tpu.memref_squeeze %dma_start3A_17 : memref<1x1x1x72xi32, #tpu.memory_space<hbm>> -> memref<1x72xi32, #tpu.memory_space<hbm>>
    %dma_start3A_19 = arith.constant 0 : i32
    %dma_start3A_20 = arith.constant 0 : i32
    %dma_start3A_21 = tpu.memref_slice %arg6[%arg0, %arg1, %dma_start3A_19, %dma_start3A_20] : memref<2x16x1x72xi32, #tpu.memory_space<hbm>> -> memref<1x1x1x72xi32, #tpu.memory_space<hbm>>
    %dma_start3A_22 = tpu.memref_squeeze %dma_start3A_21 : memref<1x1x1x72xi32, #tpu.memory_space<hbm>> -> memref<1x72xi32, #tpu.memory_space<hbm>>
    tpu.enqueue_dma source(%dma_start3A_22 : memref<1x72xi32, #tpu.memory_space<hbm>>) target(%arg13 : memref<1x72xi32, #tpu.memory_space<vmem>>) target_semaphore(%arg21 : memref<!tpu.dma_semaphore, #tpu.memory_space<semaphore_mem>>)
    %dma_start3A_23 = arith.constant 0 : i32
    %dma_start3A_24 = arith.constant 0 : i32
    %dma_start3A_25 = tpu.memref_slice %arg10[%dma_start3A_23, %dma_start3A_24] : memref<56x88xi32, #tpu.memory_space<vmem>> -> memref<1x88xi32, #tpu.memory_space<vmem>>
    %dma_start3A_26 = tpu.memref_squeeze %dma_start3A_25 : memref<1x88xi32, #tpu.memory_space<vmem>> -> memref<88xi32, #tpu.memory_space<vmem>>
    %dma_start3A_27 = arith.constant 0 : i32
    %dma_start3A_28 = arith.constant 0 : i32
    %dma_start3A_29 = tpu.memref_slice %arg2[%dma_start3A_27, %dma_start3A_28] : memref<10000x128xf32, #tpu.memory_space<hbm>> -> memref<10000x128xf32, #tpu.memory_space<hbm>>
    tpu.enqueue_indirect_dma source(%dma_start3A_29 : memref<10000x128xf32, #tpu.memory_space<hbm>>) target(%arg14 : memref<88x128xf32, #tpu.memory_space<vmem>>) offsets(%dma_start3A_26 : memref<88xi32, #tpu.memory_space<vmem>>) semaphore(%arg18 : memref<!tpu.dma_semaphore, #tpu.memory_space<semaphore_mem>>)
    %dma_start3A_30 = arith.constant 1 : i32
    %dma_start3A_31 = arith.constant 0 : i32
    %dma_start3A_32 = tpu.memref_slice %arg10[%dma_start3A_30, %dma_start3A_31] : memref<56x88xi32, #tpu.memory_space<vmem>> -> memref<1x88xi32, #tpu.memory_space<vmem>>
    %dma_start3A_33 = tpu.memref_squeeze %dma_start3A_32 : memref<1x88xi32, #tpu.memory_space<vmem>> -> memref<88xi32, #tpu.memory_space<vmem>>
    %dma_start3A_34 = arith.constant 0 : i32
    %dma_start3A_35 = arith.constant 0 : i32
    %dma_start3A_36 = tpu.memref_slice %arg2[%dma_start3A_34, %dma_start3A_35] : memref<10000x128xf32, #tpu.memory_space<hbm>> -> memref<10000x128xf32, #tpu.memory_space<hbm>>
    tpu.enqueue_indirect_dma source(%dma_start3A_36 : memref<10000x128xf32, #tpu.memory_space<hbm>>) target(%arg15 : memref<88x128xf32, #tpu.memory_space<vmem>>) offsets(%dma_start3A_33 : memref<88xi32, #tpu.memory_space<vmem>>) semaphore(%arg19 : memref<!tpu.dma_semaphore, #tpu.memory_space<semaphore_mem>>)
    %mul3A = arith.constant 624 : i32
    %mul3A_37 = arith.muli %arg1, %mul3A : i32
    %lt3A = arith.constant 15 : i32
    %lt3A_38 = arith.cmpi slt, %arg1, %lt3A : i32
    %convert_element_type3A = arith.extui %lt3A_38 : i1 to i32
    %cond3A = arith.constant 0 : i32
    %cond3A_39 = arith.cmpi ne, %convert_element_type3A, %cond3A : i32
    scf.if %cond3A_39 {
      "tpu.region"() ({
        %run_scoped3A_110 = tpu.sem_alloc : memref<!tpu.dma_semaphore, #tpu.memory_space<semaphore_mem>>
        %dma_start3A_111 = arith.constant 0 : i32
        %dma_start3A_112 = tpu.memref_slice %arg17[%mul3A_37, %dma_start3A_111] : memref<10000x128xf32, #tpu.memory_space<vmem_shared>> -> memref<624x128xf32, #tpu.memory_space<vmem_shared>>
        %dma_start3A_113 = arith.constant 0 : i32
        %dma_start3A_114 = tpu.memref_slice %arg7[%mul3A_37, %dma_start3A_113] : memref<10000x128xf32, #tpu.memory_space<hbm>> -> memref<624x128xf32, #tpu.memory_space<hbm>>
        tpu.enqueue_dma source(%dma_start3A_114 : memref<624x128xf32, #tpu.memory_space<hbm>>) target(%dma_start3A_112 : memref<624x128xf32, #tpu.memory_space<vmem_shared>>) target_semaphore(%run_scoped3A_110 : memref<!tpu.dma_semaphore, #tpu.memory_space<semaphore_mem>>)
        %dma_wait3A_115 = arith.constant 0 : i32
        %dma_wait3A_116 = tpu.memref_slice %arg17[%mul3A_37, %dma_wait3A_115] : memref<10000x128xf32, #tpu.memory_space<vmem_shared>> -> memref<624x128xf32, #tpu.memory_space<vmem_shared>>
        %dma_wait3A_117 = arith.constant 0 : i32
        %dma_wait3A_118 = tpu.memref_slice %arg7[%mul3A_37, %dma_wait3A_117] : memref<10000x128xf32, #tpu.memory_space<hbm>> -> memref<624x128xf32, #tpu.memory_space<hbm>>
        tpu.wait_dma2 semaphore(%run_scoped3A_110 : memref<!tpu.dma_semaphore, #tpu.memory_space<semaphore_mem>>) src(%dma_wait3A_118 : memref<624x128xf32, #tpu.memory_space<hbm>>) dst(%dma_wait3A_116 : memref<624x128xf32, #tpu.memory_space<vmem_shared>>)
        tpu.yield
      }) : () -> ()
    } else {
    }
    %eq3A = arith.constant 15 : i32
    %eq3A_40 = arith.cmpi eq, %arg1, %eq3A : i32
    %convert_element_type3A_41 = arith.extui %eq3A_40 : i1 to i32
    %cond3A_42 = arith.constant 0 : i32
    %cond3A_43 = arith.cmpi ne, %convert_element_type3A_41, %cond3A_42 : i32
    scf.if %cond3A_43 {
      "tpu.region"() ({
        %run_scoped3A_110 = tpu.sem_alloc : memref<!tpu.dma_semaphore, #tpu.memory_space<semaphore_mem>>
        %dma_start3A_111 = arith.constant 0 : i32
        %dma_start3A_112 = tpu.memref_slice %arg17[%mul3A_37, %dma_start3A_111] : memref<10000x128xf32, #tpu.memory_space<vmem_shared>> -> memref<640x128xf32, #tpu.memory_space<vmem_shared>>
        %dma_start3A_113 = arith.constant 0 : i32
        %dma_start3A_114 = tpu.memref_slice %arg7[%mul3A_37, %dma_start3A_113] : memref<10000x128xf32, #tpu.memory_space<hbm>> -> memref<640x128xf32, #tpu.memory_space<hbm>>
        tpu.enqueue_dma source(%dma_start3A_114 : memref<640x128xf32, #tpu.memory_space<hbm>>) target(%dma_start3A_112 : memref<640x128xf32, #tpu.memory_space<vmem_shared>>) target_semaphore(%run_scoped3A_110 : memref<!tpu.dma_semaphore, #tpu.memory_space<semaphore_mem>>)
        %dma_wait3A_115 = arith.constant 0 : i32
        %dma_wait3A_116 = tpu.memref_slice %arg17[%mul3A_37, %dma_wait3A_115] : memref<10000x128xf32, #tpu.memory_space<vmem_shared>> -> memref<640x128xf32, #tpu.memory_space<vmem_shared>>
        %dma_wait3A_117 = arith.constant 0 : i32
        %dma_wait3A_118 = tpu.memref_slice %arg7[%mul3A_37, %dma_wait3A_117] : memref<10000x128xf32, #tpu.memory_space<hbm>> -> memref<640x128xf32, #tpu.memory_space<hbm>>
        tpu.wait_dma2 semaphore(%run_scoped3A_110 : memref<!tpu.dma_semaphore, #tpu.memory_space<semaphore_mem>>) src(%dma_wait3A_118 : memref<640x128xf32, #tpu.memory_space<hbm>>) dst(%dma_wait3A_116 : memref<640x128xf32, #tpu.memory_space<vmem_shared>>)
        tpu.yield
      }) : () -> ()
    } else {
    }
    %dma_wait3A = arith.constant 0 : i32
    %dma_wait3A_44 = arith.constant 0 : i32
    %dma_wait3A_45 = tpu.memref_slice %arg4[%arg0, %arg1, %dma_wait3A, %dma_wait3A_44] : memref<2x16x56x88xi32, #tpu.memory_space<hbm>> -> memref<1x1x56x88xi32, #tpu.memory_space<hbm>>
    %dma_wait3A_46 = tpu.memref_squeeze %dma_wait3A_45 : memref<1x1x56x88xi32, #tpu.memory_space<hbm>> -> memref<56x88xi32, #tpu.memory_space<hbm>>
    %dma_wait3A_47 = arith.constant 0 : i32
    %dma_wait3A_48 = arith.constant 0 : i32
    %dma_wait3A_49 = tpu.memref_slice %arg4[%arg0, %arg1, %dma_wait3A_47, %dma_wait3A_48] : memref<2x16x56x88xi32, #tpu.memory_space<hbm>> -> memref<1x1x56x88xi32, #tpu.memory_space<hbm>>
    %dma_wait3A_50 = tpu.memref_squeeze %dma_wait3A_49 : memref<1x1x56x88xi32, #tpu.memory_space<hbm>> -> memref<56x88xi32, #tpu.memory_space<hbm>>
    tpu.wait_dma2 semaphore(%arg21 : memref<!tpu.dma_semaphore, #tpu.memory_space<semaphore_mem>>) src(%dma_wait3A_50 : memref<56x88xi32, #tpu.memory_space<hbm>>) dst(%arg11 : memref<56x88xi32, #tpu.memory_space<vmem>>)
    %dma_wait3A_51 = arith.constant 0 : i32
    %dma_wait3A_52 = arith.constant 0 : i32
    %dma_wait3A_53 = tpu.memref_slice %arg5[%arg0, %arg1, %dma_wait3A_51, %dma_wait3A_52] : memref<2x16x1x72xi32, #tpu.memory_space<hbm>> -> memref<1x1x1x72xi32, #tpu.memory_space<hbm>>
    %dma_wait3A_54 = tpu.memref_squeeze %dma_wait3A_53 : memref<1x1x1x72xi32, #tpu.memory_space<hbm>> -> memref<1x72xi32, #tpu.memory_space<hbm>>
    %dma_wait3A_55 = arith.constant 0 : i32
    %dma_wait3A_56 = arith.constant 0 : i32
    %dma_wait3A_57 = tpu.memref_slice %arg5[%arg0, %arg1, %dma_wait3A_55, %dma_wait3A_56] : memref<2x16x1x72xi32, #tpu.memory_space<hbm>> -> memref<1x1x1x72xi32, #tpu.memory_space<hbm>>
    %dma_wait3A_58 = tpu.memref_squeeze %dma_wait3A_57 : memref<1x1x1x72xi32, #tpu.memory_space<hbm>> -> memref<1x72xi32, #tpu.memory_space<hbm>>
    tpu.wait_dma2 semaphore(%arg21 : memref<!tpu.dma_semaphore, #tpu.memory_space<semaphore_mem>>) src(%dma_wait3A_58 : memref<1x72xi32, #tpu.memory_space<hbm>>) dst(%arg12 : memref<1x72xi32, #tpu.memory_space<vmem>>)
    %dma_wait3A_59 = arith.constant 0 : i32
    %dma_wait3A_60 = arith.constant 0 : i32
    %dma_wait3A_61 = tpu.memref_slice %arg6[%arg0, %arg1, %dma_wait3A_59, %dma_wait3A_60] : memref<2x16x1x72xi32, #tpu.memory_space<hbm>> -> memref<1x1x1x72xi32, #tpu.memory_space<hbm>>
    %dma_wait3A_62 = tpu.memref_squeeze %dma_wait3A_61 : memref<1x1x1x72xi32, #tpu.memory_space<hbm>> -> memref<1x72xi32, #tpu.memory_space<hbm>>
    %dma_wait3A_63 = arith.constant 0 : i32
    %dma_wait3A_64 = arith.constant 0 : i32
    %dma_wait3A_65 = tpu.memref_slice %arg6[%arg0, %arg1, %dma_wait3A_63, %dma_wait3A_64] : memref<2x16x1x72xi32, #tpu.memory_space<hbm>> -> memref<1x1x1x72xi32, #tpu.memory_space<hbm>>
    %dma_wait3A_66 = tpu.memref_squeeze %dma_wait3A_65 : memref<1x1x1x72xi32, #tpu.memory_space<hbm>> -> memref<1x72xi32, #tpu.memory_space<hbm>>
    tpu.wait_dma2 semaphore(%arg21 : memref<!tpu.dma_semaphore, #tpu.memory_space<semaphore_mem>>) src(%dma_wait3A_66 : memref<1x72xi32, #tpu.memory_space<hbm>>) dst(%arg13 : memref<1x72xi32, #tpu.memory_space<vmem>>)
    %barrier3A = arith.constant 0 : index
    tpu.barrier barrier_id(%barrier3A)
    %scan3A = arith.constant 0 : i32
    %scan3A_67 = arith.constant 0 : i32
    %scan3A_68 = arith.constant 56 : i32
    %scan3A_69 = arith.addi %scan3A_67, %scan3A_68 : i32
    %scan3A_70 = arith.constant 1 : i32
    scf.for %scan3A_110 = %scan3A_67 to %scan3A_69 step %scan3A_70  : i32 {
      %jit3A = arith.constant 3 : i32
      %eq3A_111 = arith.constant 0 : i32
      %eq3A_112 = arith.cmpi eq, %jit3A, %eq3A_111 : i32
      %jit3A_113 = arith.constant 1 : i32
      %select_n3A = arith.select %eq3A_112, %jit3A_113, %jit3A : i32
      %rem3A = arith.remsi %scan3A_110, %select_n3A : i32
      %ne3A = arith.constant 0 : i32
      %ne3A_114 = arith.cmpi ne, %rem3A, %ne3A : i32
      %lt3A_115 = arith.constant 0 : i32
      %lt3A_116 = arith.cmpi slt, %rem3A, %lt3A_115 : i32
      %lt3A_117 = arith.constant 0 : i32
      %lt3A_118 = arith.cmpi slt, %select_n3A, %lt3A_117 : i32
      %ne3A_119 = arith.xori %lt3A_116, %lt3A_118 : i1
      %and3A = arith.andi %ne3A_119, %ne3A_114 : i1
      %add3A = arith.addi %rem3A, %select_n3A : i32
      %select_n3A_120 = arith.select %and3A, %add3A, %rem3A : i32
      %eq3A_121 = arith.constant 0 : i32
      %eq3A_122 = arith.cmpi eq, %select_n3A_120, %eq3A_121 : i32
      %convert_element_type3A_123 = arith.extui %eq3A_122 : i1 to i32
      %cond3A_124 = arith.constant 0 : i32
      %cond3A_125 = arith.cmpi ne, %convert_element_type3A_123, %cond3A_124 : i32
      scf.if %cond3A_125 {
        %dma_wait3A_168 = arith.constant 0 : i32
        %dma_wait3A_169 = tpu.memref_slice %arg10[%scan3A_110, %dma_wait3A_168] : memref<56x88xi32, #tpu.memory_space<vmem>> -> memref<1x88xi32, #tpu.memory_space<vmem>>
        %dma_wait3A_170 = tpu.memref_squeeze %dma_wait3A_169 : memref<1x88xi32, #tpu.memory_space<vmem>> -> memref<88xi32, #tpu.memory_space<vmem>>
        %dma_wait3A_171 = arith.constant 0 : i32
        %dma_wait3A_172 = arith.constant 0 : i32
        %dma_wait3A_173 = tpu.memref_slice %arg2[%dma_wait3A_171, %dma_wait3A_172] : memref<10000x128xf32, #tpu.memory_space<hbm>> -> memref<10000x128xf32, #tpu.memory_space<hbm>>
        tpu.wait_indirect_dma semaphore(%arg18 : memref<!tpu.dma_semaphore, #tpu.memory_space<semaphore_mem>>) src(%dma_wait3A_173 : memref<10000x128xf32, #tpu.memory_space<hbm>>) dst(%arg14 : memref<88x128xf32, #tpu.memory_space<vmem>>)
        %ge3A = arith.constant 1 : i32
        %ge3A_174 = arith.cmpi sge, %scan3A_110, %ge3A : i32
        %convert_element_type3A_175 = arith.extui %ge3A_174 : i1 to i32
        %cond3A_176 = arith.constant 0 : i32
        %cond3A_177 = arith.cmpi ne, %convert_element_type3A_175, %cond3A_176 : i32
        scf.if %cond3A_177 {
          %sub3A = arith.constant 1 : i32
          %sub3A_189 = arith.subi %scan3A_110, %sub3A : i32
          %dma_wait3A_190 = arith.constant 0 : i32
          %dma_wait3A_191 = tpu.memref_slice %arg11[%sub3A_189, %dma_wait3A_190] : memref<56x88xi32, #tpu.memory_space<vmem>> -> memref<1x88xi32, #tpu.memory_space<vmem>>
          %dma_wait3A_192 = tpu.memref_squeeze %dma_wait3A_191 : memref<1x88xi32, #tpu.memory_space<vmem>> -> memref<88xi32, #tpu.memory_space<vmem>>
          %dma_wait3A_193 = arith.constant 0 : i32
          %dma_wait3A_194 = arith.constant 0 : i32
          %dma_wait3A_195 = tpu.memref_slice %arg17[%dma_wait3A_193, %dma_wait3A_194] : memref<10000x128xf32, #tpu.memory_space<vmem_shared>> -> memref<10000x128xf32, #tpu.memory_space<vmem_shared>>
          tpu.wait_indirect_dma semaphore(%arg21 : memref<!tpu.dma_semaphore, #tpu.memory_space<semaphore_mem>>) src(%arg16 : memref<88x128xf32, #tpu.memory_space<vmem>>) dst(%dma_wait3A_195 : memref<10000x128xf32, #tpu.memory_space<vmem_shared>>)
        } else {
        }
        %lt3A_178 = arith.constant 54 : i32
        %lt3A_179 = arith.cmpi slt, %scan3A_110, %lt3A_178 : i32
        %convert_element_type3A_180 = arith.extui %lt3A_179 : i1 to i32
        %cond3A_181 = arith.constant 0 : i32
        %cond3A_182 = arith.cmpi ne, %convert_element_type3A_180, %cond3A_181 : i32
        scf.if %cond3A_182 {
          %add3A_189 = arith.constant 2 : i32
          %add3A_190 = arith.addi %scan3A_110, %add3A_189 : i32
          %dma_start3A_191 = arith.constant 0 : i32
          %dma_start3A_192 = tpu.memref_slice %arg10[%add3A_190, %dma_start3A_191] : memref<56x88xi32, #tpu.memory_space<vmem>> -> memref<1x88xi32, #tpu.memory_space<vmem>>
          %dma_start3A_193 = tpu.memref_squeeze %dma_start3A_192 : memref<1x88xi32, #tpu.memory_space<vmem>> -> memref<88xi32, #tpu.memory_space<vmem>>
          %dma_start3A_194 = arith.constant 0 : i32
          %dma_start3A_195 = arith.constant 0 : i32
          %dma_start3A_196 = tpu.memref_slice %arg2[%dma_start3A_194, %dma_start3A_195] : memref<10000x128xf32, #tpu.memory_space<hbm>> -> memref<10000x128xf32, #tpu.memory_space<hbm>>
          tpu.enqueue_indirect_dma source(%dma_start3A_196 : memref<10000x128xf32, #tpu.memory_space<hbm>>) target(%arg16 : memref<88x128xf32, #tpu.memory_space<vmem>>) offsets(%dma_start3A_193 : memref<88xi32, #tpu.memory_space<vmem>>) semaphore(%arg20 : memref<!tpu.dma_semaphore, #tpu.memory_space<semaphore_mem>>)
        } else {
        }
        %dma_start3A_183 = arith.constant 0 : i32
        %dma_start3A_184 = tpu.memref_slice %arg11[%scan3A_110, %dma_start3A_183] : memref<56x88xi32, #tpu.memory_space<vmem>> -> memref<1x88xi32, #tpu.memory_space<vmem>>
        %dma_start3A_185 = tpu.memref_squeeze %dma_start3A_184 : memref<1x88xi32, #tpu.memory_space<vmem>> -> memref<88xi32, #tpu.memory_space<vmem>>
        %dma_start3A_186 = arith.constant 0 : i32
        %dma_start3A_187 = arith.constant 0 : i32
        %dma_start3A_188 = tpu.memref_slice %arg17[%dma_start3A_186, %dma_start3A_187] : memref<10000x128xf32, #tpu.memory_space<vmem_shared>> -> memref<10000x128xf32, #tpu.memory_space<vmem_shared>>
        tpu.enqueue_indirect_dma source(%arg14 : memref<88x128xf32, #tpu.memory_space<vmem>>) target(%dma_start3A_188 : memref<10000x128xf32, #tpu.memory_space<vmem_shared>>) offsets(%dma_start3A_185 : memref<88xi32, #tpu.memory_space<vmem>>) semaphore(%arg21 : memref<!tpu.dma_semaphore, #tpu.memory_space<semaphore_mem>>) {add = true}
      } else {
      }
      %jit3A_126 = arith.constant 3 : i32
      %eq3A_127 = arith.constant 0 : i32
      %eq3A_128 = arith.cmpi eq, %jit3A_126, %eq3A_127 : i32
      %jit3A_129 = arith.constant 1 : i32
      %select_n3A_130 = arith.select %eq3A_128, %jit3A_129, %jit3A_126 : i32
      %rem3A_131 = arith.remsi %scan3A_110, %select_n3A_130 : i32
      %ne3A_132 = arith.constant 0 : i32
      %ne3A_133 = arith.cmpi ne, %rem3A_131, %ne3A_132 : i32
      %lt3A_134 = arith.constant 0 : i32
      %lt3A_135 = arith.cmpi slt, %rem3A_131, %lt3A_134 : i32
      %lt3A_136 = arith.constant 0 : i32
      %lt3A_137 = arith.cmpi slt, %select_n3A_130, %lt3A_136 : i32
      %ne3A_138 = arith.xori %lt3A_135, %lt3A_137 : i1
      %and3A_139 = arith.andi %ne3A_138, %ne3A_133 : i1
      %add3A_140 = arith.addi %rem3A_131, %select_n3A_130 : i32
      %select_n3A_141 = arith.select %and3A_139, %add3A_140, %rem3A_131 : i32
      %eq3A_142 = arith.constant 1 : i32
      %eq3A_143 = arith.cmpi eq, %select_n3A_141, %eq3A_142 : i32
      %convert_element_type3A_144 = arith.extui %eq3A_143 : i1 to i32
      %cond3A_145 = arith.constant 0 : i32
      %cond3A_146 = arith.cmpi ne, %convert_element_type3A_144, %cond3A_145 : i32
      scf.if %cond3A_146 {
        %dma_wait3A_168 = arith.constant 0 : i32
        %dma_wait3A_169 = tpu.memref_slice %arg10[%scan3A_110, %dma_wait3A_168] : memref<56x88xi32, #tpu.memory_space<vmem>> -> memref<1x88xi32, #tpu.memory_space<vmem>>
        %dma_wait3A_170 = tpu.memref_squeeze %dma_wait3A_169 : memref<1x88xi32, #tpu.memory_space<vmem>> -> memref<88xi32, #tpu.memory_space<vmem>>
        %dma_wait3A_171 = arith.constant 0 : i32
        %dma_wait3A_172 = arith.constant 0 : i32
        %dma_wait3A_173 = tpu.memref_slice %arg2[%dma_wait3A_171, %dma_wait3A_172] : memref<10000x128xf32, #tpu.memory_space<hbm>> -> memref<10000x128xf32, #tpu.memory_space<hbm>>
        tpu.wait_indirect_dma semaphore(%arg19 : memref<!tpu.dma_semaphore, #tpu.memory_space<semaphore_mem>>) src(%dma_wait3A_173 : memref<10000x128xf32, #tpu.memory_space<hbm>>) dst(%arg15 : memref<88x128xf32, #tpu.memory_space<vmem>>)
        %ge3A = arith.constant 1 : i32
        %ge3A_174 = arith.cmpi sge, %scan3A_110, %ge3A : i32
        %convert_element_type3A_175 = arith.extui %ge3A_174 : i1 to i32
        %cond3A_176 = arith.constant 0 : i32
        %cond3A_177 = arith.cmpi ne, %convert_element_type3A_175, %cond3A_176 : i32
        scf.if %cond3A_177 {
          %sub3A = arith.constant 1 : i32
          %sub3A_189 = arith.subi %scan3A_110, %sub3A : i32
          %dma_wait3A_190 = arith.constant 0 : i32
          %dma_wait3A_191 = tpu.memref_slice %arg11[%sub3A_189, %dma_wait3A_190] : memref<56x88xi32, #tpu.memory_space<vmem>> -> memref<1x88xi32, #tpu.memory_space<vmem>>
          %dma_wait3A_192 = tpu.memref_squeeze %dma_wait3A_191 : memref<1x88xi32, #tpu.memory_space<vmem>> -> memref<88xi32, #tpu.memory_space<vmem>>
          %dma_wait3A_193 = arith.constant 0 : i32
          %dma_wait3A_194 = arith.constant 0 : i32
          %dma_wait3A_195 = tpu.memref_slice %arg17[%dma_wait3A_193, %dma_wait3A_194] : memref<10000x128xf32, #tpu.memory_space<vmem_shared>> -> memref<10000x128xf32, #tpu.memory_space<vmem_shared>>
          tpu.wait_indirect_dma semaphore(%arg21 : memref<!tpu.dma_semaphore, #tpu.memory_space<semaphore_mem>>) src(%arg14 : memref<88x128xf32, #tpu.memory_space<vmem>>) dst(%dma_wait3A_195 : memref<10000x128xf32, #tpu.memory_space<vmem_shared>>)
        } else {
        }
        %lt3A_178 = arith.constant 54 : i32
        %lt3A_179 = arith.cmpi slt, %scan3A_110, %lt3A_178 : i32
        %convert_element_type3A_180 = arith.extui %lt3A_179 : i1 to i32
        %cond3A_181 = arith.constant 0 : i32
        %cond3A_182 = arith.cmpi ne, %convert_element_type3A_180, %cond3A_181 : i32
        scf.if %cond3A_182 {
          %add3A_189 = arith.constant 2 : i32
          %add3A_190 = arith.addi %scan3A_110, %add3A_189 : i32
          %dma_start3A_191 = arith.constant 0 : i32
          %dma_start3A_192 = tpu.memref_slice %arg10[%add3A_190, %dma_start3A_191] : memref<56x88xi32, #tpu.memory_space<vmem>> -> memref<1x88xi32, #tpu.memory_space<vmem>>
          %dma_start3A_193 = tpu.memref_squeeze %dma_start3A_192 : memref<1x88xi32, #tpu.memory_space<vmem>> -> memref<88xi32, #tpu.memory_space<vmem>>
          %dma_start3A_194 = arith.constant 0 : i32
          %dma_start3A_195 = arith.constant 0 : i32
          %dma_start3A_196 = tpu.memref_slice %arg2[%dma_start3A_194, %dma_start3A_195] : memref<10000x128xf32, #tpu.memory_space<hbm>> -> memref<10000x128xf32, #tpu.memory_space<hbm>>
          tpu.enqueue_indirect_dma source(%dma_start3A_196 : memref<10000x128xf32, #tpu.memory_space<hbm>>) target(%arg14 : memref<88x128xf32, #tpu.memory_space<vmem>>) offsets(%dma_start3A_193 : memref<88xi32, #tpu.memory_space<vmem>>) semaphore(%arg18 : memref<!tpu.dma_semaphore, #tpu.memory_space<semaphore_mem>>)
        } else {
        }
        %dma_start3A_183 = arith.constant 0 : i32
        %dma_start3A_184 = tpu.memref_slice %arg11[%scan3A_110, %dma_start3A_183] : memref<56x88xi32, #tpu.memory_space<vmem>> -> memref<1x88xi32, #tpu.memory_space<vmem>>
        %dma_start3A_185 = tpu.memref_squeeze %dma_start3A_184 : memref<1x88xi32, #tpu.memory_space<vmem>> -> memref<88xi32, #tpu.memory_space<vmem>>
        %dma_start3A_186 = arith.constant 0 : i32
        %dma_start3A_187 = arith.constant 0 : i32
        %dma_start3A_188 = tpu.memref_slice %arg17[%dma_start3A_186, %dma_start3A_187] : memref<10000x128xf32, #tpu.memory_space<vmem_shared>> -> memref<10000x128xf32, #tpu.memory_space<vmem_shared>>
        tpu.enqueue_indirect_dma source(%arg15 : memref<88x128xf32, #tpu.memory_space<vmem>>) target(%dma_start3A_188 : memref<10000x128xf32, #tpu.memory_space<vmem_shared>>) offsets(%dma_start3A_185 : memref<88xi32, #tpu.memory_space<vmem>>) semaphore(%arg21 : memref<!tpu.dma_semaphore, #tpu.memory_space<semaphore_mem>>) {add = true}
      } else {
      }
      %jit3A_147 = arith.constant 3 : i32
      %eq3A_148 = arith.constant 0 : i32
      %eq3A_149 = arith.cmpi eq, %jit3A_147, %eq3A_148 : i32
      %jit3A_150 = arith.constant 1 : i32
      %select_n3A_151 = arith.select %eq3A_149, %jit3A_150, %jit3A_147 : i32
      %rem3A_152 = arith.remsi %scan3A_110, %select_n3A_151 : i32
      %ne3A_153 = arith.constant 0 : i32
      %ne3A_154 = arith.cmpi ne, %rem3A_152, %ne3A_153 : i32
      %lt3A_155 = arith.constant 0 : i32
      %lt3A_156 = arith.cmpi slt, %rem3A_152, %lt3A_155 : i32
      %lt3A_157 = arith.constant 0 : i32
      %lt3A_158 = arith.cmpi slt, %select_n3A_151, %lt3A_157 : i32
      %ne3A_159 = arith.xori %lt3A_156, %lt3A_158 : i1
      %and3A_160 = arith.andi %ne3A_159, %ne3A_154 : i1
      %add3A_161 = arith.addi %rem3A_152, %select_n3A_151 : i32
      %select_n3A_162 = arith.select %and3A_160, %add3A_161, %rem3A_152 : i32
      %eq3A_163 = arith.constant 2 : i32
      %eq3A_164 = arith.cmpi eq, %select_n3A_162, %eq3A_163 : i32
      %convert_element_type3A_165 = arith.extui %eq3A_164 : i1 to i32
      %cond3A_166 = arith.constant 0 : i32
      %cond3A_167 = arith.cmpi ne, %convert_element_type3A_165, %cond3A_166 : i32
      scf.if %cond3A_167 {
        %dma_wait3A_168 = arith.constant 0 : i32
        %dma_wait3A_169 = tpu.memref_slice %arg10[%scan3A_110, %dma_wait3A_168] : memref<56x88xi32, #tpu.memory_space<vmem>> -> memref<1x88xi32, #tpu.memory_space<vmem>>
        %dma_wait3A_170 = tpu.memref_squeeze %dma_wait3A_169 : memref<1x88xi32, #tpu.memory_space<vmem>> -> memref<88xi32, #tpu.memory_space<vmem>>
        %dma_wait3A_171 = arith.constant 0 : i32
        %dma_wait3A_172 = arith.constant 0 : i32
        %dma_wait3A_173 = tpu.memref_slice %arg2[%dma_wait3A_171, %dma_wait3A_172] : memref<10000x128xf32, #tpu.memory_space<hbm>> -> memref<10000x128xf32, #tpu.memory_space<hbm>>
        tpu.wait_indirect_dma semaphore(%arg20 : memref<!tpu.dma_semaphore, #tpu.memory_space<semaphore_mem>>) src(%dma_wait3A_173 : memref<10000x128xf32, #tpu.memory_space<hbm>>) dst(%arg16 : memref<88x128xf32, #tpu.memory_space<vmem>>)
        %ge3A = arith.constant 1 : i32
        %ge3A_174 = arith.cmpi sge, %scan3A_110, %ge3A : i32
        %convert_element_type3A_175 = arith.extui %ge3A_174 : i1 to i32
        %cond3A_176 = arith.constant 0 : i32
        %cond3A_177 = arith.cmpi ne, %convert_element_type3A_175, %cond3A_176 : i32
        scf.if %cond3A_177 {
          %sub3A = arith.constant 1 : i32
          %sub3A_189 = arith.subi %scan3A_110, %sub3A : i32
          %dma_wait3A_190 = arith.constant 0 : i32
          %dma_wait3A_191 = tpu.memref_slice %arg11[%sub3A_189, %dma_wait3A_190] : memref<56x88xi32, #tpu.memory_space<vmem>> -> memref<1x88xi32, #tpu.memory_space<vmem>>
          %dma_wait3A_192 = tpu.memref_squeeze %dma_wait3A_191 : memref<1x88xi32, #tpu.memory_space<vmem>> -> memref<88xi32, #tpu.memory_space<vmem>>
          %dma_wait3A_193 = arith.constant 0 : i32
          %dma_wait3A_194 = arith.constant 0 : i32
          %dma_wait3A_195 = tpu.memref_slice %arg17[%dma_wait3A_193, %dma_wait3A_194] : memref<10000x128xf32, #tpu.memory_space<vmem_shared>> -> memref<10000x128xf32, #tpu.memory_space<vmem_shared>>
          tpu.wait_indirect_dma semaphore(%arg21 : memref<!tpu.dma_semaphore, #tpu.memory_space<semaphore_mem>>) src(%arg15 : memref<88x128xf32, #tpu.memory_space<vmem>>) dst(%dma_wait3A_195 : memref<10000x128xf32, #tpu.memory_space<vmem_shared>>)
        } else {
        }
        %lt3A_178 = arith.constant 54 : i32
        %lt3A_179 = arith.cmpi slt, %scan3A_110, %lt3A_178 : i32
        %convert_element_type3A_180 = arith.extui %lt3A_179 : i1 to i32
        %cond3A_181 = arith.constant 0 : i32
        %cond3A_182 = arith.cmpi ne, %convert_element_type3A_180, %cond3A_181 : i32
        scf.if %cond3A_182 {
          %add3A_189 = arith.constant 2 : i32
          %add3A_190 = arith.addi %scan3A_110, %add3A_189 : i32
          %dma_start3A_191 = arith.constant 0 : i32
          %dma_start3A_192 = tpu.memref_slice %arg10[%add3A_190, %dma_start3A_191] : memref<56x88xi32, #tpu.memory_space<vmem>> -> memref<1x88xi32, #tpu.memory_space<vmem>>
          %dma_start3A_193 = tpu.memref_squeeze %dma_start3A_192 : memref<1x88xi32, #tpu.memory_space<vmem>> -> memref<88xi32, #tpu.memory_space<vmem>>
          %dma_start3A_194 = arith.constant 0 : i32
          %dma_start3A_195 = arith.constant 0 : i32
          %dma_start3A_196 = tpu.memref_slice %arg2[%dma_start3A_194, %dma_start3A_195] : memref<10000x128xf32, #tpu.memory_space<hbm>> -> memref<10000x128xf32, #tpu.memory_space<hbm>>
          tpu.enqueue_indirect_dma source(%dma_start3A_196 : memref<10000x128xf32, #tpu.memory_space<hbm>>) target(%arg15 : memref<88x128xf32, #tpu.memory_space<vmem>>) offsets(%dma_start3A_193 : memref<88xi32, #tpu.memory_space<vmem>>) semaphore(%arg19 : memref<!tpu.dma_semaphore, #tpu.memory_space<semaphore_mem>>)
        } else {
        }
        %dma_start3A_183 = arith.constant 0 : i32
        %dma_start3A_184 = tpu.memref_slice %arg11[%scan3A_110, %dma_start3A_183] : memref<56x88xi32, #tpu.memory_space<vmem>> -> memref<1x88xi32, #tpu.memory_space<vmem>>
        %dma_start3A_185 = tpu.memref_squeeze %dma_start3A_184 : memref<1x88xi32, #tpu.memory_space<vmem>> -> memref<88xi32, #tpu.memory_space<vmem>>
        %dma_start3A_186 = arith.constant 0 : i32
        %dma_start3A_187 = arith.constant 0 : i32
        %dma_start3A_188 = tpu.memref_slice %arg17[%dma_start3A_186, %dma_start3A_187] : memref<10000x128xf32, #tpu.memory_space<vmem_shared>> -> memref<10000x128xf32, #tpu.memory_space<vmem_shared>>
        tpu.enqueue_indirect_dma source(%arg16 : memref<88x128xf32, #tpu.memory_space<vmem>>) target(%dma_start3A_188 : memref<10000x128xf32, #tpu.memory_space<vmem_shared>>) offsets(%dma_start3A_185 : memref<88xi32, #tpu.memory_space<vmem>>) semaphore(%arg21 : memref<!tpu.dma_semaphore, #tpu.memory_space<semaphore_mem>>) {add = true}
      } else {
      }
    }
    %scan3A_71 = arith.constant 56 : i32
    %dma_wait3A_72 = arith.constant 55 : i32
    %dma_wait3A_73 = arith.constant 0 : i32
    %dma_wait3A_74 = tpu.memref_slice %arg11[%dma_wait3A_72, %dma_wait3A_73] : memref<56x88xi32, #tpu.memory_space<vmem>> -> memref<1x88xi32, #tpu.memory_space<vmem>>
    %dma_wait3A_75 = tpu.memref_squeeze %dma_wait3A_74 : memref<1x88xi32, #tpu.memory_space<vmem>> -> memref<88xi32, #tpu.memory_space<vmem>>
    %dma_wait3A_76 = arith.constant 0 : i32
    %dma_wait3A_77 = arith.constant 0 : i32
    %dma_wait3A_78 = tpu.memref_slice %arg17[%dma_wait3A_76, %dma_wait3A_77] : memref<10000x128xf32, #tpu.memory_space<vmem_shared>> -> memref<10000x128xf32, #tpu.memory_space<vmem_shared>>
    tpu.wait_indirect_dma semaphore(%arg21 : memref<!tpu.dma_semaphore, #tpu.memory_space<semaphore_mem>>) src(%arg15 : memref<88x128xf32, #tpu.memory_space<vmem>>) dst(%dma_wait3A_78 : memref<10000x128xf32, #tpu.memory_space<vmem_shared>>)
    %dma_start3A_79 = arith.constant 0 : i32
    %dma_start3A_80 = arith.constant 0 : i32
    %dma_start3A_81 = arith.constant 0 : i32
    %dma_start3A_82 = tpu.memref_slice %arg14[%dma_start3A_80, %dma_start3A_81] : memref<88x128xf32, #tpu.memory_space<vmem>> -> memref<72x128xf32, #tpu.memory_space<vmem>>
    %dma_start3A_83 = arith.constant 0 : i32
    %dma_start3A_84 = tpu.memref_slice %arg12[%dma_start3A_79, %dma_start3A_83] : memref<1x72xi32, #tpu.memory_space<vmem>> -> memref<1x72xi32, #tpu.memory_space<vmem>>
    %dma_start3A_85 = tpu.memref_squeeze %dma_start3A_84 : memref<1x72xi32, #tpu.memory_space<vmem>> -> memref<72xi32, #tpu.memory_space<vmem>>
    %dma_start3A_86 = arith.constant 0 : i32
    %dma_start3A_87 = arith.constant 0 : i32
    %dma_start3A_88 = tpu.memref_slice %arg2[%dma_start3A_86, %dma_start3A_87] : memref<10000x128xf32, #tpu.memory_space<hbm>> -> memref<10000x128xf32, #tpu.memory_space<hbm>>
    tpu.enqueue_indirect_dma source(%dma_start3A_88 : memref<10000x128xf32, #tpu.memory_space<hbm>>) target(%dma_start3A_82 : memref<72x128xf32, #tpu.memory_space<vmem>>) offsets(%dma_start3A_85 : memref<72xi32, #tpu.memory_space<vmem>>) semaphore(%arg18 : memref<!tpu.dma_semaphore, #tpu.memory_space<semaphore_mem>>)
    %dma_wait3A_89 = arith.constant 0 : i32
    %dma_wait3A_90 = arith.constant 0 : i32
    %dma_wait3A_91 = arith.constant 0 : i32
    %dma_wait3A_92 = tpu.memref_slice %arg14[%dma_wait3A_90, %dma_wait3A_91] : memref<88x128xf32, #tpu.memory_space<vmem>> -> memref<72x128xf32, #tpu.memory_space<vmem>>
    %dma_wait3A_93 = arith.constant 0 : i32
    %dma_wait3A_94 = tpu.memref_slice %arg12[%dma_wait3A_89, %dma_wait3A_93] : memref<1x72xi32, #tpu.memory_space<vmem>> -> memref<1x72xi32, #tpu.memory_space<vmem>>
    %dma_wait3A_95 = tpu.memref_squeeze %dma_wait3A_94 : memref<1x72xi32, #tpu.memory_space<vmem>> -> memref<72xi32, #tpu.memory_space<vmem>>
    %dma_wait3A_96 = arith.constant 0 : i32
    %dma_wait3A_97 = arith.constant 0 : i32
    %dma_wait3A_98 = tpu.memref_slice %arg2[%dma_wait3A_96, %dma_wait3A_97] : memref<10000x128xf32, #tpu.memory_space<hbm>> -> memref<10000x128xf32, #tpu.memory_space<hbm>>
    tpu.wait_indirect_dma semaphore(%arg18 : memref<!tpu.dma_semaphore, #tpu.memory_space<semaphore_mem>>) src(%dma_wait3A_98 : memref<10000x128xf32, #tpu.memory_space<hbm>>) dst(%dma_wait3A_92 : memref<72x128xf32, #tpu.memory_space<vmem>>)
    %run_scoped3A = arith.constant 0 : i32
    "tpu.region"() ({
      %run_scoped3A_110 = tpu.sem_alloc : memref<!tpu.dma_semaphore, #tpu.memory_space<semaphore_mem>>
      %dma_start3A_111 = arith.constant 0 : i32
      %dma_start3A_112 = arith.constant 0 : i32
      %dma_start3A_113 = tpu.memref_slice %arg14[%dma_start3A_111, %dma_start3A_112] : memref<88x128xf32, #tpu.memory_space<vmem>> -> memref<72x128xf32, #tpu.memory_space<vmem>>
      %dma_start3A_114 = arith.constant 0 : i32
      %dma_start3A_115 = tpu.memref_slice %arg13[%run_scoped3A, %dma_start3A_114] : memref<1x72xi32, #tpu.memory_space<vmem>> -> memref<1x72xi32, #tpu.memory_space<vmem>>
      %dma_start3A_116 = tpu.memref_squeeze %dma_start3A_115 : memref<1x72xi32, #tpu.memory_space<vmem>> -> memref<72xi32, #tpu.memory_space<vmem>>
      %dma_start3A_117 = arith.constant 0 : i32
      %dma_start3A_118 = arith.constant 0 : i32
      %dma_start3A_119 = tpu.memref_slice %arg17[%dma_start3A_117, %dma_start3A_118] : memref<10000x128xf32, #tpu.memory_space<vmem_shared>> -> memref<10000x128xf32, #tpu.memory_space<vmem_shared>>
      tpu.enqueue_indirect_dma source(%dma_start3A_113 : memref<72x128xf32, #tpu.memory_space<vmem>>) target(%dma_start3A_119 : memref<10000x128xf32, #tpu.memory_space<vmem_shared>>) offsets(%dma_start3A_116 : memref<72xi32, #tpu.memory_space<vmem>>) semaphore(%run_scoped3A_110 : memref<!tpu.dma_semaphore, #tpu.memory_space<semaphore_mem>>) {add = true}
      %dma_wait3A_120 = arith.constant 0 : i32
      %dma_wait3A_121 = arith.constant 0 : i32
      %dma_wait3A_122 = tpu.memref_slice %arg14[%dma_wait3A_120, %dma_wait3A_121] : memref<88x128xf32, #tpu.memory_space<vmem>> -> memref<72x128xf32, #tpu.memory_space<vmem>>
      %dma_wait3A_123 = arith.constant 0 : i32
      %dma_wait3A_124 = tpu.memref_slice %arg13[%run_scoped3A, %dma_wait3A_123] : memref<1x72xi32, #tpu.memory_space<vmem>> -> memref<1x72xi32, #tpu.memory_space<vmem>>
      %dma_wait3A_125 = tpu.memref_squeeze %dma_wait3A_124 : memref<1x72xi32, #tpu.memory_space<vmem>> -> memref<72xi32, #tpu.memory_space<vmem>>
      %dma_wait3A_126 = arith.constant 0 : i32
      %dma_wait3A_127 = arith.constant 0 : i32
      %dma_wait3A_128 = tpu.memref_slice %arg17[%dma_wait3A_126, %dma_wait3A_127] : memref<10000x128xf32, #tpu.memory_space<vmem_shared>> -> memref<10000x128xf32, #tpu.memory_space<vmem_shared>>
      tpu.wait_indirect_dma semaphore(%run_scoped3A_110 : memref<!tpu.dma_semaphore, #tpu.memory_space<semaphore_mem>>) src(%dma_wait3A_122 : memref<72x128xf32, #tpu.memory_space<vmem>>) dst(%dma_wait3A_128 : memref<10000x128xf32, #tpu.memory_space<vmem_shared>>)
      tpu.yield
    }) : () -> ()
    %barrier3A_99 = arith.constant 0 : index
    tpu.barrier barrier_id(%barrier3A_99)
    %eq3A_100 = arith.constant 0 : i32
    %eq3A_101 = arith.cmpi eq, %arg0, %eq3A_100 : i32
    %convert_element_type3A_102 = arith.extui %eq3A_101 : i1 to i32
    %cond3A_103 = arith.constant 0 : i32
    %cond3A_104 = arith.cmpi ne, %convert_element_type3A_102, %cond3A_103 : i32
    scf.if %cond3A_104 {
      %mul3A_110 = arith.constant 624 : i32
      %mul3A_111 = arith.muli %arg1, %mul3A_110 : i32
      %lt3A_112 = arith.constant 15 : i32
      %lt3A_113 = arith.cmpi slt, %arg1, %lt3A_112 : i32
      %convert_element_type3A_114 = arith.extui %lt3A_113 : i1 to i32
      %cond3A_115 = arith.constant 0 : i32
      %cond3A_116 = arith.cmpi ne, %convert_element_type3A_114, %cond3A_115 : i32
      scf.if %cond3A_116 {
        "tpu.region"() ({
          %run_scoped3A_122 = tpu.sem_alloc : memref<!tpu.dma_semaphore, #tpu.memory_space<semaphore_mem>>
          %dma_start3A_123 = arith.constant 0 : i32
          %dma_start3A_124 = tpu.memref_slice %arg8[%mul3A_111, %dma_start3A_123] : memref<10000x128xf32, #tpu.memory_space<hbm>> -> memref<624x128xf32, #tpu.memory_space<hbm>>
          %dma_start3A_125 = arith.constant 0 : i32
          %dma_start3A_126 = tpu.memref_slice %arg17[%mul3A_111, %dma_start3A_125] : memref<10000x128xf32, #tpu.memory_space<vmem_shared>> -> memref<624x128xf32, #tpu.memory_space<vmem_shared>>
          tpu.enqueue_dma source(%dma_start3A_126 : memref<624x128xf32, #tpu.memory_space<vmem_shared>>) target(%dma_start3A_124 : memref<624x128xf32, #tpu.memory_space<hbm>>) target_semaphore(%run_scoped3A_122 : memref<!tpu.dma_semaphore, #tpu.memory_space<semaphore_mem>>)
          %dma_wait3A_127 = arith.constant 0 : i32
          %dma_wait3A_128 = tpu.memref_slice %arg8[%mul3A_111, %dma_wait3A_127] : memref<10000x128xf32, #tpu.memory_space<hbm>> -> memref<624x128xf32, #tpu.memory_space<hbm>>
          %dma_wait3A_129 = arith.constant 0 : i32
          %dma_wait3A_130 = tpu.memref_slice %arg17[%mul3A_111, %dma_wait3A_129] : memref<10000x128xf32, #tpu.memory_space<vmem_shared>> -> memref<624x128xf32, #tpu.memory_space<vmem_shared>>
          tpu.wait_dma2 semaphore(%run_scoped3A_122 : memref<!tpu.dma_semaphore, #tpu.memory_space<semaphore_mem>>) src(%dma_wait3A_130 : memref<624x128xf32, #tpu.memory_space<vmem_shared>>) dst(%dma_wait3A_128 : memref<624x128xf32, #tpu.memory_space<hbm>>)
          tpu.yield
        }) : () -> ()
      } else {
      }
      %eq3A_117 = arith.constant 15 : i32
      %eq3A_118 = arith.cmpi eq, %arg1, %eq3A_117 : i32
      %convert_element_type3A_119 = arith.extui %eq3A_118 : i1 to i32
      %cond3A_120 = arith.constant 0 : i32
      %cond3A_121 = arith.cmpi ne, %convert_element_type3A_119, %cond3A_120 : i32
      scf.if %cond3A_121 {
        "tpu.region"() ({
          %run_scoped3A_122 = tpu.sem_alloc : memref<!tpu.dma_semaphore, #tpu.memory_space<semaphore_mem>>
          %dma_start3A_123 = arith.constant 0 : i32
          %dma_start3A_124 = tpu.memref_slice %arg8[%mul3A_111, %dma_start3A_123] : memref<10000x128xf32, #tpu.memory_space<hbm>> -> memref<640x128xf32, #tpu.memory_space<hbm>>
          %dma_start3A_125 = arith.constant 0 : i32
          %dma_start3A_126 = tpu.memref_slice %arg17[%mul3A_111, %dma_start3A_125] : memref<10000x128xf32, #tpu.memory_space<vmem_shared>> -> memref<640x128xf32, #tpu.memory_space<vmem_shared>>
          tpu.enqueue_dma source(%dma_start3A_126 : memref<640x128xf32, #tpu.memory_space<vmem_shared>>) target(%dma_start3A_124 : memref<640x128xf32, #tpu.memory_space<hbm>>) target_semaphore(%run_scoped3A_122 : memref<!tpu.dma_semaphore, #tpu.memory_space<semaphore_mem>>)
          %dma_wait3A_127 = arith.constant 0 : i32
          %dma_wait3A_128 = tpu.memref_slice %arg8[%mul3A_111, %dma_wait3A_127] : memref<10000x128xf32, #tpu.memory_space<hbm>> -> memref<640x128xf32, #tpu.memory_space<hbm>>
          %dma_wait3A_129 = arith.constant 0 : i32
          %dma_wait3A_130 = tpu.memref_slice %arg17[%mul3A_111, %dma_wait3A_129] : memref<10000x128xf32, #tpu.memory_space<vmem_shared>> -> memref<640x128xf32, #tpu.memory_space<vmem_shared>>
          tpu.wait_dma2 semaphore(%run_scoped3A_122 : memref<!tpu.dma_semaphore, #tpu.memory_space<semaphore_mem>>) src(%dma_wait3A_130 : memref<640x128xf32, #tpu.memory_space<vmem_shared>>) dst(%dma_wait3A_128 : memref<640x128xf32, #tpu.memory_space<hbm>>)
          tpu.yield
        }) : () -> ()
      } else {
      }
    } else {
    }
    %eq3A_105 = arith.constant 1 : i32
    %eq3A_106 = arith.cmpi eq, %arg0, %eq3A_105 : i32
    %convert_element_type3A_107 = arith.extui %eq3A_106 : i1 to i32
    %cond3A_108 = arith.constant 0 : i32
    %cond3A_109 = arith.cmpi ne, %convert_element_type3A_107, %cond3A_108 : i32
    scf.if %cond3A_109 {
      %mul3A_110 = arith.constant 624 : i32
      %mul3A_111 = arith.muli %arg1, %mul3A_110 : i32
      %lt3A_112 = arith.constant 15 : i32
      %lt3A_113 = arith.cmpi slt, %arg1, %lt3A_112 : i32
      %convert_element_type3A_114 = arith.extui %lt3A_113 : i1 to i32
      %cond3A_115 = arith.constant 0 : i32
      %cond3A_116 = arith.cmpi ne, %convert_element_type3A_114, %cond3A_115 : i32
      scf.if %cond3A_116 {
        "tpu.region"() ({
          %run_scoped3A_122 = tpu.sem_alloc : memref<!tpu.dma_semaphore, #tpu.memory_space<semaphore_mem>>
          %dma_start3A_123 = arith.constant 0 : i32
          %dma_start3A_124 = tpu.memref_slice %arg9[%mul3A_111, %dma_start3A_123] : memref<10000x128xf32, #tpu.memory_space<hbm>> -> memref<624x128xf32, #tpu.memory_space<hbm>>
          %dma_start3A_125 = arith.constant 0 : i32
          %dma_start3A_126 = tpu.memref_slice %arg17[%mul3A_111, %dma_start3A_125] : memref<10000x128xf32, #tpu.memory_space<vmem_shared>> -> memref<624x128xf32, #tpu.memory_space<vmem_shared>>
          tpu.enqueue_dma source(%dma_start3A_126 : memref<624x128xf32, #tpu.memory_space<vmem_shared>>) target(%dma_start3A_124 : memref<624x128xf32, #tpu.memory_space<hbm>>) target_semaphore(%run_scoped3A_122 : memref<!tpu.dma_semaphore, #tpu.memory_space<semaphore_mem>>)
          %dma_wait3A_127 = arith.constant 0 : i32
          %dma_wait3A_128 = tpu.memref_slice %arg9[%mul3A_111, %dma_wait3A_127] : memref<10000x128xf32, #tpu.memory_space<hbm>> -> memref<624x128xf32, #tpu.memory_space<hbm>>
          %dma_wait3A_129 = arith.constant 0 : i32
          %dma_wait3A_130 = tpu.memref_slice %arg17[%mul3A_111, %dma_wait3A_129] : memref<10000x128xf32, #tpu.memory_space<vmem_shared>> -> memref<624x128xf32, #tpu.memory_space<vmem_shared>>
          tpu.wait_dma2 semaphore(%run_scoped3A_122 : memref<!tpu.dma_semaphore, #tpu.memory_space<semaphore_mem>>) src(%dma_wait3A_130 : memref<624x128xf32, #tpu.memory_space<vmem_shared>>) dst(%dma_wait3A_128 : memref<624x128xf32, #tpu.memory_space<hbm>>)
          tpu.yield
        }) : () -> ()
      } else {
      }
      %eq3A_117 = arith.constant 15 : i32
      %eq3A_118 = arith.cmpi eq, %arg1, %eq3A_117 : i32
      %convert_element_type3A_119 = arith.extui %eq3A_118 : i1 to i32
      %cond3A_120 = arith.constant 0 : i32
      %cond3A_121 = arith.cmpi ne, %convert_element_type3A_119, %cond3A_120 : i32
      scf.if %cond3A_121 {
        "tpu.region"() ({
          %run_scoped3A_122 = tpu.sem_alloc : memref<!tpu.dma_semaphore, #tpu.memory_space<semaphore_mem>>
          %dma_start3A_123 = arith.constant 0 : i32
          %dma_start3A_124 = tpu.memref_slice %arg9[%mul3A_111, %dma_start3A_123] : memref<10000x128xf32, #tpu.memory_space<hbm>> -> memref<640x128xf32, #tpu.memory_space<hbm>>
          %dma_start3A_125 = arith.constant 0 : i32
          %dma_start3A_126 = tpu.memref_slice %arg17[%mul3A_111, %dma_start3A_125] : memref<10000x128xf32, #tpu.memory_space<vmem_shared>> -> memref<640x128xf32, #tpu.memory_space<vmem_shared>>
          tpu.enqueue_dma source(%dma_start3A_126 : memref<640x128xf32, #tpu.memory_space<vmem_shared>>) target(%dma_start3A_124 : memref<640x128xf32, #tpu.memory_space<hbm>>) target_semaphore(%run_scoped3A_122 : memref<!tpu.dma_semaphore, #tpu.memory_space<semaphore_mem>>)
          %dma_wait3A_127 = arith.constant 0 : i32
          %dma_wait3A_128 = tpu.memref_slice %arg9[%mul3A_111, %dma_wait3A_127] : memref<10000x128xf32, #tpu.memory_space<hbm>> -> memref<640x128xf32, #tpu.memory_space<hbm>>
          %dma_wait3A_129 = arith.constant 0 : i32
          %dma_wait3A_130 = tpu.memref_slice %arg17[%mul3A_111, %dma_wait3A_129] : memref<10000x128xf32, #tpu.memory_space<vmem_shared>> -> memref<640x128xf32, #tpu.memory_space<vmem_shared>>
          tpu.wait_dma2 semaphore(%run_scoped3A_122 : memref<!tpu.dma_semaphore, #tpu.memory_space<semaphore_mem>>) src(%dma_wait3A_130 : memref<640x128xf32, #tpu.memory_space<vmem_shared>>) dst(%dma_wait3A_128 : memref<640x128xf32, #tpu.memory_space<hbm>>)
          tpu.yield
        }) : () -> ()
      } else {
      }
    } else {
    }
    return
  }
}

#map = affine_map<(d0, d1) -> (0, 0)>
#map1 = affine_map<(d0, d1) -> (0, 0, 0, 0)>
module attributes {stable_mosaic.version = 14 : i64} {
  func.func @segsum(%arg0: i32, %arg1: i32, %arg2: memref<10000x128xf32, #tpu.memory_space<hbm>>, %arg3: memref<2x16x56x88xi32, #tpu.memory_space<hbm>>, %arg4: memref<2x16x56x88xi32, #tpu.memory_space<hbm>>, %arg5: memref<2x16x1x72xi32, #tpu.memory_space<hbm>>, %arg6: memref<2x16x1x72xi32, #tpu.memory_space<hbm>>, %arg7: memref<10000x128xf32, #tpu.memory_space<hbm>>, %arg8: memref<10000x128xf32, #tpu.memory_space<hbm>>, %arg9: memref<10000x128xf32, #tpu.memory_space<hbm>>, %arg10: memref<56x88xi32, #tpu.memory_space<vmem>>, %arg11: memref<56x88xi32, #tpu.memory_space<vmem>>, %arg12: memref<1x72xi32, #tpu.memory_space<vmem>>, %arg13: memref<1x72xi32, #tpu.memory_space<vmem>>, %arg14: memref<88x128xf32, #tpu.memory_space<vmem>>, %arg15: memref<88x128xf32, #tpu.memory_space<vmem>>, %arg16: memref<88x128xf32, #tpu.memory_space<vmem>>, %arg17: memref<10000x128xf32, #tpu.memory_space<vmem_shared>>, %arg18: memref<!tpu.dma_semaphore, #tpu.memory_space<semaphore_mem>>, %arg19: memref<!tpu.dma_semaphore, #tpu.memory_space<semaphore_mem>>, %arg20: memref<!tpu.dma_semaphore, #tpu.memory_space<semaphore_mem>>, %arg21: memref<!tpu.dma_semaphore, #tpu.memory_space<semaphore_mem>>) attributes {dimension_semantics = [#tpu.dimension_semantics<core_parallel>, #tpu.dimension_semantics<subcore_parallel>], iteration_bounds = array<i64: 2, 16>, scalar_prefetch = 0 : i64, scratch_operands = 12 : i64, tpu.core_type = #tpu.core_type<sc_vector_subcore>, window_params = [{transform_indices = #map}, {transform_indices = #map1}, {transform_indices = #map1}, {transform_indices = #map1}, {transform_indices = #map1}, {transform_indices = #map}, {transform_indices = #map}, {transform_indices = #map}]} {
    "tpu.region"() ({
      %run_scoped3A_110 = tpu.sem_alloc : memref<!tpu.dma_semaphore, #tpu.memory_space<semaphore_mem>>
      %dma_start3A_111 = arith.constant 0 : i32
      %dma_start3A_112 = arith.constant 0 : i32
      %dma_start3A_113 = tpu.memref_slice %arg3[%arg0, %arg1, %dma_start3A_111, %dma_start3A_112] : memref<2x16x56x88xi32, #tpu.memory_space<hbm>> -> memref<1x1x56x88xi32, #tpu.memory_space<hbm>>
      %dma_start3A_114 = tpu.memref_squeeze %dma_start3A_113 : memref<1x1x56x88xi32, #tpu.memory_space<hbm>> -> memref<56x88xi32, #tpu.memory_space<hbm>>
      %dma_start3A_115 = arith.constant 0 : i32
      %dma_start3A_116 = arith.constant 0 : i32
      %dma_start3A_117 = tpu.memref_slice %arg3[%arg0, %arg1, %dma_start3A_115, %dma_start3A_116] : memref<2x16x56x88xi32, #tpu.memory_space<hbm>> -> memref<1x1x56x88xi32, #tpu.memory_space<hbm>>
      %dma_start3A_118 = tpu.memref_squeeze %dma_start3A_117 : memref<1x1x56x88xi32, #tpu.memory_space<hbm>> -> memref<56x88xi32, #tpu.memory_space<hbm>>
      tpu.enqueue_dma source(%dma_start3A_118 : memref<56x88xi32, #tpu.memory_space<hbm>>) target(%arg10 : memref<56x88xi32, #tpu.memory_space<vmem>>) target_semaphore(%run_scoped3A_110 : memref<!tpu.dma_semaphore, #tpu.memory_space<semaphore_mem>>)
      %dma_wait3A_119 = arith.constant 0 : i32
      %dma_wait3A_120 = arith.constant 0 : i32
      %dma_wait3A_121 = tpu.memref_slice %arg3[%arg0, %arg1, %dma_wait3A_119, %dma_wait3A_120] : memref<2x16x56x88xi32, #tpu.memory_space<hbm>> -> memref<1x1x56x88xi32, #tpu.memory_space<hbm>>
      %dma_wait3A_122 = tpu.memref_squeeze %dma_wait3A_121 : memref<1x1x56x88xi32, #tpu.memory_space<hbm>> -> memref<56x88xi32, #tpu.memory_space<hbm>>
      %dma_wait3A_123 = arith.constant 0 : i32
      %dma_wait3A_124 = arith.constant 0 : i32
      %dma_wait3A_125 = tpu.memref_slice %arg3[%arg0, %arg1, %dma_wait3A_123, %dma_wait3A_124] : memref<2x16x56x88xi32, #tpu.memory_space<hbm>> -> memref<1x1x56x88xi32, #tpu.memory_space<hbm>>
      %dma_wait3A_126 = tpu.memref_squeeze %dma_wait3A_125 : memref<1x1x56x88xi32, #tpu.memory_space<hbm>> -> memref<56x88xi32, #tpu.memory_space<hbm>>
      tpu.wait_dma2 semaphore(%run_scoped3A_110 : memref<!tpu.dma_semaphore, #tpu.memory_space<semaphore_mem>>) src(%dma_wait3A_126 : memref<56x88xi32, #tpu.memory_space<hbm>>) dst(%arg10 : memref<56x88xi32, #tpu.memory_space<vmem>>)
      tpu.yield
    }) : () -> ()
    %dma_start3A = arith.constant 0 : i32
    %dma_start3A_0 = arith.constant 0 : i32
    %dma_start3A_1 = tpu.memref_slice %arg4[%arg0, %arg1, %dma_start3A, %dma_start3A_0] : memref<2x16x56x88xi32, #tpu.memory_space<hbm>> -> memref<1x1x56x88xi32, #tpu.memory_space<hbm>>
    %dma_start3A_2 = tpu.memref_squeeze %dma_start3A_1 : memref<1x1x56x88xi32, #tpu.memory_space<hbm>> -> memref<56x88xi32, #tpu.memory_space<hbm>>
    %dma_start3A_3 = arith.constant 0 : i32
    %dma_start3A_4 = arith.constant 0 : i32
    %dma_start3A_5 = tpu.memref_slice %arg4[%arg0, %arg1, %dma_start3A_3, %dma_start3A_4] : memref<2x16x56x88xi32, #tpu.memory_space<hbm>> -> memref<1x1x56x88xi32, #tpu.memory_space<hbm>>
    %dma_start3A_6 = tpu.memref_squeeze %dma_start3A_5 : memref<1x1x56x88xi32, #tpu.memory_space<hbm>> -> memref<56x88xi32, #tpu.memory_space<hbm>>
    tpu.enqueue_dma source(%dma_start3A_6 : memref<56x88xi32, #tpu.memory_space<hbm>>) target(%arg11 : memref<56x88xi32, #tpu.memory_space<vmem>>) target_semaphore(%arg21 : memref<!tpu.dma_semaphore, #tpu.memory_space<semaphore_mem>>)
    %dma_start3A_7 = arith.constant 0 : i32
    %dma_start3A_8 = arith.constant 0 : i32
    %dma_start3A_9 = tpu.memref_slice %arg5[%arg0, %arg1, %dma_start3A_7, %dma_start3A_8] : memref<2x16x1x72xi32, #tpu.memory_space<hbm>> -> memref<1x1x1x72xi32, #tpu.memory_space<hbm>>
    %dma_start3A_10 = tpu.memref_squeeze %dma_start3A_9 : memref<1x1x1x72xi32, #tpu.memory_space<hbm>> -> memref<1x72xi32, #tpu.memory_space<hbm>>
    %dma_start3A_11 = arith.constant 0 : i32
    %dma_start3A_12 = arith.constant 0 : i32
    %dma_start3A_13 = tpu.memref_slice %arg5[%arg0, %arg1, %dma_start3A_11, %dma_start3A_12] : memref<2x16x1x72xi32, #tpu.memory_space<hbm>> -> memref<1x1x1x72xi32, #tpu.memory_space<hbm>>
    %dma_start3A_14 = tpu.memref_squeeze %dma_start3A_13 : memref<1x1x1x72xi32, #tpu.memory_space<hbm>> -> memref<1x72xi32, #tpu.memory_space<hbm>>
    tpu.enqueue_dma source(%dma_start3A_14 : memref<1x72xi32, #tpu.memory_space<hbm>>) target(%arg12 : memref<1x72xi32, #tpu.memory_space<vmem>>) target_semaphore(%arg21 : memref<!tpu.dma_semaphore, #tpu.memory_space<semaphore_mem>>)
    %dma_start3A_15 = arith.constant 0 : i32
    %dma_start3A_16 = arith.constant 0 : i32
    %dma_start3A_17 = tpu.memref_slice %arg6[%arg0, %arg1, %dma_start3A_15, %dma_start3A_16] : memref<2x16x1x72xi32, #tpu.memory_space<hbm>> -> memref<1x1x1x72xi32, #tpu.memory_space<hbm>>
    %dma_start3A_18 = tpu.memref_squeeze %dma_start3A_17 : memref<1x1x1x72xi32, #tpu.memory_space<hbm>> -> memref<1x72xi32, #tpu.memory_space<hbm>>
    %dma_start3A_19 = arith.constant 0 : i32
    %dma_start3A_20 = arith.constant 0 : i32
    %dma_start3A_21 = tpu.memref_slice %arg6[%arg0, %arg1, %dma_start3A_19, %dma_start3A_20] : memref<2x16x1x72xi32, #tpu.memory_space<hbm>> -> memref<1x1x1x72xi32, #tpu.memory_space<hbm>>
    %dma_start3A_22 = tpu.memref_squeeze %dma_start3A_21 : memref<1x1x1x72xi32, #tpu.memory_space<hbm>> -> memref<1x72xi32, #tpu.memory_space<hbm>>
    tpu.enqueue_dma source(%dma_start3A_22 : memref<1x72xi32, #tpu.memory_space<hbm>>) target(%arg13 : memref<1x72xi32, #tpu.memory_space<vmem>>) target_semaphore(%arg21 : memref<!tpu.dma_semaphore, #tpu.memory_space<semaphore_mem>>)
    %dma_start3A_23 = arith.constant 0 : i32
    %dma_start3A_24 = arith.constant 0 : i32
    %dma_start3A_25 = tpu.memref_slice %arg10[%dma_start3A_23, %dma_start3A_24] : memref<56x88xi32, #tpu.memory_space<vmem>> -> memref<1x88xi32, #tpu.memory_space<vmem>>
    %dma_start3A_26 = tpu.memref_squeeze %dma_start3A_25 : memref<1x88xi32, #tpu.memory_space<vmem>> -> memref<88xi32, #tpu.memory_space<vmem>>
    %dma_start3A_27 = arith.constant 0 : i32
    %dma_start3A_28 = arith.constant 0 : i32
    %dma_start3A_29 = tpu.memref_slice %arg2[%dma_start3A_27, %dma_start3A_28] : memref<10000x128xf32, #tpu.memory_space<hbm>> -> memref<10000x128xf32, #tpu.memory_space<hbm>>
    tpu.enqueue_indirect_dma source(%dma_start3A_29 : memref<10000x128xf32, #tpu.memory_space<hbm>>) target(%arg14 : memref<88x128xf32, #tpu.memory_space<vmem>>) offsets(%dma_start3A_26 : memref<88xi32, #tpu.memory_space<vmem>>) semaphore(%arg18 : memref<!tpu.dma_semaphore, #tpu.memory_space<semaphore_mem>>)
    %dma_start3A_30 = arith.constant 1 : i32
    %dma_start3A_31 = arith.constant 0 : i32
    %dma_start3A_32 = tpu.memref_slice %arg10[%dma_start3A_30, %dma_start3A_31] : memref<56x88xi32, #tpu.memory_space<vmem>> -> memref<1x88xi32, #tpu.memory_space<vmem>>
    %dma_start3A_33 = tpu.memref_squeeze %dma_start3A_32 : memref<1x88xi32, #tpu.memory_space<vmem>> -> memref<88xi32, #tpu.memory_space<vmem>>
    %dma_start3A_34 = arith.constant 0 : i32
    %dma_start3A_35 = arith.constant 0 : i32
    %dma_start3A_36 = tpu.memref_slice %arg2[%dma_start3A_34, %dma_start3A_35] : memref<10000x128xf32, #tpu.memory_space<hbm>> -> memref<10000x128xf32, #tpu.memory_space<hbm>>
    tpu.enqueue_indirect_dma source(%dma_start3A_36 : memref<10000x128xf32, #tpu.memory_space<hbm>>) target(%arg15 : memref<88x128xf32, #tpu.memory_space<vmem>>) offsets(%dma_start3A_33 : memref<88xi32, #tpu.memory_space<vmem>>) semaphore(%arg19 : memref<!tpu.dma_semaphore, #tpu.memory_space<semaphore_mem>>)
    %mul3A = arith.constant 624 : i32
    %mul3A_37 = arith.muli %arg1, %mul3A : i32
    %lt3A = arith.constant 15 : i32
    %lt3A_38 = arith.cmpi slt, %arg1, %lt3A : i32
    %convert_element_type3A = arith.extui %lt3A_38 : i1 to i32
    %cond3A = arith.constant 0 : i32
    %cond3A_39 = arith.cmpi ne, %convert_element_type3A, %cond3A : i32
    scf.if %cond3A_39 {
      "tpu.region"() ({
        %run_scoped3A_110 = tpu.sem_alloc : memref<!tpu.dma_semaphore, #tpu.memory_space<semaphore_mem>>
        %dma_start3A_111 = arith.constant 0 : i32
        %dma_start3A_112 = tpu.memref_slice %arg17[%mul3A_37, %dma_start3A_111] : memref<10000x128xf32, #tpu.memory_space<vmem_shared>> -> memref<624x128xf32, #tpu.memory_space<vmem_shared>>
        %dma_start3A_113 = arith.constant 0 : i32
        %dma_start3A_114 = tpu.memref_slice %arg7[%mul3A_37, %dma_start3A_113] : memref<10000x128xf32, #tpu.memory_space<hbm>> -> memref<624x128xf32, #tpu.memory_space<hbm>>
        tpu.enqueue_dma source(%dma_start3A_114 : memref<624x128xf32, #tpu.memory_space<hbm>>) target(%dma_start3A_112 : memref<624x128xf32, #tpu.memory_space<vmem_shared>>) target_semaphore(%run_scoped3A_110 : memref<!tpu.dma_semaphore, #tpu.memory_space<semaphore_mem>>)
        %dma_wait3A_115 = arith.constant 0 : i32
        %dma_wait3A_116 = tpu.memref_slice %arg17[%mul3A_37, %dma_wait3A_115] : memref<10000x128xf32, #tpu.memory_space<vmem_shared>> -> memref<624x128xf32, #tpu.memory_space<vmem_shared>>
        %dma_wait3A_117 = arith.constant 0 : i32
        %dma_wait3A_118 = tpu.memref_slice %arg7[%mul3A_37, %dma_wait3A_117] : memref<10000x128xf32, #tpu.memory_space<hbm>> -> memref<624x128xf32, #tpu.memory_space<hbm>>
        tpu.wait_dma2 semaphore(%run_scoped3A_110 : memref<!tpu.dma_semaphore, #tpu.memory_space<semaphore_mem>>) src(%dma_wait3A_118 : memref<624x128xf32, #tpu.memory_space<hbm>>) dst(%dma_wait3A_116 : memref<624x128xf32, #tpu.memory_space<vmem_shared>>)
        tpu.yield
      }) : () -> ()
    } else {
    }
    %eq3A = arith.constant 15 : i32
    %eq3A_40 = arith.cmpi eq, %arg1, %eq3A : i32
    %convert_element_type3A_41 = arith.extui %eq3A_40 : i1 to i32
    %cond3A_42 = arith.constant 0 : i32
    %cond3A_43 = arith.cmpi ne, %convert_element_type3A_41, %cond3A_42 : i32
    scf.if %cond3A_43 {
      "tpu.region"() ({
        %run_scoped3A_110 = tpu.sem_alloc : memref<!tpu.dma_semaphore, #tpu.memory_space<semaphore_mem>>
        %dma_start3A_111 = arith.constant 0 : i32
        %dma_start3A_112 = tpu.memref_slice %arg17[%mul3A_37, %dma_start3A_111] : memref<10000x128xf32, #tpu.memory_space<vmem_shared>> -> memref<640x128xf32, #tpu.memory_space<vmem_shared>>
        %dma_start3A_113 = arith.constant 0 : i32
        %dma_start3A_114 = tpu.memref_slice %arg7[%mul3A_37, %dma_start3A_113] : memref<10000x128xf32, #tpu.memory_space<hbm>> -> memref<640x128xf32, #tpu.memory_space<hbm>>
        tpu.enqueue_dma source(%dma_start3A_114 : memref<640x128xf32, #tpu.memory_space<hbm>>) target(%dma_start3A_112 : memref<640x128xf32, #tpu.memory_space<vmem_shared>>) target_semaphore(%run_scoped3A_110 : memref<!tpu.dma_semaphore, #tpu.memory_space<semaphore_mem>>)
        %dma_wait3A_115 = arith.constant 0 : i32
        %dma_wait3A_116 = tpu.memref_slice %arg17[%mul3A_37, %dma_wait3A_115] : memref<10000x128xf32, #tpu.memory_space<vmem_shared>> -> memref<640x128xf32, #tpu.memory_space<vmem_shared>>
        %dma_wait3A_117 = arith.constant 0 : i32
        %dma_wait3A_118 = tpu.memref_slice %arg7[%mul3A_37, %dma_wait3A_117] : memref<10000x128xf32, #tpu.memory_space<hbm>> -> memref<640x128xf32, #tpu.memory_space<hbm>>
        tpu.wait_dma2 semaphore(%run_scoped3A_110 : memref<!tpu.dma_semaphore, #tpu.memory_space<semaphore_mem>>) src(%dma_wait3A_118 : memref<640x128xf32, #tpu.memory_space<hbm>>) dst(%dma_wait3A_116 : memref<640x128xf32, #tpu.memory_space<vmem_shared>>)
        tpu.yield
      }) : () -> ()
    } else {
    }
    %dma_wait3A = arith.constant 0 : i32
    %dma_wait3A_44 = arith.constant 0 : i32
    %dma_wait3A_45 = tpu.memref_slice %arg4[%arg0, %arg1, %dma_wait3A, %dma_wait3A_44] : memref<2x16x56x88xi32, #tpu.memory_space<hbm>> -> memref<1x1x56x88xi32, #tpu.memory_space<hbm>>
    %dma_wait3A_46 = tpu.memref_squeeze %dma_wait3A_45 : memref<1x1x56x88xi32, #tpu.memory_space<hbm>> -> memref<56x88xi32, #tpu.memory_space<hbm>>
    %dma_wait3A_47 = arith.constant 0 : i32
    %dma_wait3A_48 = arith.constant 0 : i32
    %dma_wait3A_49 = tpu.memref_slice %arg4[%arg0, %arg1, %dma_wait3A_47, %dma_wait3A_48] : memref<2x16x56x88xi32, #tpu.memory_space<hbm>> -> memref<1x1x56x88xi32, #tpu.memory_space<hbm>>
    %dma_wait3A_50 = tpu.memref_squeeze %dma_wait3A_49 : memref<1x1x56x88xi32, #tpu.memory_space<hbm>> -> memref<56x88xi32, #tpu.memory_space<hbm>>
    tpu.wait_dma2 semaphore(%arg21 : memref<!tpu.dma_semaphore, #tpu.memory_space<semaphore_mem>>) src(%dma_wait3A_50 : memref<56x88xi32, #tpu.memory_space<hbm>>) dst(%arg11 : memref<56x88xi32, #tpu.memory_space<vmem>>)
    %dma_wait3A_51 = arith.constant 0 : i32
    %dma_wait3A_52 = arith.constant 0 : i32
    %dma_wait3A_53 = tpu.memref_slice %arg5[%arg0, %arg1, %dma_wait3A_51, %dma_wait3A_52] : memref<2x16x1x72xi32, #tpu.memory_space<hbm>> -> memref<1x1x1x72xi32, #tpu.memory_space<hbm>>
    %dma_wait3A_54 = tpu.memref_squeeze %dma_wait3A_53 : memref<1x1x1x72xi32, #tpu.memory_space<hbm>> -> memref<1x72xi32, #tpu.memory_space<hbm>>
    %dma_wait3A_55 = arith.constant 0 : i32
    %dma_wait3A_56 = arith.constant 0 : i32
    %dma_wait3A_57 = tpu.memref_slice %arg5[%arg0, %arg1, %dma_wait3A_55, %dma_wait3A_56] : memref<2x16x1x72xi32, #tpu.memory_space<hbm>> -> memref<1x1x1x72xi32, #tpu.memory_space<hbm>>
    %dma_wait3A_58 = tpu.memref_squeeze %dma_wait3A_57 : memref<1x1x1x72xi32, #tpu.memory_space<hbm>> -> memref<1x72xi32, #tpu.memory_space<hbm>>
    tpu.wait_dma2 semaphore(%arg21 : memref<!tpu.dma_semaphore, #tpu.memory_space<semaphore_mem>>) src(%dma_wait3A_58 : memref<1x72xi32, #tpu.memory_space<hbm>>) dst(%arg12 : memref<1x72xi32, #tpu.memory_space<vmem>>)
    %dma_wait3A_59 = arith.constant 0 : i32
    %dma_wait3A_60 = arith.constant 0 : i32
    %dma_wait3A_61 = tpu.memref_slice %arg6[%arg0, %arg1, %dma_wait3A_59, %dma_wait3A_60] : memref<2x16x1x72xi32, #tpu.memory_space<hbm>> -> memref<1x1x1x72xi32, #tpu.memory_space<hbm>>
    %dma_wait3A_62 = tpu.memref_squeeze %dma_wait3A_61 : memref<1x1x1x72xi32, #tpu.memory_space<hbm>> -> memref<1x72xi32, #tpu.memory_space<hbm>>
    %dma_wait3A_63 = arith.constant 0 : i32
    %dma_wait3A_64 = arith.constant 0 : i32
    %dma_wait3A_65 = tpu.memref_slice %arg6[%arg0, %arg1, %dma_wait3A_63, %dma_wait3A_64] : memref<2x16x1x72xi32, #tpu.memory_space<hbm>> -> memref<1x1x1x72xi32, #tpu.memory_space<hbm>>
    %dma_wait3A_66 = tpu.memref_squeeze %dma_wait3A_65 : memref<1x1x1x72xi32, #tpu.memory_space<hbm>> -> memref<1x72xi32, #tpu.memory_space<hbm>>
    tpu.wait_dma2 semaphore(%arg21 : memref<!tpu.dma_semaphore, #tpu.memory_space<semaphore_mem>>) src(%dma_wait3A_66 : memref<1x72xi32, #tpu.memory_space<hbm>>) dst(%arg13 : memref<1x72xi32, #tpu.memory_space<vmem>>)
    %barrier3A = arith.constant 0 : index
    tpu.barrier barrier_id(%barrier3A)
    %scan3A = arith.constant 0 : i32
    %scan3A_67 = arith.constant 0 : i32
    %scan3A_68 = arith.constant 56 : i32
    %scan3A_69 = arith.addi %scan3A_67, %scan3A_68 : i32
    %scan3A_70 = arith.constant 1 : i32
    scf.for %scan3A_110 = %scan3A_67 to %scan3A_69 step %scan3A_70  : i32 {
      %jit3A = arith.constant 3 : i32
      %eq3A_111 = arith.constant 0 : i32
      %eq3A_112 = arith.cmpi eq, %jit3A, %eq3A_111 : i32
      %jit3A_113 = arith.constant 1 : i32
      %select_n3A = arith.select %eq3A_112, %jit3A_113, %jit3A : i32
      %rem3A = arith.remsi %scan3A_110, %select_n3A : i32
      %ne3A = arith.constant 0 : i32
      %ne3A_114 = arith.cmpi ne, %rem3A, %ne3A : i32
      %lt3A_115 = arith.constant 0 : i32
      %lt3A_116 = arith.cmpi slt, %rem3A, %lt3A_115 : i32
      %lt3A_117 = arith.constant 0 : i32
      %lt3A_118 = arith.cmpi slt, %select_n3A, %lt3A_117 : i32
      %ne3A_119 = arith.xori %lt3A_116, %lt3A_118 : i1
      %and3A = arith.andi %ne3A_119, %ne3A_114 : i1
      %add3A = arith.addi %rem3A, %select_n3A : i32
      %select_n3A_120 = arith.select %and3A, %add3A, %rem3A : i32
      %eq3A_121 = arith.constant 0 : i32
      %eq3A_122 = arith.cmpi eq, %select_n3A_120, %eq3A_121 : i32
      %convert_element_type3A_123 = arith.extui %eq3A_122 : i1 to i32
      %cond3A_124 = arith.constant 0 : i32
      %cond3A_125 = arith.cmpi ne, %convert_element_type3A_123, %cond3A_124 : i32
      scf.if %cond3A_125 {
        %dma_wait3A_168 = arith.constant 0 : i32
        %dma_wait3A_169 = tpu.memref_slice %arg10[%scan3A_110, %dma_wait3A_168] : memref<56x88xi32, #tpu.memory_space<vmem>> -> memref<1x88xi32, #tpu.memory_space<vmem>>
        %dma_wait3A_170 = tpu.memref_squeeze %dma_wait3A_169 : memref<1x88xi32, #tpu.memory_space<vmem>> -> memref<88xi32, #tpu.memory_space<vmem>>
        %dma_wait3A_171 = arith.constant 0 : i32
        %dma_wait3A_172 = arith.constant 0 : i32
        %dma_wait3A_173 = tpu.memref_slice %arg2[%dma_wait3A_171, %dma_wait3A_172] : memref<10000x128xf32, #tpu.memory_space<hbm>> -> memref<10000x128xf32, #tpu.memory_space<hbm>>
        tpu.wait_indirect_dma semaphore(%arg18 : memref<!tpu.dma_semaphore, #tpu.memory_space<semaphore_mem>>) src(%dma_wait3A_173 : memref<10000x128xf32, #tpu.memory_space<hbm>>) dst(%arg14 : memref<88x128xf32, #tpu.memory_space<vmem>>)
        %ge3A = arith.constant 1 : i32
        %ge3A_174 = arith.cmpi sge, %scan3A_110, %ge3A : i32
        %convert_element_type3A_175 = arith.extui %ge3A_174 : i1 to i32
        %cond3A_176 = arith.constant 0 : i32
        %cond3A_177 = arith.cmpi ne, %convert_element_type3A_175, %cond3A_176 : i32
        scf.if %cond3A_177 {
          %sub3A = arith.constant 1 : i32
          %sub3A_189 = arith.subi %scan3A_110, %sub3A : i32
          %dma_wait3A_190 = arith.constant 0 : i32
          %dma_wait3A_191 = tpu.memref_slice %arg11[%sub3A_189, %dma_wait3A_190] : memref<56x88xi32, #tpu.memory_space<vmem>> -> memref<1x88xi32, #tpu.memory_space<vmem>>
          %dma_wait3A_192 = tpu.memref_squeeze %dma_wait3A_191 : memref<1x88xi32, #tpu.memory_space<vmem>> -> memref<88xi32, #tpu.memory_space<vmem>>
          %dma_wait3A_193 = arith.constant 0 : i32
          %dma_wait3A_194 = arith.constant 0 : i32
          %dma_wait3A_195 = tpu.memref_slice %arg17[%dma_wait3A_193, %dma_wait3A_194] : memref<10000x128xf32, #tpu.memory_space<vmem_shared>> -> memref<10000x128xf32, #tpu.memory_space<vmem_shared>>
          tpu.wait_indirect_dma semaphore(%arg21 : memref<!tpu.dma_semaphore, #tpu.memory_space<semaphore_mem>>) src(%arg16 : memref<88x128xf32, #tpu.memory_space<vmem>>) dst(%dma_wait3A_195 : memref<10000x128xf32, #tpu.memory_space<vmem_shared>>)
        } else {
        }
        %lt3A_178 = arith.constant 54 : i32
        %lt3A_179 = arith.cmpi slt, %scan3A_110, %lt3A_178 : i32
        %convert_element_type3A_180 = arith.extui %lt3A_179 : i1 to i32
        %cond3A_181 = arith.constant 0 : i32
        %cond3A_182 = arith.cmpi ne, %convert_element_type3A_180, %cond3A_181 : i32
        scf.if %cond3A_182 {
          %add3A_189 = arith.constant 2 : i32
          %add3A_190 = arith.addi %scan3A_110, %add3A_189 : i32
          %dma_start3A_191 = arith.constant 0 : i32
          %dma_start3A_192 = tpu.memref_slice %arg10[%add3A_190, %dma_start3A_191] : memref<56x88xi32, #tpu.memory_space<vmem>> -> memref<1x88xi32, #tpu.memory_space<vmem>>
          %dma_start3A_193 = tpu.memref_squeeze %dma_start3A_192 : memref<1x88xi32, #tpu.memory_space<vmem>> -> memref<88xi32, #tpu.memory_space<vmem>>
          %dma_start3A_194 = arith.constant 0 : i32
          %dma_start3A_195 = arith.constant 0 : i32
          %dma_start3A_196 = tpu.memref_slice %arg2[%dma_start3A_194, %dma_start3A_195] : memref<10000x128xf32, #tpu.memory_space<hbm>> -> memref<10000x128xf32, #tpu.memory_space<hbm>>
          tpu.enqueue_indirect_dma source(%dma_start3A_196 : memref<10000x128xf32, #tpu.memory_space<hbm>>) target(%arg16 : memref<88x128xf32, #tpu.memory_space<vmem>>) offsets(%dma_start3A_193 : memref<88xi32, #tpu.memory_space<vmem>>) semaphore(%arg20 : memref<!tpu.dma_semaphore, #tpu.memory_space<semaphore_mem>>)
        } else {
        }
        %dma_start3A_183 = arith.constant 0 : i32
        %dma_start3A_184 = tpu.memref_slice %arg11[%scan3A_110, %dma_start3A_183] : memref<56x88xi32, #tpu.memory_space<vmem>> -> memref<1x88xi32, #tpu.memory_space<vmem>>
        %dma_start3A_185 = tpu.memref_squeeze %dma_start3A_184 : memref<1x88xi32, #tpu.memory_space<vmem>> -> memref<88xi32, #tpu.memory_space<vmem>>
        %dma_start3A_186 = arith.constant 0 : i32
        %dma_start3A_187 = arith.constant 0 : i32
        %dma_start3A_188 = tpu.memref_slice %arg17[%dma_start3A_186, %dma_start3A_187] : memref<10000x128xf32, #tpu.memory_space<vmem_shared>> -> memref<10000x128xf32, #tpu.memory_space<vmem_shared>>
        tpu.enqueue_indirect_dma source(%arg14 : memref<88x128xf32, #tpu.memory_space<vmem>>) target(%dma_start3A_188 : memref<10000x128xf32, #tpu.memory_space<vmem_shared>>) offsets(%dma_start3A_185 : memref<88xi32, #tpu.memory_space<vmem>>) semaphore(%arg21 : memref<!tpu.dma_semaphore, #tpu.memory_space<semaphore_mem>>) {add = true}
      } else {
      }
      %jit3A_126 = arith.constant 3 : i32
      %eq3A_127 = arith.constant 0 : i32
      %eq3A_128 = arith.cmpi eq, %jit3A_126, %eq3A_127 : i32
      %jit3A_129 = arith.constant 1 : i32
      %select_n3A_130 = arith.select %eq3A_128, %jit3A_129, %jit3A_126 : i32
      %rem3A_131 = arith.remsi %scan3A_110, %select_n3A_130 : i32
      %ne3A_132 = arith.constant 0 : i32
      %ne3A_133 = arith.cmpi ne, %rem3A_131, %ne3A_132 : i32
      %lt3A_134 = arith.constant 0 : i32
      %lt3A_135 = arith.cmpi slt, %rem3A_131, %lt3A_134 : i32
      %lt3A_136 = arith.constant 0 : i32
      %lt3A_137 = arith.cmpi slt, %select_n3A_130, %lt3A_136 : i32
      %ne3A_138 = arith.xori %lt3A_135, %lt3A_137 : i1
      %and3A_139 = arith.andi %ne3A_138, %ne3A_133 : i1
      %add3A_140 = arith.addi %rem3A_131, %select_n3A_130 : i32
      %select_n3A_141 = arith.select %and3A_139, %add3A_140, %rem3A_131 : i32
      %eq3A_142 = arith.constant 1 : i32
      %eq3A_143 = arith.cmpi eq, %select_n3A_141, %eq3A_142 : i32
      %convert_element_type3A_144 = arith.extui %eq3A_143 : i1 to i32
      %cond3A_145 = arith.constant 0 : i32
      %cond3A_146 = arith.cmpi ne, %convert_element_type3A_144, %cond3A_145 : i32
      scf.if %cond3A_146 {
        %dma_wait3A_168 = arith.constant 0 : i32
        %dma_wait3A_169 = tpu.memref_slice %arg10[%scan3A_110, %dma_wait3A_168] : memref<56x88xi32, #tpu.memory_space<vmem>> -> memref<1x88xi32, #tpu.memory_space<vmem>>
        %dma_wait3A_170 = tpu.memref_squeeze %dma_wait3A_169 : memref<1x88xi32, #tpu.memory_space<vmem>> -> memref<88xi32, #tpu.memory_space<vmem>>
        %dma_wait3A_171 = arith.constant 0 : i32
        %dma_wait3A_172 = arith.constant 0 : i32
        %dma_wait3A_173 = tpu.memref_slice %arg2[%dma_wait3A_171, %dma_wait3A_172] : memref<10000x128xf32, #tpu.memory_space<hbm>> -> memref<10000x128xf32, #tpu.memory_space<hbm>>
        tpu.wait_indirect_dma semaphore(%arg19 : memref<!tpu.dma_semaphore, #tpu.memory_space<semaphore_mem>>) src(%dma_wait3A_173 : memref<10000x128xf32, #tpu.memory_space<hbm>>) dst(%arg15 : memref<88x128xf32, #tpu.memory_space<vmem>>)
        %ge3A = arith.constant 1 : i32
        %ge3A_174 = arith.cmpi sge, %scan3A_110, %ge3A : i32
        %convert_element_type3A_175 = arith.extui %ge3A_174 : i1 to i32
        %cond3A_176 = arith.constant 0 : i32
        %cond3A_177 = arith.cmpi ne, %convert_element_type3A_175, %cond3A_176 : i32
        scf.if %cond3A_177 {
          %sub3A = arith.constant 1 : i32
          %sub3A_189 = arith.subi %scan3A_110, %sub3A : i32
          %dma_wait3A_190 = arith.constant 0 : i32
          %dma_wait3A_191 = tpu.memref_slice %arg11[%sub3A_189, %dma_wait3A_190] : memref<56x88xi32, #tpu.memory_space<vmem>> -> memref<1x88xi32, #tpu.memory_space<vmem>>
          %dma_wait3A_192 = tpu.memref_squeeze %dma_wait3A_191 : memref<1x88xi32, #tpu.memory_space<vmem>> -> memref<88xi32, #tpu.memory_space<vmem>>
          %dma_wait3A_193 = arith.constant 0 : i32
          %dma_wait3A_194 = arith.constant 0 : i32
          %dma_wait3A_195 = tpu.memref_slice %arg17[%dma_wait3A_193, %dma_wait3A_194] : memref<10000x128xf32, #tpu.memory_space<vmem_shared>> -> memref<10000x128xf32, #tpu.memory_space<vmem_shared>>
          tpu.wait_indirect_dma semaphore(%arg21 : memref<!tpu.dma_semaphore, #tpu.memory_space<semaphore_mem>>) src(%arg14 : memref<88x128xf32, #tpu.memory_space<vmem>>) dst(%dma_wait3A_195 : memref<10000x128xf32, #tpu.memory_space<vmem_shared>>)
        } else {
        }
        %lt3A_178 = arith.constant 54 : i32
        %lt3A_179 = arith.cmpi slt, %scan3A_110, %lt3A_178 : i32
        %convert_element_type3A_180 = arith.extui %lt3A_179 : i1 to i32
        %cond3A_181 = arith.constant 0 : i32
        %cond3A_182 = arith.cmpi ne, %convert_element_type3A_180, %cond3A_181 : i32
        scf.if %cond3A_182 {
          %add3A_189 = arith.constant 2 : i32
          %add3A_190 = arith.addi %scan3A_110, %add3A_189 : i32
          %dma_start3A_191 = arith.constant 0 : i32
          %dma_start3A_192 = tpu.memref_slice %arg10[%add3A_190, %dma_start3A_191] : memref<56x88xi32, #tpu.memory_space<vmem>> -> memref<1x88xi32, #tpu.memory_space<vmem>>
          %dma_start3A_193 = tpu.memref_squeeze %dma_start3A_192 : memref<1x88xi32, #tpu.memory_space<vmem>> -> memref<88xi32, #tpu.memory_space<vmem>>
          %dma_start3A_194 = arith.constant 0 : i32
          %dma_start3A_195 = arith.constant 0 : i32
          %dma_start3A_196 = tpu.memref_slice %arg2[%dma_start3A_194, %dma_start3A_195] : memref<10000x128xf32, #tpu.memory_space<hbm>> -> memref<10000x128xf32, #tpu.memory_space<hbm>>
          tpu.enqueue_indirect_dma source(%dma_start3A_196 : memref<10000x128xf32, #tpu.memory_space<hbm>>) target(%arg14 : memref<88x128xf32, #tpu.memory_space<vmem>>) offsets(%dma_start3A_193 : memref<88xi32, #tpu.memory_space<vmem>>) semaphore(%arg18 : memref<!tpu.dma_semaphore, #tpu.memory_space<semaphore_mem>>)
        } else {
        }
        %dma_start3A_183 = arith.constant 0 : i32
        %dma_start3A_184 = tpu.memref_slice %arg11[%scan3A_110, %dma_start3A_183] : memref<56x88xi32, #tpu.memory_space<vmem>> -> memref<1x88xi32, #tpu.memory_space<vmem>>
        %dma_start3A_185 = tpu.memref_squeeze %dma_start3A_184 : memref<1x88xi32, #tpu.memory_space<vmem>> -> memref<88xi32, #tpu.memory_space<vmem>>
        %dma_start3A_186 = arith.constant 0 : i32
        %dma_start3A_187 = arith.constant 0 : i32
        %dma_start3A_188 = tpu.memref_slice %arg17[%dma_start3A_186, %dma_start3A_187] : memref<10000x128xf32, #tpu.memory_space<vmem_shared>> -> memref<10000x128xf32, #tpu.memory_space<vmem_shared>>
        tpu.enqueue_indirect_dma source(%arg15 : memref<88x128xf32, #tpu.memory_space<vmem>>) target(%dma_start3A_188 : memref<10000x128xf32, #tpu.memory_space<vmem_shared>>) offsets(%dma_start3A_185 : memref<88xi32, #tpu.memory_space<vmem>>) semaphore(%arg21 : memref<!tpu.dma_semaphore, #tpu.memory_space<semaphore_mem>>) {add = true}
      } else {
      }
      %jit3A_147 = arith.constant 3 : i32
      %eq3A_148 = arith.constant 0 : i32
      %eq3A_149 = arith.cmpi eq, %jit3A_147, %eq3A_148 : i32
      %jit3A_150 = arith.constant 1 : i32
      %select_n3A_151 = arith.select %eq3A_149, %jit3A_150, %jit3A_147 : i32
      %rem3A_152 = arith.remsi %scan3A_110, %select_n3A_151 : i32
      %ne3A_153 = arith.constant 0 : i32
      %ne3A_154 = arith.cmpi ne, %rem3A_152, %ne3A_153 : i32
      %lt3A_155 = arith.constant 0 : i32
      %lt3A_156 = arith.cmpi slt, %rem3A_152, %lt3A_155 : i32
      %lt3A_157 = arith.constant 0 : i32
      %lt3A_158 = arith.cmpi slt, %select_n3A_151, %lt3A_157 : i32
      %ne3A_159 = arith.xori %lt3A_156, %lt3A_158 : i1
      %and3A_160 = arith.andi %ne3A_159, %ne3A_154 : i1
      %add3A_161 = arith.addi %rem3A_152, %select_n3A_151 : i32
      %select_n3A_162 = arith.select %and3A_160, %add3A_161, %rem3A_152 : i32
      %eq3A_163 = arith.constant 2 : i32
      %eq3A_164 = arith.cmpi eq, %select_n3A_162, %eq3A_163 : i32
      %convert_element_type3A_165 = arith.extui %eq3A_164 : i1 to i32
      %cond3A_166 = arith.constant 0 : i32
      %cond3A_167 = arith.cmpi ne, %convert_element_type3A_165, %cond3A_166 : i32
      scf.if %cond3A_167 {
        %dma_wait3A_168 = arith.constant 0 : i32
        %dma_wait3A_169 = tpu.memref_slice %arg10[%scan3A_110, %dma_wait3A_168] : memref<56x88xi32, #tpu.memory_space<vmem>> -> memref<1x88xi32, #tpu.memory_space<vmem>>
        %dma_wait3A_170 = tpu.memref_squeeze %dma_wait3A_169 : memref<1x88xi32, #tpu.memory_space<vmem>> -> memref<88xi32, #tpu.memory_space<vmem>>
        %dma_wait3A_171 = arith.constant 0 : i32
        %dma_wait3A_172 = arith.constant 0 : i32
        %dma_wait3A_173 = tpu.memref_slice %arg2[%dma_wait3A_171, %dma_wait3A_172] : memref<10000x128xf32, #tpu.memory_space<hbm>> -> memref<10000x128xf32, #tpu.memory_space<hbm>>
        tpu.wait_indirect_dma semaphore(%arg20 : memref<!tpu.dma_semaphore, #tpu.memory_space<semaphore_mem>>) src(%dma_wait3A_173 : memref<10000x128xf32, #tpu.memory_space<hbm>>) dst(%arg16 : memref<88x128xf32, #tpu.memory_space<vmem>>)
        %ge3A = arith.constant 1 : i32
        %ge3A_174 = arith.cmpi sge, %scan3A_110, %ge3A : i32
        %convert_element_type3A_175 = arith.extui %ge3A_174 : i1 to i32
        %cond3A_176 = arith.constant 0 : i32
        %cond3A_177 = arith.cmpi ne, %convert_element_type3A_175, %cond3A_176 : i32
        scf.if %cond3A_177 {
          %sub3A = arith.constant 1 : i32
          %sub3A_189 = arith.subi %scan3A_110, %sub3A : i32
          %dma_wait3A_190 = arith.constant 0 : i32
          %dma_wait3A_191 = tpu.memref_slice %arg11[%sub3A_189, %dma_wait3A_190] : memref<56x88xi32, #tpu.memory_space<vmem>> -> memref<1x88xi32, #tpu.memory_space<vmem>>
          %dma_wait3A_192 = tpu.memref_squeeze %dma_wait3A_191 : memref<1x88xi32, #tpu.memory_space<vmem>> -> memref<88xi32, #tpu.memory_space<vmem>>
          %dma_wait3A_193 = arith.constant 0 : i32
          %dma_wait3A_194 = arith.constant 0 : i32
          %dma_wait3A_195 = tpu.memref_slice %arg17[%dma_wait3A_193, %dma_wait3A_194] : memref<10000x128xf32, #tpu.memory_space<vmem_shared>> -> memref<10000x128xf32, #tpu.memory_space<vmem_shared>>
          tpu.wait_indirect_dma semaphore(%arg21 : memref<!tpu.dma_semaphore, #tpu.memory_space<semaphore_mem>>) src(%arg15 : memref<88x128xf32, #tpu.memory_space<vmem>>) dst(%dma_wait3A_195 : memref<10000x128xf32, #tpu.memory_space<vmem_shared>>)
        } else {
        }
        %lt3A_178 = arith.constant 54 : i32
        %lt3A_179 = arith.cmpi slt, %scan3A_110, %lt3A_178 : i32
        %convert_element_type3A_180 = arith.extui %lt3A_179 : i1 to i32
        %cond3A_181 = arith.constant 0 : i32
        %cond3A_182 = arith.cmpi ne, %convert_element_type3A_180, %cond3A_181 : i32
        scf.if %cond3A_182 {
          %add3A_189 = arith.constant 2 : i32
          %add3A_190 = arith.addi %scan3A_110, %add3A_189 : i32
          %dma_start3A_191 = arith.constant 0 : i32
          %dma_start3A_192 = tpu.memref_slice %arg10[%add3A_190, %dma_start3A_191] : memref<56x88xi32, #tpu.memory_space<vmem>> -> memref<1x88xi32, #tpu.memory_space<vmem>>
          %dma_start3A_193 = tpu.memref_squeeze %dma_start3A_192 : memref<1x88xi32, #tpu.memory_space<vmem>> -> memref<88xi32, #tpu.memory_space<vmem>>
          %dma_start3A_194 = arith.constant 0 : i32
          %dma_start3A_195 = arith.constant 0 : i32
          %dma_start3A_196 = tpu.memref_slice %arg2[%dma_start3A_194, %dma_start3A_195] : memref<10000x128xf32, #tpu.memory_space<hbm>> -> memref<10000x128xf32, #tpu.memory_space<hbm>>
          tpu.enqueue_indirect_dma source(%dma_start3A_196 : memref<10000x128xf32, #tpu.memory_space<hbm>>) target(%arg15 : memref<88x128xf32, #tpu.memory_space<vmem>>) offsets(%dma_start3A_193 : memref<88xi32, #tpu.memory_space<vmem>>) semaphore(%arg19 : memref<!tpu.dma_semaphore, #tpu.memory_space<semaphore_mem>>)
        } else {
        }
        %dma_start3A_183 = arith.constant 0 : i32
        %dma_start3A_184 = tpu.memref_slice %arg11[%scan3A_110, %dma_start3A_183] : memref<56x88xi32, #tpu.memory_space<vmem>> -> memref<1x88xi32, #tpu.memory_space<vmem>>
        %dma_start3A_185 = tpu.memref_squeeze %dma_start3A_184 : memref<1x88xi32, #tpu.memory_space<vmem>> -> memref<88xi32, #tpu.memory_space<vmem>>
        %dma_start3A_186 = arith.constant 0 : i32
        %dma_start3A_187 = arith.constant 0 : i32
        %dma_start3A_188 = tpu.memref_slice %arg17[%dma_start3A_186, %dma_start3A_187] : memref<10000x128xf32, #tpu.memory_space<vmem_shared>> -> memref<10000x128xf32, #tpu.memory_space<vmem_shared>>
        tpu.enqueue_indirect_dma source(%arg16 : memref<88x128xf32, #tpu.memory_space<vmem>>) target(%dma_start3A_188 : memref<10000x128xf32, #tpu.memory_space<vmem_shared>>) offsets(%dma_start3A_185 : memref<88xi32, #tpu.memory_space<vmem>>) semaphore(%arg21 : memref<!tpu.dma_semaphore, #tpu.memory_space<semaphore_mem>>) {add = true}
      } else {
      }
    }
    %scan3A_71 = arith.constant 56 : i32
    %dma_wait3A_72 = arith.constant 55 : i32
    %dma_wait3A_73 = arith.constant 0 : i32
    %dma_wait3A_74 = tpu.memref_slice %arg11[%dma_wait3A_72, %dma_wait3A_73] : memref<56x88xi32, #tpu.memory_space<vmem>> -> memref<1x88xi32, #tpu.memory_space<vmem>>
    %dma_wait3A_75 = tpu.memref_squeeze %dma_wait3A_74 : memref<1x88xi32, #tpu.memory_space<vmem>> -> memref<88xi32, #tpu.memory_space<vmem>>
    %dma_wait3A_76 = arith.constant 0 : i32
    %dma_wait3A_77 = arith.constant 0 : i32
    %dma_wait3A_78 = tpu.memref_slice %arg17[%dma_wait3A_76, %dma_wait3A_77] : memref<10000x128xf32, #tpu.memory_space<vmem_shared>> -> memref<10000x128xf32, #tpu.memory_space<vmem_shared>>
    tpu.wait_indirect_dma semaphore(%arg21 : memref<!tpu.dma_semaphore, #tpu.memory_space<semaphore_mem>>) src(%arg15 : memref<88x128xf32, #tpu.memory_space<vmem>>) dst(%dma_wait3A_78 : memref<10000x128xf32, #tpu.memory_space<vmem_shared>>)
    %dma_start3A_79 = arith.constant 0 : i32
    %dma_start3A_80 = arith.constant 0 : i32
    %dma_start3A_81 = arith.constant 0 : i32
    %dma_start3A_82 = tpu.memref_slice %arg14[%dma_start3A_80, %dma_start3A_81] : memref<88x128xf32, #tpu.memory_space<vmem>> -> memref<72x128xf32, #tpu.memory_space<vmem>>
    %dma_start3A_83 = arith.constant 0 : i32
    %dma_start3A_84 = tpu.memref_slice %arg12[%dma_start3A_79, %dma_start3A_83] : memref<1x72xi32, #tpu.memory_space<vmem>> -> memref<1x72xi32, #tpu.memory_space<vmem>>
    %dma_start3A_85 = tpu.memref_squeeze %dma_start3A_84 : memref<1x72xi32, #tpu.memory_space<vmem>> -> memref<72xi32, #tpu.memory_space<vmem>>
    %dma_start3A_86 = arith.constant 0 : i32
    %dma_start3A_87 = arith.constant 0 : i32
    %dma_start3A_88 = tpu.memref_slice %arg2[%dma_start3A_86, %dma_start3A_87] : memref<10000x128xf32, #tpu.memory_space<hbm>> -> memref<10000x128xf32, #tpu.memory_space<hbm>>
    tpu.enqueue_indirect_dma source(%dma_start3A_88 : memref<10000x128xf32, #tpu.memory_space<hbm>>) target(%dma_start3A_82 : memref<72x128xf32, #tpu.memory_space<vmem>>) offsets(%dma_start3A_85 : memref<72xi32, #tpu.memory_space<vmem>>) semaphore(%arg18 : memref<!tpu.dma_semaphore, #tpu.memory_space<semaphore_mem>>)
    %dma_wait3A_89 = arith.constant 0 : i32
    %dma_wait3A_90 = arith.constant 0 : i32
    %dma_wait3A_91 = arith.constant 0 : i32
    %dma_wait3A_92 = tpu.memref_slice %arg14[%dma_wait3A_90, %dma_wait3A_91] : memref<88x128xf32, #tpu.memory_space<vmem>> -> memref<72x128xf32, #tpu.memory_space<vmem>>
    %dma_wait3A_93 = arith.constant 0 : i32
    %dma_wait3A_94 = tpu.memref_slice %arg12[%dma_wait3A_89, %dma_wait3A_93] : memref<1x72xi32, #tpu.memory_space<vmem>> -> memref<1x72xi32, #tpu.memory_space<vmem>>
    %dma_wait3A_95 = tpu.memref_squeeze %dma_wait3A_94 : memref<1x72xi32, #tpu.memory_space<vmem>> -> memref<72xi32, #tpu.memory_space<vmem>>
    %dma_wait3A_96 = arith.constant 0 : i32
    %dma_wait3A_97 = arith.constant 0 : i32
    %dma_wait3A_98 = tpu.memref_slice %arg2[%dma_wait3A_96, %dma_wait3A_97] : memref<10000x128xf32, #tpu.memory_space<hbm>> -> memref<10000x128xf32, #tpu.memory_space<hbm>>
    tpu.wait_indirect_dma semaphore(%arg18 : memref<!tpu.dma_semaphore, #tpu.memory_space<semaphore_mem>>) src(%dma_wait3A_98 : memref<10000x128xf32, #tpu.memory_space<hbm>>) dst(%dma_wait3A_92 : memref<72x128xf32, #tpu.memory_space<vmem>>)
    %run_scoped3A = arith.constant 0 : i32
    "tpu.region"() ({
      %run_scoped3A_110 = tpu.sem_alloc : memref<!tpu.dma_semaphore, #tpu.memory_space<semaphore_mem>>
      %dma_start3A_111 = arith.constant 0 : i32
      %dma_start3A_112 = arith.constant 0 : i32
      %dma_start3A_113 = tpu.memref_slice %arg14[%dma_start3A_111, %dma_start3A_112] : memref<88x128xf32, #tpu.memory_space<vmem>> -> memref<72x128xf32, #tpu.memory_space<vmem>>
      %dma_start3A_114 = arith.constant 0 : i32
      %dma_start3A_115 = tpu.memref_slice %arg13[%run_scoped3A, %dma_start3A_114] : memref<1x72xi32, #tpu.memory_space<vmem>> -> memref<1x72xi32, #tpu.memory_space<vmem>>
      %dma_start3A_116 = tpu.memref_squeeze %dma_start3A_115 : memref<1x72xi32, #tpu.memory_space<vmem>> -> memref<72xi32, #tpu.memory_space<vmem>>
      %dma_start3A_117 = arith.constant 0 : i32
      %dma_start3A_118 = arith.constant 0 : i32
      %dma_start3A_119 = tpu.memref_slice %arg17[%dma_start3A_117, %dma_start3A_118] : memref<10000x128xf32, #tpu.memory_space<vmem_shared>> -> memref<10000x128xf32, #tpu.memory_space<vmem_shared>>
      tpu.enqueue_indirect_dma source(%dma_start3A_113 : memref<72x128xf32, #tpu.memory_space<vmem>>) target(%dma_start3A_119 : memref<10000x128xf32, #tpu.memory_space<vmem_shared>>) offsets(%dma_start3A_116 : memref<72xi32, #tpu.memory_space<vmem>>) semaphore(%run_scoped3A_110 : memref<!tpu.dma_semaphore, #tpu.memory_space<semaphore_mem>>) {add = true}
      %dma_wait3A_120 = arith.constant 0 : i32
      %dma_wait3A_121 = arith.constant 0 : i32
      %dma_wait3A_122 = tpu.memref_slice %arg14[%dma_wait3A_120, %dma_wait3A_121] : memref<88x128xf32, #tpu.memory_space<vmem>> -> memref<72x128xf32, #tpu.memory_space<vmem>>
      %dma_wait3A_123 = arith.constant 0 : i32
      %dma_wait3A_124 = tpu.memref_slice %arg13[%run_scoped3A, %dma_wait3A_123] : memref<1x72xi32, #tpu.memory_space<vmem>> -> memref<1x72xi32, #tpu.memory_space<vmem>>
      %dma_wait3A_125 = tpu.memref_squeeze %dma_wait3A_124 : memref<1x72xi32, #tpu.memory_space<vmem>> -> memref<72xi32, #tpu.memory_space<vmem>>
      %dma_wait3A_126 = arith.constant 0 : i32
      %dma_wait3A_127 = arith.constant 0 : i32
      %dma_wait3A_128 = tpu.memref_slice %arg17[%dma_wait3A_126, %dma_wait3A_127] : memref<10000x128xf32, #tpu.memory_space<vmem_shared>> -> memref<10000x128xf32, #tpu.memory_space<vmem_shared>>
      tpu.wait_indirect_dma semaphore(%run_scoped3A_110 : memref<!tpu.dma_semaphore, #tpu.memory_space<semaphore_mem>>) src(%dma_wait3A_122 : memref<72x128xf32, #tpu.memory_space<vmem>>) dst(%dma_wait3A_128 : memref<10000x128xf32, #tpu.memory_space<vmem_shared>>)
      tpu.yield
    }) : () -> ()
    %barrier3A_99 = arith.constant 0 : index
    tpu.barrier barrier_id(%barrier3A_99)
    %eq3A_100 = arith.constant 0 : i32
    %eq3A_101 = arith.cmpi eq, %arg0, %eq3A_100 : i32
    %convert_element_type3A_102 = arith.extui %eq3A_101 : i1 to i32
    %cond3A_103 = arith.constant 0 : i32
    %cond3A_104 = arith.cmpi ne, %convert_element_type3A_102, %cond3A_103 : i32
    scf.if %cond3A_104 {
      %mul3A_110 = arith.constant 624 : i32
      %mul3A_111 = arith.muli %arg1, %mul3A_110 : i32
      %lt3A_112 = arith.constant 15 : i32
      %lt3A_113 = arith.cmpi slt, %arg1, %lt3A_112 : i32
      %convert_element_type3A_114 = arith.extui %lt3A_113 : i1 to i32
      %cond3A_115 = arith.constant 0 : i32
      %cond3A_116 = arith.cmpi ne, %convert_element_type3A_114, %cond3A_115 : i32
      scf.if %cond3A_116 {
        "tpu.region"() ({
          %run_scoped3A_122 = tpu.sem_alloc : memref<!tpu.dma_semaphore, #tpu.memory_space<semaphore_mem>>
          %dma_start3A_123 = arith.constant 0 : i32
          %dma_start3A_124 = tpu.memref_slice %arg8[%mul3A_111, %dma_start3A_123] : memref<10000x128xf32, #tpu.memory_space<hbm>> -> memref<624x128xf32, #tpu.memory_space<hbm>>
          %dma_start3A_125 = arith.constant 0 : i32
          %dma_start3A_126 = tpu.memref_slice %arg17[%mul3A_111, %dma_start3A_125] : memref<10000x128xf32, #tpu.memory_space<vmem_shared>> -> memref<624x128xf32, #tpu.memory_space<vmem_shared>>
          tpu.enqueue_dma source(%dma_start3A_126 : memref<624x128xf32, #tpu.memory_space<vmem_shared>>) target(%dma_start3A_124 : memref<624x128xf32, #tpu.memory_space<hbm>>) target_semaphore(%run_scoped3A_122 : memref<!tpu.dma_semaphore, #tpu.memory_space<semaphore_mem>>)
          %dma_wait3A_127 = arith.constant 0 : i32
          %dma_wait3A_128 = tpu.memref_slice %arg8[%mul3A_111, %dma_wait3A_127] : memref<10000x128xf32, #tpu.memory_space<hbm>> -> memref<624x128xf32, #tpu.memory_space<hbm>>
          %dma_wait3A_129 = arith.constant 0 : i32
          %dma_wait3A_130 = tpu.memref_slice %arg17[%mul3A_111, %dma_wait3A_129] : memref<10000x128xf32, #tpu.memory_space<vmem_shared>> -> memref<624x128xf32, #tpu.memory_space<vmem_shared>>
          tpu.wait_dma2 semaphore(%run_scoped3A_122 : memref<!tpu.dma_semaphore, #tpu.memory_space<semaphore_mem>>) src(%dma_wait3A_130 : memref<624x128xf32, #tpu.memory_space<vmem_shared>>) dst(%dma_wait3A_128 : memref<624x128xf32, #tpu.memory_space<hbm>>)
          tpu.yield
        }) : () -> ()
      } else {
      }
      %eq3A_117 = arith.constant 15 : i32
      %eq3A_118 = arith.cmpi eq, %arg1, %eq3A_117 : i32
      %convert_element_type3A_119 = arith.extui %eq3A_118 : i1 to i32
      %cond3A_120 = arith.constant 0 : i32
      %cond3A_121 = arith.cmpi ne, %convert_element_type3A_119, %cond3A_120 : i32
      scf.if %cond3A_121 {
        "tpu.region"() ({
          %run_scoped3A_122 = tpu.sem_alloc : memref<!tpu.dma_semaphore, #tpu.memory_space<semaphore_mem>>
          %dma_start3A_123 = arith.constant 0 : i32
          %dma_start3A_124 = tpu.memref_slice %arg8[%mul3A_111, %dma_start3A_123] : memref<10000x128xf32, #tpu.memory_space<hbm>> -> memref<640x128xf32, #tpu.memory_space<hbm>>
          %dma_start3A_125 = arith.constant 0 : i32
          %dma_start3A_126 = tpu.memref_slice %arg17[%mul3A_111, %dma_start3A_125] : memref<10000x128xf32, #tpu.memory_space<vmem_shared>> -> memref<640x128xf32, #tpu.memory_space<vmem_shared>>
          tpu.enqueue_dma source(%dma_start3A_126 : memref<640x128xf32, #tpu.memory_space<vmem_shared>>) target(%dma_start3A_124 : memref<640x128xf32, #tpu.memory_space<hbm>>) target_semaphore(%run_scoped3A_122 : memref<!tpu.dma_semaphore, #tpu.memory_space<semaphore_mem>>)
          %dma_wait3A_127 = arith.constant 0 : i32
          %dma_wait3A_128 = tpu.memref_slice %arg8[%mul3A_111, %dma_wait3A_127] : memref<10000x128xf32, #tpu.memory_space<hbm>> -> memref<640x128xf32, #tpu.memory_space<hbm>>
          %dma_wait3A_129 = arith.constant 0 : i32
          %dma_wait3A_130 = tpu.memref_slice %arg17[%mul3A_111, %dma_wait3A_129] : memref<10000x128xf32, #tpu.memory_space<vmem_shared>> -> memref<640x128xf32, #tpu.memory_space<vmem_shared>>
          tpu.wait_dma2 semaphore(%run_scoped3A_122 : memref<!tpu.dma_semaphore, #tpu.memory_space<semaphore_mem>>) src(%dma_wait3A_130 : memref<640x128xf32, #tpu.memory_space<vmem_shared>>) dst(%dma_wait3A_128 : memref<640x128xf32, #tpu.memory_space<hbm>>)
          tpu.yield
        }) : () -> ()
      } else {
      }
    } else {
    }
    %eq3A_105 = arith.constant 1 : i32
    %eq3A_106 = arith.cmpi eq, %arg0, %eq3A_105 : i32
    %convert_element_type3A_107 = arith.extui %eq3A_106 : i1 to i32
    %cond3A_108 = arith.constant 0 : i32
    %cond3A_109 = arith.cmpi ne, %convert_element_type3A_107, %cond3A_108 : i32
    scf.if %cond3A_109 {
      %mul3A_110 = arith.constant 624 : i32
      %mul3A_111 = arith.muli %arg1, %mul3A_110 : i32
      %lt3A_112 = arith.constant 15 : i32
      %lt3A_113 = arith.cmpi slt, %arg1, %lt3A_112 : i32
      %convert_element_type3A_114 = arith.extui %lt3A_113 : i1 to i32
      %cond3A_115 = arith.constant 0 : i32
      %cond3A_116 = arith.cmpi ne, %convert_element_type3A_114, %cond3A_115 : i32
      scf.if %cond3A_116 {
        "tpu.region"() ({
          %run_scoped3A_122 = tpu.sem_alloc : memref<!tpu.dma_semaphore, #tpu.memory_space<semaphore_mem>>
          %dma_start3A_123 = arith.constant 0 : i32
          %dma_start3A_124 = tpu.memref_slice %arg9[%mul3A_111, %dma_start3A_123] : memref<10000x128xf32, #tpu.memory_space<hbm>> -> memref<624x128xf32, #tpu.memory_space<hbm>>
          %dma_start3A_125 = arith.constant 0 : i32
          %dma_start3A_126 = tpu.memref_slice %arg17[%mul3A_111, %dma_start3A_125] : memref<10000x128xf32, #tpu.memory_space<vmem_shared>> -> memref<624x128xf32, #tpu.memory_space<vmem_shared>>
          tpu.enqueue_dma source(%dma_start3A_126 : memref<624x128xf32, #tpu.memory_space<vmem_shared>>) target(%dma_start3A_124 : memref<624x128xf32, #tpu.memory_space<hbm>>) target_semaphore(%run_scoped3A_122 : memref<!tpu.dma_semaphore, #tpu.memory_space<semaphore_mem>>)
          %dma_wait3A_127 = arith.constant 0 : i32
          %dma_wait3A_128 = tpu.memref_slice %arg9[%mul3A_111, %dma_wait3A_127] : memref<10000x128xf32, #tpu.memory_space<hbm>> -> memref<624x128xf32, #tpu.memory_space<hbm>>
          %dma_wait3A_129 = arith.constant 0 : i32
          %dma_wait3A_130 = tpu.memref_slice %arg17[%mul3A_111, %dma_wait3A_129] : memref<10000x128xf32, #tpu.memory_space<vmem_shared>> -> memref<624x128xf32, #tpu.memory_space<vmem_shared>>
          tpu.wait_dma2 semaphore(%run_scoped3A_122 : memref<!tpu.dma_semaphore, #tpu.memory_space<semaphore_mem>>) src(%dma_wait3A_130 : memref<624x128xf32, #tpu.memory_space<vmem_shared>>) dst(%dma_wait3A_128 : memref<624x128xf32, #tpu.memory_space<hbm>>)
          tpu.yield
        }) : () -> ()
      } else {
      }
      %eq3A_117 = arith.constant 15 : i32
      %eq3A_118 = arith.cmpi eq, %arg1, %eq3A_117 : i32
      %convert_element_type3A_119 = arith.extui %eq3A_118 : i1 to i32
      %cond3A_120 = arith.constant 0 : i32
      %cond3A_121 = arith.cmpi ne, %convert_element_type3A_119, %cond3A_120 : i32
      scf.if %cond3A_121 {
        "tpu.region"() ({
          %run_scoped3A_122 = tpu.sem_alloc : memref<!tpu.dma_semaphore, #tpu.memory_space<semaphore_mem>>
          %dma_start3A_123 = arith.constant 0 : i32
          %dma_start3A_124 = tpu.memref_slice %arg9[%mul3A_111, %dma_start3A_123] : memref<10000x128xf32, #tpu.memory_space<hbm>> -> memref<640x128xf32, #tpu.memory_space<hbm>>
          %dma_start3A_125 = arith.constant 0 : i32
          %dma_start3A_126 = tpu.memref_slice %arg17[%mul3A_111, %dma_start3A_125] : memref<10000x128xf32, #tpu.memory_space<vmem_shared>> -> memref<640x128xf32, #tpu.memory_space<vmem_shared>>
          tpu.enqueue_dma source(%dma_start3A_126 : memref<640x128xf32, #tpu.memory_space<vmem_shared>>) target(%dma_start3A_124 : memref<640x128xf32, #tpu.memory_space<hbm>>) target_semaphore(%run_scoped3A_122 : memref<!tpu.dma_semaphore, #tpu.memory_space<semaphore_mem>>)
          %dma_wait3A_127 = arith.constant 0 : i32
          %dma_wait3A_128 = tpu.memref_slice %arg9[%mul3A_111, %dma_wait3A_127] : memref<10000x128xf32, #tpu.memory_space<hbm>> -> memref<640x128xf32, #tpu.memory_space<hbm>>
          %dma_wait3A_129 = arith.constant 0 : i32
          %dma_wait3A_130 = tpu.memref_slice %arg17[%mul3A_111, %dma_wait3A_129] : memref<10000x128xf32, #tpu.memory_space<vmem_shared>> -> memref<640x128xf32, #tpu.memory_space<vmem_shared>>
          tpu.wait_dma2 semaphore(%run_scoped3A_122 : memref<!tpu.dma_semaphore, #tpu.memory_space<semaphore_mem>>) src(%dma_wait3A_130 : memref<640x128xf32, #tpu.memory_space<vmem_shared>>) dst(%dma_wait3A_128 : memref<640x128xf32, #tpu.memory_space<hbm>>)
          tpu.yield
        }) : () -> ()
      } else {
      }
    } else {
    }
    return
  }
}

#map = affine_map<(d0, d1) -> (0, 0)>
#map1 = affine_map<(d0, d1) -> (0, 0, 0, 0)>
module attributes {stable_mosaic.version = 14 : i64} {
  func.func @segsum(%arg0: i32, %arg1: i32, %arg2: memref<10000x128xf32, #tpu.memory_space<hbm>>, %arg3: memref<2x16x56x88xi32, #tpu.memory_space<hbm>>, %arg4: memref<2x16x56x88xi32, #tpu.memory_space<hbm>>, %arg5: memref<2x16x1x72xi32, #tpu.memory_space<hbm>>, %arg6: memref<2x16x1x72xi32, #tpu.memory_space<hbm>>, %arg7: memref<10000x128xf32, #tpu.memory_space<hbm>>, %arg8: memref<10000x128xf32, #tpu.memory_space<hbm>>, %arg9: memref<10000x128xf32, #tpu.memory_space<hbm>>, %arg10: memref<56x88xi32, #tpu.memory_space<vmem>>, %arg11: memref<56x88xi32, #tpu.memory_space<vmem>>, %arg12: memref<1x72xi32, #tpu.memory_space<vmem>>, %arg13: memref<1x72xi32, #tpu.memory_space<vmem>>, %arg14: memref<88x128xf32, #tpu.memory_space<vmem>>, %arg15: memref<88x128xf32, #tpu.memory_space<vmem>>, %arg16: memref<88x128xf32, #tpu.memory_space<vmem>>, %arg17: memref<10000x128xf32, #tpu.memory_space<vmem_shared>>, %arg18: memref<!tpu.dma_semaphore, #tpu.memory_space<semaphore_mem>>, %arg19: memref<!tpu.dma_semaphore, #tpu.memory_space<semaphore_mem>>, %arg20: memref<!tpu.dma_semaphore, #tpu.memory_space<semaphore_mem>>, %arg21: memref<!tpu.dma_semaphore, #tpu.memory_space<semaphore_mem>>) attributes {dimension_semantics = [#tpu.dimension_semantics<core_parallel>, #tpu.dimension_semantics<subcore_parallel>], iteration_bounds = array<i64: 2, 16>, scalar_prefetch = 0 : i64, scratch_operands = 12 : i64, tpu.core_type = #tpu.core_type<sc_vector_subcore>, window_params = [{transform_indices = #map}, {transform_indices = #map1}, {transform_indices = #map1}, {transform_indices = #map1}, {transform_indices = #map1}, {transform_indices = #map}, {transform_indices = #map}, {transform_indices = #map}]} {
    "tpu.region"() ({
      %run_scoped3A_110 = tpu.sem_alloc : memref<!tpu.dma_semaphore, #tpu.memory_space<semaphore_mem>>
      %dma_start3A_111 = arith.constant 0 : i32
      %dma_start3A_112 = arith.constant 0 : i32
      %dma_start3A_113 = tpu.memref_slice %arg3[%arg0, %arg1, %dma_start3A_111, %dma_start3A_112] : memref<2x16x56x88xi32, #tpu.memory_space<hbm>> -> memref<1x1x56x88xi32, #tpu.memory_space<hbm>>
      %dma_start3A_114 = tpu.memref_squeeze %dma_start3A_113 : memref<1x1x56x88xi32, #tpu.memory_space<hbm>> -> memref<56x88xi32, #tpu.memory_space<hbm>>
      %dma_start3A_115 = arith.constant 0 : i32
      %dma_start3A_116 = arith.constant 0 : i32
      %dma_start3A_117 = tpu.memref_slice %arg3[%arg0, %arg1, %dma_start3A_115, %dma_start3A_116] : memref<2x16x56x88xi32, #tpu.memory_space<hbm>> -> memref<1x1x56x88xi32, #tpu.memory_space<hbm>>
      %dma_start3A_118 = tpu.memref_squeeze %dma_start3A_117 : memref<1x1x56x88xi32, #tpu.memory_space<hbm>> -> memref<56x88xi32, #tpu.memory_space<hbm>>
      tpu.enqueue_dma source(%dma_start3A_118 : memref<56x88xi32, #tpu.memory_space<hbm>>) target(%arg10 : memref<56x88xi32, #tpu.memory_space<vmem>>) target_semaphore(%run_scoped3A_110 : memref<!tpu.dma_semaphore, #tpu.memory_space<semaphore_mem>>)
      %dma_wait3A_119 = arith.constant 0 : i32
      %dma_wait3A_120 = arith.constant 0 : i32
      %dma_wait3A_121 = tpu.memref_slice %arg3[%arg0, %arg1, %dma_wait3A_119, %dma_wait3A_120] : memref<2x16x56x88xi32, #tpu.memory_space<hbm>> -> memref<1x1x56x88xi32, #tpu.memory_space<hbm>>
      %dma_wait3A_122 = tpu.memref_squeeze %dma_wait3A_121 : memref<1x1x56x88xi32, #tpu.memory_space<hbm>> -> memref<56x88xi32, #tpu.memory_space<hbm>>
      %dma_wait3A_123 = arith.constant 0 : i32
      %dma_wait3A_124 = arith.constant 0 : i32
      %dma_wait3A_125 = tpu.memref_slice %arg3[%arg0, %arg1, %dma_wait3A_123, %dma_wait3A_124] : memref<2x16x56x88xi32, #tpu.memory_space<hbm>> -> memref<1x1x56x88xi32, #tpu.memory_space<hbm>>
      %dma_wait3A_126 = tpu.memref_squeeze %dma_wait3A_125 : memref<1x1x56x88xi32, #tpu.memory_space<hbm>> -> memref<56x88xi32, #tpu.memory_space<hbm>>
      tpu.wait_dma2 semaphore(%run_scoped3A_110 : memref<!tpu.dma_semaphore, #tpu.memory_space<semaphore_mem>>) src(%dma_wait3A_126 : memref<56x88xi32, #tpu.memory_space<hbm>>) dst(%arg10 : memref<56x88xi32, #tpu.memory_space<vmem>>)
      tpu.yield
    }) : () -> ()
    %dma_start3A = arith.constant 0 : i32
    %dma_start3A_0 = arith.constant 0 : i32
    %dma_start3A_1 = tpu.memref_slice %arg4[%arg0, %arg1, %dma_start3A, %dma_start3A_0] : memref<2x16x56x88xi32, #tpu.memory_space<hbm>> -> memref<1x1x56x88xi32, #tpu.memory_space<hbm>>
    %dma_start3A_2 = tpu.memref_squeeze %dma_start3A_1 : memref<1x1x56x88xi32, #tpu.memory_space<hbm>> -> memref<56x88xi32, #tpu.memory_space<hbm>>
    %dma_start3A_3 = arith.constant 0 : i32
    %dma_start3A_4 = arith.constant 0 : i32
    %dma_start3A_5 = tpu.memref_slice %arg4[%arg0, %arg1, %dma_start3A_3, %dma_start3A_4] : memref<2x16x56x88xi32, #tpu.memory_space<hbm>> -> memref<1x1x56x88xi32, #tpu.memory_space<hbm>>
    %dma_start3A_6 = tpu.memref_squeeze %dma_start3A_5 : memref<1x1x56x88xi32, #tpu.memory_space<hbm>> -> memref<56x88xi32, #tpu.memory_space<hbm>>
    tpu.enqueue_dma source(%dma_start3A_6 : memref<56x88xi32, #tpu.memory_space<hbm>>) target(%arg11 : memref<56x88xi32, #tpu.memory_space<vmem>>) target_semaphore(%arg21 : memref<!tpu.dma_semaphore, #tpu.memory_space<semaphore_mem>>)
    %dma_start3A_7 = arith.constant 0 : i32
    %dma_start3A_8 = arith.constant 0 : i32
    %dma_start3A_9 = tpu.memref_slice %arg5[%arg0, %arg1, %dma_start3A_7, %dma_start3A_8] : memref<2x16x1x72xi32, #tpu.memory_space<hbm>> -> memref<1x1x1x72xi32, #tpu.memory_space<hbm>>
    %dma_start3A_10 = tpu.memref_squeeze %dma_start3A_9 : memref<1x1x1x72xi32, #tpu.memory_space<hbm>> -> memref<1x72xi32, #tpu.memory_space<hbm>>
    %dma_start3A_11 = arith.constant 0 : i32
    %dma_start3A_12 = arith.constant 0 : i32
    %dma_start3A_13 = tpu.memref_slice %arg5[%arg0, %arg1, %dma_start3A_11, %dma_start3A_12] : memref<2x16x1x72xi32, #tpu.memory_space<hbm>> -> memref<1x1x1x72xi32, #tpu.memory_space<hbm>>
    %dma_start3A_14 = tpu.memref_squeeze %dma_start3A_13 : memref<1x1x1x72xi32, #tpu.memory_space<hbm>> -> memref<1x72xi32, #tpu.memory_space<hbm>>
    tpu.enqueue_dma source(%dma_start3A_14 : memref<1x72xi32, #tpu.memory_space<hbm>>) target(%arg12 : memref<1x72xi32, #tpu.memory_space<vmem>>) target_semaphore(%arg21 : memref<!tpu.dma_semaphore, #tpu.memory_space<semaphore_mem>>)
    %dma_start3A_15 = arith.constant 0 : i32
    %dma_start3A_16 = arith.constant 0 : i32
    %dma_start3A_17 = tpu.memref_slice %arg6[%arg0, %arg1, %dma_start3A_15, %dma_start3A_16] : memref<2x16x1x72xi32, #tpu.memory_space<hbm>> -> memref<1x1x1x72xi32, #tpu.memory_space<hbm>>
    %dma_start3A_18 = tpu.memref_squeeze %dma_start3A_17 : memref<1x1x1x72xi32, #tpu.memory_space<hbm>> -> memref<1x72xi32, #tpu.memory_space<hbm>>
    %dma_start3A_19 = arith.constant 0 : i32
    %dma_start3A_20 = arith.constant 0 : i32
    %dma_start3A_21 = tpu.memref_slice %arg6[%arg0, %arg1, %dma_start3A_19, %dma_start3A_20] : memref<2x16x1x72xi32, #tpu.memory_space<hbm>> -> memref<1x1x1x72xi32, #tpu.memory_space<hbm>>
    %dma_start3A_22 = tpu.memref_squeeze %dma_start3A_21 : memref<1x1x1x72xi32, #tpu.memory_space<hbm>> -> memref<1x72xi32, #tpu.memory_space<hbm>>
    tpu.enqueue_dma source(%dma_start3A_22 : memref<1x72xi32, #tpu.memory_space<hbm>>) target(%arg13 : memref<1x72xi32, #tpu.memory_space<vmem>>) target_semaphore(%arg21 : memref<!tpu.dma_semaphore, #tpu.memory_space<semaphore_mem>>)
    %dma_start3A_23 = arith.constant 0 : i32
    %dma_start3A_24 = arith.constant 0 : i32
    %dma_start3A_25 = tpu.memref_slice %arg10[%dma_start3A_23, %dma_start3A_24] : memref<56x88xi32, #tpu.memory_space<vmem>> -> memref<1x88xi32, #tpu.memory_space<vmem>>
    %dma_start3A_26 = tpu.memref_squeeze %dma_start3A_25 : memref<1x88xi32, #tpu.memory_space<vmem>> -> memref<88xi32, #tpu.memory_space<vmem>>
    %dma_start3A_27 = arith.constant 0 : i32
    %dma_start3A_28 = arith.constant 0 : i32
    %dma_start3A_29 = tpu.memref_slice %arg2[%dma_start3A_27, %dma_start3A_28] : memref<10000x128xf32, #tpu.memory_space<hbm>> -> memref<10000x128xf32, #tpu.memory_space<hbm>>
    tpu.enqueue_indirect_dma source(%dma_start3A_29 : memref<10000x128xf32, #tpu.memory_space<hbm>>) target(%arg14 : memref<88x128xf32, #tpu.memory_space<vmem>>) offsets(%dma_start3A_26 : memref<88xi32, #tpu.memory_space<vmem>>) semaphore(%arg18 : memref<!tpu.dma_semaphore, #tpu.memory_space<semaphore_mem>>)
    %dma_start3A_30 = arith.constant 1 : i32
    %dma_start3A_31 = arith.constant 0 : i32
    %dma_start3A_32 = tpu.memref_slice %arg10[%dma_start3A_30, %dma_start3A_31] : memref<56x88xi32, #tpu.memory_space<vmem>> -> memref<1x88xi32, #tpu.memory_space<vmem>>
    %dma_start3A_33 = tpu.memref_squeeze %dma_start3A_32 : memref<1x88xi32, #tpu.memory_space<vmem>> -> memref<88xi32, #tpu.memory_space<vmem>>
    %dma_start3A_34 = arith.constant 0 : i32
    %dma_start3A_35 = arith.constant 0 : i32
    %dma_start3A_36 = tpu.memref_slice %arg2[%dma_start3A_34, %dma_start3A_35] : memref<10000x128xf32, #tpu.memory_space<hbm>> -> memref<10000x128xf32, #tpu.memory_space<hbm>>
    tpu.enqueue_indirect_dma source(%dma_start3A_36 : memref<10000x128xf32, #tpu.memory_space<hbm>>) target(%arg15 : memref<88x128xf32, #tpu.memory_space<vmem>>) offsets(%dma_start3A_33 : memref<88xi32, #tpu.memory_space<vmem>>) semaphore(%arg19 : memref<!tpu.dma_semaphore, #tpu.memory_space<semaphore_mem>>)
    %mul3A = arith.constant 624 : i32
    %mul3A_37 = arith.muli %arg1, %mul3A : i32
    %lt3A = arith.constant 15 : i32
    %lt3A_38 = arith.cmpi slt, %arg1, %lt3A : i32
    %convert_element_type3A = arith.extui %lt3A_38 : i1 to i32
    %cond3A = arith.constant 0 : i32
    %cond3A_39 = arith.cmpi ne, %convert_element_type3A, %cond3A : i32
    scf.if %cond3A_39 {
      "tpu.region"() ({
        %run_scoped3A_110 = tpu.sem_alloc : memref<!tpu.dma_semaphore, #tpu.memory_space<semaphore_mem>>
        %dma_start3A_111 = arith.constant 0 : i32
        %dma_start3A_112 = tpu.memref_slice %arg17[%mul3A_37, %dma_start3A_111] : memref<10000x128xf32, #tpu.memory_space<vmem_shared>> -> memref<624x128xf32, #tpu.memory_space<vmem_shared>>
        %dma_start3A_113 = arith.constant 0 : i32
        %dma_start3A_114 = tpu.memref_slice %arg7[%mul3A_37, %dma_start3A_113] : memref<10000x128xf32, #tpu.memory_space<hbm>> -> memref<624x128xf32, #tpu.memory_space<hbm>>
        tpu.enqueue_dma source(%dma_start3A_114 : memref<624x128xf32, #tpu.memory_space<hbm>>) target(%dma_start3A_112 : memref<624x128xf32, #tpu.memory_space<vmem_shared>>) target_semaphore(%run_scoped3A_110 : memref<!tpu.dma_semaphore, #tpu.memory_space<semaphore_mem>>)
        %dma_wait3A_115 = arith.constant 0 : i32
        %dma_wait3A_116 = tpu.memref_slice %arg17[%mul3A_37, %dma_wait3A_115] : memref<10000x128xf32, #tpu.memory_space<vmem_shared>> -> memref<624x128xf32, #tpu.memory_space<vmem_shared>>
        %dma_wait3A_117 = arith.constant 0 : i32
        %dma_wait3A_118 = tpu.memref_slice %arg7[%mul3A_37, %dma_wait3A_117] : memref<10000x128xf32, #tpu.memory_space<hbm>> -> memref<624x128xf32, #tpu.memory_space<hbm>>
        tpu.wait_dma2 semaphore(%run_scoped3A_110 : memref<!tpu.dma_semaphore, #tpu.memory_space<semaphore_mem>>) src(%dma_wait3A_118 : memref<624x128xf32, #tpu.memory_space<hbm>>) dst(%dma_wait3A_116 : memref<624x128xf32, #tpu.memory_space<vmem_shared>>)
        tpu.yield
      }) : () -> ()
    } else {
    }
    %eq3A = arith.constant 15 : i32
    %eq3A_40 = arith.cmpi eq, %arg1, %eq3A : i32
    %convert_element_type3A_41 = arith.extui %eq3A_40 : i1 to i32
    %cond3A_42 = arith.constant 0 : i32
    %cond3A_43 = arith.cmpi ne, %convert_element_type3A_41, %cond3A_42 : i32
    scf.if %cond3A_43 {
      "tpu.region"() ({
        %run_scoped3A_110 = tpu.sem_alloc : memref<!tpu.dma_semaphore, #tpu.memory_space<semaphore_mem>>
        %dma_start3A_111 = arith.constant 0 : i32
        %dma_start3A_112 = tpu.memref_slice %arg17[%mul3A_37, %dma_start3A_111] : memref<10000x128xf32, #tpu.memory_space<vmem_shared>> -> memref<640x128xf32, #tpu.memory_space<vmem_shared>>
        %dma_start3A_113 = arith.constant 0 : i32
        %dma_start3A_114 = tpu.memref_slice %arg7[%mul3A_37, %dma_start3A_113] : memref<10000x128xf32, #tpu.memory_space<hbm>> -> memref<640x128xf32, #tpu.memory_space<hbm>>
        tpu.enqueue_dma source(%dma_start3A_114 : memref<640x128xf32, #tpu.memory_space<hbm>>) target(%dma_start3A_112 : memref<640x128xf32, #tpu.memory_space<vmem_shared>>) target_semaphore(%run_scoped3A_110 : memref<!tpu.dma_semaphore, #tpu.memory_space<semaphore_mem>>)
        %dma_wait3A_115 = arith.constant 0 : i32
        %dma_wait3A_116 = tpu.memref_slice %arg17[%mul3A_37, %dma_wait3A_115] : memref<10000x128xf32, #tpu.memory_space<vmem_shared>> -> memref<640x128xf32, #tpu.memory_space<vmem_shared>>
        %dma_wait3A_117 = arith.constant 0 : i32
        %dma_wait3A_118 = tpu.memref_slice %arg7[%mul3A_37, %dma_wait3A_117] : memref<10000x128xf32, #tpu.memory_space<hbm>> -> memref<640x128xf32, #tpu.memory_space<hbm>>
        tpu.wait_dma2 semaphore(%run_scoped3A_110 : memref<!tpu.dma_semaphore, #tpu.memory_space<semaphore_mem>>) src(%dma_wait3A_118 : memref<640x128xf32, #tpu.memory_space<hbm>>) dst(%dma_wait3A_116 : memref<640x128xf32, #tpu.memory_space<vmem_shared>>)
        tpu.yield
      }) : () -> ()
    } else {
    }
    %dma_wait3A = arith.constant 0 : i32
    %dma_wait3A_44 = arith.constant 0 : i32
    %dma_wait3A_45 = tpu.memref_slice %arg4[%arg0, %arg1, %dma_wait3A, %dma_wait3A_44] : memref<2x16x56x88xi32, #tpu.memory_space<hbm>> -> memref<1x1x56x88xi32, #tpu.memory_space<hbm>>
    %dma_wait3A_46 = tpu.memref_squeeze %dma_wait3A_45 : memref<1x1x56x88xi32, #tpu.memory_space<hbm>> -> memref<56x88xi32, #tpu.memory_space<hbm>>
    %dma_wait3A_47 = arith.constant 0 : i32
    %dma_wait3A_48 = arith.constant 0 : i32
    %dma_wait3A_49 = tpu.memref_slice %arg4[%arg0, %arg1, %dma_wait3A_47, %dma_wait3A_48] : memref<2x16x56x88xi32, #tpu.memory_space<hbm>> -> memref<1x1x56x88xi32, #tpu.memory_space<hbm>>
    %dma_wait3A_50 = tpu.memref_squeeze %dma_wait3A_49 : memref<1x1x56x88xi32, #tpu.memory_space<hbm>> -> memref<56x88xi32, #tpu.memory_space<hbm>>
    tpu.wait_dma2 semaphore(%arg21 : memref<!tpu.dma_semaphore, #tpu.memory_space<semaphore_mem>>) src(%dma_wait3A_50 : memref<56x88xi32, #tpu.memory_space<hbm>>) dst(%arg11 : memref<56x88xi32, #tpu.memory_space<vmem>>)
    %dma_wait3A_51 = arith.constant 0 : i32
    %dma_wait3A_52 = arith.constant 0 : i32
    %dma_wait3A_53 = tpu.memref_slice %arg5[%arg0, %arg1, %dma_wait3A_51, %dma_wait3A_52] : memref<2x16x1x72xi32, #tpu.memory_space<hbm>> -> memref<1x1x1x72xi32, #tpu.memory_space<hbm>>
    %dma_wait3A_54 = tpu.memref_squeeze %dma_wait3A_53 : memref<1x1x1x72xi32, #tpu.memory_space<hbm>> -> memref<1x72xi32, #tpu.memory_space<hbm>>
    %dma_wait3A_55 = arith.constant 0 : i32
    %dma_wait3A_56 = arith.constant 0 : i32
    %dma_wait3A_57 = tpu.memref_slice %arg5[%arg0, %arg1, %dma_wait3A_55, %dma_wait3A_56] : memref<2x16x1x72xi32, #tpu.memory_space<hbm>> -> memref<1x1x1x72xi32, #tpu.memory_space<hbm>>
    %dma_wait3A_58 = tpu.memref_squeeze %dma_wait3A_57 : memref<1x1x1x72xi32, #tpu.memory_space<hbm>> -> memref<1x72xi32, #tpu.memory_space<hbm>>
    tpu.wait_dma2 semaphore(%arg21 : memref<!tpu.dma_semaphore, #tpu.memory_space<semaphore_mem>>) src(%dma_wait3A_58 : memref<1x72xi32, #tpu.memory_space<hbm>>) dst(%arg12 : memref<1x72xi32, #tpu.memory_space<vmem>>)
    %dma_wait3A_59 = arith.constant 0 : i32
    %dma_wait3A_60 = arith.constant 0 : i32
    %dma_wait3A_61 = tpu.memref_slice %arg6[%arg0, %arg1, %dma_wait3A_59, %dma_wait3A_60] : memref<2x16x1x72xi32, #tpu.memory_space<hbm>> -> memref<1x1x1x72xi32, #tpu.memory_space<hbm>>
    %dma_wait3A_62 = tpu.memref_squeeze %dma_wait3A_61 : memref<1x1x1x72xi32, #tpu.memory_space<hbm>> -> memref<1x72xi32, #tpu.memory_space<hbm>>
    %dma_wait3A_63 = arith.constant 0 : i32
    %dma_wait3A_64 = arith.constant 0 : i32
    %dma_wait3A_65 = tpu.memref_slice %arg6[%arg0, %arg1, %dma_wait3A_63, %dma_wait3A_64] : memref<2x16x1x72xi32, #tpu.memory_space<hbm>> -> memref<1x1x1x72xi32, #tpu.memory_space<hbm>>
    %dma_wait3A_66 = tpu.memref_squeeze %dma_wait3A_65 : memref<1x1x1x72xi32, #tpu.memory_space<hbm>> -> memref<1x72xi32, #tpu.memory_space<hbm>>
    tpu.wait_dma2 semaphore(%arg21 : memref<!tpu.dma_semaphore, #tpu.memory_space<semaphore_mem>>) src(%dma_wait3A_66 : memref<1x72xi32, #tpu.memory_space<hbm>>) dst(%arg13 : memref<1x72xi32, #tpu.memory_space<vmem>>)
    %barrier3A = arith.constant 0 : index
    tpu.barrier barrier_id(%barrier3A)
    %scan3A = arith.constant 0 : i32
    %scan3A_67 = arith.constant 0 : i32
    %scan3A_68 = arith.constant 56 : i32
    %scan3A_69 = arith.addi %scan3A_67, %scan3A_68 : i32
    %scan3A_70 = arith.constant 1 : i32
    scf.for %scan3A_110 = %scan3A_67 to %scan3A_69 step %scan3A_70  : i32 {
      %jit3A = arith.constant 3 : i32
      %eq3A_111 = arith.constant 0 : i32
      %eq3A_112 = arith.cmpi eq, %jit3A, %eq3A_111 : i32
      %jit3A_113 = arith.constant 1 : i32
      %select_n3A = arith.select %eq3A_112, %jit3A_113, %jit3A : i32
      %rem3A = arith.remsi %scan3A_110, %select_n3A : i32
      %ne3A = arith.constant 0 : i32
      %ne3A_114 = arith.cmpi ne, %rem3A, %ne3A : i32
      %lt3A_115 = arith.constant 0 : i32
      %lt3A_116 = arith.cmpi slt, %rem3A, %lt3A_115 : i32
      %lt3A_117 = arith.constant 0 : i32
      %lt3A_118 = arith.cmpi slt, %select_n3A, %lt3A_117 : i32
      %ne3A_119 = arith.xori %lt3A_116, %lt3A_118 : i1
      %and3A = arith.andi %ne3A_119, %ne3A_114 : i1
      %add3A = arith.addi %rem3A, %select_n3A : i32
      %select_n3A_120 = arith.select %and3A, %add3A, %rem3A : i32
      %eq3A_121 = arith.constant 0 : i32
      %eq3A_122 = arith.cmpi eq, %select_n3A_120, %eq3A_121 : i32
      %convert_element_type3A_123 = arith.extui %eq3A_122 : i1 to i32
      %cond3A_124 = arith.constant 0 : i32
      %cond3A_125 = arith.cmpi ne, %convert_element_type3A_123, %cond3A_124 : i32
      scf.if %cond3A_125 {
        %dma_wait3A_168 = arith.constant 0 : i32
        %dma_wait3A_169 = tpu.memref_slice %arg10[%scan3A_110, %dma_wait3A_168] : memref<56x88xi32, #tpu.memory_space<vmem>> -> memref<1x88xi32, #tpu.memory_space<vmem>>
        %dma_wait3A_170 = tpu.memref_squeeze %dma_wait3A_169 : memref<1x88xi32, #tpu.memory_space<vmem>> -> memref<88xi32, #tpu.memory_space<vmem>>
        %dma_wait3A_171 = arith.constant 0 : i32
        %dma_wait3A_172 = arith.constant 0 : i32
        %dma_wait3A_173 = tpu.memref_slice %arg2[%dma_wait3A_171, %dma_wait3A_172] : memref<10000x128xf32, #tpu.memory_space<hbm>> -> memref<10000x128xf32, #tpu.memory_space<hbm>>
        tpu.wait_indirect_dma semaphore(%arg18 : memref<!tpu.dma_semaphore, #tpu.memory_space<semaphore_mem>>) src(%dma_wait3A_173 : memref<10000x128xf32, #tpu.memory_space<hbm>>) dst(%arg14 : memref<88x128xf32, #tpu.memory_space<vmem>>)
        %ge3A = arith.constant 1 : i32
        %ge3A_174 = arith.cmpi sge, %scan3A_110, %ge3A : i32
        %convert_element_type3A_175 = arith.extui %ge3A_174 : i1 to i32
        %cond3A_176 = arith.constant 0 : i32
        %cond3A_177 = arith.cmpi ne, %convert_element_type3A_175, %cond3A_176 : i32
        scf.if %cond3A_177 {
          %sub3A = arith.constant 1 : i32
          %sub3A_189 = arith.subi %scan3A_110, %sub3A : i32
          %dma_wait3A_190 = arith.constant 0 : i32
          %dma_wait3A_191 = tpu.memref_slice %arg11[%sub3A_189, %dma_wait3A_190] : memref<56x88xi32, #tpu.memory_space<vmem>> -> memref<1x88xi32, #tpu.memory_space<vmem>>
          %dma_wait3A_192 = tpu.memref_squeeze %dma_wait3A_191 : memref<1x88xi32, #tpu.memory_space<vmem>> -> memref<88xi32, #tpu.memory_space<vmem>>
          %dma_wait3A_193 = arith.constant 0 : i32
          %dma_wait3A_194 = arith.constant 0 : i32
          %dma_wait3A_195 = tpu.memref_slice %arg17[%dma_wait3A_193, %dma_wait3A_194] : memref<10000x128xf32, #tpu.memory_space<vmem_shared>> -> memref<10000x128xf32, #tpu.memory_space<vmem_shared>>
          tpu.wait_indirect_dma semaphore(%arg21 : memref<!tpu.dma_semaphore, #tpu.memory_space<semaphore_mem>>) src(%arg16 : memref<88x128xf32, #tpu.memory_space<vmem>>) dst(%dma_wait3A_195 : memref<10000x128xf32, #tpu.memory_space<vmem_shared>>)
        } else {
        }
        %lt3A_178 = arith.constant 54 : i32
        %lt3A_179 = arith.cmpi slt, %scan3A_110, %lt3A_178 : i32
        %convert_element_type3A_180 = arith.extui %lt3A_179 : i1 to i32
        %cond3A_181 = arith.constant 0 : i32
        %cond3A_182 = arith.cmpi ne, %convert_element_type3A_180, %cond3A_181 : i32
        scf.if %cond3A_182 {
          %add3A_189 = arith.constant 2 : i32
          %add3A_190 = arith.addi %scan3A_110, %add3A_189 : i32
          %dma_start3A_191 = arith.constant 0 : i32
          %dma_start3A_192 = tpu.memref_slice %arg10[%add3A_190, %dma_start3A_191] : memref<56x88xi32, #tpu.memory_space<vmem>> -> memref<1x88xi32, #tpu.memory_space<vmem>>
          %dma_start3A_193 = tpu.memref_squeeze %dma_start3A_192 : memref<1x88xi32, #tpu.memory_space<vmem>> -> memref<88xi32, #tpu.memory_space<vmem>>
          %dma_start3A_194 = arith.constant 0 : i32
          %dma_start3A_195 = arith.constant 0 : i32
          %dma_start3A_196 = tpu.memref_slice %arg2[%dma_start3A_194, %dma_start3A_195] : memref<10000x128xf32, #tpu.memory_space<hbm>> -> memref<10000x128xf32, #tpu.memory_space<hbm>>
          tpu.enqueue_indirect_dma source(%dma_start3A_196 : memref<10000x128xf32, #tpu.memory_space<hbm>>) target(%arg16 : memref<88x128xf32, #tpu.memory_space<vmem>>) offsets(%dma_start3A_193 : memref<88xi32, #tpu.memory_space<vmem>>) semaphore(%arg20 : memref<!tpu.dma_semaphore, #tpu.memory_space<semaphore_mem>>)
        } else {
        }
        %dma_start3A_183 = arith.constant 0 : i32
        %dma_start3A_184 = tpu.memref_slice %arg11[%scan3A_110, %dma_start3A_183] : memref<56x88xi32, #tpu.memory_space<vmem>> -> memref<1x88xi32, #tpu.memory_space<vmem>>
        %dma_start3A_185 = tpu.memref_squeeze %dma_start3A_184 : memref<1x88xi32, #tpu.memory_space<vmem>> -> memref<88xi32, #tpu.memory_space<vmem>>
        %dma_start3A_186 = arith.constant 0 : i32
        %dma_start3A_187 = arith.constant 0 : i32
        %dma_start3A_188 = tpu.memref_slice %arg17[%dma_start3A_186, %dma_start3A_187] : memref<10000x128xf32, #tpu.memory_space<vmem_shared>> -> memref<10000x128xf32, #tpu.memory_space<vmem_shared>>
        tpu.enqueue_indirect_dma source(%arg14 : memref<88x128xf32, #tpu.memory_space<vmem>>) target(%dma_start3A_188 : memref<10000x128xf32, #tpu.memory_space<vmem_shared>>) offsets(%dma_start3A_185 : memref<88xi32, #tpu.memory_space<vmem>>) semaphore(%arg21 : memref<!tpu.dma_semaphore, #tpu.memory_space<semaphore_mem>>) {add = true}
      } else {
      }
      %jit3A_126 = arith.constant 3 : i32
      %eq3A_127 = arith.constant 0 : i32
      %eq3A_128 = arith.cmpi eq, %jit3A_126, %eq3A_127 : i32
      %jit3A_129 = arith.constant 1 : i32
      %select_n3A_130 = arith.select %eq3A_128, %jit3A_129, %jit3A_126 : i32
      %rem3A_131 = arith.remsi %scan3A_110, %select_n3A_130 : i32
      %ne3A_132 = arith.constant 0 : i32
      %ne3A_133 = arith.cmpi ne, %rem3A_131, %ne3A_132 : i32
      %lt3A_134 = arith.constant 0 : i32
      %lt3A_135 = arith.cmpi slt, %rem3A_131, %lt3A_134 : i32
      %lt3A_136 = arith.constant 0 : i32
      %lt3A_137 = arith.cmpi slt, %select_n3A_130, %lt3A_136 : i32
      %ne3A_138 = arith.xori %lt3A_135, %lt3A_137 : i1
      %and3A_139 = arith.andi %ne3A_138, %ne3A_133 : i1
      %add3A_140 = arith.addi %rem3A_131, %select_n3A_130 : i32
      %select_n3A_141 = arith.select %and3A_139, %add3A_140, %rem3A_131 : i32
      %eq3A_142 = arith.constant 1 : i32
      %eq3A_143 = arith.cmpi eq, %select_n3A_141, %eq3A_142 : i32
      %convert_element_type3A_144 = arith.extui %eq3A_143 : i1 to i32
      %cond3A_145 = arith.constant 0 : i32
      %cond3A_146 = arith.cmpi ne, %convert_element_type3A_144, %cond3A_145 : i32
      scf.if %cond3A_146 {
        %dma_wait3A_168 = arith.constant 0 : i32
        %dma_wait3A_169 = tpu.memref_slice %arg10[%scan3A_110, %dma_wait3A_168] : memref<56x88xi32, #tpu.memory_space<vmem>> -> memref<1x88xi32, #tpu.memory_space<vmem>>
        %dma_wait3A_170 = tpu.memref_squeeze %dma_wait3A_169 : memref<1x88xi32, #tpu.memory_space<vmem>> -> memref<88xi32, #tpu.memory_space<vmem>>
        %dma_wait3A_171 = arith.constant 0 : i32
        %dma_wait3A_172 = arith.constant 0 : i32
        %dma_wait3A_173 = tpu.memref_slice %arg2[%dma_wait3A_171, %dma_wait3A_172] : memref<10000x128xf32, #tpu.memory_space<hbm>> -> memref<10000x128xf32, #tpu.memory_space<hbm>>
        tpu.wait_indirect_dma semaphore(%arg19 : memref<!tpu.dma_semaphore, #tpu.memory_space<semaphore_mem>>) src(%dma_wait3A_173 : memref<10000x128xf32, #tpu.memory_space<hbm>>) dst(%arg15 : memref<88x128xf32, #tpu.memory_space<vmem>>)
        %ge3A = arith.constant 1 : i32
        %ge3A_174 = arith.cmpi sge, %scan3A_110, %ge3A : i32
        %convert_element_type3A_175 = arith.extui %ge3A_174 : i1 to i32
        %cond3A_176 = arith.constant 0 : i32
        %cond3A_177 = arith.cmpi ne, %convert_element_type3A_175, %cond3A_176 : i32
        scf.if %cond3A_177 {
          %sub3A = arith.constant 1 : i32
          %sub3A_189 = arith.subi %scan3A_110, %sub3A : i32
          %dma_wait3A_190 = arith.constant 0 : i32
          %dma_wait3A_191 = tpu.memref_slice %arg11[%sub3A_189, %dma_wait3A_190] : memref<56x88xi32, #tpu.memory_space<vmem>> -> memref<1x88xi32, #tpu.memory_space<vmem>>
          %dma_wait3A_192 = tpu.memref_squeeze %dma_wait3A_191 : memref<1x88xi32, #tpu.memory_space<vmem>> -> memref<88xi32, #tpu.memory_space<vmem>>
          %dma_wait3A_193 = arith.constant 0 : i32
          %dma_wait3A_194 = arith.constant 0 : i32
          %dma_wait3A_195 = tpu.memref_slice %arg17[%dma_wait3A_193, %dma_wait3A_194] : memref<10000x128xf32, #tpu.memory_space<vmem_shared>> -> memref<10000x128xf32, #tpu.memory_space<vmem_shared>>
          tpu.wait_indirect_dma semaphore(%arg21 : memref<!tpu.dma_semaphore, #tpu.memory_space<semaphore_mem>>) src(%arg14 : memref<88x128xf32, #tpu.memory_space<vmem>>) dst(%dma_wait3A_195 : memref<10000x128xf32, #tpu.memory_space<vmem_shared>>)
        } else {
        }
        %lt3A_178 = arith.constant 54 : i32
        %lt3A_179 = arith.cmpi slt, %scan3A_110, %lt3A_178 : i32
        %convert_element_type3A_180 = arith.extui %lt3A_179 : i1 to i32
        %cond3A_181 = arith.constant 0 : i32
        %cond3A_182 = arith.cmpi ne, %convert_element_type3A_180, %cond3A_181 : i32
        scf.if %cond3A_182 {
          %add3A_189 = arith.constant 2 : i32
          %add3A_190 = arith.addi %scan3A_110, %add3A_189 : i32
          %dma_start3A_191 = arith.constant 0 : i32
          %dma_start3A_192 = tpu.memref_slice %arg10[%add3A_190, %dma_start3A_191] : memref<56x88xi32, #tpu.memory_space<vmem>> -> memref<1x88xi32, #tpu.memory_space<vmem>>
          %dma_start3A_193 = tpu.memref_squeeze %dma_start3A_192 : memref<1x88xi32, #tpu.memory_space<vmem>> -> memref<88xi32, #tpu.memory_space<vmem>>
          %dma_start3A_194 = arith.constant 0 : i32
          %dma_start3A_195 = arith.constant 0 : i32
          %dma_start3A_196 = tpu.memref_slice %arg2[%dma_start3A_194, %dma_start3A_195] : memref<10000x128xf32, #tpu.memory_space<hbm>> -> memref<10000x128xf32, #tpu.memory_space<hbm>>
          tpu.enqueue_indirect_dma source(%dma_start3A_196 : memref<10000x128xf32, #tpu.memory_space<hbm>>) target(%arg14 : memref<88x128xf32, #tpu.memory_space<vmem>>) offsets(%dma_start3A_193 : memref<88xi32, #tpu.memory_space<vmem>>) semaphore(%arg18 : memref<!tpu.dma_semaphore, #tpu.memory_space<semaphore_mem>>)
        } else {
        }
        %dma_start3A_183 = arith.constant 0 : i32
        %dma_start3A_184 = tpu.memref_slice %arg11[%scan3A_110, %dma_start3A_183] : memref<56x88xi32, #tpu.memory_space<vmem>> -> memref<1x88xi32, #tpu.memory_space<vmem>>
        %dma_start3A_185 = tpu.memref_squeeze %dma_start3A_184 : memref<1x88xi32, #tpu.memory_space<vmem>> -> memref<88xi32, #tpu.memory_space<vmem>>
        %dma_start3A_186 = arith.constant 0 : i32
        %dma_start3A_187 = arith.constant 0 : i32
        %dma_start3A_188 = tpu.memref_slice %arg17[%dma_start3A_186, %dma_start3A_187] : memref<10000x128xf32, #tpu.memory_space<vmem_shared>> -> memref<10000x128xf32, #tpu.memory_space<vmem_shared>>
        tpu.enqueue_indirect_dma source(%arg15 : memref<88x128xf32, #tpu.memory_space<vmem>>) target(%dma_start3A_188 : memref<10000x128xf32, #tpu.memory_space<vmem_shared>>) offsets(%dma_start3A_185 : memref<88xi32, #tpu.memory_space<vmem>>) semaphore(%arg21 : memref<!tpu.dma_semaphore, #tpu.memory_space<semaphore_mem>>) {add = true}
      } else {
      }
      %jit3A_147 = arith.constant 3 : i32
      %eq3A_148 = arith.constant 0 : i32
      %eq3A_149 = arith.cmpi eq, %jit3A_147, %eq3A_148 : i32
      %jit3A_150 = arith.constant 1 : i32
      %select_n3A_151 = arith.select %eq3A_149, %jit3A_150, %jit3A_147 : i32
      %rem3A_152 = arith.remsi %scan3A_110, %select_n3A_151 : i32
      %ne3A_153 = arith.constant 0 : i32
      %ne3A_154 = arith.cmpi ne, %rem3A_152, %ne3A_153 : i32
      %lt3A_155 = arith.constant 0 : i32
      %lt3A_156 = arith.cmpi slt, %rem3A_152, %lt3A_155 : i32
      %lt3A_157 = arith.constant 0 : i32
      %lt3A_158 = arith.cmpi slt, %select_n3A_151, %lt3A_157 : i32
      %ne3A_159 = arith.xori %lt3A_156, %lt3A_158 : i1
      %and3A_160 = arith.andi %ne3A_159, %ne3A_154 : i1
      %add3A_161 = arith.addi %rem3A_152, %select_n3A_151 : i32
      %select_n3A_162 = arith.select %and3A_160, %add3A_161, %rem3A_152 : i32
      %eq3A_163 = arith.constant 2 : i32
      %eq3A_164 = arith.cmpi eq, %select_n3A_162, %eq3A_163 : i32
      %convert_element_type3A_165 = arith.extui %eq3A_164 : i1 to i32
      %cond3A_166 = arith.constant 0 : i32
      %cond3A_167 = arith.cmpi ne, %convert_element_type3A_165, %cond3A_166 : i32
      scf.if %cond3A_167 {
        %dma_wait3A_168 = arith.constant 0 : i32
        %dma_wait3A_169 = tpu.memref_slice %arg10[%scan3A_110, %dma_wait3A_168] : memref<56x88xi32, #tpu.memory_space<vmem>> -> memref<1x88xi32, #tpu.memory_space<vmem>>
        %dma_wait3A_170 = tpu.memref_squeeze %dma_wait3A_169 : memref<1x88xi32, #tpu.memory_space<vmem>> -> memref<88xi32, #tpu.memory_space<vmem>>
        %dma_wait3A_171 = arith.constant 0 : i32
        %dma_wait3A_172 = arith.constant 0 : i32
        %dma_wait3A_173 = tpu.memref_slice %arg2[%dma_wait3A_171, %dma_wait3A_172] : memref<10000x128xf32, #tpu.memory_space<hbm>> -> memref<10000x128xf32, #tpu.memory_space<hbm>>
        tpu.wait_indirect_dma semaphore(%arg20 : memref<!tpu.dma_semaphore, #tpu.memory_space<semaphore_mem>>) src(%dma_wait3A_173 : memref<10000x128xf32, #tpu.memory_space<hbm>>) dst(%arg16 : memref<88x128xf32, #tpu.memory_space<vmem>>)
        %ge3A = arith.constant 1 : i32
        %ge3A_174 = arith.cmpi sge, %scan3A_110, %ge3A : i32
        %convert_element_type3A_175 = arith.extui %ge3A_174 : i1 to i32
        %cond3A_176 = arith.constant 0 : i32
        %cond3A_177 = arith.cmpi ne, %convert_element_type3A_175, %cond3A_176 : i32
        scf.if %cond3A_177 {
          %sub3A = arith.constant 1 : i32
          %sub3A_189 = arith.subi %scan3A_110, %sub3A : i32
          %dma_wait3A_190 = arith.constant 0 : i32
          %dma_wait3A_191 = tpu.memref_slice %arg11[%sub3A_189, %dma_wait3A_190] : memref<56x88xi32, #tpu.memory_space<vmem>> -> memref<1x88xi32, #tpu.memory_space<vmem>>
          %dma_wait3A_192 = tpu.memref_squeeze %dma_wait3A_191 : memref<1x88xi32, #tpu.memory_space<vmem>> -> memref<88xi32, #tpu.memory_space<vmem>>
          %dma_wait3A_193 = arith.constant 0 : i32
          %dma_wait3A_194 = arith.constant 0 : i32
          %dma_wait3A_195 = tpu.memref_slice %arg17[%dma_wait3A_193, %dma_wait3A_194] : memref<10000x128xf32, #tpu.memory_space<vmem_shared>> -> memref<10000x128xf32, #tpu.memory_space<vmem_shared>>
          tpu.wait_indirect_dma semaphore(%arg21 : memref<!tpu.dma_semaphore, #tpu.memory_space<semaphore_mem>>) src(%arg15 : memref<88x128xf32, #tpu.memory_space<vmem>>) dst(%dma_wait3A_195 : memref<10000x128xf32, #tpu.memory_space<vmem_shared>>)
        } else {
        }
        %lt3A_178 = arith.constant 54 : i32
        %lt3A_179 = arith.cmpi slt, %scan3A_110, %lt3A_178 : i32
        %convert_element_type3A_180 = arith.extui %lt3A_179 : i1 to i32
        %cond3A_181 = arith.constant 0 : i32
        %cond3A_182 = arith.cmpi ne, %convert_element_type3A_180, %cond3A_181 : i32
        scf.if %cond3A_182 {
          %add3A_189 = arith.constant 2 : i32
          %add3A_190 = arith.addi %scan3A_110, %add3A_189 : i32
          %dma_start3A_191 = arith.constant 0 : i32
          %dma_start3A_192 = tpu.memref_slice %arg10[%add3A_190, %dma_start3A_191] : memref<56x88xi32, #tpu.memory_space<vmem>> -> memref<1x88xi32, #tpu.memory_space<vmem>>
          %dma_start3A_193 = tpu.memref_squeeze %dma_start3A_192 : memref<1x88xi32, #tpu.memory_space<vmem>> -> memref<88xi32, #tpu.memory_space<vmem>>
          %dma_start3A_194 = arith.constant 0 : i32
          %dma_start3A_195 = arith.constant 0 : i32
          %dma_start3A_196 = tpu.memref_slice %arg2[%dma_start3A_194, %dma_start3A_195] : memref<10000x128xf32, #tpu.memory_space<hbm>> -> memref<10000x128xf32, #tpu.memory_space<hbm>>
          tpu.enqueue_indirect_dma source(%dma_start3A_196 : memref<10000x128xf32, #tpu.memory_space<hbm>>) target(%arg15 : memref<88x128xf32, #tpu.memory_space<vmem>>) offsets(%dma_start3A_193 : memref<88xi32, #tpu.memory_space<vmem>>) semaphore(%arg19 : memref<!tpu.dma_semaphore, #tpu.memory_space<semaphore_mem>>)
        } else {
        }
        %dma_start3A_183 = arith.constant 0 : i32
        %dma_start3A_184 = tpu.memref_slice %arg11[%scan3A_110, %dma_start3A_183] : memref<56x88xi32, #tpu.memory_space<vmem>> -> memref<1x88xi32, #tpu.memory_space<vmem>>
        %dma_start3A_185 = tpu.memref_squeeze %dma_start3A_184 : memref<1x88xi32, #tpu.memory_space<vmem>> -> memref<88xi32, #tpu.memory_space<vmem>>
        %dma_start3A_186 = arith.constant 0 : i32
        %dma_start3A_187 = arith.constant 0 : i32
        %dma_start3A_188 = tpu.memref_slice %arg17[%dma_start3A_186, %dma_start3A_187] : memref<10000x128xf32, #tpu.memory_space<vmem_shared>> -> memref<10000x128xf32, #tpu.memory_space<vmem_shared>>
        tpu.enqueue_indirect_dma source(%arg16 : memref<88x128xf32, #tpu.memory_space<vmem>>) target(%dma_start3A_188 : memref<10000x128xf32, #tpu.memory_space<vmem_shared>>) offsets(%dma_start3A_185 : memref<88xi32, #tpu.memory_space<vmem>>) semaphore(%arg21 : memref<!tpu.dma_semaphore, #tpu.memory_space<semaphore_mem>>) {add = true}
      } else {
      }
    }
    %scan3A_71 = arith.constant 56 : i32
    %dma_wait3A_72 = arith.constant 55 : i32
    %dma_wait3A_73 = arith.constant 0 : i32
    %dma_wait3A_74 = tpu.memref_slice %arg11[%dma_wait3A_72, %dma_wait3A_73] : memref<56x88xi32, #tpu.memory_space<vmem>> -> memref<1x88xi32, #tpu.memory_space<vmem>>
    %dma_wait3A_75 = tpu.memref_squeeze %dma_wait3A_74 : memref<1x88xi32, #tpu.memory_space<vmem>> -> memref<88xi32, #tpu.memory_space<vmem>>
    %dma_wait3A_76 = arith.constant 0 : i32
    %dma_wait3A_77 = arith.constant 0 : i32
    %dma_wait3A_78 = tpu.memref_slice %arg17[%dma_wait3A_76, %dma_wait3A_77] : memref<10000x128xf32, #tpu.memory_space<vmem_shared>> -> memref<10000x128xf32, #tpu.memory_space<vmem_shared>>
    tpu.wait_indirect_dma semaphore(%arg21 : memref<!tpu.dma_semaphore, #tpu.memory_space<semaphore_mem>>) src(%arg15 : memref<88x128xf32, #tpu.memory_space<vmem>>) dst(%dma_wait3A_78 : memref<10000x128xf32, #tpu.memory_space<vmem_shared>>)
    %dma_start3A_79 = arith.constant 0 : i32
    %dma_start3A_80 = arith.constant 0 : i32
    %dma_start3A_81 = arith.constant 0 : i32
    %dma_start3A_82 = tpu.memref_slice %arg14[%dma_start3A_80, %dma_start3A_81] : memref<88x128xf32, #tpu.memory_space<vmem>> -> memref<72x128xf32, #tpu.memory_space<vmem>>
    %dma_start3A_83 = arith.constant 0 : i32
    %dma_start3A_84 = tpu.memref_slice %arg12[%dma_start3A_79, %dma_start3A_83] : memref<1x72xi32, #tpu.memory_space<vmem>> -> memref<1x72xi32, #tpu.memory_space<vmem>>
    %dma_start3A_85 = tpu.memref_squeeze %dma_start3A_84 : memref<1x72xi32, #tpu.memory_space<vmem>> -> memref<72xi32, #tpu.memory_space<vmem>>
    %dma_start3A_86 = arith.constant 0 : i32
    %dma_start3A_87 = arith.constant 0 : i32
    %dma_start3A_88 = tpu.memref_slice %arg2[%dma_start3A_86, %dma_start3A_87] : memref<10000x128xf32, #tpu.memory_space<hbm>> -> memref<10000x128xf32, #tpu.memory_space<hbm>>
    tpu.enqueue_indirect_dma source(%dma_start3A_88 : memref<10000x128xf32, #tpu.memory_space<hbm>>) target(%dma_start3A_82 : memref<72x128xf32, #tpu.memory_space<vmem>>) offsets(%dma_start3A_85 : memref<72xi32, #tpu.memory_space<vmem>>) semaphore(%arg18 : memref<!tpu.dma_semaphore, #tpu.memory_space<semaphore_mem>>)
    %dma_wait3A_89 = arith.constant 0 : i32
    %dma_wait3A_90 = arith.constant 0 : i32
    %dma_wait3A_91 = arith.constant 0 : i32
    %dma_wait3A_92 = tpu.memref_slice %arg14[%dma_wait3A_90, %dma_wait3A_91] : memref<88x128xf32, #tpu.memory_space<vmem>> -> memref<72x128xf32, #tpu.memory_space<vmem>>
    %dma_wait3A_93 = arith.constant 0 : i32
    %dma_wait3A_94 = tpu.memref_slice %arg12[%dma_wait3A_89, %dma_wait3A_93] : memref<1x72xi32, #tpu.memory_space<vmem>> -> memref<1x72xi32, #tpu.memory_space<vmem>>
    %dma_wait3A_95 = tpu.memref_squeeze %dma_wait3A_94 : memref<1x72xi32, #tpu.memory_space<vmem>> -> memref<72xi32, #tpu.memory_space<vmem>>
    %dma_wait3A_96 = arith.constant 0 : i32
    %dma_wait3A_97 = arith.constant 0 : i32
    %dma_wait3A_98 = tpu.memref_slice %arg2[%dma_wait3A_96, %dma_wait3A_97] : memref<10000x128xf32, #tpu.memory_space<hbm>> -> memref<10000x128xf32, #tpu.memory_space<hbm>>
    tpu.wait_indirect_dma semaphore(%arg18 : memref<!tpu.dma_semaphore, #tpu.memory_space<semaphore_mem>>) src(%dma_wait3A_98 : memref<10000x128xf32, #tpu.memory_space<hbm>>) dst(%dma_wait3A_92 : memref<72x128xf32, #tpu.memory_space<vmem>>)
    %run_scoped3A = arith.constant 0 : i32
    "tpu.region"() ({
      %run_scoped3A_110 = tpu.sem_alloc : memref<!tpu.dma_semaphore, #tpu.memory_space<semaphore_mem>>
      %dma_start3A_111 = arith.constant 0 : i32
      %dma_start3A_112 = arith.constant 0 : i32
      %dma_start3A_113 = tpu.memref_slice %arg14[%dma_start3A_111, %dma_start3A_112] : memref<88x128xf32, #tpu.memory_space<vmem>> -> memref<72x128xf32, #tpu.memory_space<vmem>>
      %dma_start3A_114 = arith.constant 0 : i32
      %dma_start3A_115 = tpu.memref_slice %arg13[%run_scoped3A, %dma_start3A_114] : memref<1x72xi32, #tpu.memory_space<vmem>> -> memref<1x72xi32, #tpu.memory_space<vmem>>
      %dma_start3A_116 = tpu.memref_squeeze %dma_start3A_115 : memref<1x72xi32, #tpu.memory_space<vmem>> -> memref<72xi32, #tpu.memory_space<vmem>>
      %dma_start3A_117 = arith.constant 0 : i32
      %dma_start3A_118 = arith.constant 0 : i32
      %dma_start3A_119 = tpu.memref_slice %arg17[%dma_start3A_117, %dma_start3A_118] : memref<10000x128xf32, #tpu.memory_space<vmem_shared>> -> memref<10000x128xf32, #tpu.memory_space<vmem_shared>>
      tpu.enqueue_indirect_dma source(%dma_start3A_113 : memref<72x128xf32, #tpu.memory_space<vmem>>) target(%dma_start3A_119 : memref<10000x128xf32, #tpu.memory_space<vmem_shared>>) offsets(%dma_start3A_116 : memref<72xi32, #tpu.memory_space<vmem>>) semaphore(%run_scoped3A_110 : memref<!tpu.dma_semaphore, #tpu.memory_space<semaphore_mem>>) {add = true}
      %dma_wait3A_120 = arith.constant 0 : i32
      %dma_wait3A_121 = arith.constant 0 : i32
      %dma_wait3A_122 = tpu.memref_slice %arg14[%dma_wait3A_120, %dma_wait3A_121] : memref<88x128xf32, #tpu.memory_space<vmem>> -> memref<72x128xf32, #tpu.memory_space<vmem>>
      %dma_wait3A_123 = arith.constant 0 : i32
      %dma_wait3A_124 = tpu.memref_slice %arg13[%run_scoped3A, %dma_wait3A_123] : memref<1x72xi32, #tpu.memory_space<vmem>> -> memref<1x72xi32, #tpu.memory_space<vmem>>
      %dma_wait3A_125 = tpu.memref_squeeze %dma_wait3A_124 : memref<1x72xi32, #tpu.memory_space<vmem>> -> memref<72xi32, #tpu.memory_space<vmem>>
      %dma_wait3A_126 = arith.constant 0 : i32
      %dma_wait3A_127 = arith.constant 0 : i32
      %dma_wait3A_128 = tpu.memref_slice %arg17[%dma_wait3A_126, %dma_wait3A_127] : memref<10000x128xf32, #tpu.memory_space<vmem_shared>> -> memref<10000x128xf32, #tpu.memory_space<vmem_shared>>
      tpu.wait_indirect_dma semaphore(%run_scoped3A_110 : memref<!tpu.dma_semaphore, #tpu.memory_space<semaphore_mem>>) src(%dma_wait3A_122 : memref<72x128xf32, #tpu.memory_space<vmem>>) dst(%dma_wait3A_128 : memref<10000x128xf32, #tpu.memory_space<vmem_shared>>)
      tpu.yield
    }) : () -> ()
    %barrier3A_99 = arith.constant 0 : index
    tpu.barrier barrier_id(%barrier3A_99)
    %eq3A_100 = arith.constant 0 : i32
    %eq3A_101 = arith.cmpi eq, %arg0, %eq3A_100 : i32
    %convert_element_type3A_102 = arith.extui %eq3A_101 : i1 to i32
    %cond3A_103 = arith.constant 0 : i32
    %cond3A_104 = arith.cmpi ne, %convert_element_type3A_102, %cond3A_103 : i32
    scf.if %cond3A_104 {
      %mul3A_110 = arith.constant 624 : i32
      %mul3A_111 = arith.muli %arg1, %mul3A_110 : i32
      %lt3A_112 = arith.constant 15 : i32
      %lt3A_113 = arith.cmpi slt, %arg1, %lt3A_112 : i32
      %convert_element_type3A_114 = arith.extui %lt3A_113 : i1 to i32
      %cond3A_115 = arith.constant 0 : i32
      %cond3A_116 = arith.cmpi ne, %convert_element_type3A_114, %cond3A_115 : i32
      scf.if %cond3A_116 {
        "tpu.region"() ({
          %run_scoped3A_122 = tpu.sem_alloc : memref<!tpu.dma_semaphore, #tpu.memory_space<semaphore_mem>>
          %dma_start3A_123 = arith.constant 0 : i32
          %dma_start3A_124 = tpu.memref_slice %arg8[%mul3A_111, %dma_start3A_123] : memref<10000x128xf32, #tpu.memory_space<hbm>> -> memref<624x128xf32, #tpu.memory_space<hbm>>
          %dma_start3A_125 = arith.constant 0 : i32
          %dma_start3A_126 = tpu.memref_slice %arg17[%mul3A_111, %dma_start3A_125] : memref<10000x128xf32, #tpu.memory_space<vmem_shared>> -> memref<624x128xf32, #tpu.memory_space<vmem_shared>>
          tpu.enqueue_dma source(%dma_start3A_126 : memref<624x128xf32, #tpu.memory_space<vmem_shared>>) target(%dma_start3A_124 : memref<624x128xf32, #tpu.memory_space<hbm>>) target_semaphore(%run_scoped3A_122 : memref<!tpu.dma_semaphore, #tpu.memory_space<semaphore_mem>>)
          %dma_wait3A_127 = arith.constant 0 : i32
          %dma_wait3A_128 = tpu.memref_slice %arg8[%mul3A_111, %dma_wait3A_127] : memref<10000x128xf32, #tpu.memory_space<hbm>> -> memref<624x128xf32, #tpu.memory_space<hbm>>
          %dma_wait3A_129 = arith.constant 0 : i32
          %dma_wait3A_130 = tpu.memref_slice %arg17[%mul3A_111, %dma_wait3A_129] : memref<10000x128xf32, #tpu.memory_space<vmem_shared>> -> memref<624x128xf32, #tpu.memory_space<vmem_shared>>
          tpu.wait_dma2 semaphore(%run_scoped3A_122 : memref<!tpu.dma_semaphore, #tpu.memory_space<semaphore_mem>>) src(%dma_wait3A_130 : memref<624x128xf32, #tpu.memory_space<vmem_shared>>) dst(%dma_wait3A_128 : memref<624x128xf32, #tpu.memory_space<hbm>>)
          tpu.yield
        }) : () -> ()
      } else {
      }
      %eq3A_117 = arith.constant 15 : i32
      %eq3A_118 = arith.cmpi eq, %arg1, %eq3A_117 : i32
      %convert_element_type3A_119 = arith.extui %eq3A_118 : i1 to i32
      %cond3A_120 = arith.constant 0 : i32
      %cond3A_121 = arith.cmpi ne, %convert_element_type3A_119, %cond3A_120 : i32
      scf.if %cond3A_121 {
        "tpu.region"() ({
          %run_scoped3A_122 = tpu.sem_alloc : memref<!tpu.dma_semaphore, #tpu.memory_space<semaphore_mem>>
          %dma_start3A_123 = arith.constant 0 : i32
          %dma_start3A_124 = tpu.memref_slice %arg8[%mul3A_111, %dma_start3A_123] : memref<10000x128xf32, #tpu.memory_space<hbm>> -> memref<640x128xf32, #tpu.memory_space<hbm>>
          %dma_start3A_125 = arith.constant 0 : i32
          %dma_start3A_126 = tpu.memref_slice %arg17[%mul3A_111, %dma_start3A_125] : memref<10000x128xf32, #tpu.memory_space<vmem_shared>> -> memref<640x128xf32, #tpu.memory_space<vmem_shared>>
          tpu.enqueue_dma source(%dma_start3A_126 : memref<640x128xf32, #tpu.memory_space<vmem_shared>>) target(%dma_start3A_124 : memref<640x128xf32, #tpu.memory_space<hbm>>) target_semaphore(%run_scoped3A_122 : memref<!tpu.dma_semaphore, #tpu.memory_space<semaphore_mem>>)
          %dma_wait3A_127 = arith.constant 0 : i32
          %dma_wait3A_128 = tpu.memref_slice %arg8[%mul3A_111, %dma_wait3A_127] : memref<10000x128xf32, #tpu.memory_space<hbm>> -> memref<640x128xf32, #tpu.memory_space<hbm>>
          %dma_wait3A_129 = arith.constant 0 : i32
          %dma_wait3A_130 = tpu.memref_slice %arg17[%mul3A_111, %dma_wait3A_129] : memref<10000x128xf32, #tpu.memory_space<vmem_shared>> -> memref<640x128xf32, #tpu.memory_space<vmem_shared>>
          tpu.wait_dma2 semaphore(%run_scoped3A_122 : memref<!tpu.dma_semaphore, #tpu.memory_space<semaphore_mem>>) src(%dma_wait3A_130 : memref<640x128xf32, #tpu.memory_space<vmem_shared>>) dst(%dma_wait3A_128 : memref<640x128xf32, #tpu.memory_space<hbm>>)
          tpu.yield
        }) : () -> ()
      } else {
      }
    } else {
    }
    %eq3A_105 = arith.constant 1 : i32
    %eq3A_106 = arith.cmpi eq, %arg0, %eq3A_105 : i32
    %convert_element_type3A_107 = arith.extui %eq3A_106 : i1 to i32
    %cond3A_108 = arith.constant 0 : i32
    %cond3A_109 = arith.cmpi ne, %convert_element_type3A_107, %cond3A_108 : i32
    scf.if %cond3A_109 {
      %mul3A_110 = arith.constant 624 : i32
      %mul3A_111 = arith.muli %arg1, %mul3A_110 : i32
      %lt3A_112 = arith.constant 15 : i32
      %lt3A_113 = arith.cmpi slt, %arg1, %lt3A_112 : i32
      %convert_element_type3A_114 = arith.extui %lt3A_113 : i1 to i32
      %cond3A_115 = arith.constant 0 : i32
      %cond3A_116 = arith.cmpi ne, %convert_element_type3A_114, %cond3A_115 : i32
      scf.if %cond3A_116 {
        "tpu.region"() ({
          %run_scoped3A_122 = tpu.sem_alloc : memref<!tpu.dma_semaphore, #tpu.memory_space<semaphore_mem>>
          %dma_start3A_123 = arith.constant 0 : i32
          %dma_start3A_124 = tpu.memref_slice %arg9[%mul3A_111, %dma_start3A_123] : memref<10000x128xf32, #tpu.memory_space<hbm>> -> memref<624x128xf32, #tpu.memory_space<hbm>>
          %dma_start3A_125 = arith.constant 0 : i32
          %dma_start3A_126 = tpu.memref_slice %arg17[%mul3A_111, %dma_start3A_125] : memref<10000x128xf32, #tpu.memory_space<vmem_shared>> -> memref<624x128xf32, #tpu.memory_space<vmem_shared>>
          tpu.enqueue_dma source(%dma_start3A_126 : memref<624x128xf32, #tpu.memory_space<vmem_shared>>) target(%dma_start3A_124 : memref<624x128xf32, #tpu.memory_space<hbm>>) target_semaphore(%run_scoped3A_122 : memref<!tpu.dma_semaphore, #tpu.memory_space<semaphore_mem>>)
          %dma_wait3A_127 = arith.constant 0 : i32
          %dma_wait3A_128 = tpu.memref_slice %arg9[%mul3A_111, %dma_wait3A_127] : memref<10000x128xf32, #tpu.memory_space<hbm>> -> memref<624x128xf32, #tpu.memory_space<hbm>>
          %dma_wait3A_129 = arith.constant 0 : i32
          %dma_wait3A_130 = tpu.memref_slice %arg17[%mul3A_111, %dma_wait3A_129] : memref<10000x128xf32, #tpu.memory_space<vmem_shared>> -> memref<624x128xf32, #tpu.memory_space<vmem_shared>>
          tpu.wait_dma2 semaphore(%run_scoped3A_122 : memref<!tpu.dma_semaphore, #tpu.memory_space<semaphore_mem>>) src(%dma_wait3A_130 : memref<624x128xf32, #tpu.memory_space<vmem_shared>>) dst(%dma_wait3A_128 : memref<624x128xf32, #tpu.memory_space<hbm>>)
          tpu.yield
        }) : () -> ()
      } else {
      }
      %eq3A_117 = arith.constant 15 : i32
      %eq3A_118 = arith.cmpi eq, %arg1, %eq3A_117 : i32
      %convert_element_type3A_119 = arith.extui %eq3A_118 : i1 to i32
      %cond3A_120 = arith.constant 0 : i32
      %cond3A_121 = arith.cmpi ne, %convert_element_type3A_119, %cond3A_120 : i32
      scf.if %cond3A_121 {
        "tpu.region"() ({
          %run_scoped3A_122 = tpu.sem_alloc : memref<!tpu.dma_semaphore, #tpu.memory_space<semaphore_mem>>
          %dma_start3A_123 = arith.constant 0 : i32
          %dma_start3A_124 = tpu.memref_slice %arg9[%mul3A_111, %dma_start3A_123] : memref<10000x128xf32, #tpu.memory_space<hbm>> -> memref<640x128xf32, #tpu.memory_space<hbm>>
          %dma_start3A_125 = arith.constant 0 : i32
          %dma_start3A_126 = tpu.memref_slice %arg17[%mul3A_111, %dma_start3A_125] : memref<10000x128xf32, #tpu.memory_space<vmem_shared>> -> memref<640x128xf32, #tpu.memory_space<vmem_shared>>
          tpu.enqueue_dma source(%dma_start3A_126 : memref<640x128xf32, #tpu.memory_space<vmem_shared>>) target(%dma_start3A_124 : memref<640x128xf32, #tpu.memory_space<hbm>>) target_semaphore(%run_scoped3A_122 : memref<!tpu.dma_semaphore, #tpu.memory_space<semaphore_mem>>)
          %dma_wait3A_127 = arith.constant 0 : i32
          %dma_wait3A_128 = tpu.memref_slice %arg9[%mul3A_111, %dma_wait3A_127] : memref<10000x128xf32, #tpu.memory_space<hbm>> -> memref<640x128xf32, #tpu.memory_space<hbm>>
          %dma_wait3A_129 = arith.constant 0 : i32
          %dma_wait3A_130 = tpu.memref_slice %arg17[%mul3A_111, %dma_wait3A_129] : memref<10000x128xf32, #tpu.memory_space<vmem_shared>> -> memref<640x128xf32, #tpu.memory_space<vmem_shared>>
          tpu.wait_dma2 semaphore(%run_scoped3A_122 : memref<!tpu.dma_semaphore, #tpu.memory_space<semaphore_mem>>) src(%dma_wait3A_130 : memref<640x128xf32, #tpu.memory_space<vmem_shared>>) dst(%dma_wait3A_128 : memref<640x128xf32, #tpu.memory_space<hbm>>)
          tpu.yield
        }) : () -> ()
      } else {
      }
    } else {
    }
    return
  }
}

#map = affine_map<(d0, d1) -> (0, 0)>
#map1 = affine_map<(d0, d1) -> (0, 0, 0, 0)>
module attributes {stable_mosaic.version = 14 : i64} {
  func.func @segsum(%arg0: i32, %arg1: i32, %arg2: memref<10000x128xf32, #tpu.memory_space<hbm>>, %arg3: memref<2x16x56x88xi32, #tpu.memory_space<hbm>>, %arg4: memref<2x16x56x88xi32, #tpu.memory_space<hbm>>, %arg5: memref<2x16x1x72xi32, #tpu.memory_space<hbm>>, %arg6: memref<2x16x1x72xi32, #tpu.memory_space<hbm>>, %arg7: memref<10000x128xf32, #tpu.memory_space<hbm>>, %arg8: memref<10000x128xf32, #tpu.memory_space<hbm>>, %arg9: memref<10000x128xf32, #tpu.memory_space<hbm>>, %arg10: memref<56x88xi32, #tpu.memory_space<vmem>>, %arg11: memref<56x88xi32, #tpu.memory_space<vmem>>, %arg12: memref<1x72xi32, #tpu.memory_space<vmem>>, %arg13: memref<1x72xi32, #tpu.memory_space<vmem>>, %arg14: memref<88x128xf32, #tpu.memory_space<vmem>>, %arg15: memref<88x128xf32, #tpu.memory_space<vmem>>, %arg16: memref<88x128xf32, #tpu.memory_space<vmem>>, %arg17: memref<10000x128xf32, #tpu.memory_space<vmem_shared>>, %arg18: memref<!tpu.dma_semaphore, #tpu.memory_space<semaphore_mem>>, %arg19: memref<!tpu.dma_semaphore, #tpu.memory_space<semaphore_mem>>, %arg20: memref<!tpu.dma_semaphore, #tpu.memory_space<semaphore_mem>>, %arg21: memref<!tpu.dma_semaphore, #tpu.memory_space<semaphore_mem>>) attributes {dimension_semantics = [#tpu.dimension_semantics<core_parallel>, #tpu.dimension_semantics<subcore_parallel>], iteration_bounds = array<i64: 2, 16>, scalar_prefetch = 0 : i64, scratch_operands = 12 : i64, tpu.core_type = #tpu.core_type<sc_vector_subcore>, window_params = [{transform_indices = #map}, {transform_indices = #map1}, {transform_indices = #map1}, {transform_indices = #map1}, {transform_indices = #map1}, {transform_indices = #map}, {transform_indices = #map}, {transform_indices = #map}]} {
    "tpu.region"() ({
      %run_scoped3A_110 = tpu.sem_alloc : memref<!tpu.dma_semaphore, #tpu.memory_space<semaphore_mem>>
      %dma_start3A_111 = arith.constant 0 : i32
      %dma_start3A_112 = arith.constant 0 : i32
      %dma_start3A_113 = tpu.memref_slice %arg3[%arg0, %arg1, %dma_start3A_111, %dma_start3A_112] : memref<2x16x56x88xi32, #tpu.memory_space<hbm>> -> memref<1x1x56x88xi32, #tpu.memory_space<hbm>>
      %dma_start3A_114 = tpu.memref_squeeze %dma_start3A_113 : memref<1x1x56x88xi32, #tpu.memory_space<hbm>> -> memref<56x88xi32, #tpu.memory_space<hbm>>
      %dma_start3A_115 = arith.constant 0 : i32
      %dma_start3A_116 = arith.constant 0 : i32
      %dma_start3A_117 = tpu.memref_slice %arg3[%arg0, %arg1, %dma_start3A_115, %dma_start3A_116] : memref<2x16x56x88xi32, #tpu.memory_space<hbm>> -> memref<1x1x56x88xi32, #tpu.memory_space<hbm>>
      %dma_start3A_118 = tpu.memref_squeeze %dma_start3A_117 : memref<1x1x56x88xi32, #tpu.memory_space<hbm>> -> memref<56x88xi32, #tpu.memory_space<hbm>>
      tpu.enqueue_dma source(%dma_start3A_118 : memref<56x88xi32, #tpu.memory_space<hbm>>) target(%arg10 : memref<56x88xi32, #tpu.memory_space<vmem>>) target_semaphore(%run_scoped3A_110 : memref<!tpu.dma_semaphore, #tpu.memory_space<semaphore_mem>>)
      %dma_wait3A_119 = arith.constant 0 : i32
      %dma_wait3A_120 = arith.constant 0 : i32
      %dma_wait3A_121 = tpu.memref_slice %arg3[%arg0, %arg1, %dma_wait3A_119, %dma_wait3A_120] : memref<2x16x56x88xi32, #tpu.memory_space<hbm>> -> memref<1x1x56x88xi32, #tpu.memory_space<hbm>>
      %dma_wait3A_122 = tpu.memref_squeeze %dma_wait3A_121 : memref<1x1x56x88xi32, #tpu.memory_space<hbm>> -> memref<56x88xi32, #tpu.memory_space<hbm>>
      %dma_wait3A_123 = arith.constant 0 : i32
      %dma_wait3A_124 = arith.constant 0 : i32
      %dma_wait3A_125 = tpu.memref_slice %arg3[%arg0, %arg1, %dma_wait3A_123, %dma_wait3A_124] : memref<2x16x56x88xi32, #tpu.memory_space<hbm>> -> memref<1x1x56x88xi32, #tpu.memory_space<hbm>>
      %dma_wait3A_126 = tpu.memref_squeeze %dma_wait3A_125 : memref<1x1x56x88xi32, #tpu.memory_space<hbm>> -> memref<56x88xi32, #tpu.memory_space<hbm>>
      tpu.wait_dma2 semaphore(%run_scoped3A_110 : memref<!tpu.dma_semaphore, #tpu.memory_space<semaphore_mem>>) src(%dma_wait3A_126 : memref<56x88xi32, #tpu.memory_space<hbm>>) dst(%arg10 : memref<56x88xi32, #tpu.memory_space<vmem>>)
      tpu.yield
    }) : () -> ()
    %dma_start3A = arith.constant 0 : i32
    %dma_start3A_0 = arith.constant 0 : i32
    %dma_start3A_1 = tpu.memref_slice %arg4[%arg0, %arg1, %dma_start3A, %dma_start3A_0] : memref<2x16x56x88xi32, #tpu.memory_space<hbm>> -> memref<1x1x56x88xi32, #tpu.memory_space<hbm>>
    %dma_start3A_2 = tpu.memref_squeeze %dma_start3A_1 : memref<1x1x56x88xi32, #tpu.memory_space<hbm>> -> memref<56x88xi32, #tpu.memory_space<hbm>>
    %dma_start3A_3 = arith.constant 0 : i32
    %dma_start3A_4 = arith.constant 0 : i32
    %dma_start3A_5 = tpu.memref_slice %arg4[%arg0, %arg1, %dma_start3A_3, %dma_start3A_4] : memref<2x16x56x88xi32, #tpu.memory_space<hbm>> -> memref<1x1x56x88xi32, #tpu.memory_space<hbm>>
    %dma_start3A_6 = tpu.memref_squeeze %dma_start3A_5 : memref<1x1x56x88xi32, #tpu.memory_space<hbm>> -> memref<56x88xi32, #tpu.memory_space<hbm>>
    tpu.enqueue_dma source(%dma_start3A_6 : memref<56x88xi32, #tpu.memory_space<hbm>>) target(%arg11 : memref<56x88xi32, #tpu.memory_space<vmem>>) target_semaphore(%arg21 : memref<!tpu.dma_semaphore, #tpu.memory_space<semaphore_mem>>)
    %dma_start3A_7 = arith.constant 0 : i32
    %dma_start3A_8 = arith.constant 0 : i32
    %dma_start3A_9 = tpu.memref_slice %arg5[%arg0, %arg1, %dma_start3A_7, %dma_start3A_8] : memref<2x16x1x72xi32, #tpu.memory_space<hbm>> -> memref<1x1x1x72xi32, #tpu.memory_space<hbm>>
    %dma_start3A_10 = tpu.memref_squeeze %dma_start3A_9 : memref<1x1x1x72xi32, #tpu.memory_space<hbm>> -> memref<1x72xi32, #tpu.memory_space<hbm>>
    %dma_start3A_11 = arith.constant 0 : i32
    %dma_start3A_12 = arith.constant 0 : i32
    %dma_start3A_13 = tpu.memref_slice %arg5[%arg0, %arg1, %dma_start3A_11, %dma_start3A_12] : memref<2x16x1x72xi32, #tpu.memory_space<hbm>> -> memref<1x1x1x72xi32, #tpu.memory_space<hbm>>
    %dma_start3A_14 = tpu.memref_squeeze %dma_start3A_13 : memref<1x1x1x72xi32, #tpu.memory_space<hbm>> -> memref<1x72xi32, #tpu.memory_space<hbm>>
    tpu.enqueue_dma source(%dma_start3A_14 : memref<1x72xi32, #tpu.memory_space<hbm>>) target(%arg12 : memref<1x72xi32, #tpu.memory_space<vmem>>) target_semaphore(%arg21 : memref<!tpu.dma_semaphore, #tpu.memory_space<semaphore_mem>>)
    %dma_start3A_15 = arith.constant 0 : i32
    %dma_start3A_16 = arith.constant 0 : i32
    %dma_start3A_17 = tpu.memref_slice %arg6[%arg0, %arg1, %dma_start3A_15, %dma_start3A_16] : memref<2x16x1x72xi32, #tpu.memory_space<hbm>> -> memref<1x1x1x72xi32, #tpu.memory_space<hbm>>
    %dma_start3A_18 = tpu.memref_squeeze %dma_start3A_17 : memref<1x1x1x72xi32, #tpu.memory_space<hbm>> -> memref<1x72xi32, #tpu.memory_space<hbm>>
    %dma_start3A_19 = arith.constant 0 : i32
    %dma_start3A_20 = arith.constant 0 : i32
    %dma_start3A_21 = tpu.memref_slice %arg6[%arg0, %arg1, %dma_start3A_19, %dma_start3A_20] : memref<2x16x1x72xi32, #tpu.memory_space<hbm>> -> memref<1x1x1x72xi32, #tpu.memory_space<hbm>>
    %dma_start3A_22 = tpu.memref_squeeze %dma_start3A_21 : memref<1x1x1x72xi32, #tpu.memory_space<hbm>> -> memref<1x72xi32, #tpu.memory_space<hbm>>
    tpu.enqueue_dma source(%dma_start3A_22 : memref<1x72xi32, #tpu.memory_space<hbm>>) target(%arg13 : memref<1x72xi32, #tpu.memory_space<vmem>>) target_semaphore(%arg21 : memref<!tpu.dma_semaphore, #tpu.memory_space<semaphore_mem>>)
    %dma_start3A_23 = arith.constant 0 : i32
    %dma_start3A_24 = arith.constant 0 : i32
    %dma_start3A_25 = tpu.memref_slice %arg10[%dma_start3A_23, %dma_start3A_24] : memref<56x88xi32, #tpu.memory_space<vmem>> -> memref<1x88xi32, #tpu.memory_space<vmem>>
    %dma_start3A_26 = tpu.memref_squeeze %dma_start3A_25 : memref<1x88xi32, #tpu.memory_space<vmem>> -> memref<88xi32, #tpu.memory_space<vmem>>
    %dma_start3A_27 = arith.constant 0 : i32
    %dma_start3A_28 = arith.constant 0 : i32
    %dma_start3A_29 = tpu.memref_slice %arg2[%dma_start3A_27, %dma_start3A_28] : memref<10000x128xf32, #tpu.memory_space<hbm>> -> memref<10000x128xf32, #tpu.memory_space<hbm>>
    tpu.enqueue_indirect_dma source(%dma_start3A_29 : memref<10000x128xf32, #tpu.memory_space<hbm>>) target(%arg14 : memref<88x128xf32, #tpu.memory_space<vmem>>) offsets(%dma_start3A_26 : memref<88xi32, #tpu.memory_space<vmem>>) semaphore(%arg18 : memref<!tpu.dma_semaphore, #tpu.memory_space<semaphore_mem>>)
    %dma_start3A_30 = arith.constant 1 : i32
    %dma_start3A_31 = arith.constant 0 : i32
    %dma_start3A_32 = tpu.memref_slice %arg10[%dma_start3A_30, %dma_start3A_31] : memref<56x88xi32, #tpu.memory_space<vmem>> -> memref<1x88xi32, #tpu.memory_space<vmem>>
    %dma_start3A_33 = tpu.memref_squeeze %dma_start3A_32 : memref<1x88xi32, #tpu.memory_space<vmem>> -> memref<88xi32, #tpu.memory_space<vmem>>
    %dma_start3A_34 = arith.constant 0 : i32
    %dma_start3A_35 = arith.constant 0 : i32
    %dma_start3A_36 = tpu.memref_slice %arg2[%dma_start3A_34, %dma_start3A_35] : memref<10000x128xf32, #tpu.memory_space<hbm>> -> memref<10000x128xf32, #tpu.memory_space<hbm>>
    tpu.enqueue_indirect_dma source(%dma_start3A_36 : memref<10000x128xf32, #tpu.memory_space<hbm>>) target(%arg15 : memref<88x128xf32, #tpu.memory_space<vmem>>) offsets(%dma_start3A_33 : memref<88xi32, #tpu.memory_space<vmem>>) semaphore(%arg19 : memref<!tpu.dma_semaphore, #tpu.memory_space<semaphore_mem>>)
    %mul3A = arith.constant 624 : i32
    %mul3A_37 = arith.muli %arg1, %mul3A : i32
    %lt3A = arith.constant 15 : i32
    %lt3A_38 = arith.cmpi slt, %arg1, %lt3A : i32
    %convert_element_type3A = arith.extui %lt3A_38 : i1 to i32
    %cond3A = arith.constant 0 : i32
    %cond3A_39 = arith.cmpi ne, %convert_element_type3A, %cond3A : i32
    scf.if %cond3A_39 {
      "tpu.region"() ({
        %run_scoped3A_110 = tpu.sem_alloc : memref<!tpu.dma_semaphore, #tpu.memory_space<semaphore_mem>>
        %dma_start3A_111 = arith.constant 0 : i32
        %dma_start3A_112 = tpu.memref_slice %arg17[%mul3A_37, %dma_start3A_111] : memref<10000x128xf32, #tpu.memory_space<vmem_shared>> -> memref<624x128xf32, #tpu.memory_space<vmem_shared>>
        %dma_start3A_113 = arith.constant 0 : i32
        %dma_start3A_114 = tpu.memref_slice %arg7[%mul3A_37, %dma_start3A_113] : memref<10000x128xf32, #tpu.memory_space<hbm>> -> memref<624x128xf32, #tpu.memory_space<hbm>>
        tpu.enqueue_dma source(%dma_start3A_114 : memref<624x128xf32, #tpu.memory_space<hbm>>) target(%dma_start3A_112 : memref<624x128xf32, #tpu.memory_space<vmem_shared>>) target_semaphore(%run_scoped3A_110 : memref<!tpu.dma_semaphore, #tpu.memory_space<semaphore_mem>>)
        %dma_wait3A_115 = arith.constant 0 : i32
        %dma_wait3A_116 = tpu.memref_slice %arg17[%mul3A_37, %dma_wait3A_115] : memref<10000x128xf32, #tpu.memory_space<vmem_shared>> -> memref<624x128xf32, #tpu.memory_space<vmem_shared>>
        %dma_wait3A_117 = arith.constant 0 : i32
        %dma_wait3A_118 = tpu.memref_slice %arg7[%mul3A_37, %dma_wait3A_117] : memref<10000x128xf32, #tpu.memory_space<hbm>> -> memref<624x128xf32, #tpu.memory_space<hbm>>
        tpu.wait_dma2 semaphore(%run_scoped3A_110 : memref<!tpu.dma_semaphore, #tpu.memory_space<semaphore_mem>>) src(%dma_wait3A_118 : memref<624x128xf32, #tpu.memory_space<hbm>>) dst(%dma_wait3A_116 : memref<624x128xf32, #tpu.memory_space<vmem_shared>>)
        tpu.yield
      }) : () -> ()
    } else {
    }
    %eq3A = arith.constant 15 : i32
    %eq3A_40 = arith.cmpi eq, %arg1, %eq3A : i32
    %convert_element_type3A_41 = arith.extui %eq3A_40 : i1 to i32
    %cond3A_42 = arith.constant 0 : i32
    %cond3A_43 = arith.cmpi ne, %convert_element_type3A_41, %cond3A_42 : i32
    scf.if %cond3A_43 {
      "tpu.region"() ({
        %run_scoped3A_110 = tpu.sem_alloc : memref<!tpu.dma_semaphore, #tpu.memory_space<semaphore_mem>>
        %dma_start3A_111 = arith.constant 0 : i32
        %dma_start3A_112 = tpu.memref_slice %arg17[%mul3A_37, %dma_start3A_111] : memref<10000x128xf32, #tpu.memory_space<vmem_shared>> -> memref<640x128xf32, #tpu.memory_space<vmem_shared>>
        %dma_start3A_113 = arith.constant 0 : i32
        %dma_start3A_114 = tpu.memref_slice %arg7[%mul3A_37, %dma_start3A_113] : memref<10000x128xf32, #tpu.memory_space<hbm>> -> memref<640x128xf32, #tpu.memory_space<hbm>>
        tpu.enqueue_dma source(%dma_start3A_114 : memref<640x128xf32, #tpu.memory_space<hbm>>) target(%dma_start3A_112 : memref<640x128xf32, #tpu.memory_space<vmem_shared>>) target_semaphore(%run_scoped3A_110 : memref<!tpu.dma_semaphore, #tpu.memory_space<semaphore_mem>>)
        %dma_wait3A_115 = arith.constant 0 : i32
        %dma_wait3A_116 = tpu.memref_slice %arg17[%mul3A_37, %dma_wait3A_115] : memref<10000x128xf32, #tpu.memory_space<vmem_shared>> -> memref<640x128xf32, #tpu.memory_space<vmem_shared>>
        %dma_wait3A_117 = arith.constant 0 : i32
        %dma_wait3A_118 = tpu.memref_slice %arg7[%mul3A_37, %dma_wait3A_117] : memref<10000x128xf32, #tpu.memory_space<hbm>> -> memref<640x128xf32, #tpu.memory_space<hbm>>
        tpu.wait_dma2 semaphore(%run_scoped3A_110 : memref<!tpu.dma_semaphore, #tpu.memory_space<semaphore_mem>>) src(%dma_wait3A_118 : memref<640x128xf32, #tpu.memory_space<hbm>>) dst(%dma_wait3A_116 : memref<640x128xf32, #tpu.memory_space<vmem_shared>>)
        tpu.yield
      }) : () -> ()
    } else {
    }
    %dma_wait3A = arith.constant 0 : i32
    %dma_wait3A_44 = arith.constant 0 : i32
    %dma_wait3A_45 = tpu.memref_slice %arg4[%arg0, %arg1, %dma_wait3A, %dma_wait3A_44] : memref<2x16x56x88xi32, #tpu.memory_space<hbm>> -> memref<1x1x56x88xi32, #tpu.memory_space<hbm>>
    %dma_wait3A_46 = tpu.memref_squeeze %dma_wait3A_45 : memref<1x1x56x88xi32, #tpu.memory_space<hbm>> -> memref<56x88xi32, #tpu.memory_space<hbm>>
    %dma_wait3A_47 = arith.constant 0 : i32
    %dma_wait3A_48 = arith.constant 0 : i32
    %dma_wait3A_49 = tpu.memref_slice %arg4[%arg0, %arg1, %dma_wait3A_47, %dma_wait3A_48] : memref<2x16x56x88xi32, #tpu.memory_space<hbm>> -> memref<1x1x56x88xi32, #tpu.memory_space<hbm>>
    %dma_wait3A_50 = tpu.memref_squeeze %dma_wait3A_49 : memref<1x1x56x88xi32, #tpu.memory_space<hbm>> -> memref<56x88xi32, #tpu.memory_space<hbm>>
    tpu.wait_dma2 semaphore(%arg21 : memref<!tpu.dma_semaphore, #tpu.memory_space<semaphore_mem>>) src(%dma_wait3A_50 : memref<56x88xi32, #tpu.memory_space<hbm>>) dst(%arg11 : memref<56x88xi32, #tpu.memory_space<vmem>>)
    %dma_wait3A_51 = arith.constant 0 : i32
    %dma_wait3A_52 = arith.constant 0 : i32
    %dma_wait3A_53 = tpu.memref_slice %arg5[%arg0, %arg1, %dma_wait3A_51, %dma_wait3A_52] : memref<2x16x1x72xi32, #tpu.memory_space<hbm>> -> memref<1x1x1x72xi32, #tpu.memory_space<hbm>>
    %dma_wait3A_54 = tpu.memref_squeeze %dma_wait3A_53 : memref<1x1x1x72xi32, #tpu.memory_space<hbm>> -> memref<1x72xi32, #tpu.memory_space<hbm>>
    %dma_wait3A_55 = arith.constant 0 : i32
    %dma_wait3A_56 = arith.constant 0 : i32
    %dma_wait3A_57 = tpu.memref_slice %arg5[%arg0, %arg1, %dma_wait3A_55, %dma_wait3A_56] : memref<2x16x1x72xi32, #tpu.memory_space<hbm>> -> memref<1x1x1x72xi32, #tpu.memory_space<hbm>>
    %dma_wait3A_58 = tpu.memref_squeeze %dma_wait3A_57 : memref<1x1x1x72xi32, #tpu.memory_space<hbm>> -> memref<1x72xi32, #tpu.memory_space<hbm>>
    tpu.wait_dma2 semaphore(%arg21 : memref<!tpu.dma_semaphore, #tpu.memory_space<semaphore_mem>>) src(%dma_wait3A_58 : memref<1x72xi32, #tpu.memory_space<hbm>>) dst(%arg12 : memref<1x72xi32, #tpu.memory_space<vmem>>)
    %dma_wait3A_59 = arith.constant 0 : i32
    %dma_wait3A_60 = arith.constant 0 : i32
    %dma_wait3A_61 = tpu.memref_slice %arg6[%arg0, %arg1, %dma_wait3A_59, %dma_wait3A_60] : memref<2x16x1x72xi32, #tpu.memory_space<hbm>> -> memref<1x1x1x72xi32, #tpu.memory_space<hbm>>
    %dma_wait3A_62 = tpu.memref_squeeze %dma_wait3A_61 : memref<1x1x1x72xi32, #tpu.memory_space<hbm>> -> memref<1x72xi32, #tpu.memory_space<hbm>>
    %dma_wait3A_63 = arith.constant 0 : i32
    %dma_wait3A_64 = arith.constant 0 : i32
    %dma_wait3A_65 = tpu.memref_slice %arg6[%arg0, %arg1, %dma_wait3A_63, %dma_wait3A_64] : memref<2x16x1x72xi32, #tpu.memory_space<hbm>> -> memref<1x1x1x72xi32, #tpu.memory_space<hbm>>
    %dma_wait3A_66 = tpu.memref_squeeze %dma_wait3A_65 : memref<1x1x1x72xi32, #tpu.memory_space<hbm>> -> memref<1x72xi32, #tpu.memory_space<hbm>>
    tpu.wait_dma2 semaphore(%arg21 : memref<!tpu.dma_semaphore, #tpu.memory_space<semaphore_mem>>) src(%dma_wait3A_66 : memref<1x72xi32, #tpu.memory_space<hbm>>) dst(%arg13 : memref<1x72xi32, #tpu.memory_space<vmem>>)
    %barrier3A = arith.constant 0 : index
    tpu.barrier barrier_id(%barrier3A)
    %scan3A = arith.constant 0 : i32
    %scan3A_67 = arith.constant 0 : i32
    %scan3A_68 = arith.constant 56 : i32
    %scan3A_69 = arith.addi %scan3A_67, %scan3A_68 : i32
    %scan3A_70 = arith.constant 1 : i32
    scf.for %scan3A_110 = %scan3A_67 to %scan3A_69 step %scan3A_70  : i32 {
      %jit3A = arith.constant 3 : i32
      %eq3A_111 = arith.constant 0 : i32
      %eq3A_112 = arith.cmpi eq, %jit3A, %eq3A_111 : i32
      %jit3A_113 = arith.constant 1 : i32
      %select_n3A = arith.select %eq3A_112, %jit3A_113, %jit3A : i32
      %rem3A = arith.remsi %scan3A_110, %select_n3A : i32
      %ne3A = arith.constant 0 : i32
      %ne3A_114 = arith.cmpi ne, %rem3A, %ne3A : i32
      %lt3A_115 = arith.constant 0 : i32
      %lt3A_116 = arith.cmpi slt, %rem3A, %lt3A_115 : i32
      %lt3A_117 = arith.constant 0 : i32
      %lt3A_118 = arith.cmpi slt, %select_n3A, %lt3A_117 : i32
      %ne3A_119 = arith.xori %lt3A_116, %lt3A_118 : i1
      %and3A = arith.andi %ne3A_119, %ne3A_114 : i1
      %add3A = arith.addi %rem3A, %select_n3A : i32
      %select_n3A_120 = arith.select %and3A, %add3A, %rem3A : i32
      %eq3A_121 = arith.constant 0 : i32
      %eq3A_122 = arith.cmpi eq, %select_n3A_120, %eq3A_121 : i32
      %convert_element_type3A_123 = arith.extui %eq3A_122 : i1 to i32
      %cond3A_124 = arith.constant 0 : i32
      %cond3A_125 = arith.cmpi ne, %convert_element_type3A_123, %cond3A_124 : i32
      scf.if %cond3A_125 {
        %dma_wait3A_168 = arith.constant 0 : i32
        %dma_wait3A_169 = tpu.memref_slice %arg10[%scan3A_110, %dma_wait3A_168] : memref<56x88xi32, #tpu.memory_space<vmem>> -> memref<1x88xi32, #tpu.memory_space<vmem>>
        %dma_wait3A_170 = tpu.memref_squeeze %dma_wait3A_169 : memref<1x88xi32, #tpu.memory_space<vmem>> -> memref<88xi32, #tpu.memory_space<vmem>>
        %dma_wait3A_171 = arith.constant 0 : i32
        %dma_wait3A_172 = arith.constant 0 : i32
        %dma_wait3A_173 = tpu.memref_slice %arg2[%dma_wait3A_171, %dma_wait3A_172] : memref<10000x128xf32, #tpu.memory_space<hbm>> -> memref<10000x128xf32, #tpu.memory_space<hbm>>
        tpu.wait_indirect_dma semaphore(%arg18 : memref<!tpu.dma_semaphore, #tpu.memory_space<semaphore_mem>>) src(%dma_wait3A_173 : memref<10000x128xf32, #tpu.memory_space<hbm>>) dst(%arg14 : memref<88x128xf32, #tpu.memory_space<vmem>>)
        %ge3A = arith.constant 1 : i32
        %ge3A_174 = arith.cmpi sge, %scan3A_110, %ge3A : i32
        %convert_element_type3A_175 = arith.extui %ge3A_174 : i1 to i32
        %cond3A_176 = arith.constant 0 : i32
        %cond3A_177 = arith.cmpi ne, %convert_element_type3A_175, %cond3A_176 : i32
        scf.if %cond3A_177 {
          %sub3A = arith.constant 1 : i32
          %sub3A_189 = arith.subi %scan3A_110, %sub3A : i32
          %dma_wait3A_190 = arith.constant 0 : i32
          %dma_wait3A_191 = tpu.memref_slice %arg11[%sub3A_189, %dma_wait3A_190] : memref<56x88xi32, #tpu.memory_space<vmem>> -> memref<1x88xi32, #tpu.memory_space<vmem>>
          %dma_wait3A_192 = tpu.memref_squeeze %dma_wait3A_191 : memref<1x88xi32, #tpu.memory_space<vmem>> -> memref<88xi32, #tpu.memory_space<vmem>>
          %dma_wait3A_193 = arith.constant 0 : i32
          %dma_wait3A_194 = arith.constant 0 : i32
          %dma_wait3A_195 = tpu.memref_slice %arg17[%dma_wait3A_193, %dma_wait3A_194] : memref<10000x128xf32, #tpu.memory_space<vmem_shared>> -> memref<10000x128xf32, #tpu.memory_space<vmem_shared>>
          tpu.wait_indirect_dma semaphore(%arg21 : memref<!tpu.dma_semaphore, #tpu.memory_space<semaphore_mem>>) src(%arg16 : memref<88x128xf32, #tpu.memory_space<vmem>>) dst(%dma_wait3A_195 : memref<10000x128xf32, #tpu.memory_space<vmem_shared>>)
        } else {
        }
        %lt3A_178 = arith.constant 54 : i32
        %lt3A_179 = arith.cmpi slt, %scan3A_110, %lt3A_178 : i32
        %convert_element_type3A_180 = arith.extui %lt3A_179 : i1 to i32
        %cond3A_181 = arith.constant 0 : i32
        %cond3A_182 = arith.cmpi ne, %convert_element_type3A_180, %cond3A_181 : i32
        scf.if %cond3A_182 {
          %add3A_189 = arith.constant 2 : i32
          %add3A_190 = arith.addi %scan3A_110, %add3A_189 : i32
          %dma_start3A_191 = arith.constant 0 : i32
          %dma_start3A_192 = tpu.memref_slice %arg10[%add3A_190, %dma_start3A_191] : memref<56x88xi32, #tpu.memory_space<vmem>> -> memref<1x88xi32, #tpu.memory_space<vmem>>
          %dma_start3A_193 = tpu.memref_squeeze %dma_start3A_192 : memref<1x88xi32, #tpu.memory_space<vmem>> -> memref<88xi32, #tpu.memory_space<vmem>>
          %dma_start3A_194 = arith.constant 0 : i32
          %dma_start3A_195 = arith.constant 0 : i32
          %dma_start3A_196 = tpu.memref_slice %arg2[%dma_start3A_194, %dma_start3A_195] : memref<10000x128xf32, #tpu.memory_space<hbm>> -> memref<10000x128xf32, #tpu.memory_space<hbm>>
          tpu.enqueue_indirect_dma source(%dma_start3A_196 : memref<10000x128xf32, #tpu.memory_space<hbm>>) target(%arg16 : memref<88x128xf32, #tpu.memory_space<vmem>>) offsets(%dma_start3A_193 : memref<88xi32, #tpu.memory_space<vmem>>) semaphore(%arg20 : memref<!tpu.dma_semaphore, #tpu.memory_space<semaphore_mem>>)
        } else {
        }
        %dma_start3A_183 = arith.constant 0 : i32
        %dma_start3A_184 = tpu.memref_slice %arg11[%scan3A_110, %dma_start3A_183] : memref<56x88xi32, #tpu.memory_space<vmem>> -> memref<1x88xi32, #tpu.memory_space<vmem>>
        %dma_start3A_185 = tpu.memref_squeeze %dma_start3A_184 : memref<1x88xi32, #tpu.memory_space<vmem>> -> memref<88xi32, #tpu.memory_space<vmem>>
        %dma_start3A_186 = arith.constant 0 : i32
        %dma_start3A_187 = arith.constant 0 : i32
        %dma_start3A_188 = tpu.memref_slice %arg17[%dma_start3A_186, %dma_start3A_187] : memref<10000x128xf32, #tpu.memory_space<vmem_shared>> -> memref<10000x128xf32, #tpu.memory_space<vmem_shared>>
        tpu.enqueue_indirect_dma source(%arg14 : memref<88x128xf32, #tpu.memory_space<vmem>>) target(%dma_start3A_188 : memref<10000x128xf32, #tpu.memory_space<vmem_shared>>) offsets(%dma_start3A_185 : memref<88xi32, #tpu.memory_space<vmem>>) semaphore(%arg21 : memref<!tpu.dma_semaphore, #tpu.memory_space<semaphore_mem>>) {add = true}
      } else {
      }
      %jit3A_126 = arith.constant 3 : i32
      %eq3A_127 = arith.constant 0 : i32
      %eq3A_128 = arith.cmpi eq, %jit3A_126, %eq3A_127 : i32
      %jit3A_129 = arith.constant 1 : i32
      %select_n3A_130 = arith.select %eq3A_128, %jit3A_129, %jit3A_126 : i32
      %rem3A_131 = arith.remsi %scan3A_110, %select_n3A_130 : i32
      %ne3A_132 = arith.constant 0 : i32
      %ne3A_133 = arith.cmpi ne, %rem3A_131, %ne3A_132 : i32
      %lt3A_134 = arith.constant 0 : i32
      %lt3A_135 = arith.cmpi slt, %rem3A_131, %lt3A_134 : i32
      %lt3A_136 = arith.constant 0 : i32
      %lt3A_137 = arith.cmpi slt, %select_n3A_130, %lt3A_136 : i32
      %ne3A_138 = arith.xori %lt3A_135, %lt3A_137 : i1
      %and3A_139 = arith.andi %ne3A_138, %ne3A_133 : i1
      %add3A_140 = arith.addi %rem3A_131, %select_n3A_130 : i32
      %select_n3A_141 = arith.select %and3A_139, %add3A_140, %rem3A_131 : i32
      %eq3A_142 = arith.constant 1 : i32
      %eq3A_143 = arith.cmpi eq, %select_n3A_141, %eq3A_142 : i32
      %convert_element_type3A_144 = arith.extui %eq3A_143 : i1 to i32
      %cond3A_145 = arith.constant 0 : i32
      %cond3A_146 = arith.cmpi ne, %convert_element_type3A_144, %cond3A_145 : i32
      scf.if %cond3A_146 {
        %dma_wait3A_168 = arith.constant 0 : i32
        %dma_wait3A_169 = tpu.memref_slice %arg10[%scan3A_110, %dma_wait3A_168] : memref<56x88xi32, #tpu.memory_space<vmem>> -> memref<1x88xi32, #tpu.memory_space<vmem>>
        %dma_wait3A_170 = tpu.memref_squeeze %dma_wait3A_169 : memref<1x88xi32, #tpu.memory_space<vmem>> -> memref<88xi32, #tpu.memory_space<vmem>>
        %dma_wait3A_171 = arith.constant 0 : i32
        %dma_wait3A_172 = arith.constant 0 : i32
        %dma_wait3A_173 = tpu.memref_slice %arg2[%dma_wait3A_171, %dma_wait3A_172] : memref<10000x128xf32, #tpu.memory_space<hbm>> -> memref<10000x128xf32, #tpu.memory_space<hbm>>
        tpu.wait_indirect_dma semaphore(%arg19 : memref<!tpu.dma_semaphore, #tpu.memory_space<semaphore_mem>>) src(%dma_wait3A_173 : memref<10000x128xf32, #tpu.memory_space<hbm>>) dst(%arg15 : memref<88x128xf32, #tpu.memory_space<vmem>>)
        %ge3A = arith.constant 1 : i32
        %ge3A_174 = arith.cmpi sge, %scan3A_110, %ge3A : i32
        %convert_element_type3A_175 = arith.extui %ge3A_174 : i1 to i32
        %cond3A_176 = arith.constant 0 : i32
        %cond3A_177 = arith.cmpi ne, %convert_element_type3A_175, %cond3A_176 : i32
        scf.if %cond3A_177 {
          %sub3A = arith.constant 1 : i32
          %sub3A_189 = arith.subi %scan3A_110, %sub3A : i32
          %dma_wait3A_190 = arith.constant 0 : i32
          %dma_wait3A_191 = tpu.memref_slice %arg11[%sub3A_189, %dma_wait3A_190] : memref<56x88xi32, #tpu.memory_space<vmem>> -> memref<1x88xi32, #tpu.memory_space<vmem>>
          %dma_wait3A_192 = tpu.memref_squeeze %dma_wait3A_191 : memref<1x88xi32, #tpu.memory_space<vmem>> -> memref<88xi32, #tpu.memory_space<vmem>>
          %dma_wait3A_193 = arith.constant 0 : i32
          %dma_wait3A_194 = arith.constant 0 : i32
          %dma_wait3A_195 = tpu.memref_slice %arg17[%dma_wait3A_193, %dma_wait3A_194] : memref<10000x128xf32, #tpu.memory_space<vmem_shared>> -> memref<10000x128xf32, #tpu.memory_space<vmem_shared>>
          tpu.wait_indirect_dma semaphore(%arg21 : memref<!tpu.dma_semaphore, #tpu.memory_space<semaphore_mem>>) src(%arg14 : memref<88x128xf32, #tpu.memory_space<vmem>>) dst(%dma_wait3A_195 : memref<10000x128xf32, #tpu.memory_space<vmem_shared>>)
        } else {
        }
        %lt3A_178 = arith.constant 54 : i32
        %lt3A_179 = arith.cmpi slt, %scan3A_110, %lt3A_178 : i32
        %convert_element_type3A_180 = arith.extui %lt3A_179 : i1 to i32
        %cond3A_181 = arith.constant 0 : i32
        %cond3A_182 = arith.cmpi ne, %convert_element_type3A_180, %cond3A_181 : i32
        scf.if %cond3A_182 {
          %add3A_189 = arith.constant 2 : i32
          %add3A_190 = arith.addi %scan3A_110, %add3A_189 : i32
          %dma_start3A_191 = arith.constant 0 : i32
          %dma_start3A_192 = tpu.memref_slice %arg10[%add3A_190, %dma_start3A_191] : memref<56x88xi32, #tpu.memory_space<vmem>> -> memref<1x88xi32, #tpu.memory_space<vmem>>
          %dma_start3A_193 = tpu.memref_squeeze %dma_start3A_192 : memref<1x88xi32, #tpu.memory_space<vmem>> -> memref<88xi32, #tpu.memory_space<vmem>>
          %dma_start3A_194 = arith.constant 0 : i32
          %dma_start3A_195 = arith.constant 0 : i32
          %dma_start3A_196 = tpu.memref_slice %arg2[%dma_start3A_194, %dma_start3A_195] : memref<10000x128xf32, #tpu.memory_space<hbm>> -> memref<10000x128xf32, #tpu.memory_space<hbm>>
          tpu.enqueue_indirect_dma source(%dma_start3A_196 : memref<10000x128xf32, #tpu.memory_space<hbm>>) target(%arg14 : memref<88x128xf32, #tpu.memory_space<vmem>>) offsets(%dma_start3A_193 : memref<88xi32, #tpu.memory_space<vmem>>) semaphore(%arg18 : memref<!tpu.dma_semaphore, #tpu.memory_space<semaphore_mem>>)
        } else {
        }
        %dma_start3A_183 = arith.constant 0 : i32
        %dma_start3A_184 = tpu.memref_slice %arg11[%scan3A_110, %dma_start3A_183] : memref<56x88xi32, #tpu.memory_space<vmem>> -> memref<1x88xi32, #tpu.memory_space<vmem>>
        %dma_start3A_185 = tpu.memref_squeeze %dma_start3A_184 : memref<1x88xi32, #tpu.memory_space<vmem>> -> memref<88xi32, #tpu.memory_space<vmem>>
        %dma_start3A_186 = arith.constant 0 : i32
        %dma_start3A_187 = arith.constant 0 : i32
        %dma_start3A_188 = tpu.memref_slice %arg17[%dma_start3A_186, %dma_start3A_187] : memref<10000x128xf32, #tpu.memory_space<vmem_shared>> -> memref<10000x128xf32, #tpu.memory_space<vmem_shared>>
        tpu.enqueue_indirect_dma source(%arg15 : memref<88x128xf32, #tpu.memory_space<vmem>>) target(%dma_start3A_188 : memref<10000x128xf32, #tpu.memory_space<vmem_shared>>) offsets(%dma_start3A_185 : memref<88xi32, #tpu.memory_space<vmem>>) semaphore(%arg21 : memref<!tpu.dma_semaphore, #tpu.memory_space<semaphore_mem>>) {add = true}
      } else {
      }
      %jit3A_147 = arith.constant 3 : i32
      %eq3A_148 = arith.constant 0 : i32
      %eq3A_149 = arith.cmpi eq, %jit3A_147, %eq3A_148 : i32
      %jit3A_150 = arith.constant 1 : i32
      %select_n3A_151 = arith.select %eq3A_149, %jit3A_150, %jit3A_147 : i32
      %rem3A_152 = arith.remsi %scan3A_110, %select_n3A_151 : i32
      %ne3A_153 = arith.constant 0 : i32
      %ne3A_154 = arith.cmpi ne, %rem3A_152, %ne3A_153 : i32
      %lt3A_155 = arith.constant 0 : i32
      %lt3A_156 = arith.cmpi slt, %rem3A_152, %lt3A_155 : i32
      %lt3A_157 = arith.constant 0 : i32
      %lt3A_158 = arith.cmpi slt, %select_n3A_151, %lt3A_157 : i32
      %ne3A_159 = arith.xori %lt3A_156, %lt3A_158 : i1
      %and3A_160 = arith.andi %ne3A_159, %ne3A_154 : i1
      %add3A_161 = arith.addi %rem3A_152, %select_n3A_151 : i32
      %select_n3A_162 = arith.select %and3A_160, %add3A_161, %rem3A_152 : i32
      %eq3A_163 = arith.constant 2 : i32
      %eq3A_164 = arith.cmpi eq, %select_n3A_162, %eq3A_163 : i32
      %convert_element_type3A_165 = arith.extui %eq3A_164 : i1 to i32
      %cond3A_166 = arith.constant 0 : i32
      %cond3A_167 = arith.cmpi ne, %convert_element_type3A_165, %cond3A_166 : i32
      scf.if %cond3A_167 {
        %dma_wait3A_168 = arith.constant 0 : i32
        %dma_wait3A_169 = tpu.memref_slice %arg10[%scan3A_110, %dma_wait3A_168] : memref<56x88xi32, #tpu.memory_space<vmem>> -> memref<1x88xi32, #tpu.memory_space<vmem>>
        %dma_wait3A_170 = tpu.memref_squeeze %dma_wait3A_169 : memref<1x88xi32, #tpu.memory_space<vmem>> -> memref<88xi32, #tpu.memory_space<vmem>>
        %dma_wait3A_171 = arith.constant 0 : i32
        %dma_wait3A_172 = arith.constant 0 : i32
        %dma_wait3A_173 = tpu.memref_slice %arg2[%dma_wait3A_171, %dma_wait3A_172] : memref<10000x128xf32, #tpu.memory_space<hbm>> -> memref<10000x128xf32, #tpu.memory_space<hbm>>
        tpu.wait_indirect_dma semaphore(%arg20 : memref<!tpu.dma_semaphore, #tpu.memory_space<semaphore_mem>>) src(%dma_wait3A_173 : memref<10000x128xf32, #tpu.memory_space<hbm>>) dst(%arg16 : memref<88x128xf32, #tpu.memory_space<vmem>>)
        %ge3A = arith.constant 1 : i32
        %ge3A_174 = arith.cmpi sge, %scan3A_110, %ge3A : i32
        %convert_element_type3A_175 = arith.extui %ge3A_174 : i1 to i32
        %cond3A_176 = arith.constant 0 : i32
        %cond3A_177 = arith.cmpi ne, %convert_element_type3A_175, %cond3A_176 : i32
        scf.if %cond3A_177 {
          %sub3A = arith.constant 1 : i32
          %sub3A_189 = arith.subi %scan3A_110, %sub3A : i32
          %dma_wait3A_190 = arith.constant 0 : i32
          %dma_wait3A_191 = tpu.memref_slice %arg11[%sub3A_189, %dma_wait3A_190] : memref<56x88xi32, #tpu.memory_space<vmem>> -> memref<1x88xi32, #tpu.memory_space<vmem>>
          %dma_wait3A_192 = tpu.memref_squeeze %dma_wait3A_191 : memref<1x88xi32, #tpu.memory_space<vmem>> -> memref<88xi32, #tpu.memory_space<vmem>>
          %dma_wait3A_193 = arith.constant 0 : i32
          %dma_wait3A_194 = arith.constant 0 : i32
          %dma_wait3A_195 = tpu.memref_slice %arg17[%dma_wait3A_193, %dma_wait3A_194] : memref<10000x128xf32, #tpu.memory_space<vmem_shared>> -> memref<10000x128xf32, #tpu.memory_space<vmem_shared>>
          tpu.wait_indirect_dma semaphore(%arg21 : memref<!tpu.dma_semaphore, #tpu.memory_space<semaphore_mem>>) src(%arg15 : memref<88x128xf32, #tpu.memory_space<vmem>>) dst(%dma_wait3A_195 : memref<10000x128xf32, #tpu.memory_space<vmem_shared>>)
        } else {
        }
        %lt3A_178 = arith.constant 54 : i32
        %lt3A_179 = arith.cmpi slt, %scan3A_110, %lt3A_178 : i32
        %convert_element_type3A_180 = arith.extui %lt3A_179 : i1 to i32
        %cond3A_181 = arith.constant 0 : i32
        %cond3A_182 = arith.cmpi ne, %convert_element_type3A_180, %cond3A_181 : i32
        scf.if %cond3A_182 {
          %add3A_189 = arith.constant 2 : i32
          %add3A_190 = arith.addi %scan3A_110, %add3A_189 : i32
          %dma_start3A_191 = arith.constant 0 : i32
          %dma_start3A_192 = tpu.memref_slice %arg10[%add3A_190, %dma_start3A_191] : memref<56x88xi32, #tpu.memory_space<vmem>> -> memref<1x88xi32, #tpu.memory_space<vmem>>
          %dma_start3A_193 = tpu.memref_squeeze %dma_start3A_192 : memref<1x88xi32, #tpu.memory_space<vmem>> -> memref<88xi32, #tpu.memory_space<vmem>>
          %dma_start3A_194 = arith.constant 0 : i32
          %dma_start3A_195 = arith.constant 0 : i32
          %dma_start3A_196 = tpu.memref_slice %arg2[%dma_start3A_194, %dma_start3A_195] : memref<10000x128xf32, #tpu.memory_space<hbm>> -> memref<10000x128xf32, #tpu.memory_space<hbm>>
          tpu.enqueue_indirect_dma source(%dma_start3A_196 : memref<10000x128xf32, #tpu.memory_space<hbm>>) target(%arg15 : memref<88x128xf32, #tpu.memory_space<vmem>>) offsets(%dma_start3A_193 : memref<88xi32, #tpu.memory_space<vmem>>) semaphore(%arg19 : memref<!tpu.dma_semaphore, #tpu.memory_space<semaphore_mem>>)
        } else {
        }
        %dma_start3A_183 = arith.constant 0 : i32
        %dma_start3A_184 = tpu.memref_slice %arg11[%scan3A_110, %dma_start3A_183] : memref<56x88xi32, #tpu.memory_space<vmem>> -> memref<1x88xi32, #tpu.memory_space<vmem>>
        %dma_start3A_185 = tpu.memref_squeeze %dma_start3A_184 : memref<1x88xi32, #tpu.memory_space<vmem>> -> memref<88xi32, #tpu.memory_space<vmem>>
        %dma_start3A_186 = arith.constant 0 : i32
        %dma_start3A_187 = arith.constant 0 : i32
        %dma_start3A_188 = tpu.memref_slice %arg17[%dma_start3A_186, %dma_start3A_187] : memref<10000x128xf32, #tpu.memory_space<vmem_shared>> -> memref<10000x128xf32, #tpu.memory_space<vmem_shared>>
        tpu.enqueue_indirect_dma source(%arg16 : memref<88x128xf32, #tpu.memory_space<vmem>>) target(%dma_start3A_188 : memref<10000x128xf32, #tpu.memory_space<vmem_shared>>) offsets(%dma_start3A_185 : memref<88xi32, #tpu.memory_space<vmem>>) semaphore(%arg21 : memref<!tpu.dma_semaphore, #tpu.memory_space<semaphore_mem>>) {add = true}
      } else {
      }
    }
    %scan3A_71 = arith.constant 56 : i32
    %dma_wait3A_72 = arith.constant 55 : i32
    %dma_wait3A_73 = arith.constant 0 : i32
    %dma_wait3A_74 = tpu.memref_slice %arg11[%dma_wait3A_72, %dma_wait3A_73] : memref<56x88xi32, #tpu.memory_space<vmem>> -> memref<1x88xi32, #tpu.memory_space<vmem>>
    %dma_wait3A_75 = tpu.memref_squeeze %dma_wait3A_74 : memref<1x88xi32, #tpu.memory_space<vmem>> -> memref<88xi32, #tpu.memory_space<vmem>>
    %dma_wait3A_76 = arith.constant 0 : i32
    %dma_wait3A_77 = arith.constant 0 : i32
    %dma_wait3A_78 = tpu.memref_slice %arg17[%dma_wait3A_76, %dma_wait3A_77] : memref<10000x128xf32, #tpu.memory_space<vmem_shared>> -> memref<10000x128xf32, #tpu.memory_space<vmem_shared>>
    tpu.wait_indirect_dma semaphore(%arg21 : memref<!tpu.dma_semaphore, #tpu.memory_space<semaphore_mem>>) src(%arg15 : memref<88x128xf32, #tpu.memory_space<vmem>>) dst(%dma_wait3A_78 : memref<10000x128xf32, #tpu.memory_space<vmem_shared>>)
    %dma_start3A_79 = arith.constant 0 : i32
    %dma_start3A_80 = arith.constant 0 : i32
    %dma_start3A_81 = arith.constant 0 : i32
    %dma_start3A_82 = tpu.memref_slice %arg14[%dma_start3A_80, %dma_start3A_81] : memref<88x128xf32, #tpu.memory_space<vmem>> -> memref<72x128xf32, #tpu.memory_space<vmem>>
    %dma_start3A_83 = arith.constant 0 : i32
    %dma_start3A_84 = tpu.memref_slice %arg12[%dma_start3A_79, %dma_start3A_83] : memref<1x72xi32, #tpu.memory_space<vmem>> -> memref<1x72xi32, #tpu.memory_space<vmem>>
    %dma_start3A_85 = tpu.memref_squeeze %dma_start3A_84 : memref<1x72xi32, #tpu.memory_space<vmem>> -> memref<72xi32, #tpu.memory_space<vmem>>
    %dma_start3A_86 = arith.constant 0 : i32
    %dma_start3A_87 = arith.constant 0 : i32
    %dma_start3A_88 = tpu.memref_slice %arg2[%dma_start3A_86, %dma_start3A_87] : memref<10000x128xf32, #tpu.memory_space<hbm>> -> memref<10000x128xf32, #tpu.memory_space<hbm>>
    tpu.enqueue_indirect_dma source(%dma_start3A_88 : memref<10000x128xf32, #tpu.memory_space<hbm>>) target(%dma_start3A_82 : memref<72x128xf32, #tpu.memory_space<vmem>>) offsets(%dma_start3A_85 : memref<72xi32, #tpu.memory_space<vmem>>) semaphore(%arg18 : memref<!tpu.dma_semaphore, #tpu.memory_space<semaphore_mem>>)
    %dma_wait3A_89 = arith.constant 0 : i32
    %dma_wait3A_90 = arith.constant 0 : i32
    %dma_wait3A_91 = arith.constant 0 : i32
    %dma_wait3A_92 = tpu.memref_slice %arg14[%dma_wait3A_90, %dma_wait3A_91] : memref<88x128xf32, #tpu.memory_space<vmem>> -> memref<72x128xf32, #tpu.memory_space<vmem>>
    %dma_wait3A_93 = arith.constant 0 : i32
    %dma_wait3A_94 = tpu.memref_slice %arg12[%dma_wait3A_89, %dma_wait3A_93] : memref<1x72xi32, #tpu.memory_space<vmem>> -> memref<1x72xi32, #tpu.memory_space<vmem>>
    %dma_wait3A_95 = tpu.memref_squeeze %dma_wait3A_94 : memref<1x72xi32, #tpu.memory_space<vmem>> -> memref<72xi32, #tpu.memory_space<vmem>>
    %dma_wait3A_96 = arith.constant 0 : i32
    %dma_wait3A_97 = arith.constant 0 : i32
    %dma_wait3A_98 = tpu.memref_slice %arg2[%dma_wait3A_96, %dma_wait3A_97] : memref<10000x128xf32, #tpu.memory_space<hbm>> -> memref<10000x128xf32, #tpu.memory_space<hbm>>
    tpu.wait_indirect_dma semaphore(%arg18 : memref<!tpu.dma_semaphore, #tpu.memory_space<semaphore_mem>>) src(%dma_wait3A_98 : memref<10000x128xf32, #tpu.memory_space<hbm>>) dst(%dma_wait3A_92 : memref<72x128xf32, #tpu.memory_space<vmem>>)
    %run_scoped3A = arith.constant 0 : i32
    "tpu.region"() ({
      %run_scoped3A_110 = tpu.sem_alloc : memref<!tpu.dma_semaphore, #tpu.memory_space<semaphore_mem>>
      %dma_start3A_111 = arith.constant 0 : i32
      %dma_start3A_112 = arith.constant 0 : i32
      %dma_start3A_113 = tpu.memref_slice %arg14[%dma_start3A_111, %dma_start3A_112] : memref<88x128xf32, #tpu.memory_space<vmem>> -> memref<72x128xf32, #tpu.memory_space<vmem>>
      %dma_start3A_114 = arith.constant 0 : i32
      %dma_start3A_115 = tpu.memref_slice %arg13[%run_scoped3A, %dma_start3A_114] : memref<1x72xi32, #tpu.memory_space<vmem>> -> memref<1x72xi32, #tpu.memory_space<vmem>>
      %dma_start3A_116 = tpu.memref_squeeze %dma_start3A_115 : memref<1x72xi32, #tpu.memory_space<vmem>> -> memref<72xi32, #tpu.memory_space<vmem>>
      %dma_start3A_117 = arith.constant 0 : i32
      %dma_start3A_118 = arith.constant 0 : i32
      %dma_start3A_119 = tpu.memref_slice %arg17[%dma_start3A_117, %dma_start3A_118] : memref<10000x128xf32, #tpu.memory_space<vmem_shared>> -> memref<10000x128xf32, #tpu.memory_space<vmem_shared>>
      tpu.enqueue_indirect_dma source(%dma_start3A_113 : memref<72x128xf32, #tpu.memory_space<vmem>>) target(%dma_start3A_119 : memref<10000x128xf32, #tpu.memory_space<vmem_shared>>) offsets(%dma_start3A_116 : memref<72xi32, #tpu.memory_space<vmem>>) semaphore(%run_scoped3A_110 : memref<!tpu.dma_semaphore, #tpu.memory_space<semaphore_mem>>) {add = true}
      %dma_wait3A_120 = arith.constant 0 : i32
      %dma_wait3A_121 = arith.constant 0 : i32
      %dma_wait3A_122 = tpu.memref_slice %arg14[%dma_wait3A_120, %dma_wait3A_121] : memref<88x128xf32, #tpu.memory_space<vmem>> -> memref<72x128xf32, #tpu.memory_space<vmem>>
      %dma_wait3A_123 = arith.constant 0 : i32
      %dma_wait3A_124 = tpu.memref_slice %arg13[%run_scoped3A, %dma_wait3A_123] : memref<1x72xi32, #tpu.memory_space<vmem>> -> memref<1x72xi32, #tpu.memory_space<vmem>>
      %dma_wait3A_125 = tpu.memref_squeeze %dma_wait3A_124 : memref<1x72xi32, #tpu.memory_space<vmem>> -> memref<72xi32, #tpu.memory_space<vmem>>
      %dma_wait3A_126 = arith.constant 0 : i32
      %dma_wait3A_127 = arith.constant 0 : i32
      %dma_wait3A_128 = tpu.memref_slice %arg17[%dma_wait3A_126, %dma_wait3A_127] : memref<10000x128xf32, #tpu.memory_space<vmem_shared>> -> memref<10000x128xf32, #tpu.memory_space<vmem_shared>>
      tpu.wait_indirect_dma semaphore(%run_scoped3A_110 : memref<!tpu.dma_semaphore, #tpu.memory_space<semaphore_mem>>) src(%dma_wait3A_122 : memref<72x128xf32, #tpu.memory_space<vmem>>) dst(%dma_wait3A_128 : memref<10000x128xf32, #tpu.memory_space<vmem_shared>>)
      tpu.yield
    }) : () -> ()
    %barrier3A_99 = arith.constant 0 : index
    tpu.barrier barrier_id(%barrier3A_99)
    %eq3A_100 = arith.constant 0 : i32
    %eq3A_101 = arith.cmpi eq, %arg0, %eq3A_100 : i32
    %convert_element_type3A_102 = arith.extui %eq3A_101 : i1 to i32
    %cond3A_103 = arith.constant 0 : i32
    %cond3A_104 = arith.cmpi ne, %convert_element_type3A_102, %cond3A_103 : i32
    scf.if %cond3A_104 {
      %mul3A_110 = arith.constant 624 : i32
      %mul3A_111 = arith.muli %arg1, %mul3A_110 : i32
      %lt3A_112 = arith.constant 15 : i32
      %lt3A_113 = arith.cmpi slt, %arg1, %lt3A_112 : i32
      %convert_element_type3A_114 = arith.extui %lt3A_113 : i1 to i32
      %cond3A_115 = arith.constant 0 : i32
      %cond3A_116 = arith.cmpi ne, %convert_element_type3A_114, %cond3A_115 : i32
      scf.if %cond3A_116 {
        "tpu.region"() ({
          %run_scoped3A_122 = tpu.sem_alloc : memref<!tpu.dma_semaphore, #tpu.memory_space<semaphore_mem>>
          %dma_start3A_123 = arith.constant 0 : i32
          %dma_start3A_124 = tpu.memref_slice %arg8[%mul3A_111, %dma_start3A_123] : memref<10000x128xf32, #tpu.memory_space<hbm>> -> memref<624x128xf32, #tpu.memory_space<hbm>>
          %dma_start3A_125 = arith.constant 0 : i32
          %dma_start3A_126 = tpu.memref_slice %arg17[%mul3A_111, %dma_start3A_125] : memref<10000x128xf32, #tpu.memory_space<vmem_shared>> -> memref<624x128xf32, #tpu.memory_space<vmem_shared>>
          tpu.enqueue_dma source(%dma_start3A_126 : memref<624x128xf32, #tpu.memory_space<vmem_shared>>) target(%dma_start3A_124 : memref<624x128xf32, #tpu.memory_space<hbm>>) target_semaphore(%run_scoped3A_122 : memref<!tpu.dma_semaphore, #tpu.memory_space<semaphore_mem>>)
          %dma_wait3A_127 = arith.constant 0 : i32
          %dma_wait3A_128 = tpu.memref_slice %arg8[%mul3A_111, %dma_wait3A_127] : memref<10000x128xf32, #tpu.memory_space<hbm>> -> memref<624x128xf32, #tpu.memory_space<hbm>>
          %dma_wait3A_129 = arith.constant 0 : i32
          %dma_wait3A_130 = tpu.memref_slice %arg17[%mul3A_111, %dma_wait3A_129] : memref<10000x128xf32, #tpu.memory_space<vmem_shared>> -> memref<624x128xf32, #tpu.memory_space<vmem_shared>>
          tpu.wait_dma2 semaphore(%run_scoped3A_122 : memref<!tpu.dma_semaphore, #tpu.memory_space<semaphore_mem>>) src(%dma_wait3A_130 : memref<624x128xf32, #tpu.memory_space<vmem_shared>>) dst(%dma_wait3A_128 : memref<624x128xf32, #tpu.memory_space<hbm>>)
          tpu.yield
        }) : () -> ()
      } else {
      }
      %eq3A_117 = arith.constant 15 : i32
      %eq3A_118 = arith.cmpi eq, %arg1, %eq3A_117 : i32
      %convert_element_type3A_119 = arith.extui %eq3A_118 : i1 to i32
      %cond3A_120 = arith.constant 0 : i32
      %cond3A_121 = arith.cmpi ne, %convert_element_type3A_119, %cond3A_120 : i32
      scf.if %cond3A_121 {
        "tpu.region"() ({
          %run_scoped3A_122 = tpu.sem_alloc : memref<!tpu.dma_semaphore, #tpu.memory_space<semaphore_mem>>
          %dma_start3A_123 = arith.constant 0 : i32
          %dma_start3A_124 = tpu.memref_slice %arg8[%mul3A_111, %dma_start3A_123] : memref<10000x128xf32, #tpu.memory_space<hbm>> -> memref<640x128xf32, #tpu.memory_space<hbm>>
          %dma_start3A_125 = arith.constant 0 : i32
          %dma_start3A_126 = tpu.memref_slice %arg17[%mul3A_111, %dma_start3A_125] : memref<10000x128xf32, #tpu.memory_space<vmem_shared>> -> memref<640x128xf32, #tpu.memory_space<vmem_shared>>
          tpu.enqueue_dma source(%dma_start3A_126 : memref<640x128xf32, #tpu.memory_space<vmem_shared>>) target(%dma_start3A_124 : memref<640x128xf32, #tpu.memory_space<hbm>>) target_semaphore(%run_scoped3A_122 : memref<!tpu.dma_semaphore, #tpu.memory_space<semaphore_mem>>)
          %dma_wait3A_127 = arith.constant 0 : i32
          %dma_wait3A_128 = tpu.memref_slice %arg8[%mul3A_111, %dma_wait3A_127] : memref<10000x128xf32, #tpu.memory_space<hbm>> -> memref<640x128xf32, #tpu.memory_space<hbm>>
          %dma_wait3A_129 = arith.constant 0 : i32
          %dma_wait3A_130 = tpu.memref_slice %arg17[%mul3A_111, %dma_wait3A_129] : memref<10000x128xf32, #tpu.memory_space<vmem_shared>> -> memref<640x128xf32, #tpu.memory_space<vmem_shared>>
          tpu.wait_dma2 semaphore(%run_scoped3A_122 : memref<!tpu.dma_semaphore, #tpu.memory_space<semaphore_mem>>) src(%dma_wait3A_130 : memref<640x128xf32, #tpu.memory_space<vmem_shared>>) dst(%dma_wait3A_128 : memref<640x128xf32, #tpu.memory_space<hbm>>)
          tpu.yield
        }) : () -> ()
      } else {
      }
    } else {
    }
    %eq3A_105 = arith.constant 1 : i32
    %eq3A_106 = arith.cmpi eq, %arg0, %eq3A_105 : i32
    %convert_element_type3A_107 = arith.extui %eq3A_106 : i1 to i32
    %cond3A_108 = arith.constant 0 : i32
    %cond3A_109 = arith.cmpi ne, %convert_element_type3A_107, %cond3A_108 : i32
    scf.if %cond3A_109 {
      %mul3A_110 = arith.constant 624 : i32
      %mul3A_111 = arith.muli %arg1, %mul3A_110 : i32
      %lt3A_112 = arith.constant 15 : i32
      %lt3A_113 = arith.cmpi slt, %arg1, %lt3A_112 : i32
      %convert_element_type3A_114 = arith.extui %lt3A_113 : i1 to i32
      %cond3A_115 = arith.constant 0 : i32
      %cond3A_116 = arith.cmpi ne, %convert_element_type3A_114, %cond3A_115 : i32
      scf.if %cond3A_116 {
        "tpu.region"() ({
          %run_scoped3A_122 = tpu.sem_alloc : memref<!tpu.dma_semaphore, #tpu.memory_space<semaphore_mem>>
          %dma_start3A_123 = arith.constant 0 : i32
          %dma_start3A_124 = tpu.memref_slice %arg9[%mul3A_111, %dma_start3A_123] : memref<10000x128xf32, #tpu.memory_space<hbm>> -> memref<624x128xf32, #tpu.memory_space<hbm>>
          %dma_start3A_125 = arith.constant 0 : i32
          %dma_start3A_126 = tpu.memref_slice %arg17[%mul3A_111, %dma_start3A_125] : memref<10000x128xf32, #tpu.memory_space<vmem_shared>> -> memref<624x128xf32, #tpu.memory_space<vmem_shared>>
          tpu.enqueue_dma source(%dma_start3A_126 : memref<624x128xf32, #tpu.memory_space<vmem_shared>>) target(%dma_start3A_124 : memref<624x128xf32, #tpu.memory_space<hbm>>) target_semaphore(%run_scoped3A_122 : memref<!tpu.dma_semaphore, #tpu.memory_space<semaphore_mem>>)
          %dma_wait3A_127 = arith.constant 0 : i32
          %dma_wait3A_128 = tpu.memref_slice %arg9[%mul3A_111, %dma_wait3A_127] : memref<10000x128xf32, #tpu.memory_space<hbm>> -> memref<624x128xf32, #tpu.memory_space<hbm>>
          %dma_wait3A_129 = arith.constant 0 : i32
          %dma_wait3A_130 = tpu.memref_slice %arg17[%mul3A_111, %dma_wait3A_129] : memref<10000x128xf32, #tpu.memory_space<vmem_shared>> -> memref<624x128xf32, #tpu.memory_space<vmem_shared>>
          tpu.wait_dma2 semaphore(%run_scoped3A_122 : memref<!tpu.dma_semaphore, #tpu.memory_space<semaphore_mem>>) src(%dma_wait3A_130 : memref<624x128xf32, #tpu.memory_space<vmem_shared>>) dst(%dma_wait3A_128 : memref<624x128xf32, #tpu.memory_space<hbm>>)
          tpu.yield
        }) : () -> ()
      } else {
      }
      %eq3A_117 = arith.constant 15 : i32
      %eq3A_118 = arith.cmpi eq, %arg1, %eq3A_117 : i32
      %convert_element_type3A_119 = arith.extui %eq3A_118 : i1 to i32
      %cond3A_120 = arith.constant 0 : i32
      %cond3A_121 = arith.cmpi ne, %convert_element_type3A_119, %cond3A_120 : i32
      scf.if %cond3A_121 {
        "tpu.region"() ({
          %run_scoped3A_122 = tpu.sem_alloc : memref<!tpu.dma_semaphore, #tpu.memory_space<semaphore_mem>>
          %dma_start3A_123 = arith.constant 0 : i32
          %dma_start3A_124 = tpu.memref_slice %arg9[%mul3A_111, %dma_start3A_123] : memref<10000x128xf32, #tpu.memory_space<hbm>> -> memref<640x128xf32, #tpu.memory_space<hbm>>
          %dma_start3A_125 = arith.constant 0 : i32
          %dma_start3A_126 = tpu.memref_slice %arg17[%mul3A_111, %dma_start3A_125] : memref<10000x128xf32, #tpu.memory_space<vmem_shared>> -> memref<640x128xf32, #tpu.memory_space<vmem_shared>>
          tpu.enqueue_dma source(%dma_start3A_126 : memref<640x128xf32, #tpu.memory_space<vmem_shared>>) target(%dma_start3A_124 : memref<640x128xf32, #tpu.memory_space<hbm>>) target_semaphore(%run_scoped3A_122 : memref<!tpu.dma_semaphore, #tpu.memory_space<semaphore_mem>>)
          %dma_wait3A_127 = arith.constant 0 : i32
          %dma_wait3A_128 = tpu.memref_slice %arg9[%mul3A_111, %dma_wait3A_127] : memref<10000x128xf32, #tpu.memory_space<hbm>> -> memref<640x128xf32, #tpu.memory_space<hbm>>
          %dma_wait3A_129 = arith.constant 0 : i32
          %dma_wait3A_130 = tpu.memref_slice %arg17[%mul3A_111, %dma_wait3A_129] : memref<10000x128xf32, #tpu.memory_space<vmem_shared>> -> memref<640x128xf32, #tpu.memory_space<vmem_shared>>
          tpu.wait_dma2 semaphore(%run_scoped3A_122 : memref<!tpu.dma_semaphore, #tpu.memory_space<semaphore_mem>>) src(%dma_wait3A_130 : memref<640x128xf32, #tpu.memory_space<vmem_shared>>) dst(%dma_wait3A_128 : memref<640x128xf32, #tpu.memory_space<hbm>>)
          tpu.yield
        }) : () -> ()
      } else {
      }
    } else {
    }
    return
  }
}

module attributes {stable_mosaic.version = 14 : i64} {
  func.func @_tc_experts_body(%arg0: i32, %arg1: memref<1000x256xf32, #tpu.memory_space<vmem>>, %arg2: memref<1000x128xf32, #tpu.memory_space<vmem>>, %arg3: memref<1000x128xf32, #tpu.memory_space<vmem>>, %arg4: memref<1000x128xf32, #tpu.memory_space<vmem>>, %arg5: memref<1000x128xf32, #tpu.memory_space<vmem>>, %arg6: memref<1000x8xf32, #tpu.memory_space<vmem>>, %arg7: memref<256x8xf32, #tpu.memory_space<vmem>>, %arg8: memref<256x8xf32, #tpu.memory_space<vmem>>, %arg9: memref<1x8xf32, #tpu.memory_space<vmem>>, %arg10: memref<256x2048xbf16, #tpu.memory_space<vmem>>, %arg11: memref<8x256x40xbf16, #tpu.memory_space<vmem>>, %arg12: memref<1000x128xf32, #tpu.memory_space<vmem>>, %arg13: memref<1000x128xf32, #tpu.memory_space<vmem>>, %arg14: memref<1000x128xf32, #tpu.memory_space<vmem>>, %arg15: memref<1000x8xf32, #tpu.memory_space<vmem>>) attributes {dimension_semantics = [#tpu.dimension_semantics<arbitrary>], iteration_bounds = array<i64: 10>, scalar_prefetch = 0 : i64, scratch_operands = 0 : i64, tpu.core_type = #tpu.core_type<tc>, window_params = [{transform_indices = @transform_0, window_bounds = array<i64: 1000, 256>}, {transform_indices = @transform_1, window_bounds = array<i64: 1000, 128>}, {transform_indices = @transform_2, window_bounds = array<i64: 1000, 128>}, {transform_indices = @transform_3, window_bounds = array<i64: 1000, 128>}, {transform_indices = @transform_4, window_bounds = array<i64: 1000, 128>}, {transform_indices = @transform_5, window_bounds = array<i64: 1000, 8>}, {pipeline_mode = #tpu.pipeline_mode<synchronous>, transform_indices = @transform_6, window_bounds = array<i64: 256, 8>}, {pipeline_mode = #tpu.pipeline_mode<synchronous>, transform_indices = @transform_7, window_bounds = array<i64: 256, 8>}, {pipeline_mode = #tpu.pipeline_mode<synchronous>, transform_indices = @transform_8, window_bounds = array<i64: 1, 8>}, {pipeline_mode = #tpu.pipeline_mode<synchronous>, transform_indices = @transform_9, window_bounds = array<i64: 256, 2048>}, {pipeline_mode = #tpu.pipeline_mode<synchronous>, transform_indices = @transform_10, window_bounds = array<i64: 8, 256, 40>}, {transform_indices = @transform_11, window_bounds = array<i64: 1000, 128>}, {transform_indices = @transform_12, window_bounds = array<i64: 1000, 128>}, {transform_indices = @transform_13, window_bounds = array<i64: 1000, 128>}, {transform_indices = @transform_14, window_bounds = array<i64: 1000, 8>}]} {
    %get3A = arith.constant 0 : index
    %get3A_0 = arith.constant 0 : index
    %get3A_1 = vector.load %arg1[%get3A, %get3A_0] : memref<1000x256xf32, #tpu.memory_space<vmem>>, vector<1000x256xf32>
    %get3A_2 = arith.constant 0 : index
    %get3A_3 = arith.constant 0 : index
    %get3A_4 = vector.load %arg2[%get3A_2, %get3A_3] : memref<1000x128xf32, #tpu.memory_space<vmem>>, vector<1000x128xf32>
    %get3A_5 = arith.constant 0 : index
    %get3A_6 = arith.constant 0 : index
    %get3A_7 = vector.load %arg3[%get3A_5, %get3A_6] : memref<1000x128xf32, #tpu.memory_space<vmem>>, vector<1000x128xf32>
    %add3A = arith.addf %get3A_4, %get3A_7 : vector<1000x128xf32>
    %get3A_8 = arith.constant 0 : index
    %get3A_9 = arith.constant 0 : index
    %get3A_10 = vector.load %arg4[%get3A_8, %get3A_9] : memref<1000x128xf32, #tpu.memory_space<vmem>>, vector<1000x128xf32>
    %get3A_11 = arith.constant 0 : index
    %get3A_12 = arith.constant 0 : index
    %get3A_13 = vector.load %arg5[%get3A_11, %get3A_12] : memref<1000x128xf32, #tpu.memory_space<vmem>>, vector<1000x128xf32>
    %add3A_14 = arith.addf %get3A_10, %get3A_13 : vector<1000x128xf32>
    %concatenate3A = tpu.concatenate %add3A, %add3A_14 in 1 : vector<1000x128xf32>, vector<1000x128xf32> -> vector<1000x256xf32>
    %add3A_15 = arith.addf %get3A_1, %concatenate3A : vector<1000x256xf32>
    %get3A_16 = arith.constant 0 : index
    %get3A_17 = arith.constant 0 : index
    %get3A_18 = vector.load %arg7[%get3A_16, %get3A_17] : memref<256x8xf32, #tpu.memory_space<vmem>>, vector<256x8xf32>
    %dot_general3A = arith.constant dense<0.000000e+00> : vector<1000x8xf32>
    %dot_general3A_19 = tpu.matmul %get3A_1, %get3A_18, %dot_general3A {dimension_numbers = #tpu.dot_dimension_numbers<[1], [0], [0], [1], [0, 0, 1, 1], [], []>, transpose_lhs_hint = false} : vector<1000x256xf32>, vector<256x8xf32>, vector<1000x8xf32> -> vector<1000x8xf32>
    %get3A_20 = arith.constant 0 : index
    %get3A_21 = arith.constant 0 : index
    %get3A_22 = vector.load %arg8[%get3A_20, %get3A_21] : memref<256x8xf32, #tpu.memory_space<vmem>>, vector<256x8xf32>
    %dot_general3A_23 = arith.constant dense<0.000000e+00> : vector<1000x8xf32>
    %dot_general3A_24 = tpu.matmul %get3A_1, %get3A_22, %dot_general3A_23 {dimension_numbers = #tpu.dot_dimension_numbers<[1], [0], [0], [1], [0, 0, 1, 1], [], []>, transpose_lhs_hint = false} : vector<1000x256xf32>, vector<256x8xf32>, vector<1000x8xf32> -> vector<1000x8xf32>
    %abs3A = math.absf %dot_general3A_24 : vector<1000x8xf32>
    %neg3A = arith.constant 0.000000e+00 : f32
    %neg3A_25 = vector.broadcast %neg3A : f32 to vector<1000x8xf32>
    %neg3A_26 = arith.subf %neg3A_25, %abs3A : vector<1000x8xf32>
    %exp3A = math.exp %neg3A_26 : vector<1000x8xf32>
    %log1p3A = math.log1p %exp3A : vector<1000x8xf32>
    %max3A = arith.constant 0.000000e+00 : f32
    %max3A_27 = vector.broadcast %max3A : f32 to vector<1000x8xf32>
    %max3A_28 = arith.maximumf %dot_general3A_24, %max3A_27 : vector<1000x8xf32>
    %add3A_29 = arith.addf %log1p3A, %max3A_28 : vector<1000x8xf32>
    %add3A_30 = arith.constant 0.00999999977 : f32
    %add3A_31 = vector.broadcast %add3A_30 : f32 to vector<1000x8xf32>
    %add3A_32 = arith.addf %add3A_29, %add3A_31 : vector<1000x8xf32>
    %get3A_33 = arith.constant 0 : index
    %get3A_34 = arith.constant 0 : index
    %get3A_35 = vector.load %arg6[%get3A_33, %get3A_34] : memref<1000x8xf32, #tpu.memory_space<vmem>>, vector<1000x8xf32>
    %mul3A = arith.mulf %get3A_35, %add3A_32 : vector<1000x8xf32>
    %add3A_36 = arith.addf %dot_general3A_19, %mul3A : vector<1000x8xf32>
    %get3A_37 = arith.constant 0 : index
    %get3A_38 = arith.constant 0 : index
    %get3A_39 = vector.load %arg9[%get3A_37, %get3A_38] : memref<1x8xf32, #tpu.memory_space<vmem>>, vector<1x8xf32>
    %sub3A = vector.broadcast %get3A_39 : vector<1x8xf32> to vector<1000x8xf32>
    %sub3A_40 = arith.subf %add3A_36, %sub3A : vector<1000x8xf32>
    %gt3A = arith.constant 0.000000e+00 : f32
    %gt3A_41 = vector.broadcast %gt3A : f32 to vector<1000x8xf32>
    %gt3A_42 = arith.cmpf ogt, %sub3A_40, %gt3A_41 : vector<1000x8xf32>
    %convert_element_type3A = arith.extui %gt3A_42 : vector<1000x8xi1> to vector<1000x8xi32>
    %convert_element_type3A_43 = arith.sitofp %convert_element_type3A : vector<1000x8xi32> to vector<1000x8xf32>
    %reduce_max3A = arith.constant dense<0xFF800000> : vector<1000xf32>
    %reduce_max3A_44 = vector.multi_reduction <maximumf>, %add3A_36, %reduce_max3A [1] : vector<1000x8xf32> to vector<1000xf32>
    %broadcast_in_dim3A = vector.shape_cast %reduce_max3A_44 : vector<1000xf32> to vector<1000x1xf32>
    %sub3A_45 = vector.broadcast %broadcast_in_dim3A : vector<1000x1xf32> to vector<1000x8xf32>
    %sub3A_46 = arith.subf %add3A_36, %sub3A_45 : vector<1000x8xf32>
    %exp3A_47 = math.exp %sub3A_46 : vector<1000x8xf32>
    %reduce_sum3A = arith.constant dense<0.000000e+00> : vector<1000xf32>
    %reduce_sum3A_48 = vector.multi_reduction <add>, %exp3A_47, %reduce_sum3A [1] : vector<1000x8xf32> to vector<1000xf32>
    %broadcast_in_dim3A_49 = vector.shape_cast %reduce_sum3A_48 : vector<1000xf32> to vector<1000x1xf32>
    %div3A = vector.broadcast %broadcast_in_dim3A_49 : vector<1000x1xf32> to vector<1000x8xf32>
    %div3A_50 = arith.divf %exp3A_47, %div3A : vector<1000x8xf32>
    %mul3A_51 = arith.mulf %div3A_50, %convert_element_type3A_43 : vector<1000x8xf32>
    %reduce_sum3A_52 = arith.constant dense<0.000000e+00> : vector<1000xf32>
    %reduce_sum3A_53 = vector.multi_reduction <add>, %mul3A_51, %reduce_sum3A_52 [1] : vector<1000x8xf32> to vector<1000xf32>
    %broadcast_in_dim3A_54 = vector.shape_cast %reduce_sum3A_53 : vector<1000xf32> to vector<1000x1xf32>
    %add3A_55 = arith.constant 9.99999971E-10 : f32
    %add3A_56 = vector.broadcast %add3A_55 : f32 to vector<1000x1xf32>
    %add3A_57 = arith.addf %broadcast_in_dim3A_54, %add3A_56 : vector<1000x1xf32>
    %div3A_58 = vector.broadcast %add3A_57 : vector<1000x1xf32> to vector<1000x8xf32>
    %div3A_59 = arith.divf %mul3A_51, %div3A_58 : vector<1000x8xf32>
    %swap3A = arith.constant 0 : index
    %swap3A_60 = arith.constant 0 : index
    %swap3A_61 = vector.load %arg15[%swap3A, %swap3A_60] : memref<1000x8xf32, #tpu.memory_space<vmem>>, vector<1000x8xf32>
    tpu.vector_store %arg15[%swap3A, %swap3A_60], %div3A_59 {strides = array<i32>} : memref<1000x8xf32, #tpu.memory_space<vmem>>, vector<1000x8xf32>,
    %convert_element_type3A_62 = arith.truncf %add3A_15 : vector<1000x256xf32> to vector<1000x256xbf16>
    %get3A_63 = arith.constant 0 : index
    %get3A_64 = arith.constant 0 : index
    %get3A_65 = vector.load %arg10[%get3A_63, %get3A_64] : memref<256x2048xbf16, #tpu.memory_space<vmem>>, vector<256x2048xbf16>
    %dot_general3A_66 = arith.constant dense<0.000000e+00> : vector<1000x2048xf32>
    %dot_general3A_67 = tpu.matmul %convert_element_type3A_62, %get3A_65, %dot_general3A_66 {dimension_numbers = #tpu.dot_dimension_numbers<[1], [0], [0], [1], [0, 0, 1, 1], [], []>, transpose_lhs_hint = false} : vector<1000x256xbf16>, vector<256x2048xbf16>, vector<1000x2048xf32> -> vector<1000x2048xf32>
    %max3A_68 = arith.constant 0.000000e+00 : f32
    %max3A_69 = vector.broadcast %max3A_68 : f32 to vector<1000x2048xf32>
    %max3A_70 = arith.maximumf %dot_general3A_67, %max3A_69 : vector<1000x2048xf32>
    %convert_element_type3A_71 = arith.truncf %max3A_70 : vector<1000x2048xf32> to vector<1000x2048xbf16>
    %slice3A = vector.extract_strided_slice %convert_element_type3A_71 {offsets = [0, 0], sizes = [1000, 256], strides = [1, 1]} : vector<1000x2048xbf16> to vector<1000x256xbf16>
    %get3A_72 = arith.constant 0 : index
    %get3A_73 = arith.constant 0 : index
    %get3A_74 = arith.constant 0 : index
    %get3A_75 = vector.load %arg11[%get3A_72, %get3A_73, %get3A_74] : memref<8x256x40xbf16, #tpu.memory_space<vmem>>, vector<1x256x40xbf16>
    %get3A_76 = vector.shape_cast %get3A_75 : vector<1x256x40xbf16> to vector<256x40xbf16>
    %dot_general3A_77 = arith.constant dense<0.000000e+00> : vector<1000x40xf32>
    %dot_general3A_78 = tpu.matmul %slice3A, %get3A_76, %dot_general3A_77 {dimension_numbers = #tpu.dot_dimension_numbers<[1], [0], [0], [1], [0, 0, 1, 1], [], []>, transpose_lhs_hint = false} : vector<1000x256xbf16>, vector<256x40xbf16>, vector<1000x40xf32> -> vector<1000x40xf32>
    %slice3A_79 = vector.extract_strided_slice %convert_element_type3A_71 {offsets = [0, 256], sizes = [1000, 256], strides = [1, 1]} : vector<1000x2048xbf16> to vector<1000x256xbf16>
    %get3A_80 = arith.constant 1 : index
    %get3A_81 = arith.constant 0 : index
    %get3A_82 = arith.constant 0 : index
    %get3A_83 = vector.load %arg11[%get3A_80, %get3A_81, %get3A_82] : memref<8x256x40xbf16, #tpu.memory_space<vmem>>, vector<1x256x40xbf16>
    %get3A_84 = vector.shape_cast %get3A_83 : vector<1x256x40xbf16> to vector<256x40xbf16>
    %dot_general3A_85 = arith.constant dense<0.000000e+00> : vector<1000x40xf32>
    %dot_general3A_86 = tpu.matmul %slice3A_79, %get3A_84, %dot_general3A_85 {dimension_numbers = #tpu.dot_dimension_numbers<[1], [0], [0], [1], [0, 0, 1, 1], [], []>, transpose_lhs_hint = false} : vector<1000x256xbf16>, vector<256x40xbf16>, vector<1000x40xf32> -> vector<1000x40xf32>
    %slice3A_87 = vector.extract_strided_slice %convert_element_type3A_71 {offsets = [0, 512], sizes = [1000, 256], strides = [1, 1]} : vector<1000x2048xbf16> to vector<1000x256xbf16>
    %get3A_88 = arith.constant 2 : index
    %get3A_89 = arith.constant 0 : index
    %get3A_90 = arith.constant 0 : index
    %get3A_91 = vector.load %arg11[%get3A_88, %get3A_89, %get3A_90] : memref<8x256x40xbf16, #tpu.memory_space<vmem>>, vector<1x256x40xbf16>
    %get3A_92 = vector.shape_cast %get3A_91 : vector<1x256x40xbf16> to vector<256x40xbf16>
    %dot_general3A_93 = arith.constant dense<0.000000e+00> : vector<1000x40xf32>
    %dot_general3A_94 = tpu.matmul %slice3A_87, %get3A_92, %dot_general3A_93 {dimension_numbers = #tpu.dot_dimension_numbers<[1], [0], [0], [1], [0, 0, 1, 1], [], []>, transpose_lhs_hint = false} : vector<1000x256xbf16>, vector<256x40xbf16>, vector<1000x40xf32> -> vector<1000x40xf32>
    %slice3A_95 = vector.extract_strided_slice %convert_element_type3A_71 {offsets = [0, 768], sizes = [1000, 256], strides = [1, 1]} : vector<1000x2048xbf16> to vector<1000x256xbf16>
    %get3A_96 = arith.constant 3 : index
    %get3A_97 = arith.constant 0 : index
    %get3A_98 = arith.constant 0 : index
    %get3A_99 = vector.load %arg11[%get3A_96, %get3A_97, %get3A_98] : memref<8x256x40xbf16, #tpu.memory_space<vmem>>, vector<1x256x40xbf16>
    %get3A_100 = vector.shape_cast %get3A_99 : vector<1x256x40xbf16> to vector<256x40xbf16>
    %dot_general3A_101 = arith.constant dense<0.000000e+00> : vector<1000x40xf32>
    %dot_general3A_102 = tpu.matmul %slice3A_95, %get3A_100, %dot_general3A_101 {dimension_numbers = #tpu.dot_dimension_numbers<[1], [0], [0], [1], [0, 0, 1, 1], [], []>, transpose_lhs_hint = false} : vector<1000x256xbf16>, vector<256x40xbf16>, vector<1000x40xf32> -> vector<1000x40xf32>
    %slice3A_103 = vector.extract_strided_slice %convert_element_type3A_71 {offsets = [0, 1024], sizes = [1000, 256], strides = [1, 1]} : vector<1000x2048xbf16> to vector<1000x256xbf16>
    %get3A_104 = arith.constant 4 : index
    %get3A_105 = arith.constant 0 : index
    %get3A_106 = arith.constant 0 : index
    %get3A_107 = vector.load %arg11[%get3A_104, %get3A_105, %get3A_106] : memref<8x256x40xbf16, #tpu.memory_space<vmem>>, vector<1x256x40xbf16>
    %get3A_108 = vector.shape_cast %get3A_107 : vector<1x256x40xbf16> to vector<256x40xbf16>
    %dot_general3A_109 = arith.constant dense<0.000000e+00> : vector<1000x40xf32>
    %dot_general3A_110 = tpu.matmul %slice3A_103, %get3A_108, %dot_general3A_109 {dimension_numbers = #tpu.dot_dimension_numbers<[1], [0], [0], [1], [0, 0, 1, 1], [], []>, transpose_lhs_hint = false} : vector<1000x256xbf16>, vector<256x40xbf16>, vector<1000x40xf32> -> vector<1000x40xf32>
    %slice3A_111 = vector.extract_strided_slice %convert_element_type3A_71 {offsets = [0, 1280], sizes = [1000, 256], strides = [1, 1]} : vector<1000x2048xbf16> to vector<1000x256xbf16>
    %get3A_112 = arith.constant 5 : index
    %get3A_113 = arith.constant 0 : index
    %get3A_114 = arith.constant 0 : index
    %get3A_115 = vector.load %arg11[%get3A_112, %get3A_113, %get3A_114] : memref<8x256x40xbf16, #tpu.memory_space<vmem>>, vector<1x256x40xbf16>
    %get3A_116 = vector.shape_cast %get3A_115 : vector<1x256x40xbf16> to vector<256x40xbf16>
    %dot_general3A_117 = arith.constant dense<0.000000e+00> : vector<1000x40xf32>
    %dot_general3A_118 = tpu.matmul %slice3A_111, %get3A_116, %dot_general3A_117 {dimension_numbers = #tpu.dot_dimension_numbers<[1], [0], [0], [1], [0, 0, 1, 1], [], []>, transpose_lhs_hint = false} : vector<1000x256xbf16>, vector<256x40xbf16>, vector<1000x40xf32> -> vector<1000x40xf32>
    %slice3A_119 = vector.extract_strided_slice %convert_element_type3A_71 {offsets = [0, 1536], sizes = [1000, 256], strides = [1, 1]} : vector<1000x2048xbf16> to vector<1000x256xbf16>
    %get3A_120 = arith.constant 6 : index
    %get3A_121 = arith.constant 0 : index
    %get3A_122 = arith.constant 0 : index
    %get3A_123 = vector.load %arg11[%get3A_120, %get3A_121, %get3A_122] : memref<8x256x40xbf16, #tpu.memory_space<vmem>>, vector<1x256x40xbf16>
    %get3A_124 = vector.shape_cast %get3A_123 : vector<1x256x40xbf16> to vector<256x40xbf16>
    %dot_general3A_125 = arith.constant dense<0.000000e+00> : vector<1000x40xf32>
    %dot_general3A_126 = tpu.matmul %slice3A_119, %get3A_124, %dot_general3A_125 {dimension_numbers = #tpu.dot_dimension_numbers<[1], [0], [0], [1], [0, 0, 1, 1], [], []>, transpose_lhs_hint = false} : vector<1000x256xbf16>, vector<256x40xbf16>, vector<1000x40xf32> -> vector<1000x40xf32>
    %slice3A_127 = vector.extract_strided_slice %convert_element_type3A_71 {offsets = [0, 1792], sizes = [1000, 256], strides = [1, 1]} : vector<1000x2048xbf16> to vector<1000x256xbf16>
    %get3A_128 = arith.constant 7 : index
    %get3A_129 = arith.constant 0 : index
    %get3A_130 = arith.constant 0 : index
    %get3A_131 = vector.load %arg11[%get3A_128, %get3A_129, %get3A_130] : memref<8x256x40xbf16, #tpu.memory_space<vmem>>, vector<1x256x40xbf16>
    %get3A_132 = vector.shape_cast %get3A_131 : vector<1x256x40xbf16> to vector<256x40xbf16>
    %dot_general3A_133 = arith.constant dense<0.000000e+00> : vector<1000x40xf32>
    %dot_general3A_134 = tpu.matmul %slice3A_127, %get3A_132, %dot_general3A_133 {dimension_numbers = #tpu.dot_dimension_numbers<[1], [0], [0], [1], [0, 0, 1, 1], [], []>, transpose_lhs_hint = false} : vector<1000x256xbf16>, vector<256x40xbf16>, vector<1000x40xf32> -> vector<1000x40xf32>
    %broadcast_in_dim3A_135 = arith.constant 0.000000e+00 : f32
    %broadcast_in_dim3A_136 = vector.broadcast %broadcast_in_dim3A_135 : f32 to vector<1000x64xf32>
    %concatenate3A_137 = tpu.concatenate %dot_general3A_78, %dot_general3A_86, %dot_general3A_94, %dot_general3A_102, %dot_general3A_110, %dot_general3A_118, %dot_general3A_126, %dot_general3A_134, %broadcast_in_dim3A_136 in 1 : vector<1000x40xf32>, vector<1000x40xf32>, vector<1000x40xf32>, vector<1000x40xf32>, vector<1000x40xf32>, vector<1000x40xf32>, vector<1000x40xf32>, vector<1000x40xf32>, vector<1000x64xf32> -> vector<1000x384xf32>
    %slice3A_138 = vector.extract_strided_slice %concatenate3A_137 {offsets = [0, 0], sizes = [1000, 128], strides = [1, 1]} : vector<1000x384xf32> to vector<1000x128xf32>
    %swap3A_139 = arith.constant 0 : index
    %swap3A_140 = arith.constant 0 : index
    %swap3A_141 = vector.load %arg12[%swap3A_139, %swap3A_140] : memref<1000x128xf32, #tpu.memory_space<vmem>>, vector<1000x128xf32>
    tpu.vector_store %arg12[%swap3A_139, %swap3A_140], %slice3A_138 {strides = array<i32>} : memref<1000x128xf32, #tpu.memory_space<vmem>>, vector<1000x128xf32>,
    %slice3A_142 = vector.extract_strided_slice %concatenate3A_137 {offsets = [0, 128], sizes = [1000, 128], strides = [1, 1]} : vector<1000x384xf32> to vector<1000x128xf32>
    %swap3A_143 = arith.constant 0 : index
    %swap3A_144 = arith.constant 0 : index
    %swap3A_145 = vector.load %arg13[%swap3A_143, %swap3A_144] : memref<1000x128xf32, #tpu.memory_space<vmem>>, vector<1000x128xf32>
    tpu.vector_store %arg13[%swap3A_143, %swap3A_144], %slice3A_142 {strides = array<i32>} : memref<1000x128xf32, #tpu.memory_space<vmem>>, vector<1000x128xf32>,
    %slice3A_146 = vector.extract_strided_slice %concatenate3A_137 {offsets = [0, 256], sizes = [1000, 128], strides = [1, 1]} : vector<1000x384xf32> to vector<1000x128xf32>
    %swap3A_147 = arith.constant 0 : index
    %swap3A_148 = arith.constant 0 : index
    %swap3A_149 = vector.load %arg14[%swap3A_147, %swap3A_148] : memref<1000x128xf32, #tpu.memory_space<vmem>>, vector<1000x128xf32>
    tpu.vector_store %arg14[%swap3A_147, %swap3A_148], %slice3A_146 {strides = array<i32>} : memref<1000x128xf32, #tpu.memory_space<vmem>>, vector<1000x128xf32>,
    return
  }
  func.func @transform_0(%arg0: i32) -> (i32, i32) {
    %c0_i32 = arith.constant 0 : i32
    %c0_i32_0 = arith.constant 0 : i32
    return %arg0, %c0_i32 : i32, i32
  }
  func.func @transform_1(%arg0: i32) -> (i32, i32) {
    %c0_i32 = arith.constant 0 : i32
    %c0_i32_0 = arith.constant 0 : i32
    return %arg0, %c0_i32 : i32, i32
  }
  func.func @transform_2(%arg0: i32) -> (i32, i32) {
    %c0_i32 = arith.constant 0 : i32
    %c0_i32_0 = arith.constant 0 : i32
    return %arg0, %c0_i32 : i32, i32
  }
  func.func @transform_3(%arg0: i32) -> (i32, i32) {
    %c0_i32 = arith.constant 0 : i32
    %c0_i32_0 = arith.constant 0 : i32
    return %arg0, %c0_i32 : i32, i32
  }
  func.func @transform_4(%arg0: i32) -> (i32, i32) {
    %c0_i32 = arith.constant 0 : i32
    %c0_i32_0 = arith.constant 0 : i32
    return %arg0, %c0_i32 : i32, i32
  }
  func.func @transform_5(%arg0: i32) -> (i32, i32) {
    %c0_i32 = arith.constant 0 : i32
    %c0_i32_0 = arith.constant 0 : i32
    return %arg0, %c0_i32 : i32, i32
  }
  func.func @transform_6(%arg0: i32) -> (i32, i32) {
    %c0_i32 = arith.constant 0 : i32
    %c0_i32_0 = arith.constant 0 : i32
    %c0_i32_1 = arith.constant 0 : i32
    return %c0_i32, %c0_i32_0 : i32, i32
  }
  func.func @transform_7(%arg0: i32) -> (i32, i32) {
    %c0_i32 = arith.constant 0 : i32
    %c0_i32_0 = arith.constant 0 : i32
    %c0_i32_1 = arith.constant 0 : i32
    return %c0_i32, %c0_i32_0 : i32, i32
  }
  func.func @transform_8(%arg0: i32) -> (i32, i32) {
    %c0_i32 = arith.constant 0 : i32
    %c0_i32_0 = arith.constant 0 : i32
    %c0_i32_1 = arith.constant 0 : i32
    return %c0_i32, %c0_i32_0 : i32, i32
  }
  func.func @transform_9(%arg0: i32) -> (i32, i32) {
    %c0_i32 = arith.constant 0 : i32
    %c0_i32_0 = arith.constant 0 : i32
    %c0_i32_1 = arith.constant 0 : i32
    return %c0_i32, %c0_i32_0 : i32, i32
  }
  func.func @transform_10(%arg0: i32) -> (i32, i32, i32) {
    %c0_i32 = arith.constant 0 : i32
    %c0_i32_0 = arith.constant 0 : i32
    %c0_i32_1 = arith.constant 0 : i32
    %c0_i32_2 = arith.constant 0 : i32
    return %c0_i32, %c0_i32_0, %c0_i32_1 : i32, i32, i32
  }
  func.func @transform_11(%arg0: i32) -> (i32, i32) {
    %c0_i32 = arith.constant 0 : i32
    %c0_i32_0 = arith.constant 0 : i32
    return %arg0, %c0_i32 : i32, i32
  }
  func.func @transform_12(%arg0: i32) -> (i32, i32) {
    %c0_i32 = arith.constant 0 : i32
    %c0_i32_0 = arith.constant 0 : i32
    return %arg0, %c0_i32 : i32, i32
  }
  func.func @transform_13(%arg0: i32) -> (i32, i32) {
    %c0_i32 = arith.constant 0 : i32
    %c0_i32_0 = arith.constant 0 : i32
    return %arg0, %c0_i32 : i32, i32
  }
  func.func @transform_14(%arg0: i32) -> (i32, i32) {
    %c0_i32 = arith.constant 0 : i32
    %c0_i32_0 = arith.constant 0 : i32
    return %arg0, %c0_i32 : i32, i32
  }
}

module attributes {stable_mosaic.version = 14 : i64} {
  func.func @_tc_combine_body(%arg0: i32, %arg1: memref<1000x128xf32, #tpu.memory_space<vmem>>, %arg2: memref<1000x128xf32, #tpu.memory_space<vmem>>, %arg3: memref<1000x128xf32, #tpu.memory_space<vmem>>, %arg4: memref<1000x128xf32, #tpu.memory_space<vmem>>, %arg5: memref<1000x128xf32, #tpu.memory_space<vmem>>, %arg6: memref<1000x128xf32, #tpu.memory_space<vmem>>, %arg7: memref<1000x128xf32, #tpu.memory_space<vmem>>, %arg8: memref<1000x128xf32, #tpu.memory_space<vmem>>, %arg9: memref<1000x128xf32, #tpu.memory_space<vmem>>, %arg10: memref<1000x8xf32, #tpu.memory_space<vmem>>, %arg11: memref<8x384xf32, #tpu.memory_space<vmem>>, %arg12: memref<384x40xf32, #tpu.memory_space<vmem>>, %arg13: memref<1000x40xf32, #tpu.memory_space<vmem>>) attributes {dimension_semantics = [#tpu.dimension_semantics<arbitrary>], iteration_bounds = array<i64: 10>, scalar_prefetch = 0 : i64, scratch_operands = 0 : i64, tpu.core_type = #tpu.core_type<tc>, window_params = [{transform_indices = @transform_0, window_bounds = array<i64: 1000, 128>}, {transform_indices = @transform_1, window_bounds = array<i64: 1000, 128>}, {transform_indices = @transform_2, window_bounds = array<i64: 1000, 128>}, {transform_indices = @transform_3, window_bounds = array<i64: 1000, 128>}, {transform_indices = @transform_4, window_bounds = array<i64: 1000, 128>}, {transform_indices = @transform_5, window_bounds = array<i64: 1000, 128>}, {transform_indices = @transform_6, window_bounds = array<i64: 1000, 128>}, {transform_indices = @transform_7, window_bounds = array<i64: 1000, 128>}, {transform_indices = @transform_8, window_bounds = array<i64: 1000, 128>}, {transform_indices = @transform_9, window_bounds = array<i64: 1000, 8>}, {pipeline_mode = #tpu.pipeline_mode<synchronous>, transform_indices = @transform_10, window_bounds = array<i64: 8, 384>}, {pipeline_mode = #tpu.pipeline_mode<synchronous>, transform_indices = @transform_11, window_bounds = array<i64: 384, 40>}, {transform_indices = @transform_12, window_bounds = array<i64: 1000, 40>}]} {
    %get3A = arith.constant 0 : index
    %get3A_0 = arith.constant 0 : index
    %get3A_1 = vector.load %arg10[%get3A, %get3A_0] : memref<1000x8xf32, #tpu.memory_space<vmem>>, vector<1000x8xf32>
    %get3A_2 = arith.constant 0 : index
    %get3A_3 = arith.constant 0 : index
    %get3A_4 = vector.load %arg1[%get3A_2, %get3A_3] : memref<1000x128xf32, #tpu.memory_space<vmem>>, vector<1000x128xf32>
    %get3A_5 = arith.constant 0 : index
    %get3A_6 = arith.constant 0 : index
    %get3A_7 = vector.load %arg4[%get3A_5, %get3A_6] : memref<1000x128xf32, #tpu.memory_space<vmem>>, vector<1000x128xf32>
    %add3A = arith.addf %get3A_4, %get3A_7 : vector<1000x128xf32>
    %get3A_8 = arith.constant 0 : index
    %get3A_9 = arith.constant 0 : index
    %get3A_10 = vector.load %arg5[%get3A_8, %get3A_9] : memref<1000x128xf32, #tpu.memory_space<vmem>>, vector<1000x128xf32>
    %add3A_11 = arith.addf %add3A, %get3A_10 : vector<1000x128xf32>
    %get3A_12 = arith.constant 0 : index
    %get3A_13 = arith.constant 0 : index
    %get3A_14 = vector.load %arg2[%get3A_12, %get3A_13] : memref<1000x128xf32, #tpu.memory_space<vmem>>, vector<1000x128xf32>
    %get3A_15 = arith.constant 0 : index
    %get3A_16 = arith.constant 0 : index
    %get3A_17 = vector.load %arg6[%get3A_15, %get3A_16] : memref<1000x128xf32, #tpu.memory_space<vmem>>, vector<1000x128xf32>
    %add3A_18 = arith.addf %get3A_14, %get3A_17 : vector<1000x128xf32>
    %get3A_19 = arith.constant 0 : index
    %get3A_20 = arith.constant 0 : index
    %get3A_21 = vector.load %arg7[%get3A_19, %get3A_20] : memref<1000x128xf32, #tpu.memory_space<vmem>>, vector<1000x128xf32>
    %add3A_22 = arith.addf %add3A_18, %get3A_21 : vector<1000x128xf32>
    %get3A_23 = arith.constant 0 : index
    %get3A_24 = arith.constant 0 : index
    %get3A_25 = vector.load %arg3[%get3A_23, %get3A_24] : memref<1000x128xf32, #tpu.memory_space<vmem>>, vector<1000x128xf32>
    %get3A_26 = arith.constant 0 : index
    %get3A_27 = arith.constant 0 : index
    %get3A_28 = vector.load %arg8[%get3A_26, %get3A_27] : memref<1000x128xf32, #tpu.memory_space<vmem>>, vector<1000x128xf32>
    %add3A_29 = arith.addf %get3A_25, %get3A_28 : vector<1000x128xf32>
    %get3A_30 = arith.constant 0 : index
    %get3A_31 = arith.constant 0 : index
    %get3A_32 = vector.load %arg9[%get3A_30, %get3A_31] : memref<1000x128xf32, #tpu.memory_space<vmem>>, vector<1000x128xf32>
    %add3A_33 = arith.addf %add3A_29, %get3A_32 : vector<1000x128xf32>
    %concatenate3A = tpu.concatenate %add3A_11, %add3A_22, %add3A_33 in 1 : vector<1000x128xf32>, vector<1000x128xf32>, vector<1000x128xf32> -> vector<1000x384xf32>
    %get3A_34 = arith.constant 0 : index
    %get3A_35 = arith.constant 0 : index
    %get3A_36 = vector.load %arg11[%get3A_34, %get3A_35] : memref<8x384xf32, #tpu.memory_space<vmem>>, vector<8x384xf32>
    %dot_general3A = arith.constant dense<0.000000e+00> : vector<1000x384xf32>
    %dot_general3A_37 = tpu.matmul %get3A_1, %get3A_36, %dot_general3A {dimension_numbers = #tpu.dot_dimension_numbers<[1], [0], [0], [1], [0, 0, 1, 1], [], []>, transpose_lhs_hint = false} : vector<1000x8xf32>, vector<8x384xf32>, vector<1000x384xf32> -> vector<1000x384xf32>
    %mul3A = arith.mulf %concatenate3A, %dot_general3A_37 : vector<1000x384xf32>
    %get3A_38 = arith.constant 0 : index
    %get3A_39 = arith.constant 0 : index
    %get3A_40 = vector.load %arg12[%get3A_38, %get3A_39] : memref<384x40xf32, #tpu.memory_space<vmem>>, vector<384x40xf32>
    %dot_general3A_41 = arith.constant dense<0.000000e+00> : vector<1000x40xf32>
    %dot_general3A_42 = tpu.matmul %mul3A, %get3A_40, %dot_general3A_41 {dimension_numbers = #tpu.dot_dimension_numbers<[1], [0], [0], [1], [0, 0, 1, 1], [], []>, transpose_lhs_hint = false} : vector<1000x384xf32>, vector<384x40xf32>, vector<1000x40xf32> -> vector<1000x40xf32>
    %swap3A = arith.constant 0 : index
    %swap3A_43 = arith.constant 0 : index
    %swap3A_44 = vector.load %arg13[%swap3A, %swap3A_43] : memref<1000x40xf32, #tpu.memory_space<vmem>>, vector<1000x40xf32>
    tpu.vector_store %arg13[%swap3A, %swap3A_43], %dot_general3A_42 {strides = array<i32>} : memref<1000x40xf32, #tpu.memory_space<vmem>>, vector<1000x40xf32>,
    return
  }
  func.func @transform_0(%arg0: i32) -> (i32, i32) {
    %c0_i32 = arith.constant 0 : i32
    %c0_i32_0 = arith.constant 0 : i32
    return %arg0, %c0_i32 : i32, i32
  }
  func.func @transform_1(%arg0: i32) -> (i32, i32) {
    %c0_i32 = arith.constant 0 : i32
    %c0_i32_0 = arith.constant 0 : i32
    return %arg0, %c0_i32 : i32, i32
  }
  func.func @transform_2(%arg0: i32) -> (i32, i32) {
    %c0_i32 = arith.constant 0 : i32
    %c0_i32_0 = arith.constant 0 : i32
    return %arg0, %c0_i32 : i32, i32
  }
  func.func @transform_3(%arg0: i32) -> (i32, i32) {
    %c0_i32 = arith.constant 0 : i32
    %c0_i32_0 = arith.constant 0 : i32
    return %arg0, %c0_i32 : i32, i32
  }
  func.func @transform_4(%arg0: i32) -> (i32, i32) {
    %c0_i32 = arith.constant 0 : i32
    %c0_i32_0 = arith.constant 0 : i32
    return %arg0, %c0_i32 : i32, i32
  }
  func.func @transform_5(%arg0: i32) -> (i32, i32) {
    %c0_i32 = arith.constant 0 : i32
    %c0_i32_0 = arith.constant 0 : i32
    return %arg0, %c0_i32 : i32, i32
  }
  func.func @transform_6(%arg0: i32) -> (i32, i32) {
    %c0_i32 = arith.constant 0 : i32
    %c0_i32_0 = arith.constant 0 : i32
    return %arg0, %c0_i32 : i32, i32
  }
  func.func @transform_7(%arg0: i32) -> (i32, i32) {
    %c0_i32 = arith.constant 0 : i32
    %c0_i32_0 = arith.constant 0 : i32
    return %arg0, %c0_i32 : i32, i32
  }
  func.func @transform_8(%arg0: i32) -> (i32, i32) {
    %c0_i32 = arith.constant 0 : i32
    %c0_i32_0 = arith.constant 0 : i32
    return %arg0, %c0_i32 : i32, i32
  }
  func.func @transform_9(%arg0: i32) -> (i32, i32) {
    %c0_i32 = arith.constant 0 : i32
    %c0_i32_0 = arith.constant 0 : i32
    return %arg0, %c0_i32 : i32, i32
  }
  func.func @transform_10(%arg0: i32) -> (i32, i32) {
    %c0_i32 = arith.constant 0 : i32
    %c0_i32_0 = arith.constant 0 : i32
    %c0_i32_1 = arith.constant 0 : i32
    return %c0_i32, %c0_i32_0 : i32, i32
  }
  func.func @transform_11(%arg0: i32) -> (i32, i32) {
    %c0_i32 = arith.constant 0 : i32
    %c0_i32_0 = arith.constant 0 : i32
    %c0_i32_1 = arith.constant 0 : i32
    return %c0_i32, %c0_i32_0 : i32, i32
  }
  func.func @transform_12(%arg0: i32) -> (i32, i32) {
    %c0_i32 = arith.constant 0 : i32
    %c0_i32_0 = arith.constant 0 : i32
    return %arg0, %c0_i32 : i32, i32
  }
}

</mosaic_0001>

<sc_bundles>
// kernel: kernel.12.cloned.1.call-start
scs
__scs_entry_jumppad:
0x0: {  	(pc) =	sbr.rel $0x88, $3  }
0x1: {  	(tag) =	ssettag $0x0;
	lr =	simm.s32 $0x1  }
0x2: {  	[smem:$0x3F99] =	sst lr;
	_ =	strace $0xD0000000  }
0x3: {  	_ = 	snop  }
0x4: {  	_ = 	snop  }
0x5: {  	_ = 	snop  }
0x6: {  	_ = 	snop  }
0x7: {  	_ = 	snop  }
__scs_overlays_trampoline_lowered:
0x8: {  	[smem:$0x3FA8] =	sst s0  }
0x9: {  	[smem:$0x3FA9] =	sst s1  }
0xa: {  	[smem:$0x3FAA] =	sst s2  }
0xb: {  	[smem:$0x3FAB] =	sst s3  }
0xc: {  	[smem:$0x3FAC] =	sst s4  }
0xd: {  	[smem:$0x3FAD] =	sst s5  }
0xe: {  	[smem:$0x3FAE] =	sst s6  }
0xf: {  	[smem:$0x3FAF] =	sst s7  }
0x10: {  	[smem:$0x3FB0] =	sst s8  }
0x11: {  	[smem:$0x3FB1] =	sst s9;
	s0 =	simm.s32 @!p0 $0x0  }
0x12: {  	s1 =	sld [smem:$0x3F97];
	s0 =	simm.s32 @p0 $0x1  }
0x13: {  	[smem:$0x3FB2] =	sst s0;
	s0 =	simm.s32 @!p1 $0x0  }
0x14: {  	s2 =	sld [smem:$0x3F96];
	s0 =	simm.s32 @p1 $0x1  }
0x15: {  	[smem:$0x3FB3] =	sst s0;
	s0 =	simm.s32 @!p2 $0x0  }
0x16: {  	s3 =	sld [smem:$0x3FDB];
	s0 =	simm.s32 @p2 $0x1  }
0x17: {  	s4 =	simm.s32 $0x1BF5;
	[smem:$0x3FB5] =	sst s0  }
0x18: {  	s0 =	sld [smem:$0x3F98];
	_ =	swait.ge [sflag:s4], $0x0  }
0x19: {  	s7 =	sld [smem:$0x3F99]  }
0x1a: {  	s8 =	sadd.s32 $0xFFFFE003, lr  }
0x1b: {  	s9 =	sadd.s32 $0xFFFFFEF7, lr;
	s5 =	simm.s32 $0xFFFFFFFF;
	p2 =	slt.u32 s8, $0xFFFFF086  }
0x1c: {  	p1 =	slt.u32 s9, $0xF7A;
	s5 =	simm.s32 @!p2 $0x0  }
0x1d: {  	s5 =	simm.s32 @p1 $0x1;
	p0 =	seq.s32 s7, s2  }
0x1e: {  	s7 =	smul.u32 @!p0 $0xF7A, s2;
	p2 =	seq.s32 @!p0 s5, $0x0  }
0x1f: {  	s9 =	smul.u32 $0xF7A, s1;
	s8 =	simm.s32 @!p0 $0x1BF5;
	p2 =	por !p2, p0  }
0x20: {  	[sflag:s8] =	ssyncset.s32 @!p0 $0xFFFFF086;
	s6 =	sadd.s32 @!p0 s3, s7;
	s7 =	simm.s32 @!p0 $0x108  }
0x21: {  	s3 =	sadd.s32 s3, s9;
	s6 =	sadd.s32 @!p0 $0x88, s6;
	s7 =	simm.s32 @p2 $0x1082  }
0x22: {  	[simem:s7], [sflag:s8] =	dma.local @!p0 [hbm:s6], $0xF7A  }
0x23: {  	s9 =	sor.u32 $0xD0000000, s2;
	s6 =	simm.s32 $0x108;
	_ =	swait.ge @!p0 [sflag:s8], $0x0  }
0x24: {  	s3 =	sadd.s32 $0x88, s3;
	s6 =	simm.s32 @!p1 $0x1082;
	[sflag:s4] =	ssyncset.s32 $0xFFFFF086  }
0x25: {  	[simem:s6], [sflag:s4] =	dma.local [hbm:s3], $0xF7A  }
0x26: {  	[smem:$0x3F99] =	sst s1;
	(tag) =	ssettag s2;
	_ =	strace s9  }
0x27: {  	s1 =	sld [smem:$0x3FA9]  }
0x28: {  	s2 =	sld [smem:$0x3FAA]  }
0x29: {  	s4 =	sld [smem:$0x3FAC]  }
0x2a: {  	p0 =	seq.s32 s5, $0x0;
	s5 =	sld [smem:$0x3FAD]  }
0x2b: {  	s6 =	sld [smem:$0x3FAE]  }
0x2c: {  	s7 =	sld [smem:$0x3FAF]  }
0x2d: {  	s3 =	simm.s32 $0x108;
	s8 =	sld [smem:$0x3FB0]  }
0x2e: {  	s3 =	simm.s32 @!p0 $0x1082;
	s9 =	sld [smem:$0x3FB1]  }
0x2f: {  	lr =	sadd.s32 s0, s3;
	s0 =	sld [smem:$0x3FA8]  }
0x30: {  	s3 =	sld [smem:$0x3FAB]  }
0x31: {  	[smem:$0x3FB4] =	sst s10  }
0x32: {  	s10 =	sld [smem:$0x3FB2];
	_ =	sdelay $0x3  }
0x33: {  	p0 =	seq.s32 s10, $0x1;
	s10 =	sld [smem:$0x3FB4];
	_ =	sdelay $0x3  }
0x34: {  	[smem:$0x3FB4] =	sst s10  }
0x35: {  	s10 =	sld [smem:$0x3FB3];
	_ =	sdelay $0x3  }
0x36: {  	p1 =	seq.s32 s10, $0x1;
	s10 =	sld [smem:$0x3FB4];
	_ =	sdelay $0x3  }
0x37: {  	[smem:$0x3FB4] =	sst s10  }
0x38: {  	s10 =	sld [smem:$0x3FB5]  }
0x39: {  	_ = 	snop;
	(pc) =	sbr.ind lr, $3  }
0x3a: {  	_ = 	snop  }
0x3b: {  	_ = 	snop  }
0x3c: {  	p2 =	seq.s32 s10, $0x1;
	s10 =	sld [smem:$0x3FB4]  }
0x3d: {  	_ =	shalt  }
0x3e: {  	_ =	shalt  }
0x3f: {  	_ =	shalt  }
0x40: {  	_ =	shalt  }
0x41: {  	_ =	shalt  }
0x42: {  	_ =	shalt  }
0x43: {  	_ =	shalt  }
0x44: {  	_ =	shalt  }
0x45: {  	_ =	shalt  }
0x46: {  	_ =	shalt  }
0x47: {  	_ =	shalt  }
0x48: {  	_ =	shalt  }
0x49: {  	_ =	shalt  }
0x4a: {  	_ =	shalt  }
0x4b: {  	_ =	shalt  }
0x4c: {  	_ =	shalt  }
0x4d: {  	_ =	shalt  }
0x4e: {  	_ =	shalt  }
0x4f: {  	_ =	shalt  }
0x50: {  	_ =	shalt  }
0x51: {  	_ =	shalt  }
0x52: {  	_ =	shalt  }
0x53: {  	_ =	shalt  }
0x54: {  	_ =	shalt  }
0x55: {  	_ =	shalt  }
0x56: {  	_ =	shalt  }
0x57: {  	_ =	shalt  }
0x58: {  	_ =	shalt  }
0x59: {  	_ =	shalt  }
0x5a: {  	_ =	shalt  }
0x5b: {  	_ =	shalt  }
0x5c: {  	_ =	shalt  }
0x5d: {  	_ =	shalt  }
0x5e: {  	_ =	shalt  }
0x5f: {  	_ =	shalt  }
0x60: {  	_ =	shalt  }
0x61: {  	_ =	shalt  }
0x62: {  	_ =	shalt  }
0x63: {  	_ =	shalt  }
0x64: {  	_ =	shalt  }
0x65: {  	_ =	shalt  }
0x66: {  	_ =	shalt  }
0x67: {  	_ =	shalt  }
0x68: {  	_ =	shalt  }
0x69: {  	_ =	shalt  }
0x6a: {  	_ =	shalt  }
0x6b: {  	_ =	shalt  }
0x6c: {  	_ =	shalt  }
0x6d: {  	_ =	shalt  }
0x6e: {  	_ =	shalt  }
0x6f: {  	_ =	shalt  }
0x70: {  	_ =	shalt  }
0x71: {  	_ =	shalt  }
0x72: {  	_ =	shalt  }
0x73: {  	_ =	shalt  }
0x74: {  	_ =	shalt  }
0x75: {  	_ =	shalt  }
0x76: {  	_ =	shalt  }
0x77: {  	_ =	shalt  }
0x78: {  	_ =	shalt  }
0x79: {  	_ =	shalt  }
0x7a: {  	_ =	shalt  }
0x7b: {  	_ =	shalt  }
0x7c: {  	_ =	shalt  }
0x7d: {  	_ =	shalt  }
0x7e: {  	_ =	shalt  }
0x7f: {  	_ =	shalt  }
0x80: {  	_ =	shalt  }
0x81: {  	_ =	shalt  }
0x82: {  	_ =	shalt  }
0x83: {  	_ =	shalt  }
0x84: {  	_ =	shalt  }
0x85: {  	_ =	shalt  }
0x86: {  	_ =	shalt  }
0x87: {  	_ =	shalt  }
.Lfunc_end0:
.L_simem_size_0:
called_computation.1_lowered:
.L_overlay_start_0:
0x88: {  	s2 =	sld [smem:$0x3FD9]  }
0x89: {  	s3 =	sld [smem:$0x3FFE];
	_ =	sdelay $0x1  }
0x8a: {  	s1 =	srdreg.scid  }
0x8b: {  	s0 =	sand.u32 $0x1, s1  }
0x8c: {  	s17 =	sshll.u32 s0, $0xA;
	s2 =	sadd.s32 s3, s2  }
0x8d: {  	s2 =	sadd.s32 s2, s17  }
0x8e: {  	[smem:$0x3FC0] =	sst s2  }
0x8f: {  	_ = 	snop  }
0x90: {  	s2 =	sld [smem:$0x3FD0];
	(tm) =	ssettm $0x1  }
0x91: {  	s18 =	sld [smem:$0x3FFB];
	_ =	sdelay $0x3  }
0x92: {  	_ =	strace s18  }
0x93: {  	s3 =	sld [smem:$0x3FFC];
	_ =	sdelay $0x3  }
0x94: {  	_ =	strace s3  }
0x95: {  	s3 =	sld [smem:$0x3FFD];
	_ =	sdelay $0x3  }
0x96: {  	_ =	strace s3  }
0x97: {  	_ =	strace $0x8FFFFFFF  }
0x98: {  	s19 =	sld [smem:$0x3FDB];
	_ =	sdelay $0x1  }
0x99: {  	s4 =	simm.s32 $_scs_section_size  }
0x9a: {  	s5 =	simm.s32 $_size__tile_overlayer_lowered;
	s6 =	simm.s32 $_tile_overlayer_lowered  }
0x9b: {  	s22 =	simm.s32 $0x1BFF;
	s21 =	sshll.u32 s6, $0x1;
	s3 =	sadd.s32 s4, s19  }
0x9c: {  	s7 =	simm.s32 $0x0;
	s20 =	sshll.u32 s5, $0x1;
	s5 =	sadd.s32 s21, s3  }
0x9d: {  	[timem:s7], [sflag:s22] =	dma.local [hbm:s5], s20  }
0x9e: {  	_ =	swait.ge [sflag:s22], s20  }
0x9f: {  	s4 =	ssub.s32 $0x0, s20;
	[sflag:s22] =	ssyncset.done $0x0  }
0xa0: {  	[sflag:s22] =	ssyncadd.s32 s4;
	_ =	sdelay $0x1  }
0xa1: {  	s23 =	simm.s32 $0x1B8B  }
0xa2: {  	_ =	swait.ge [sflag:s23], $0x1  }
0xa3: {  	[sflag:s23] =	ssyncset.done $0x0  }
0xa4: {  	s25 =	simm.s32 $0x1B8E;
	s24 =	sld [smem:$0x3FFE];
	[sflag:s23] =	ssyncadd.s32 $0xFFFFFFFF  }
0xa5: {  	s26 =	simm.s32 $execute0_lowered;
	[smem:$0x3FD2] =	sst s25  }
0xa6: {  	s5 =	sshll.u32 s26, $0x1;
	_ =	strace $0x80000046;
	[dreg:$0x1] =	wrdreg $0xFFFFFFFF  }
0xa7: {  	s28 =	simm.s32 $_size_execute0_lowered;
	s3 =	sadd.s32 s3, s5;
	[dreg:$0x0] =	wrdreg $0x0  }
0xa8: {  	s5 =	sshll.u32 s28, $0x1;
	[dreg:$0x2] =	wrdreg s3  }
0xa9: {  	[dreg:$0x3] =	wrdreg s5  }
0xaa: {  	[dreg:$0x4] =	wrdreg $0xC0  }
0xab: {  	_ =	task [dreg:s7], $0x5FFFF  }
0xac: {  	[dreg:$0x1] =	wrdreg $0xFFFFFFFF  }
0xad: {  	[dreg:$0x0] =	wrdreg $0x60  }
0xae: {  	[dreg:$0x2] =	wrdreg s24  }
0xaf: {  	[dreg:$0x3] =	wrdreg s2  }
0xb0: {  	[dreg:$0x4] =	wrdreg $0xBD000  }
0xb1: {  	[dreg:$0x5] =	wrdreg $0xA  }
0xb2: {  	_ =	task.clear_ibuf [dreg:s7], $0x6FFFF;
	_ =	strace $0x90000046  }
0xb3: {  	s29 =	simm.s32 $0xA;
	_ =	strace $0x80000048  }
0xb4: {  	_ =	swait.ge [sflag:s29], $0x1  }
0xb5: {  	[sflag:s29] =	ssyncadd.s32 $0xFFFFFFFF  }
0xb6: {  	_ =	strace $0x90000048  }
0xb7: {  	_ =	sfence  }
0xb8: {  	s30 =	sld [smem:$0x0];
	_ =	sdelay $0x2  }
0xb9: {  	s31 =	sshll.u32 s1, $0xD;
	s1 =	sshrl.u32 s1, $0x2  }
0xba: {  	s3 =	sand.u32 $0x4000, s31;
	s1 =	sadd.s32 s1, s30  }
0xbb: {  	s0 =	sor.u32 s3, s0;
	s1 =	sshll.u32 s1, $0x11  }
0xbc: {  	s0 =	sor.u32 s1, s0  }
0xbd: {  	s0 =	sadd.s32 $0x8F2B, s0  }
0xbe: {  	[sflag:s0] =	ssyncadd.remote.s32 $0x1  }
0xbf: {  	_ =	sfence.sel $0xFFFF  }
0xc0: {  	[dreg:$0x0] =	wrdreg $0xFFFFFFFF;
	(pc) =	sbr.abs _section_cstart, $3  }
0xc1: {  	[dreg:$0x1] =	wrdreg $0xFFFFFFFF  }
0xc2: {  	_ =	task.clear_ibuf [dreg:s7], $0x2FFFF;
	_ =	strace $0x9FFFFFFF  }
0xc3: {  	(tm) =	ssettm $0x7FFFFFFF  }
tec
execute0_lowered:
.L_overlay_start_1:
0x0: {  	(tag) =	ssettag $0x1  }
0x1: {  	s1 =	rddreg [dreg:$0x0]  }
0x2: {  	s0 =	srdreg.scid;
	s5 =	rddreg [dreg:$0x1]  }
0x3: {  	s2 =	rddreg [dreg:$0x2];
	s3 =	simm.s32 $0x0;
	s18 =	simm.s32 $0x5  }
0x4: {  	s20 =	simm.s32 $0x3800;
	s21 =	simm.s32 $0x3880;
	s22 =	simm.s32 $0x58  }
0x5: {  	s28 =	simm.s32 $0x3;
	s29 =	simm.s32 $0x9100;
	s30 =	simm.s32 $0x48  }
0x6: {  	s31 =	simm.s32 $0x1;
	s6 =	sand.u32 $0x1, s0;
	s0 =	stileid.u32  }
0x7: {  	s19 =	simm.s32 $0x0;
	[smem:$0x7FF] =	sst s3;
	s4 =	smul.u32 $0x1C000, s6  }
0x8: {  	s14 =	sadd.s32 $0xA6900, s1;
	s16 =	sadd.s32 $0xCDB00, s1;
	s7 =	smul.u32 $0x1C00, s0  }
0x9: {  	_ =	strace $0x80000047;
	s9 =	sshll.u32 s6, $0x8;
	s23 =	smul.u32 $0x2700, s0  }
0xa: {  	s10 =	sshll.u32 s0, $0x4;
	s11 =	ssub.s32 $0x2, s6;
	s13 =	smul.u32 $0x4E000, s0  }
0xb: {  	p4 =	seq.s32 s6, $0x1;
	p0 =	seq.s32 s0, $0xF;
	s9 =	sor.u32 s10, s9  }
0xc: {  	s12 =	sshrl.u32 s11, $0x1;
	p2 =	seq.s32 @p4 s0, $0xF;
	p5 =	seq.s32 @!p4 s0, $0xF  }
0xd: {  	s7 =	sadd.s32 s7, s4;
	s4 =	sadd.s32 $0xCA00, s1;
	s9 =	sadd.s32 s9, s1  }
0xe: {  	s15 =	sadd.s32 s23, s1;
	s17 =	ssub.s32 s11, s12;
	s26 =	sshrl.u32 s13, $0x2  }
0xf: {  	s11 =	sadd.s32 $0x124800, s2;
	s12 =	sadd.s32 $0x7F700, s1;
	s23 =	simm.s32 $0x3900  }
0x10: {  	p1 =	por !p2, !p4;
	p2 =	por p2, !p4;
	p3 =	por !p5, p4  }
0x11: {  	p4 =	por p5, p4;
	s7 =	sshrl.u32 s7, $0x3;
	s25 =	sadd.s32 $0x5800, s9  }
.Ltmp0:
0x12: {  	s10 =	sadd.s32 $0x5AE00, s15;
	s13 =	sadd.s32 $0x82000, s15;
	(pc) =	sbr.rel .LBB2_1-.Ltmp0, $4  }
0x13: {  	s15 =	sadd.s32 $0xA9200, s15;
	s17 =	smax.u32 s17, $0x1;
	s8 =	sadd.s32 s7, s1  }
0x14: {  	s5 =	sadd.s32 s5, s7;
	[dreg:$0x6] =	wrdreg s25;
	s1 =	simm.s32 $0x2  }
0x15: {  	[dreg:$0x4] =	wrdreg s5;
	s24 =	sadd.s32 $0x5A00, s8;
	s8 =	sadd.s32 $0x5600, s9  }
0x16: {  	s9 =	sadd.s32 s26, s2;
	s26 =	simm.s32 $0x4;
	[dreg:$0x5] =	wrdreg s24  }
.LBB2_9:
0x17: {  	_ =	swait.ge [sflag:s26], $0x2C00  }
0x18: {  	[sflag:s26] =	ssyncset.done $0x0  }
0x19: {  	[sflag:s26] =	ssyncadd.s32 $0xFFFFD400  }
0x1a: {  	[tilespmem:s23], [sflag:$0x1] =	stream.indirect.gather [hbm4b:s4+s30], $0x80, s20, s30, $0xb8;
	[tilespmem:$0x1F580] =	vst v63  }
0x1b: {  	_ =	swait.ge [sflag:s31], $0x2400  }
0x1c: {  	[sflag:s31] =	ssyncset.done $0x0  }
0x1d: {  	[sflag:s31] =	ssyncadd.s32 $0xFFFFDC00  }
0x1e: {  	[spmem:s2] =	stream.indirect.scatter.add.f32 [tilespmem:s23], [sflag:$0x5], $0x80, s21, s30, $0xb8;
	[tilespmem:$0x1F580] =	vst v63  }
0x1f: {  	_ =	swait.ge [sflag:s18], $0x2400  }
0x20: {  	[sflag:s18] =	ssyncset.done $0x0  }
0x21: {  	[sflag:s18] =	ssyncadd.s32 $0xFFFFDC00  }
0x22: {  	s5 =	sshrl.u32 @!p1 s11, $0x3;
	s6 =	simm.s32 @!p1 $0x1FC5;
	[bflag:$0x0] =	sbarrier.arrive $0xFFFF  }
0x23: {  	[hbm:s16], [sflag:s6] =	dma.local @!p1 [spmem:s5], $0x2800  }
0x24: {  	s5 =	simm.s32 @!p1 $0x5  }
0x25: {  	_ =	swait.ge @!p1 [sflag:s5], $0x2800  }
0x26: {  	s6 =	sshll.u32 @!p2 s0, $0x6;
	[sflag:s5] =	ssyncset.done @!p1 $0x0  }
0x27: {  	[sflag:s5] =	ssyncadd.s32 @!p1 $0xFFFFD800;
	s5 =	sor.u32 @!p2 $0x1C05, s6;
	s6 =	sshrl.u32 @!p2 s9, $0x3  }
0x28: {  	[hbm:s15], [sflag:s5] =	dma.local @!p2 [spmem:s6], $0x2700  }
0x29: {  	s5 =	simm.s32 @!p2 $0x5  }
0x2a: {  	_ =	swait.ge @!p2 [sflag:s5], $0x2700  }
0x2b: {  	[sflag:s5] =	ssyncset.done @!p2 $0x0  }
0x2c: {  	s6 =	simm.s32 @!p3 $0x1FC5;
	[sflag:s5] =	ssyncadd.s32 @!p2 $0xFFFFD900;
	s5 =	sshrl.u32 @!p3 s11, $0x3  }
0x2d: {  	[hbm:s14], [sflag:s6] =	dma.local @!p3 [spmem:s5], $0x2800  }
0x2e: {  	s5 =	simm.s32 @!p3 $0x5  }
0x2f: {  	s19 =	sadd.s32 $0x1, s19;
	_ =	swait.ge @!p3 [sflag:s5], $0x2800  }
0x30: {  	p5 =	sne.s32 s19, s17;
	s6 =	sshll.u32 @!p4 s0, $0x6;
	[sflag:s5] =	ssyncset.done @!p3 $0x0  }
0x31: {  	[sflag:s5] =	ssyncadd.s32 @!p3 $0xFFFFD800;
	s5 =	sor.u32 @!p4 $0x1C05, s6;
	s6 =	sshrl.u32 @!p4 s9, $0x3  }
0x32: {  	[hbm:s13], [sflag:s5] =	dma.local @!p4 [spmem:s6], $0x2700  }
.Ltmp1:
0x33: {  	_ = 	snop;
	(pc) =	sbr.rel @!p5 .LBB2_10-.Ltmp1, $4  }
0x34: {  	s5 =	simm.s32 @!p4 $0x5  }
0x35: {  	_ =	swait.ge @!p4 [sflag:s5], $0x2700  }
0x36: {  	[sflag:s5] =	ssyncset.done @!p4 $0x0  }
0x37: {  	[sflag:s5] =	ssyncadd.s32 @!p4 $0xFFFFD900  }
.LBB2_1:
0x38: {  	s5 =	rddreg [dreg:$0x4]  }
0x39: {  	[tilespmem:s3], [sflag:$0x5] =	stream.linear.gather [hbm4b:s5+s3], $0x1C00, $0x38;
	[tilespmem:$0x1F580] =	vst v63  }
0x3a: {  	_ =	swait.ge [sflag:s18], $0x1C00  }
0x3b: {  	[sflag:s18] =	ssyncset.done $0x0  }
0x3c: {  	s6 =	simm.s32 $0x1C00;
	s25 =	rddreg [dreg:$0x5];
	[sflag:s18] =	ssyncadd.s32 $0xFFFFE400  }
0x3d: {  	[tilespmem:s6], [sflag:$0x4] =	stream.linear.gather [hbm4b:s25+s3], $0x1C00, $0x38;
	[tilespmem:$0x1F580] =	vst v63  }
0x3e: {  	s7 =	rddreg [dreg:$0x6]  }
0x3f: {  	[tilespmem:s20], [sflag:$0x4] =	stream.linear.gather [hbm4b:s7+s3], $0x80, $0x38;
	[tilespmem:$0x1F580] =	vst v63  }
0x40: {  	_ = 	snop  }
0x41: {  	[tilespmem:s21], [sflag:$0x4] =	stream.linear.gather [hbm4b:s8+s3], $0x80, $0x38;
	[tilespmem:$0x1F580] =	vst v63  }
0x42: {  	s24 =	simm.s32 $0x80  }
0x43: {  	[tilespmem:s23], [sflag:$0x1] =	stream.indirect.gather [hbm4b:s4+s22], $0x80, s3, s22, $0xb8;
	[tilespmem:$0x1F580] =	vst v63  }
0x44: {  	s5 =	sshrl.u32 @p0 s11, $0x3;
	s25 =	simm.s32 $0x6500;
	s6 =	simm.s32 @p0 $0x1FC5  }
0x45: {  	[tilespmem:s25], [sflag:$0x2] =	stream.indirect.gather [hbm4b:s4+s22], $0x80, s24, s22, $0xb8;
	[tilespmem:$0x1F580] =	vst v63  }
0x46: {  	[spmem:s5], [sflag:s6] =	dma.local @p0 [hbm:s12], $0x2800  }
0x47: {  	s5 =	simm.s32 @p0 $0x5  }
0x48: {  	_ =	swait.ge @p0 [sflag:s5], $0x2800  }
0x49: {  	s6 =	sshll.u32 @!p0 s0, $0x6;
	[sflag:s5] =	ssyncset.done @p0 $0x0  }
0x4a: {  	[sflag:s5] =	ssyncadd.s32 @p0 $0xFFFFD800;
	s5 =	sor.u32 @!p0 $0x1C05, s6;
	s6 =	sshrl.u32 @!p0 s9, $0x3  }
0x4b: {  	[spmem:s6], [sflag:s5] =	dma.local @!p0 [hbm:s10], $0x2700  }
0x4c: {  	s5 =	simm.s32 @!p0 $0x5  }
0x4d: {  	_ =	swait.ge @!p0 [sflag:s5], $0x2700  }
0x4e: {  	[sflag:s5] =	ssyncset.done @!p0 $0x0  }
0x4f: {  	[sflag:s5] =	ssyncadd.s32 @!p0 $0xFFFFD900  }
0x50: {  	_ =	swait.ge [sflag:s26], $0x1C00  }
0x51: {  	[sflag:s26] =	ssyncset.done $0x0  }
0x52: {  	[sflag:s26] =	ssyncadd.s32 $0xFFFFE400  }
0x53: {  	_ =	swait.ge [sflag:s26], $0x80  }
0x54: {  	[sflag:s26] =	ssyncset.done $0x0  }
0x55: {  	[sflag:s26] =	ssyncadd.s32 $0xFFFFFF80  }
.Ltmp2:
0x56: {  	_ =	swait.ge [sflag:s26], $0x80;
	(pc) =	sbr.rel .LBB2_2-.Ltmp2, $4  }
0x57: {  	[sflag:s26] =	ssyncset.done $0x0  }
0x58: {  	[sflag:s26] =	ssyncadd.s32 $0xFFFFFF80  }
0x59: {  	[bflag:$0x0] =	sbarrier.arrive $0xFFFF  }
0x5a: {  	s24 =	simm.s32 $0x100;
	s25 =	simm.s32 $0x1C00;
	s5 =	simm.s32 $0x0  }
.LBB2_7:
0x5b: {  	_ =	swait.ge [sflag:s28], $0x2C00  }
0x5c: {  	[sflag:s28] =	ssyncset.done $0x0  }
0x5d: {  	[sflag:s28] =	ssyncadd.s32 $0xFFFFD400  }
0x5e: {  	_ =	swait.ge [sflag:s26], $0x2C00  }
0x5f: {  	p5 =	sgt.u32 s5, $0x35;
	[sflag:s26] =	ssyncset.done $0x0  }
0x60: {  	s6 =	simm.s32 @!p5 $0x58;
	s7 =	simm.s32 @!p5 $0x6500;
	[sflag:s26] =	ssyncadd.s32 $0xFFFFD400  }
0x61: {  	[tilespmem:s7], [sflag:$0x2] =	stream.indirect.gather @!p5 [hbm4b:s4+s6], $0x80, s24, s6, $0xb8;
	[tilespmem:$0x1F580] =	vst v63  }
0x62: {  	s6 =	simm.s32 @!p5 $0x9100  }
0x63: {  	s6 =	simm.s32 @p5 $0x9100  }
.LBB2_8:
0x64: {  	s5 =	sadd.s32 $0x1, s5  }
0x65: {  	p5 =	sne.s32 s5, $0x38  }
.Ltmp3:
0x66: {  	_ = 	snop;
	(pc) =	sbr.rel @!p5 .LBB2_9-.Ltmp3, $3  }
0x67: {  	_ =	sdelay $0x1  }
0x68: {  	[spmem:s2] =	stream.indirect.scatter.add.f32 [tilespmem:s6], [sflag:$0x4], $0x80, s25, s22, $0xb8;
	[tilespmem:$0x1F580] =	vst v63  }
0x69: {  	s25 =	sadd.s32 $0x80, s25;
	s24 =	sadd.s32 $0x80, s24  }
.LBB2_2:
0x6a: {  	s6 =	smul.u32 $0xAB, s5;
	_ =	sdelay $0x1  }
0x6b: {  	s6 =	sshrl.u32 s6, $0x9  }
0x6c: {  	s6 =	sand.u32 $0x7F, s6  }
0x6d: {  	s6 =	smul.u32 $0x3, s6;
	_ =	sdelay $0x1  }
0x6e: {  	s6 =	ssub.s32 s5, s6  }
0x6f: {  	s6 =	sand.u32 $0xFF, s6  }
0x70: {  	p5 =	seq.s32 s6, $0x2  }
.Ltmp4:
0x71: {  	_ = 	snop;
	(pc) =	sbr.rel @p5 .LBB2_7-.Ltmp4, $1  }
0x72: {  	_ =	sdelay $0x3  }
0x73: {  	p5 =	seq.s32 s6, $0x1  }
.Ltmp5:
0x74: {  	_ = 	snop;
	(pc) =	sbr.rel @!p5 .LBB2_4-.Ltmp5, $1  }
0x75: {  	_ =	sdelay $0x3  }
0x76: {  	_ =	swait.ge [sflag:s1], $0x2C00  }
0x77: {  	[sflag:s1] =	ssyncset.done $0x0  }
0x78: {  	[sflag:s1] =	ssyncadd.s32 $0xFFFFD400  }
0x79: {  	_ =	swait.ge [sflag:s26], $0x2C00  }
.Ltmp6:
0x7a: {  	p5 =	sgt.u32 s5, $0x35;
	[sflag:s26] =	ssyncset.done $0x0;
	(pc) =	sbr.rel .LBB2_8-.Ltmp6, $4  }
0x7b: {  	s6 =	simm.s32 @!p5 $0x58;
	s7 =	simm.s32 @!p5 $0x3900;
	[sflag:s26] =	ssyncadd.s32 $0xFFFFD400  }
0x7c: {  	[tilespmem:s7], [sflag:$0x1] =	stream.indirect.gather @!p5 [hbm4b:s4+s6], $0x80, s24, s6, $0xb8;
	[tilespmem:$0x1F580] =	vst v63  }
0x7d: {  	s6 =	simm.s32 @!p5 $0x6500  }
0x7e: {  	s6 =	simm.s32 @p5 $0x6500  }
.LBB2_4:
0x7f: {  	p5 =	seq.s32 s5, $0x0  }
0x80: {  	p6 =	sgt.u32 @!p5 s5, $0x35  }
0x81: {  	_ =	swait.ge [sflag:s31], $0x2C00;
	p6 =	por p5, !p6  }
.Ltmp7:
0x82: {  	[sflag:s31] =	ssyncset.done $0x0;
	(pc) =	sbr.rel @!p6 .LBB2_8-.Ltmp7, $4  }
0x83: {  	s6 =	simm.s32 @!p5 $0x4;
	[sflag:s31] =	ssyncadd.s32 $0xFFFFD400  }
0x84: {  	_ =	swait.ge @!p5 [sflag:s6], $0x2C00  }
0x85: {  	[sflag:s6] =	ssyncset.done @!p5 $0x0  }
0x86: {  	[sflag:s6] =	ssyncadd.s32 @!p5 $0xFFFFD400;
	s6 =	simm.s32 @!p5 $0x3900  }
.Ltmp8:
0x87: {  	(pc) =	sbr.rel .LBB2_8-.Ltmp8, $3  }
0x88: {  	_ =	sdelay $0x1  }
0x89: {  	[tilespmem:s29], [sflag:$0x3] =	stream.indirect.gather [hbm4b:s4+s22], $0x80, s24, s22, $0xb8;
	[tilespmem:$0x1F580] =	vst v63  }
0x8a: {  	s6 =	simm.s32 $0x3900  }
.LBB2_10:
0x8b: {  	_ =	sfence.sel $0x180000  }
0x8c: {  	[bflag:$0x0] =	sbarrier.arrive $0xFFFF  }
0x8d: {  	_ =	strace $0x90000047  }
0x8e: {  	[bflag:$0x2] =	sbarrier.arrive $0xFFFF  }
0x8f: {  	p0 =	sne.s32 s0, $0x0;
	s0 =	rddreg [dreg:$0x3]  }
0x90: {  	s0 =	sadd.s32 @!p0 $0x100000, s0  }
0x91: {  	[sflag:s0] =	ssyncadd.tile.s32 @!p0 $0x1;
	_ =	shalt  }
.Lfunc_end2:
_tile_overlayer_lowered:
.L_overlay_start_2:
0x92: {  	(tag) =	ssettag $0x2  }
0x93: {  	s0 =	rddreg [dreg:$0x0];
	s2 =	stileid.u32  }
0x94: {  	s1 =	rddreg [dreg:$0x1];
	p0 =	sne.s32 s2, $0x0  }
0x95: {  	s3 =	rddreg [dreg:$0x2];
	[bflag:$0x3] =	sbarrier.arrive $0xFFFF;
	s2 =	simm.s32 @!p0 $0x1C05  }
0x96: {  	[timem:s3], [sflag:s2] =	dma.local @!p0 [hbm:s0], s1  }
0x97: {  	s0 =	simm.s32 @!p0 $0x5  }
0x98: {  	_ =	swait.ge @!p0 [sflag:s0], s1  }
0x99: {  	s1 =	ssub.s32 @!p0 $0x0, s1;
	[sflag:s0] =	ssyncset.done @!p0 $0x0  }
0x9a: {  	[sflag:s0] =	ssyncadd.s32 @!p0 s1  }
0x9b: {  	[bflag:$0x3] =	sbarrier.arrive $0xFFFF  }
0x9c: {  	_ =	shalt  }

// kernel: kernel.15.cloned.1.call-start
scs
__scs_entry_jumppad:
0x0: {  	(pc) =	sbr.rel $0x88, $3  }
0x1: {  	(tag) =	ssettag $0x0;
	lr =	simm.s32 $0x1  }
0x2: {  	[smem:$0x3F99] =	sst lr;
	_ =	strace $0xD0000000  }
0x3: {  	_ = 	snop  }
0x4: {  	_ = 	snop  }
0x5: {  	_ = 	snop  }
0x6: {  	_ = 	snop  }
0x7: {  	_ = 	snop  }
__scs_overlays_trampoline_lowered:
0x8: {  	[smem:$0x3FA8] =	sst s0  }
0x9: {  	[smem:$0x3FA9] =	sst s1  }
0xa: {  	[smem:$0x3FAA] =	sst s2  }
0xb: {  	[smem:$0x3FAB] =	sst s3  }
0xc: {  	[smem:$0x3FAC] =	sst s4  }
0xd: {  	[smem:$0x3FAD] =	sst s5  }
0xe: {  	[smem:$0x3FAE] =	sst s6  }
0xf: {  	[smem:$0x3FAF] =	sst s7  }
0x10: {  	[smem:$0x3FB0] =	sst s8  }
0x11: {  	[smem:$0x3FB1] =	sst s9;
	s0 =	simm.s32 @!p0 $0x0  }
0x12: {  	s1 =	sld [smem:$0x3F97];
	s0 =	simm.s32 @p0 $0x1  }
0x13: {  	[smem:$0x3FB2] =	sst s0;
	s0 =	simm.s32 @!p1 $0x0  }
0x14: {  	s2 =	sld [smem:$0x3F96];
	s0 =	simm.s32 @p1 $0x1  }
0x15: {  	[smem:$0x3FB3] =	sst s0;
	s0 =	simm.s32 @!p2 $0x0  }
0x16: {  	s3 =	sld [smem:$0x3FDB];
	s0 =	simm.s32 @p2 $0x1  }
0x17: {  	s4 =	simm.s32 $0x1BF5;
	[smem:$0x3FB5] =	sst s0  }
0x18: {  	s0 =	sld [smem:$0x3F98];
	_ =	swait.ge [sflag:s4], $0x0  }
0x19: {  	s7 =	sld [smem:$0x3F99]  }
0x1a: {  	s8 =	sadd.s32 $0xFFFFE003, lr  }
0x1b: {  	s9 =	sadd.s32 $0xFFFFFEF7, lr;
	s5 =	simm.s32 $0xFFFFFFFF;
	p2 =	slt.u32 s8, $0xFFFFF086  }
0x1c: {  	p1 =	slt.u32 s9, $0xF7A;
	s5 =	simm.s32 @!p2 $0x0  }
0x1d: {  	s5 =	simm.s32 @p1 $0x1;
	p0 =	seq.s32 s7, s2  }
0x1e: {  	s7 =	smul.u32 @!p0 $0xF7A, s2;
	p2 =	seq.s32 @!p0 s5, $0x0  }
0x1f: {  	s9 =	smul.u32 $0xF7A, s1;
	s8 =	simm.s32 @!p0 $0x1BF5;
	p2 =	por !p2, p0  }
0x20: {  	[sflag:s8] =	ssyncset.s32 @!p0 $0xFFFFF086;
	s6 =	sadd.s32 @!p0 s3, s7;
	s7 =	simm.s32 @!p0 $0x108  }
0x21: {  	s3 =	sadd.s32 s3, s9;
	s6 =	sadd.s32 @!p0 $0x88, s6;
	s7 =	simm.s32 @p2 $0x1082  }
0x22: {  	[simem:s7], [sflag:s8] =	dma.local @!p0 [hbm:s6], $0xF7A  }
0x23: {  	s9 =	sor.u32 $0xD0000000, s2;
	s6 =	simm.s32 $0x108;
	_ =	swait.ge @!p0 [sflag:s8], $0x0  }
0x24: {  	s3 =	sadd.s32 $0x88, s3;
	s6 =	simm.s32 @!p1 $0x1082;
	[sflag:s4] =	ssyncset.s32 $0xFFFFF086  }
0x25: {  	[simem:s6], [sflag:s4] =	dma.local [hbm:s3], $0xF7A  }
0x26: {  	[smem:$0x3F99] =	sst s1;
	(tag) =	ssettag s2;
	_ =	strace s9  }
0x27: {  	s1 =	sld [smem:$0x3FA9]  }
0x28: {  	s2 =	sld [smem:$0x3FAA]  }
0x29: {  	s4 =	sld [smem:$0x3FAC]  }
0x2a: {  	p0 =	seq.s32 s5, $0x0;
	s5 =	sld [smem:$0x3FAD]  }
0x2b: {  	s6 =	sld [smem:$0x3FAE]  }
0x2c: {  	s7 =	sld [smem:$0x3FAF]  }
0x2d: {  	s3 =	simm.s32 $0x108;
	s8 =	sld [smem:$0x3FB0]  }
0x2e: {  	s3 =	simm.s32 @!p0 $0x1082;
	s9 =	sld [smem:$0x3FB1]  }
0x2f: {  	lr =	sadd.s32 s0, s3;
	s0 =	sld [smem:$0x3FA8]  }
0x30: {  	s3 =	sld [smem:$0x3FAB]  }
0x31: {  	[smem:$0x3FB4] =	sst s10  }
0x32: {  	s10 =	sld [smem:$0x3FB2];
	_ =	sdelay $0x3  }
0x33: {  	p0 =	seq.s32 s10, $0x1;
	s10 =	sld [smem:$0x3FB4];
	_ =	sdelay $0x3  }
0x34: {  	[smem:$0x3FB4] =	sst s10  }
0x35: {  	s10 =	sld [smem:$0x3FB3];
	_ =	sdelay $0x3  }
0x36: {  	p1 =	seq.s32 s10, $0x1;
	s10 =	sld [smem:$0x3FB4];
	_ =	sdelay $0x3  }
0x37: {  	[smem:$0x3FB4] =	sst s10  }
0x38: {  	s10 =	sld [smem:$0x3FB5]  }
0x39: {  	_ = 	snop;
	(pc) =	sbr.ind lr, $3  }
0x3a: {  	_ = 	snop  }
0x3b: {  	_ = 	snop  }
0x3c: {  	p2 =	seq.s32 s10, $0x1;
	s10 =	sld [smem:$0x3FB4]  }
0x3d: {  	_ =	shalt  }
0x3e: {  	_ =	shalt  }
0x3f: {  	_ =	shalt  }
0x40: {  	_ =	shalt  }
0x41: {  	_ =	shalt  }
0x42: {  	_ =	shalt  }
0x43: {  	_ =	shalt  }
0x44: {  	_ =	shalt  }
0x45: {  	_ =	shalt  }
0x46: {  	_ =	shalt  }
0x47: {  	_ =	shalt  }
0x48: {  	_ =	shalt  }
0x49: {  	_ =	shalt  }
0x4a: {  	_ =	shalt  }
0x4b: {  	_ =	shalt  }
0x4c: {  	_ =	shalt  }
0x4d: {  	_ =	shalt  }
0x4e: {  	_ =	shalt  }
0x4f: {  	_ =	shalt  }
0x50: {  	_ =	shalt  }
0x51: {  	_ =	shalt  }
0x52: {  	_ =	shalt  }
0x53: {  	_ =	shalt  }
0x54: {  	_ =	shalt  }
0x55: {  	_ =	shalt  }
0x56: {  	_ =	shalt  }
0x57: {  	_ =	shalt  }
0x58: {  	_ =	shalt  }
0x59: {  	_ =	shalt  }
0x5a: {  	_ =	shalt  }
0x5b: {  	_ =	shalt  }
0x5c: {  	_ =	shalt  }
0x5d: {  	_ =	shalt  }
0x5e: {  	_ =	shalt  }
0x5f: {  	_ =	shalt  }
0x60: {  	_ =	shalt  }
0x61: {  	_ =	shalt  }
0x62: {  	_ =	shalt  }
0x63: {  	_ =	shalt  }
0x64: {  	_ =	shalt  }
0x65: {  	_ =	shalt  }
0x66: {  	_ =	shalt  }
0x67: {  	_ =	shalt  }
0x68: {  	_ =	shalt  }
0x69: {  	_ =	shalt  }
0x6a: {  	_ =	shalt  }
0x6b: {  	_ =	shalt  }
0x6c: {  	_ =	shalt  }
0x6d: {  	_ =	shalt  }
0x6e: {  	_ =	shalt  }
0x6f: {  	_ =	shalt  }
0x70: {  	_ =	shalt  }
0x71: {  	_ =	shalt  }
0x72: {  	_ =	shalt  }
0x73: {  	_ =	shalt  }
0x74: {  	_ =	shalt  }
0x75: {  	_ =	shalt  }
0x76: {  	_ =	shalt  }
0x77: {  	_ =	shalt  }
0x78: {  	_ =	shalt  }
0x79: {  	_ =	shalt  }
0x7a: {  	_ =	shalt  }
0x7b: {  	_ =	shalt  }
0x7c: {  	_ =	shalt  }
0x7d: {  	_ =	shalt  }
0x7e: {  	_ =	shalt  }
0x7f: {  	_ =	shalt  }
0x80: {  	_ =	shalt  }
0x81: {  	_ =	shalt  }
0x82: {  	_ =	shalt  }
0x83: {  	_ =	shalt  }
0x84: {  	_ =	shalt  }
0x85: {  	_ =	shalt  }
0x86: {  	_ =	shalt  }
0x87: {  	_ =	shalt  }
.Lfunc_end0:
.L_simem_size_0:
called_computation.2_lowered:
.L_overlay_start_0:
0x88: {  	s2 =	sld [smem:$0x3FD9]  }
0x89: {  	s3 =	sld [smem:$0x3FFE];
	_ =	sdelay $0x1  }
0x8a: {  	s1 =	srdreg.scid  }
0x8b: {  	s0 =	sand.u32 $0x1, s1  }
0x8c: {  	s17 =	sshll.u32 s0, $0xA;
	s2 =	sadd.s32 s3, s2  }
0x8d: {  	s2 =	sadd.s32 s2, s17  }
0x8e: {  	[smem:$0x3FC0] =	sst s2  }
0x8f: {  	_ = 	snop  }
0x90: {  	s2 =	sld [smem:$0x3FD0];
	(tm) =	ssettm $0x1  }
0x91: {  	s18 =	sld [smem:$0x3FFB];
	_ =	sdelay $0x3  }
0x92: {  	_ =	strace s18  }
0x93: {  	s3 =	sld [smem:$0x3FFC];
	_ =	sdelay $0x3  }
0x94: {  	_ =	strace s3  }
0x95: {  	s3 =	sld [smem:$0x3FFD];
	_ =	sdelay $0x3  }
0x96: {  	_ =	strace s3  }
0x97: {  	_ =	strace $0x8FFFFFFF  }
0x98: {  	s19 =	sld [smem:$0x3FDB];
	_ =	sdelay $0x1  }
0x99: {  	s4 =	simm.s32 $_scs_section_size  }
0x9a: {  	s5 =	simm.s32 $_size__tile_overlayer_lowered;
	s6 =	simm.s32 $_tile_overlayer_lowered  }
0x9b: {  	s22 =	simm.s32 $0x1BFF;
	s21 =	sshll.u32 s6, $0x1;
	s3 =	sadd.s32 s4, s19  }
0x9c: {  	s7 =	simm.s32 $0x0;
	s20 =	sshll.u32 s5, $0x1;
	s5 =	sadd.s32 s21, s3  }
0x9d: {  	[timem:s7], [sflag:s22] =	dma.local [hbm:s5], s20  }
0x9e: {  	_ =	swait.ge [sflag:s22], s20  }
0x9f: {  	s4 =	ssub.s32 $0x0, s20;
	[sflag:s22] =	ssyncset.done $0x0  }
0xa0: {  	[sflag:s22] =	ssyncadd.s32 s4;
	_ =	sdelay $0x1  }
0xa1: {  	s23 =	simm.s32 $0x1B8B  }
0xa2: {  	_ =	swait.ge [sflag:s23], $0x1  }
0xa3: {  	[sflag:s23] =	ssyncset.done $0x0  }
0xa4: {  	s25 =	simm.s32 $0x1B8E;
	s24 =	sld [smem:$0x3FFE];
	[sflag:s23] =	ssyncadd.s32 $0xFFFFFFFF  }
0xa5: {  	s26 =	simm.s32 $execute0_lowered;
	[smem:$0x3FD2] =	sst s25  }
0xa6: {  	s5 =	sshll.u32 s26, $0x1;
	_ =	strace $0x8000004C;
	[dreg:$0x1] =	wrdreg $0xFFFFFFFF  }
0xa7: {  	s28 =	simm.s32 $_size_execute0_lowered;
	s3 =	sadd.s32 s3, s5;
	[dreg:$0x0] =	wrdreg $0x0  }
0xa8: {  	s5 =	sshll.u32 s28, $0x1;
	[dreg:$0x2] =	wrdreg s3  }
0xa9: {  	[dreg:$0x3] =	wrdreg s5  }
0xaa: {  	[dreg:$0x4] =	wrdreg $0xC0  }
0xab: {  	_ =	task [dreg:s7], $0x5FFFF  }
0xac: {  	[dreg:$0x1] =	wrdreg $0xFFFFFFFF  }
0xad: {  	[dreg:$0x0] =	wrdreg $0x60  }
0xae: {  	[dreg:$0x2] =	wrdreg s24  }
0xaf: {  	[dreg:$0x3] =	wrdreg s2  }
0xb0: {  	[dreg:$0x4] =	wrdreg $0xBD000  }
0xb1: {  	[dreg:$0x5] =	wrdreg $0x9  }
0xb2: {  	_ =	task.clear_ibuf [dreg:s7], $0x6FFFF;
	_ =	strace $0x9000004C  }
0xb3: {  	s29 =	simm.s32 $0x9;
	_ =	strace $0x8000004E  }
0xb4: {  	_ =	swait.ge [sflag:s29], $0x1  }
0xb5: {  	[sflag:s29] =	ssyncadd.s32 $0xFFFFFFFF  }
0xb6: {  	_ =	strace $0x9000004E  }
0xb7: {  	_ =	sfence  }
0xb8: {  	s30 =	sld [smem:$0x0];
	_ =	sdelay $0x2  }
0xb9: {  	s31 =	sshll.u32 s1, $0xD;
	s1 =	sshrl.u32 s1, $0x2  }
0xba: {  	s3 =	sand.u32 $0x4000, s31;
	s1 =	sadd.s32 s1, s30  }
0xbb: {  	s0 =	sor.u32 s3, s0;
	s1 =	sshll.u32 s1, $0x11  }
0xbc: {  	s0 =	sor.u32 s1, s0  }
0xbd: {  	s0 =	sadd.s32 $0x8F2B, s0  }
0xbe: {  	[sflag:s0] =	ssyncadd.remote.s32 $0x1  }
0xbf: {  	_ =	sfence.sel $0xFFFF  }
0xc0: {  	[dreg:$0x0] =	wrdreg $0xFFFFFFFF;
	(pc) =	sbr.abs _section_cstart, $3  }
0xc1: {  	[dreg:$0x1] =	wrdreg $0xFFFFFFFF  }
0xc2: {  	_ =	task.clear_ibuf [dreg:s7], $0x2FFFF;
	_ =	strace $0x9FFFFFFF  }
0xc3: {  	(tm) =	ssettm $0x7FFFFFFF  }
tec
execute0_lowered:
.L_overlay_start_1:
0x0: {  	(tag) =	ssettag $0x1  }
0x1: {  	s1 =	rddreg [dreg:$0x0]  }
0x2: {  	s0 =	srdreg.scid;
	s5 =	rddreg [dreg:$0x1]  }
0x3: {  	s2 =	rddreg [dreg:$0x2];
	s3 =	simm.s32 $0x0;
	s18 =	simm.s32 $0x5  }
0x4: {  	s20 =	simm.s32 $0x3800;
	s21 =	simm.s32 $0x3880;
	s22 =	simm.s32 $0x58  }
0x5: {  	s28 =	simm.s32 $0x3;
	s29 =	simm.s32 $0x9100;
	s30 =	simm.s32 $0x48  }
0x6: {  	s31 =	simm.s32 $0x1;
	s6 =	sand.u32 $0x1, s0;
	s0 =	stileid.u32  }
0x7: {  	s19 =	simm.s32 $0x0;
	[smem:$0x7FF] =	sst s3;
	s4 =	smul.u32 $0x1C000, s6  }
0x8: {  	s14 =	sadd.s32 $0xF4D00, s1;
	s16 =	sadd.s32 $0x11BF00, s1;
	s7 =	smul.u32 $0x1C00, s0  }
0x9: {  	_ =	strace $0x8000004D;
	s9 =	sshll.u32 s6, $0x8;
	s23 =	smul.u32 $0x2700, s0  }
0xa: {  	s10 =	sshll.u32 s0, $0x4;
	s11 =	ssub.s32 $0x2, s6;
	s13 =	smul.u32 $0x4E000, s0  }
0xb: {  	p4 =	seq.s32 s6, $0x1;
	p0 =	seq.s32 s0, $0xF;
	s9 =	sor.u32 s10, s9  }
0xc: {  	s12 =	sshrl.u32 s11, $0x1;
	p2 =	seq.s32 @p4 s0, $0xF;
	p5 =	seq.s32 @!p4 s0, $0xF  }
0xd: {  	s7 =	sadd.s32 s7, s4;
	s4 =	sadd.s32 $0xCA00, s1;
	s9 =	sadd.s32 s9, s1  }
0xe: {  	s15 =	sadd.s32 s23, s1;
	s17 =	ssub.s32 s11, s12;
	s26 =	sshrl.u32 s13, $0x2  }
0xf: {  	s11 =	sadd.s32 $0x124800, s2;
	s12 =	sadd.s32 $0x7F700, s1;
	s23 =	simm.s32 $0x3900  }
0x10: {  	p1 =	por !p2, !p4;
	p2 =	por p2, !p4;
	p3 =	por !p5, p4  }
0x11: {  	p4 =	por p5, p4;
	s7 =	sshrl.u32 s7, $0x3;
	s25 =	sadd.s32 $0x5800, s9  }
.Ltmp0:
0x12: {  	s10 =	sadd.s32 $0x5AE00, s15;
	s13 =	sadd.s32 $0xD0400, s15;
	(pc) =	sbr.rel .LBB2_1-.Ltmp0, $4  }
0x13: {  	s15 =	sadd.s32 $0xF7600, s15;
	s17 =	smax.u32 s17, $0x1;
	s8 =	sadd.s32 s7, s1  }
0x14: {  	s5 =	sadd.s32 s5, s7;
	[dreg:$0x6] =	wrdreg s25;
	s1 =	simm.s32 $0x2  }
0x15: {  	[dreg:$0x4] =	wrdreg s5;
	s24 =	sadd.s32 $0x5A00, s8;
	s8 =	sadd.s32 $0x5600, s9  }
0x16: {  	s9 =	sadd.s32 s26, s2;
	s26 =	simm.s32 $0x4;
	[dreg:$0x5] =	wrdreg s24  }
.LBB2_9:
0x17: {  	_ =	swait.ge [sflag:s26], $0x2C00  }
0x18: {  	[sflag:s26] =	ssyncset.done $0x0  }
0x19: {  	[sflag:s26] =	ssyncadd.s32 $0xFFFFD400  }
0x1a: {  	[tilespmem:s23], [sflag:$0x1] =	stream.indirect.gather [hbm4b:s4+s30], $0x80, s20, s30, $0xb8;
	[tilespmem:$0x1F580] =	vst v63  }
0x1b: {  	_ =	swait.ge [sflag:s31], $0x2400  }
0x1c: {  	[sflag:s31] =	ssyncset.done $0x0  }
0x1d: {  	[sflag:s31] =	ssyncadd.s32 $0xFFFFDC00  }
0x1e: {  	[spmem:s2] =	stream.indirect.scatter.add.f32 [tilespmem:s23], [sflag:$0x5], $0x80, s21, s30, $0xb8;
	[tilespmem:$0x1F580] =	vst v63  }
0x1f: {  	_ =	swait.ge [sflag:s18], $0x2400  }
0x20: {  	[sflag:s18] =	ssyncset.done $0x0  }
0x21: {  	[sflag:s18] =	ssyncadd.s32 $0xFFFFDC00  }
0x22: {  	s5 =	sshrl.u32 @!p1 s11, $0x3;
	s6 =	simm.s32 @!p1 $0x1FC5;
	[bflag:$0x0] =	sbarrier.arrive $0xFFFF  }
0x23: {  	[hbm:s16], [sflag:s6] =	dma.local @!p1 [spmem:s5], $0x2800  }
0x24: {  	s5 =	simm.s32 @!p1 $0x5  }
0x25: {  	_ =	swait.ge @!p1 [sflag:s5], $0x2800  }
0x26: {  	s6 =	sshll.u32 @!p2 s0, $0x6;
	[sflag:s5] =	ssyncset.done @!p1 $0x0  }
0x27: {  	[sflag:s5] =	ssyncadd.s32 @!p1 $0xFFFFD800;
	s5 =	sor.u32 @!p2 $0x1C05, s6;
	s6 =	sshrl.u32 @!p2 s9, $0x3  }
0x28: {  	[hbm:s15], [sflag:s5] =	dma.local @!p2 [spmem:s6], $0x2700  }
0x29: {  	s5 =	simm.s32 @!p2 $0x5  }
0x2a: {  	_ =	swait.ge @!p2 [sflag:s5], $0x2700  }
0x2b: {  	[sflag:s5] =	ssyncset.done @!p2 $0x0  }
0x2c: {  	s6 =	simm.s32 @!p3 $0x1FC5;
	[sflag:s5] =	ssyncadd.s32 @!p2 $0xFFFFD900;
	s5 =	sshrl.u32 @!p3 s11, $0x3  }
0x2d: {  	[hbm:s14], [sflag:s6] =	dma.local @!p3 [spmem:s5], $0x2800  }
0x2e: {  	s5 =	simm.s32 @!p3 $0x5  }
0x2f: {  	s19 =	sadd.s32 $0x1, s19;
	_ =	swait.ge @!p3 [sflag:s5], $0x2800  }
0x30: {  	p5 =	sne.s32 s19, s17;
	s6 =	sshll.u32 @!p4 s0, $0x6;
	[sflag:s5] =	ssyncset.done @!p3 $0x0  }
0x31: {  	[sflag:s5] =	ssyncadd.s32 @!p3 $0xFFFFD800;
	s5 =	sor.u32 @!p4 $0x1C05, s6;
	s6 =	sshrl.u32 @!p4 s9, $0x3  }
0x32: {  	[hbm:s13], [sflag:s5] =	dma.local @!p4 [spmem:s6], $0x2700  }
.Ltmp1:
0x33: {  	_ = 	snop;
	(pc) =	sbr.rel @!p5 .LBB2_10-.Ltmp1, $4  }
0x34: {  	s5 =	simm.s32 @!p4 $0x5  }
0x35: {  	_ =	swait.ge @!p4 [sflag:s5], $0x2700  }
0x36: {  	[sflag:s5] =	ssyncset.done @!p4 $0x0  }
0x37: {  	[sflag:s5] =	ssyncadd.s32 @!p4 $0xFFFFD900  }
.LBB2_1:
0x38: {  	s5 =	rddreg [dreg:$0x4]  }
0x39: {  	[tilespmem:s3], [sflag:$0x5] =	stream.linear.gather [hbm4b:s5+s3], $0x1C00, $0x38;
	[tilespmem:$0x1F580] =	vst v63  }
0x3a: {  	_ =	swait.ge [sflag:s18], $0x1C00  }
0x3b: {  	[sflag:s18] =	ssyncset.done $0x0  }
0x3c: {  	s6 =	simm.s32 $0x1C00;
	s25 =	rddreg [dreg:$0x5];
	[sflag:s18] =	ssyncadd.s32 $0xFFFFE400  }
0x3d: {  	[tilespmem:s6], [sflag:$0x4] =	stream.linear.gather [hbm4b:s25+s3], $0x1C00, $0x38;
	[tilespmem:$0x1F580] =	vst v63  }
0x3e: {  	s7 =	rddreg [dreg:$0x6]  }
0x3f: {  	[tilespmem:s20], [sflag:$0x4] =	stream.linear.gather [hbm4b:s7+s3], $0x80, $0x38;
	[tilespmem:$0x1F580] =	vst v63  }
0x40: {  	_ = 	snop  }
0x41: {  	[tilespmem:s21], [sflag:$0x4] =	stream.linear.gather [hbm4b:s8+s3], $0x80, $0x38;
	[tilespmem:$0x1F580] =	vst v63  }
0x42: {  	s24 =	simm.s32 $0x80  }
0x43: {  	[tilespmem:s23], [sflag:$0x1] =	stream.indirect.gather [hbm4b:s4+s22], $0x80, s3, s22, $0xb8;
	[tilespmem:$0x1F580] =	vst v63  }
0x44: {  	s5 =	sshrl.u32 @p0 s11, $0x3;
	s25 =	simm.s32 $0x6500;
	s6 =	simm.s32 @p0 $0x1FC5  }
0x45: {  	[tilespmem:s25], [sflag:$0x2] =	stream.indirect.gather [hbm4b:s4+s22], $0x80, s24, s22, $0xb8;
	[tilespmem:$0x1F580] =	vst v63  }
0x46: {  	[spmem:s5], [sflag:s6] =	dma.local @p0 [hbm:s12], $0x2800  }
0x47: {  	s5 =	simm.s32 @p0 $0x5  }
0x48: {  	_ =	swait.ge @p0 [sflag:s5], $0x2800  }
0x49: {  	s6 =	sshll.u32 @!p0 s0, $0x6;
	[sflag:s5] =	ssyncset.done @p0 $0x0  }
0x4a: {  	[sflag:s5] =	ssyncadd.s32 @p0 $0xFFFFD800;
	s5 =	sor.u32 @!p0 $0x1C05, s6;
	s6 =	sshrl.u32 @!p0 s9, $0x3  }
0x4b: {  	[spmem:s6], [sflag:s5] =	dma.local @!p0 [hbm:s10], $0x2700  }
0x4c: {  	s5 =	simm.s32 @!p0 $0x5  }
0x4d: {  	_ =	swait.ge @!p0 [sflag:s5], $0x2700  }
0x4e: {  	[sflag:s5] =	ssyncset.done @!p0 $0x0  }
0x4f: {  	[sflag:s5] =	ssyncadd.s32 @!p0 $0xFFFFD900  }
0x50: {  	_ =	swait.ge [sflag:s26], $0x1C00  }
0x51: {  	[sflag:s26] =	ssyncset.done $0x0  }
0x52: {  	[sflag:s26] =	ssyncadd.s32 $0xFFFFE400  }
0x53: {  	_ =	swait.ge [sflag:s26], $0x80  }
0x54: {  	[sflag:s26] =	ssyncset.done $0x0  }
0x55: {  	[sflag:s26] =	ssyncadd.s32 $0xFFFFFF80  }
.Ltmp2:
0x56: {  	_ =	swait.ge [sflag:s26], $0x80;
	(pc) =	sbr.rel .LBB2_2-.Ltmp2, $4  }
0x57: {  	[sflag:s26] =	ssyncset.done $0x0  }
0x58: {  	[sflag:s26] =	ssyncadd.s32 $0xFFFFFF80  }
0x59: {  	[bflag:$0x0] =	sbarrier.arrive $0xFFFF  }
0x5a: {  	s24 =	simm.s32 $0x100;
	s25 =	simm.s32 $0x1C00;
	s5 =	simm.s32 $0x0  }
.LBB2_7:
0x5b: {  	_ =	swait.ge [sflag:s28], $0x2C00  }
0x5c: {  	[sflag:s28] =	ssyncset.done $0x0  }
0x5d: {  	[sflag:s28] =	ssyncadd.s32 $0xFFFFD400  }
0x5e: {  	_ =	swait.ge [sflag:s26], $0x2C00  }
0x5f: {  	p5 =	sgt.u32 s5, $0x35;
	[sflag:s26] =	ssyncset.done $0x0  }
0x60: {  	s6 =	simm.s32 @!p5 $0x58;
	s7 =	simm.s32 @!p5 $0x6500;
	[sflag:s26] =	ssyncadd.s32 $0xFFFFD400  }
0x61: {  	[tilespmem:s7], [sflag:$0x2] =	stream.indirect.gather @!p5 [hbm4b:s4+s6], $0x80, s24, s6, $0xb8;
	[tilespmem:$0x1F580] =	vst v63  }
0x62: {  	s6 =	simm.s32 @!p5 $0x9100  }
0x63: {  	s6 =	simm.s32 @p5 $0x9100  }
.LBB2_8:
0x64: {  	s5 =	sadd.s32 $0x1, s5  }
0x65: {  	p5 =	sne.s32 s5, $0x38  }
.Ltmp3:
0x66: {  	_ = 	snop;
	(pc) =	sbr.rel @!p5 .LBB2_9-.Ltmp3, $3  }
0x67: {  	_ =	sdelay $0x1  }
0x68: {  	[spmem:s2] =	stream.indirect.scatter.add.f32 [tilespmem:s6], [sflag:$0x4], $0x80, s25, s22, $0xb8;
	[tilespmem:$0x1F580] =	vst v63  }
0x69: {  	s25 =	sadd.s32 $0x80, s25;
	s24 =	sadd.s32 $0x80, s24  }
.LBB2_2:
0x6a: {  	s6 =	smul.u32 $0xAB, s5;
	_ =	sdelay $0x1  }
0x6b: {  	s6 =	sshrl.u32 s6, $0x9  }
0x6c: {  	s6 =	sand.u32 $0x7F, s6  }
0x6d: {  	s6 =	smul.u32 $0x3, s6;
	_ =	sdelay $0x1  }
0x6e: {  	s6 =	ssub.s32 s5, s6  }
0x6f: {  	s6 =	sand.u32 $0xFF, s6  }
0x70: {  	p5 =	seq.s32 s6, $0x2  }
.Ltmp4:
0x71: {  	_ = 	snop;
	(pc) =	sbr.rel @p5 .LBB2_7-.Ltmp4, $1  }
0x72: {  	_ =	sdelay $0x3  }
0x73: {  	p5 =	seq.s32 s6, $0x1  }
.Ltmp5:
0x74: {  	_ = 	snop;
	(pc) =	sbr.rel @!p5 .LBB2_4-.Ltmp5, $1  }
0x75: {  	_ =	sdelay $0x3  }
0x76: {  	_ =	swait.ge [sflag:s1], $0x2C00  }
0x77: {  	[sflag:s1] =	ssyncset.done $0x0  }
0x78: {  	[sflag:s1] =	ssyncadd.s32 $0xFFFFD400  }
0x79: {  	_ =	swait.ge [sflag:s26], $0x2C00  }
.Ltmp6:
0x7a: {  	p5 =	sgt.u32 s5, $0x35;
	[sflag:s26] =	ssyncset.done $0x0;
	(pc) =	sbr.rel .LBB2_8-.Ltmp6, $4  }
0x7b: {  	s6 =	simm.s32 @!p5 $0x58;
	s7 =	simm.s32 @!p5 $0x3900;
	[sflag:s26] =	ssyncadd.s32 $0xFFFFD400  }
0x7c: {  	[tilespmem:s7], [sflag:$0x1] =	stream.indirect.gather @!p5 [hbm4b:s4+s6], $0x80, s24, s6, $0xb8;
	[tilespmem:$0x1F580] =	vst v63  }
0x7d: {  	s6 =	simm.s32 @!p5 $0x6500  }
0x7e: {  	s6 =	simm.s32 @p5 $0x6500  }
.LBB2_4:
0x7f: {  	p5 =	seq.s32 s5, $0x0  }
0x80: {  	p6 =	sgt.u32 @!p5 s5, $0x35  }
0x81: {  	_ =	swait.ge [sflag:s31], $0x2C00;
	p6 =	por p5, !p6  }
.Ltmp7:
0x82: {  	[sflag:s31] =	ssyncset.done $0x0;
	(pc) =	sbr.rel @!p6 .LBB2_8-.Ltmp7, $4  }
0x83: {  	s6 =	simm.s32 @!p5 $0x4;
	[sflag:s31] =	ssyncadd.s32 $0xFFFFD400  }
0x84: {  	_ =	swait.ge @!p5 [sflag:s6], $0x2C00  }
0x85: {  	[sflag:s6] =	ssyncset.done @!p5 $0x0  }
0x86: {  	[sflag:s6] =	ssyncadd.s32 @!p5 $0xFFFFD400;
	s6 =	simm.s32 @!p5 $0x3900  }
.Ltmp8:
0x87: {  	(pc) =	sbr.rel .LBB2_8-.Ltmp8, $3  }
0x88: {  	_ =	sdelay $0x1  }
0x89: {  	[tilespmem:s29], [sflag:$0x3] =	stream.indirect.gather [hbm4b:s4+s22], $0x80, s24, s22, $0xb8;
	[tilespmem:$0x1F580] =	vst v63  }
0x8a: {  	s6 =	simm.s32 $0x3900  }
.LBB2_10:
0x8b: {  	_ =	sfence.sel $0x180000  }
0x8c: {  	[bflag:$0x0] =	sbarrier.arrive $0xFFFF  }
0x8d: {  	_ =	strace $0x9000004D  }
0x8e: {  	[bflag:$0x2] =	sbarrier.arrive $0xFFFF  }
0x8f: {  	p0 =	sne.s32 s0, $0x0;
	s0 =	rddreg [dreg:$0x3]  }
0x90: {  	s0 =	sadd.s32 @!p0 $0x100000, s0  }
0x91: {  	[sflag:s0] =	ssyncadd.tile.s32 @!p0 $0x1;
	_ =	shalt  }
.Lfunc_end2:
_tile_overlayer_lowered:
.L_overlay_start_2:
0x92: {  	(tag) =	ssettag $0x2  }
0x93: {  	s0 =	rddreg [dreg:$0x0];
	s2 =	stileid.u32  }
0x94: {  	s1 =	rddreg [dreg:$0x1];
	p0 =	sne.s32 s2, $0x0  }
0x95: {  	s3 =	rddreg [dreg:$0x2];
	[bflag:$0x3] =	sbarrier.arrive $0xFFFF;
	s2 =	simm.s32 @!p0 $0x1C05  }
0x96: {  	[timem:s3], [sflag:s2] =	dma.local @!p0 [hbm:s0], s1  }
0x97: {  	s0 =	simm.s32 @!p0 $0x5  }
0x98: {  	_ =	swait.ge @!p0 [sflag:s0], s1  }
0x99: {  	s1 =	ssub.s32 @!p0 $0x0, s1;
	[sflag:s0] =	ssyncset.done @!p0 $0x0  }
0x9a: {  	[sflag:s0] =	ssyncadd.s32 @!p0 s1  }
0x9b: {  	[bflag:$0x3] =	sbarrier.arrive $0xFFFF  }
0x9c: {  	_ =	shalt  }

// kernel: kernel.18.cloned.1.call-start
scs
__scs_entry_jumppad:
0x0: {  	(pc) =	sbr.rel $0x88, $3  }
0x1: {  	(tag) =	ssettag $0x0;
	lr =	simm.s32 $0x1  }
0x2: {  	[smem:$0x3F99] =	sst lr;
	_ =	strace $0xD0000000  }
0x3: {  	_ = 	snop  }
0x4: {  	_ = 	snop  }
0x5: {  	_ = 	snop  }
0x6: {  	_ = 	snop  }
0x7: {  	_ = 	snop  }
__scs_overlays_trampoline_lowered:
0x8: {  	[smem:$0x3FA8] =	sst s0  }
0x9: {  	[smem:$0x3FA9] =	sst s1  }
0xa: {  	[smem:$0x3FAA] =	sst s2  }
0xb: {  	[smem:$0x3FAB] =	sst s3  }
0xc: {  	[smem:$0x3FAC] =	sst s4  }
0xd: {  	[smem:$0x3FAD] =	sst s5  }
0xe: {  	[smem:$0x3FAE] =	sst s6  }
0xf: {  	[smem:$0x3FAF] =	sst s7  }
0x10: {  	[smem:$0x3FB0] =	sst s8  }
0x11: {  	[smem:$0x3FB1] =	sst s9;
	s0 =	simm.s32 @!p0 $0x0  }
0x12: {  	s1 =	sld [smem:$0x3F97];
	s0 =	simm.s32 @p0 $0x1  }
0x13: {  	[smem:$0x3FB2] =	sst s0;
	s0 =	simm.s32 @!p1 $0x0  }
0x14: {  	s2 =	sld [smem:$0x3F96];
	s0 =	simm.s32 @p1 $0x1  }
0x15: {  	[smem:$0x3FB3] =	sst s0;
	s0 =	simm.s32 @!p2 $0x0  }
0x16: {  	s3 =	sld [smem:$0x3FDB];
	s0 =	simm.s32 @p2 $0x1  }
0x17: {  	s4 =	simm.s32 $0x1BF5;
	[smem:$0x3FB5] =	sst s0  }
0x18: {  	s0 =	sld [smem:$0x3F98];
	_ =	swait.ge [sflag:s4], $0x0  }
0x19: {  	s7 =	sld [smem:$0x3F99]  }
0x1a: {  	s8 =	sadd.s32 $0xFFFFE003, lr  }
0x1b: {  	s9 =	sadd.s32 $0xFFFFFEF7, lr;
	s5 =	simm.s32 $0xFFFFFFFF;
	p2 =	slt.u32 s8, $0xFFFFF086  }
0x1c: {  	p1 =	slt.u32 s9, $0xF7A;
	s5 =	simm.s32 @!p2 $0x0  }
0x1d: {  	s5 =	simm.s32 @p1 $0x1;
	p0 =	seq.s32 s7, s2  }
0x1e: {  	s7 =	smul.u32 @!p0 $0xF7A, s2;
	p2 =	seq.s32 @!p0 s5, $0x0  }
0x1f: {  	s9 =	smul.u32 $0xF7A, s1;
	s8 =	simm.s32 @!p0 $0x1BF5;
	p2 =	por !p2, p0  }
0x20: {  	[sflag:s8] =	ssyncset.s32 @!p0 $0xFFFFF086;
	s6 =	sadd.s32 @!p0 s3, s7;
	s7 =	simm.s32 @!p0 $0x108  }
0x21: {  	s3 =	sadd.s32 s3, s9;
	s6 =	sadd.s32 @!p0 $0x88, s6;
	s7 =	simm.s32 @p2 $0x1082  }
0x22: {  	[simem:s7], [sflag:s8] =	dma.local @!p0 [hbm:s6], $0xF7A  }
0x23: {  	s9 =	sor.u32 $0xD0000000, s2;
	s6 =	simm.s32 $0x108;
	_ =	swait.ge @!p0 [sflag:s8], $0x0  }
0x24: {  	s3 =	sadd.s32 $0x88, s3;
	s6 =	simm.s32 @!p1 $0x1082;
	[sflag:s4] =	ssyncset.s32 $0xFFFFF086  }
0x25: {  	[simem:s6], [sflag:s4] =	dma.local [hbm:s3], $0xF7A  }
0x26: {  	[smem:$0x3F99] =	sst s1;
	(tag) =	ssettag s2;
	_ =	strace s9  }
0x27: {  	s1 =	sld [smem:$0x3FA9]  }
0x28: {  	s2 =	sld [smem:$0x3FAA]  }
0x29: {  	s4 =	sld [smem:$0x3FAC]  }
0x2a: {  	p0 =	seq.s32 s5, $0x0;
	s5 =	sld [smem:$0x3FAD]  }
0x2b: {  	s6 =	sld [smem:$0x3FAE]  }
0x2c: {  	s7 =	sld [smem:$0x3FAF]  }
0x2d: {  	s3 =	simm.s32 $0x108;
	s8 =	sld [smem:$0x3FB0]  }
0x2e: {  	s3 =	simm.s32 @!p0 $0x1082;
	s9 =	sld [smem:$0x3FB1]  }
0x2f: {  	lr =	sadd.s32 s0, s3;
	s0 =	sld [smem:$0x3FA8]  }
0x30: {  	s3 =	sld [smem:$0x3FAB]  }
0x31: {  	[smem:$0x3FB4] =	sst s10  }
0x32: {  	s10 =	sld [smem:$0x3FB2];
	_ =	sdelay $0x3  }
0x33: {  	p0 =	seq.s32 s10, $0x1;
	s10 =	sld [smem:$0x3FB4];
	_ =	sdelay $0x3  }
0x34: {  	[smem:$0x3FB4] =	sst s10  }
0x35: {  	s10 =	sld [smem:$0x3FB3];
	_ =	sdelay $0x3  }
0x36: {  	p1 =	seq.s32 s10, $0x1;
	s10 =	sld [smem:$0x3FB4];
	_ =	sdelay $0x3  }
0x37: {  	[smem:$0x3FB4] =	sst s10  }
0x38: {  	s10 =	sld [smem:$0x3FB5]  }
0x39: {  	_ = 	snop;
	(pc) =	sbr.ind lr, $3  }
0x3a: {  	_ = 	snop  }
0x3b: {  	_ = 	snop  }
0x3c: {  	p2 =	seq.s32 s10, $0x1;
	s10 =	sld [smem:$0x3FB4]  }
0x3d: {  	_ =	shalt  }
0x3e: {  	_ =	shalt  }
0x3f: {  	_ =	shalt  }
0x40: {  	_ =	shalt  }
0x41: {  	_ =	shalt  }
0x42: {  	_ =	shalt  }
0x43: {  	_ =	shalt  }
0x44: {  	_ =	shalt  }
0x45: {  	_ =	shalt  }
0x46: {  	_ =	shalt  }
0x47: {  	_ =	shalt  }
0x48: {  	_ =	shalt  }
0x49: {  	_ =	shalt  }
0x4a: {  	_ =	shalt  }
0x4b: {  	_ =	shalt  }
0x4c: {  	_ =	shalt  }
0x4d: {  	_ =	shalt  }
0x4e: {  	_ =	shalt  }
0x4f: {  	_ =	shalt  }
0x50: {  	_ =	shalt  }
0x51: {  	_ =	shalt  }
0x52: {  	_ =	shalt  }
0x53: {  	_ =	shalt  }
0x54: {  	_ =	shalt  }
0x55: {  	_ =	shalt  }
0x56: {  	_ =	shalt  }
0x57: {  	_ =	shalt  }
0x58: {  	_ =	shalt  }
0x59: {  	_ =	shalt  }
0x5a: {  	_ =	shalt  }
0x5b: {  	_ =	shalt  }
0x5c: {  	_ =	shalt  }
0x5d: {  	_ =	shalt  }
0x5e: {  	_ =	shalt  }
0x5f: {  	_ =	shalt  }
0x60: {  	_ =	shalt  }
0x61: {  	_ =	shalt  }
0x62: {  	_ =	shalt  }
0x63: {  	_ =	shalt  }
0x64: {  	_ =	shalt  }
0x65: {  	_ =	shalt  }
0x66: {  	_ =	shalt  }
0x67: {  	_ =	shalt  }
0x68: {  	_ =	shalt  }
0x69: {  	_ =	shalt  }
0x6a: {  	_ =	shalt  }
0x6b: {  	_ =	shalt  }
0x6c: {  	_ =	shalt  }
0x6d: {  	_ =	shalt  }
0x6e: {  	_ =	shalt  }
0x6f: {  	_ =	shalt  }
0x70: {  	_ =	shalt  }
0x71: {  	_ =	shalt  }
0x72: {  	_ =	shalt  }
0x73: {  	_ =	shalt  }
0x74: {  	_ =	shalt  }
0x75: {  	_ =	shalt  }
0x76: {  	_ =	shalt  }
0x77: {  	_ =	shalt  }
0x78: {  	_ =	shalt  }
0x79: {  	_ =	shalt  }
0x7a: {  	_ =	shalt  }
0x7b: {  	_ =	shalt  }
0x7c: {  	_ =	shalt  }
0x7d: {  	_ =	shalt  }
0x7e: {  	_ =	shalt  }
0x7f: {  	_ =	shalt  }
0x80: {  	_ =	shalt  }
0x81: {  	_ =	shalt  }
0x82: {  	_ =	shalt  }
0x83: {  	_ =	shalt  }
0x84: {  	_ =	shalt  }
0x85: {  	_ =	shalt  }
0x86: {  	_ =	shalt  }
0x87: {  	_ =	shalt  }
.Lfunc_end0:
.L_simem_size_0:
called_computation.3_lowered:
.L_overlay_start_0:
0x88: {  	s2 =	sld [smem:$0x3FD9]  }
0x89: {  	s3 =	sld [smem:$0x3FFE];
	_ =	sdelay $0x1  }
0x8a: {  	s1 =	srdreg.scid  }
0x8b: {  	s0 =	sand.u32 $0x1, s1  }
0x8c: {  	s17 =	sshll.u32 s0, $0xA;
	s2 =	sadd.s32 s3, s2  }
0x8d: {  	s2 =	sadd.s32 s2, s17  }
0x8e: {  	[smem:$0x3FC0] =	sst s2  }
0x8f: {  	_ = 	snop  }
0x90: {  	s18 =	sld [smem:$0x3FD0];
	(tm) =	ssettm $0x1  }
0x91: {  	s19 =	sld [smem:$0x3FFB];
	_ =	sdelay $0x3  }
0x92: {  	_ =	strace s19  }
0x93: {  	s2 =	sld [smem:$0x3FFC];
	_ =	sdelay $0x3  }
0x94: {  	_ =	strace s2  }
0x95: {  	s2 =	sld [smem:$0x3FFD];
	_ =	sdelay $0x3  }
0x96: {  	_ =	strace s2  }
0x97: {  	_ =	strace $0x8FFFFFFF  }
0x98: {  	s20 =	sld [smem:$0x3FDB];
	_ =	sdelay $0x1  }
0x99: {  	s4 =	simm.s32 $_scs_section_size  }
0x9a: {  	s5 =	simm.s32 $_size__tile_overlayer_lowered;
	s6 =	simm.s32 $_tile_overlayer_lowered  }
0x9b: {  	s7 =	simm.s32 $0x1BFF;
	s21 =	sshll.u32 s6, $0x1;
	s4 =	sadd.s32 s4, s20  }
0x9c: {  	s22 =	simm.s32 $0x0;
	s5 =	sshll.u32 s5, $0x1;
	s6 =	sadd.s32 s21, s4  }
0x9d: {  	[timem:s22], [sflag:s7] =	dma.local [hbm:s6], s5  }
0x9e: {  	_ =	swait.ge [sflag:s7], s5  }
0x9f: {  	s5 =	ssub.s32 $0x0, s5;
	[sflag:s7] =	ssyncset.done $0x0  }
0xa0: {  	[sflag:s7] =	ssyncadd.s32 s5;
	_ =	sdelay $0x1  }
0xa1: {  	s23 =	simm.s32 $0x1B8B  }
0xa2: {  	_ =	swait.ge [sflag:s23], $0x1  }
0xa3: {  	[sflag:s23] =	ssyncset.done $0x0  }
0xa4: {  	[sflag:s23] =	ssyncadd.s32 $0xFFFFFFFF  }
0xa5: {  	s5 =	sld [smem:$0x0]  }
0xa6: {  	s6 =	sand.u32 $0xFFFFFFFE, s1  }
0xa7: {  	p0 =	sne.s32 s1, s6  }
0xa8: {  	s6 =	sshll.u32 @p0 s6, $0xE  }
0xa9: {  	s6 =	sadd.s32 @p0 $0x11B8D, s6;
	s7 =	sshll.u32 @p0 s5, $0x11  }
0xaa: {  	s6 =	sor.u32 @p0 s7, s6  }
0xab: {  	[sflag:s6] =	ssyncadd.remote.s32 @p0 $0x1;
	_ =	sdelay $0x1  }
0xac: {  	s6 =	simm.s32 @p0 $0x1B8D  }
0xad: {  	_ =	swait.eq @p0 [sflag:s6], $0x1  }
0xae: {  	[sflag:s6] =	ssyncadd.s32 @p0 $0xFFFFFFFF  }
0xaf: {  	s7 =	sshll.u32 @!p0 s1, $0xE  }
0xb0: {  	s7 =	sor.u32 @!p0 $0x4000, s7;
	s6 =	simm.s32 @!p0 $0x1B8D  }
0xb1: {  	s5 =	sshll.u32 @!p0 s5, $0x11;
	s7 =	sadd.s32 @!p0 $0x11B8D, s7;
	_ =	swait.eq @!p0 [sflag:s6], $0x1  }
0xb2: {  	s5 =	sor.u32 @!p0 s5, s7;
	[sflag:s6] =	ssyncadd.s32 @!p0 $0xFFFFFFFF  }
0xb3: {  	s25 =	simm.s32 $0x1B8E;
	s24 =	sld [smem:$0x3FFE];
	[sflag:s5] =	ssyncadd.remote.s32 @!p0 $0x1  }
0xb4: {  	s26 =	simm.s32 $execute0_lowered;
	[smem:$0x3FD2] =	sst s25  }
0xb5: {  	s6 =	sshll.u32 s26, $0x1;
	_ =	strace $0x8000004F;
	[dreg:$0x1] =	wrdreg $0xFFFFFFFF  }
0xb6: {  	s28 =	simm.s32 $_size_execute0_lowered;
	s4 =	sadd.s32 s4, s6;
	[dreg:$0x0] =	wrdreg $0x0  }
0xb7: {  	s6 =	sshll.u32 s28, $0x1;
	[dreg:$0x2] =	wrdreg s4  }
0xb8: {  	[dreg:$0x3] =	wrdreg s6  }
0xb9: {  	[dreg:$0x4] =	wrdreg $0xC0  }
0xba: {  	_ =	task [dreg:s22], $0x5FFFF  }
0xbb: {  	[dreg:$0x1] =	wrdreg $0xFFFFFFFF  }
0xbc: {  	[dreg:$0x0] =	wrdreg $0x60  }
0xbd: {  	[dreg:$0x2] =	wrdreg s24  }
0xbe: {  	[dreg:$0x3] =	wrdreg s18  }
0xbf: {  	[dreg:$0x4] =	wrdreg $0xBD000  }
0xc0: {  	[dreg:$0x5] =	wrdreg $0xA  }
0xc1: {  	_ =	task.clear_ibuf [dreg:s22], $0x6FFFF;
	_ =	strace $0x9000004F  }
0xc2: {  	s29 =	simm.s32 $0xA;
	_ =	strace $0x80000051  }
0xc3: {  	_ =	swait.ge [sflag:s29], $0x1  }
0xc4: {  	[sflag:s29] =	ssyncadd.s32 $0xFFFFFFFF  }
0xc5: {  	_ =	strace $0x90000051  }
0xc6: {  	_ =	sfence  }
0xc7: {  	s30 =	sld [smem:$0x0];
	_ =	sdelay $0x2  }
0xc8: {  	s31 =	sshll.u32 s1, $0xD;
	s1 =	sshrl.u32 s1, $0x2  }
0xc9: {  	s4 =	sand.u32 $0x4000, s31;
	s1 =	sadd.s32 s1, s30  }
0xca: {  	s0 =	sor.u32 s4, s0;
	s1 =	sshll.u32 s1, $0x11  }
0xcb: {  	s0 =	sor.u32 s1, s0  }
0xcc: {  	s0 =	sadd.s32 $0x8F2B, s0  }
0xcd: {  	[sflag:s0] =	ssyncadd.remote.s32 $0x1  }
0xce: {  	_ =	sfence.sel $0xFFFF  }
0xcf: {  	[dreg:$0x0] =	wrdreg $0xFFFFFFFF;
	(pc) =	sbr.abs _section_cstart, $3  }
0xd0: {  	[dreg:$0x1] =	wrdreg $0xFFFFFFFF  }
0xd1: {  	_ =	task.clear_ibuf [dreg:s22], $0x2FFFF;
	_ =	strace $0x9FFFFFFF  }
0xd2: {  	(tm) =	ssettm $0x7FFFFFFF  }
0xd3: {  	_ =	shalt  }
tec
execute0_lowered:
.L_overlay_start_1:
0x0: {  	(tag) =	ssettag $0x1  }
0x1: {  	s1 =	rddreg [dreg:$0x0]  }
0x2: {  	s0 =	srdreg.scid;
	s5 =	rddreg [dreg:$0x1]  }
0x3: {  	s2 =	rddreg [dreg:$0x2];
	s3 =	simm.s32 $0x0;
	s18 =	simm.s32 $0x5  }
0x4: {  	s20 =	simm.s32 $0x3800;
	s21 =	simm.s32 $0x3880;
	s22 =	simm.s32 $0x58  }
0x5: {  	s28 =	simm.s32 $0x3;
	s29 =	simm.s32 $0x9100;
	s30 =	simm.s32 $0x48  }
0x6: {  	s31 =	simm.s32 $0x1;
	s19 =	simm.s32 $0x0;
	s6 =	sand.u32 $0x1, s0  }
0x7: {  	s0 =	stileid.u32;
	s14 =	sadd.s32 $0x143100, s1;
	s4 =	smul.u32 $0x1C000, s6  }
0x8: {  	[smem:$0x7FF] =	sst s3;
	s16 =	sadd.s32 $0x16A300, s1;
	s7 =	smul.u32 $0x1C00, s0  }
0x9: {  	_ =	strace $0x80000050;
	s9 =	sshll.u32 s6, $0x8;
	s23 =	smul.u32 $0x2700, s0  }
0xa: {  	s10 =	sshll.u32 s0, $0x4;
	s11 =	ssub.s32 $0x2, s6;
	s13 =	smul.u32 $0x4E000, s0  }
0xb: {  	p4 =	seq.s32 s6, $0x1;
	p0 =	seq.s32 s0, $0xF;
	s9 =	sor.u32 s10, s9  }
0xc: {  	s12 =	sshrl.u32 s11, $0x1;
	s10 =	sadd.s32 $0x124800, s2;
	p2 =	seq.s32 @p4 s0, $0xF  }
0xd: {  	p5 =	seq.s32 @!p4 s0, $0xF;
	s7 =	sadd.s32 s7, s4;
	s4 =	sadd.s32 $0x82000, s1  }
0xe: {  	s9 =	sadd.s32 s9, s1;
	s15 =	sadd.s32 s23, s1;
	s17 =	ssub.s32 s11, s12  }
0xf: {  	s26 =	sshrl.u32 s13, $0x2;
	s12 =	sadd.s32 $0x7F700, s1;
	s23 =	simm.s32 $0x3900  }
0x10: {  	p1 =	por !p2, !p4;
	p2 =	por p2, !p4;
	p3 =	por !p5, p4  }
0x11: {  	p4 =	por p5, p4;
	s7 =	sshrl.u32 s7, $0x3;
	s25 =	sadd.s32 $0x5800, s9  }
.Ltmp0:
0x12: {  	s11 =	sadd.s32 $0x5AE00, s15;
	s13 =	sadd.s32 $0x11E800, s15;
	(pc) =	sbr.rel .LBB2_1-.Ltmp0, $4  }
0x13: {  	s15 =	sadd.s32 $0x145A00, s15;
	s17 =	smax.u32 s17, $0x1;
	s8 =	sadd.s32 s7, s1  }
0x14: {  	s5 =	sadd.s32 s5, s7;
	[dreg:$0x6] =	wrdreg s25;
	s1 =	simm.s32 $0x2  }
0x15: {  	[dreg:$0x4] =	wrdreg s5;
	s24 =	sadd.s32 $0x5A00, s8;
	s8 =	sadd.s32 $0x5600, s9  }
0x16: {  	s9 =	sadd.s32 s26, s2;
	s26 =	simm.s32 $0x4;
	[dreg:$0x5] =	wrdreg s24  }
.LBB2_9:
0x17: {  	_ =	swait.ge [sflag:s26], $0x2C00  }
0x18: {  	[sflag:s26] =	ssyncset.done $0x0  }
0x19: {  	[sflag:s26] =	ssyncadd.s32 $0xFFFFD400  }
0x1a: {  	[tilespmem:s23], [sflag:$0x1] =	stream.indirect.gather [hbm4b:s4+s30], $0x80, s20, s30, $0xb8;
	[tilespmem:$0x1F580] =	vst v63  }
0x1b: {  	_ =	swait.ge [sflag:s31], $0x2400  }
0x1c: {  	[sflag:s31] =	ssyncset.done $0x0  }
0x1d: {  	[sflag:s31] =	ssyncadd.s32 $0xFFFFDC00  }
0x1e: {  	[spmem:s2] =	stream.indirect.scatter.add.f32 [tilespmem:s23], [sflag:$0x5], $0x80, s21, s30, $0xb8;
	[tilespmem:$0x1F580] =	vst v63  }
0x1f: {  	_ =	swait.ge [sflag:s18], $0x2400  }
0x20: {  	[sflag:s18] =	ssyncset.done $0x0  }
0x21: {  	[sflag:s18] =	ssyncadd.s32 $0xFFFFDC00  }
0x22: {  	s5 =	sshrl.u32 @!p1 s10, $0x3;
	s6 =	simm.s32 @!p1 $0x1FC5;
	[bflag:$0x0] =	sbarrier.arrive $0xFFFF  }
0x23: {  	[hbm:s16], [sflag:s6] =	dma.local @!p1 [spmem:s5], $0x2800  }
0x24: {  	s5 =	simm.s32 @!p1 $0x5  }
0x25: {  	_ =	swait.ge @!p1 [sflag:s5], $0x2800  }
0x26: {  	s6 =	sshll.u32 @!p2 s0, $0x6;
	[sflag:s5] =	ssyncset.done @!p1 $0x0  }
0x27: {  	[sflag:s5] =	ssyncadd.s32 @!p1 $0xFFFFD800;
	s5 =	sor.u32 @!p2 $0x1C05, s6;
	s6 =	sshrl.u32 @!p2 s9, $0x3  }
0x28: {  	[hbm:s15], [sflag:s5] =	dma.local @!p2 [spmem:s6], $0x2700  }
0x29: {  	s5 =	simm.s32 @!p2 $0x5  }
0x2a: {  	_ =	swait.ge @!p2 [sflag:s5], $0x2700  }
0x2b: {  	[sflag:s5] =	ssyncset.done @!p2 $0x0  }
0x2c: {  	s6 =	simm.s32 @!p3 $0x1FC5;
	[sflag:s5] =	ssyncadd.s32 @!p2 $0xFFFFD900;
	s5 =	sshrl.u32 @!p3 s10, $0x3  }
0x2d: {  	[hbm:s14], [sflag:s6] =	dma.local @!p3 [spmem:s5], $0x2800  }
0x2e: {  	s5 =	simm.s32 @!p3 $0x5  }
0x2f: {  	s19 =	sadd.s32 $0x1, s19;
	_ =	swait.ge @!p3 [sflag:s5], $0x2800  }
0x30: {  	p5 =	sne.s32 s19, s17;
	s6 =	sshll.u32 @!p4 s0, $0x6;
	[sflag:s5] =	ssyncset.done @!p3 $0x0  }
0x31: {  	[sflag:s5] =	ssyncadd.s32 @!p3 $0xFFFFD800;
	s5 =	sor.u32 @!p4 $0x1C05, s6;
	s6 =	sshrl.u32 @!p4 s9, $0x3  }
0x32: {  	[hbm:s13], [sflag:s5] =	dma.local @!p4 [spmem:s6], $0x2700  }
.Ltmp1:
0x33: {  	_ = 	snop;
	(pc) =	sbr.rel @!p5 .LBB2_10-.Ltmp1, $4  }
0x34: {  	s5 =	simm.s32 @!p4 $0x5  }
0x35: {  	_ =	swait.ge @!p4 [sflag:s5], $0x2700  }
0x36: {  	[sflag:s5] =	ssyncset.done @!p4 $0x0  }
0x37: {  	[sflag:s5] =	ssyncadd.s32 @!p4 $0xFFFFD900  }
.LBB2_1:
0x38: {  	s5 =	rddreg [dreg:$0x4]  }
0x39: {  	[tilespmem:s3], [sflag:$0x5] =	stream.linear.gather [hbm4b:s5+s3], $0x1C00, $0x38;
	[tilespmem:$0x1F580] =	vst v63  }
0x3a: {  	_ =	swait.ge [sflag:s18], $0x1C00  }
0x3b: {  	[sflag:s18] =	ssyncset.done $0x0  }
0x3c: {  	s6 =	simm.s32 $0x1C00;
	s25 =	rddreg [dreg:$0x5];
	[sflag:s18] =	ssyncadd.s32 $0xFFFFE400  }
0x3d: {  	[tilespmem:s6], [sflag:$0x4] =	stream.linear.gather [hbm4b:s25+s3], $0x1C00, $0x38;
	[tilespmem:$0x1F580] =	vst v63  }
0x3e: {  	s7 =	rddreg [dreg:$0x6]  }
0x3f: {  	[tilespmem:s20], [sflag:$0x4] =	stream.linear.gather [hbm4b:s7+s3], $0x80, $0x38;
	[tilespmem:$0x1F580] =	vst v63  }
0x40: {  	_ = 	snop  }
0x41: {  	[tilespmem:s21], [sflag:$0x4] =	stream.linear.gather [hbm4b:s8+s3], $0x80, $0x38;
	[tilespmem:$0x1F580] =	vst v63  }
0x42: {  	s24 =	simm.s32 $0x80  }
0x43: {  	[tilespmem:s23], [sflag:$0x1] =	stream.indirect.gather [hbm4b:s4+s22], $0x80, s3, s22, $0xb8;
	[tilespmem:$0x1F580] =	vst v63  }
0x44: {  	s5 =	sshrl.u32 @p0 s10, $0x3;
	s25 =	simm.s32 $0x6500;
	s6 =	simm.s32 @p0 $0x1FC5  }
0x45: {  	[tilespmem:s25], [sflag:$0x2] =	stream.indirect.gather [hbm4b:s4+s22], $0x80, s24, s22, $0xb8;
	[tilespmem:$0x1F580] =	vst v63  }
0x46: {  	[spmem:s5], [sflag:s6] =	dma.local @p0 [hbm:s12], $0x2800  }
0x47: {  	s5 =	simm.s32 @p0 $0x5  }
0x48: {  	_ =	swait.ge @p0 [sflag:s5], $0x2800  }
0x49: {  	s6 =	sshll.u32 @!p0 s0, $0x6;
	[sflag:s5] =	ssyncset.done @p0 $0x0  }
0x4a: {  	[sflag:s5] =	ssyncadd.s32 @p0 $0xFFFFD800;
	s5 =	sor.u32 @!p0 $0x1C05, s6;
	s6 =	sshrl.u32 @!p0 s9, $0x3  }
0x4b: {  	[spmem:s6], [sflag:s5] =	dma.local @!p0 [hbm:s11], $0x2700  }
0x4c: {  	s5 =	simm.s32 @!p0 $0x5  }
0x4d: {  	_ =	swait.ge @!p0 [sflag:s5], $0x2700  }
0x4e: {  	[sflag:s5] =	ssyncset.done @!p0 $0x0  }
0x4f: {  	[sflag:s5] =	ssyncadd.s32 @!p0 $0xFFFFD900  }
0x50: {  	_ =	swait.ge [sflag:s26], $0x1C00  }
0x51: {  	[sflag:s26] =	ssyncset.done $0x0  }
0x52: {  	[sflag:s26] =	ssyncadd.s32 $0xFFFFE400  }
0x53: {  	_ =	swait.ge [sflag:s26], $0x80  }
0x54: {  	[sflag:s26] =	ssyncset.done $0x0  }
0x55: {  	[sflag:s26] =	ssyncadd.s32 $0xFFFFFF80  }
.Ltmp2:
0x56: {  	_ =	swait.ge [sflag:s26], $0x80;
	(pc) =	sbr.rel .LBB2_2-.Ltmp2, $4  }
0x57: {  	[sflag:s26] =	ssyncset.done $0x0  }
0x58: {  	[sflag:s26] =	ssyncadd.s32 $0xFFFFFF80  }
0x59: {  	[bflag:$0x0] =	sbarrier.arrive $0xFFFF  }
0x5a: {  	s24 =	simm.s32 $0x100;
	s25 =	simm.s32 $0x1C00;
	s5 =	simm.s32 $0x0  }
.LBB2_7:
0x5b: {  	_ =	swait.ge [sflag:s28], $0x2C00  }
0x5c: {  	[sflag:s28] =	ssyncset.done $0x0  }
0x5d: {  	[sflag:s28] =	ssyncadd.s32 $0xFFFFD400  }
0x5e: {  	_ =	swait.ge [sflag:s26], $0x2C00  }
0x5f: {  	p5 =	sgt.u32 s5, $0x35;
	[sflag:s26] =	ssyncset.done $0x0  }
0x60: {  	s6 =	simm.s32 @!p5 $0x58;
	s7 =	simm.s32 @!p5 $0x6500;
	[sflag:s26] =	ssyncadd.s32 $0xFFFFD400  }
0x61: {  	[tilespmem:s7], [sflag:$0x2] =	stream.indirect.gather @!p5 [hbm4b:s4+s6], $0x80, s24, s6, $0xb8;
	[tilespmem:$0x1F580] =	vst v63  }
0x62: {  	s6 =	simm.s32 @!p5 $0x9100  }
0x63: {  	s6 =	simm.s32 @p5 $0x9100  }
.LBB2_8:
0x64: {  	s5 =	sadd.s32 $0x1, s5  }
0x65: {  	p5 =	sne.s32 s5, $0x38  }
.Ltmp3:
0x66: {  	_ = 	snop;
	(pc) =	sbr.rel @!p5 .LBB2_9-.Ltmp3, $3  }
0x67: {  	_ =	sdelay $0x1  }
0x68: {  	[spmem:s2] =	stream.indirect.scatter.add.f32 [tilespmem:s6], [sflag:$0x4], $0x80, s25, s22, $0xb8;
	[tilespmem:$0x1F580] =	vst v63  }
0x69: {  	s25 =	sadd.s32 $0x80, s25;
	s24 =	sadd.s32 $0x80, s24  }
.LBB2_2:
0x6a: {  	s6 =	smul.u32 $0xAB, s5;
	_ =	sdelay $0x1  }
0x6b: {  	s6 =	sshrl.u32 s6, $0x9  }
0x6c: {  	s6 =	sand.u32 $0x7F, s6  }
0x6d: {  	s6 =	smul.u32 $0x3, s6;
	_ =	sdelay $0x1  }
0x6e: {  	s6 =	ssub.s32 s5, s6  }
0x6f: {  	s6 =	sand.u32 $0xFF, s6  }
0x70: {  	p5 =	seq.s32 s6, $0x2  }
.Ltmp4:
0x71: {  	_ = 	snop;
	(pc) =	sbr.rel @p5 .LBB2_7-.Ltmp4, $1  }
0x72: {  	_ =	sdelay $0x3  }
0x73: {  	p5 =	seq.s32 s6, $0x1  }
.Ltmp5:
0x74: {  	_ = 	snop;
	(pc) =	sbr.rel @!p5 .LBB2_4-.Ltmp5, $1  }
0x75: {  	_ =	sdelay $0x3  }
0x76: {  	_ =	swait.ge [sflag:s1], $0x2C00  }
0x77: {  	[sflag:s1] =	ssyncset.done $0x0  }
0x78: {  	[sflag:s1] =	ssyncadd.s32 $0xFFFFD400  }
0x79: {  	_ =	swait.ge [sflag:s26], $0x2C00  }
.Ltmp6:
0x7a: {  	p5 =	sgt.u32 s5, $0x35;
	[sflag:s26] =	ssyncset.done $0x0;
	(pc) =	sbr.rel .LBB2_8-.Ltmp6, $4  }
0x7b: {  	s6 =	simm.s32 @!p5 $0x58;
	s7 =	simm.s32 @!p5 $0x3900;
	[sflag:s26] =	ssyncadd.s32 $0xFFFFD400  }
0x7c: {  	[tilespmem:s7], [sflag:$0x1] =	stream.indirect.gather @!p5 [hbm4b:s4+s6], $0x80, s24, s6, $0xb8;
	[tilespmem:$0x1F580] =	vst v63  }
0x7d: {  	s6 =	simm.s32 @!p5 $0x6500  }
0x7e: {  	s6 =	simm.s32 @p5 $0x6500  }
.LBB2_4:
0x7f: {  	p5 =	seq.s32 s5, $0x0  }
0x80: {  	p6 =	sgt.u32 @!p5 s5, $0x35  }
0x81: {  	_ =	swait.ge [sflag:s31], $0x2C00;
	p6 =	por p5, !p6  }
.Ltmp7:
0x82: {  	[sflag:s31] =	ssyncset.done $0x0;
	(pc) =	sbr.rel @!p6 .LBB2_8-.Ltmp7, $4  }
0x83: {  	s6 =	simm.s32 @!p5 $0x4;
	[sflag:s31] =	ssyncadd.s32 $0xFFFFD400  }
0x84: {  	_ =	swait.ge @!p5 [sflag:s6], $0x2C00  }
0x85: {  	[sflag:s6] =	ssyncset.done @!p5 $0x0  }
0x86: {  	[sflag:s6] =	ssyncadd.s32 @!p5 $0xFFFFD400;
	s6 =	simm.s32 @!p5 $0x3900  }
.Ltmp8:
0x87: {  	(pc) =	sbr.rel .LBB2_8-.Ltmp8, $3  }
0x88: {  	_ =	sdelay $0x1  }
0x89: {  	[tilespmem:s29], [sflag:$0x3] =	stream.indirect.gather [hbm4b:s4+s22], $0x80, s24, s22, $0xb8;
	[tilespmem:$0x1F580] =	vst v63  }
0x8a: {  	s6 =	simm.s32 $0x3900  }
.LBB2_10:
0x8b: {  	_ =	sfence.sel $0x180000  }
0x8c: {  	[bflag:$0x0] =	sbarrier.arrive $0xFFFF  }
0x8d: {  	_ =	strace $0x90000050  }
0x8e: {  	[bflag:$0x2] =	sbarrier.arrive $0xFFFF  }
0x8f: {  	p0 =	sne.s32 s0, $0x0;
	s0 =	rddreg [dreg:$0x3]  }
0x90: {  	s0 =	sadd.s32 @!p0 $0x100000, s0  }
0x91: {  	[sflag:s0] =	ssyncadd.tile.s32 @!p0 $0x1;
	_ =	shalt  }
.Lfunc_end2:
_tile_overlayer_lowered:
.L_overlay_start_2:
0x92: {  	(tag) =	ssettag $0x2  }
0x93: {  	s0 =	rddreg [dreg:$0x0];
	s2 =	stileid.u32  }
0x94: {  	s1 =	rddreg [dreg:$0x1];
	p0 =	sne.s32 s2, $0x0  }
0x95: {  	s3 =	rddreg [dreg:$0x2];
	[bflag:$0x3] =	sbarrier.arrive $0xFFFF;
	s2 =	simm.s32 @!p0 $0x1C05  }
0x96: {  	[timem:s3], [sflag:s2] =	dma.local @!p0 [hbm:s0], s1  }
0x97: {  	s0 =	simm.s32 @!p0 $0x5  }
0x98: {  	_ =	swait.ge @!p0 [sflag:s0], s1  }
0x99: {  	s1 =	ssub.s32 @!p0 $0x0, s1;
	[sflag:s0] =	ssyncset.done @!p0 $0x0  }
0x9a: {  	[sflag:s0] =	ssyncadd.s32 @!p0 s1  }
0x9b: {  	[bflag:$0x3] =	sbarrier.arrive $0xFFFF  }
0x9c: {  	_ =	shalt  }

// kernel: kernel.21.cloned.1.call-start
scs
__scs_entry_jumppad:
0x0: {  	(pc) =	sbr.rel $0x88, $3  }
0x1: {  	(tag) =	ssettag $0x0;
	lr =	simm.s32 $0x1  }
0x2: {  	[smem:$0x3F99] =	sst lr;
	_ =	strace $0xD0000000  }
0x3: {  	_ = 	snop  }
0x4: {  	_ = 	snop  }
0x5: {  	_ = 	snop  }
0x6: {  	_ = 	snop  }
0x7: {  	_ = 	snop  }
__scs_overlays_trampoline_lowered:
0x8: {  	[smem:$0x3FA8] =	sst s0  }
0x9: {  	[smem:$0x3FA9] =	sst s1  }
0xa: {  	[smem:$0x3FAA] =	sst s2  }
0xb: {  	[smem:$0x3FAB] =	sst s3  }
0xc: {  	[smem:$0x3FAC] =	sst s4  }
0xd: {  	[smem:$0x3FAD] =	sst s5  }
0xe: {  	[smem:$0x3FAE] =	sst s6  }
0xf: {  	[smem:$0x3FAF] =	sst s7  }
0x10: {  	[smem:$0x3FB0] =	sst s8  }
0x11: {  	[smem:$0x3FB1] =	sst s9;
	s0 =	simm.s32 @!p0 $0x0  }
0x12: {  	s1 =	sld [smem:$0x3F97];
	s0 =	simm.s32 @p0 $0x1  }
0x13: {  	[smem:$0x3FB2] =	sst s0;
	s0 =	simm.s32 @!p1 $0x0  }
0x14: {  	s2 =	sld [smem:$0x3F96];
	s0 =	simm.s32 @p1 $0x1  }
0x15: {  	[smem:$0x3FB3] =	sst s0;
	s0 =	simm.s32 @!p2 $0x0  }
0x16: {  	s3 =	sld [smem:$0x3FDB];
	s0 =	simm.s32 @p2 $0x1  }
0x17: {  	s4 =	simm.s32 $0x1BF5;
	[smem:$0x3FB5] =	sst s0  }
0x18: {  	s0 =	sld [smem:$0x3F98];
	_ =	swait.ge [sflag:s4], $0x0  }
0x19: {  	s7 =	sld [smem:$0x3F99]  }
0x1a: {  	s8 =	sadd.s32 $0xFFFFE003, lr  }
0x1b: {  	s9 =	sadd.s32 $0xFFFFFEF7, lr;
	s5 =	simm.s32 $0xFFFFFFFF;
	p2 =	slt.u32 s8, $0xFFFFF086  }
0x1c: {  	p1 =	slt.u32 s9, $0xF7A;
	s5 =	simm.s32 @!p2 $0x0  }
0x1d: {  	s5 =	simm.s32 @p1 $0x1;
	p0 =	seq.s32 s7, s2  }
0x1e: {  	s7 =	smul.u32 @!p0 $0xF7A, s2;
	p2 =	seq.s32 @!p0 s5, $0x0  }
0x1f: {  	s9 =	smul.u32 $0xF7A, s1;
	s8 =	simm.s32 @!p0 $0x1BF5;
	p2 =	por !p2, p0  }
0x20: {  	[sflag:s8] =	ssyncset.s32 @!p0 $0xFFFFF086;
	s6 =	sadd.s32 @!p0 s3, s7;
	s7 =	simm.s32 @!p0 $0x108  }
0x21: {  	s3 =	sadd.s32 s3, s9;
	s6 =	sadd.s32 @!p0 $0x88, s6;
	s7 =	simm.s32 @p2 $0x1082  }
0x22: {  	[simem:s7], [sflag:s8] =	dma.local @!p0 [hbm:s6], $0xF7A  }
0x23: {  	s9 =	sor.u32 $0xD0000000, s2;
	s6 =	simm.s32 $0x108;
	_ =	swait.ge @!p0 [sflag:s8], $0x0  }
0x24: {  	s3 =	sadd.s32 $0x88, s3;
	s6 =	simm.s32 @!p1 $0x1082;
	[sflag:s4] =	ssyncset.s32 $0xFFFFF086  }
0x25: {  	[simem:s6], [sflag:s4] =	dma.local [hbm:s3], $0xF7A  }
0x26: {  	[smem:$0x3F99] =	sst s1;
	(tag) =	ssettag s2;
	_ =	strace s9  }
0x27: {  	s1 =	sld [smem:$0x3FA9]  }
0x28: {  	s2 =	sld [smem:$0x3FAA]  }
0x29: {  	s4 =	sld [smem:$0x3FAC]  }
0x2a: {  	p0 =	seq.s32 s5, $0x0;
	s5 =	sld [smem:$0x3FAD]  }
0x2b: {  	s6 =	sld [smem:$0x3FAE]  }
0x2c: {  	s7 =	sld [smem:$0x3FAF]  }
0x2d: {  	s3 =	simm.s32 $0x108;
	s8 =	sld [smem:$0x3FB0]  }
0x2e: {  	s3 =	simm.s32 @!p0 $0x1082;
	s9 =	sld [smem:$0x3FB1]  }
0x2f: {  	lr =	sadd.s32 s0, s3;
	s0 =	sld [smem:$0x3FA8]  }
0x30: {  	s3 =	sld [smem:$0x3FAB]  }
0x31: {  	[smem:$0x3FB4] =	sst s10  }
0x32: {  	s10 =	sld [smem:$0x3FB2];
	_ =	sdelay $0x3  }
0x33: {  	p0 =	seq.s32 s10, $0x1;
	s10 =	sld [smem:$0x3FB4];
	_ =	sdelay $0x3  }
0x34: {  	[smem:$0x3FB4] =	sst s10  }
0x35: {  	s10 =	sld [smem:$0x3FB3];
	_ =	sdelay $0x3  }
0x36: {  	p1 =	seq.s32 s10, $0x1;
	s10 =	sld [smem:$0x3FB4];
	_ =	sdelay $0x3  }
0x37: {  	[smem:$0x3FB4] =	sst s10  }
0x38: {  	s10 =	sld [smem:$0x3FB5]  }
0x39: {  	_ = 	snop;
	(pc) =	sbr.ind lr, $3  }
0x3a: {  	_ = 	snop  }
0x3b: {  	_ = 	snop  }
0x3c: {  	p2 =	seq.s32 s10, $0x1;
	s10 =	sld [smem:$0x3FB4]  }
0x3d: {  	_ =	shalt  }
0x3e: {  	_ =	shalt  }
0x3f: {  	_ =	shalt  }
0x40: {  	_ =	shalt  }
0x41: {  	_ =	shalt  }
0x42: {  	_ =	shalt  }
0x43: {  	_ =	shalt  }
0x44: {  	_ =	shalt  }
0x45: {  	_ =	shalt  }
0x46: {  	_ =	shalt  }
0x47: {  	_ =	shalt  }
0x48: {  	_ =	shalt  }
0x49: {  	_ =	shalt  }
0x4a: {  	_ =	shalt  }
0x4b: {  	_ =	shalt  }
0x4c: {  	_ =	shalt  }
0x4d: {  	_ =	shalt  }
0x4e: {  	_ =	shalt  }
0x4f: {  	_ =	shalt  }
0x50: {  	_ =	shalt  }
0x51: {  	_ =	shalt  }
0x52: {  	_ =	shalt  }
0x53: {  	_ =	shalt  }
0x54: {  	_ =	shalt  }
0x55: {  	_ =	shalt  }
0x56: {  	_ =	shalt  }
0x57: {  	_ =	shalt  }
0x58: {  	_ =	shalt  }
0x59: {  	_ =	shalt  }
0x5a: {  	_ =	shalt  }
0x5b: {  	_ =	shalt  }
0x5c: {  	_ =	shalt  }
0x5d: {  	_ =	shalt  }
0x5e: {  	_ =	shalt  }
0x5f: {  	_ =	shalt  }
0x60: {  	_ =	shalt  }
0x61: {  	_ =	shalt  }
0x62: {  	_ =	shalt  }
0x63: {  	_ =	shalt  }
0x64: {  	_ =	shalt  }
0x65: {  	_ =	shalt  }
0x66: {  	_ =	shalt  }
0x67: {  	_ =	shalt  }
0x68: {  	_ =	shalt  }
0x69: {  	_ =	shalt  }
0x6a: {  	_ =	shalt  }
0x6b: {  	_ =	shalt  }
0x6c: {  	_ =	shalt  }
0x6d: {  	_ =	shalt  }
0x6e: {  	_ =	shalt  }
0x6f: {  	_ =	shalt  }
0x70: {  	_ =	shalt  }
0x71: {  	_ =	shalt  }
0x72: {  	_ =	shalt  }
0x73: {  	_ =	shalt  }
0x74: {  	_ =	shalt  }
0x75: {  	_ =	shalt  }
0x76: {  	_ =	shalt  }
0x77: {  	_ =	shalt  }
0x78: {  	_ =	shalt  }
0x79: {  	_ =	shalt  }
0x7a: {  	_ =	shalt  }
0x7b: {  	_ =	shalt  }
0x7c: {  	_ =	shalt  }
0x7d: {  	_ =	shalt  }
0x7e: {  	_ =	shalt  }
0x7f: {  	_ =	shalt  }
0x80: {  	_ =	shalt  }
0x81: {  	_ =	shalt  }
0x82: {  	_ =	shalt  }
0x83: {  	_ =	shalt  }
0x84: {  	_ =	shalt  }
0x85: {  	_ =	shalt  }
0x86: {  	_ =	shalt  }
0x87: {  	_ =	shalt  }
.Lfunc_end0:
.L_simem_size_0:
called_computation.4_lowered:
.L_overlay_start_0:
0x88: {  	s2 =	sld [smem:$0x3FD9]  }
0x89: {  	s3 =	sld [smem:$0x3FFE];
	_ =	sdelay $0x1  }
0x8a: {  	s1 =	srdreg.scid  }
0x8b: {  	s0 =	sand.u32 $0x1, s1  }
0x8c: {  	s17 =	sshll.u32 s0, $0xA;
	s2 =	sadd.s32 s3, s2  }
0x8d: {  	s2 =	sadd.s32 s2, s17  }
0x8e: {  	[smem:$0x3FC0] =	sst s2  }
0x8f: {  	_ = 	snop  }
0x90: {  	s18 =	sld [smem:$0x3FD0];
	(tm) =	ssettm $0x1  }
0x91: {  	s19 =	sld [smem:$0x3FFB];
	_ =	sdelay $0x3  }
0x92: {  	_ =	strace s19  }
0x93: {  	s2 =	sld [smem:$0x3FFC];
	_ =	sdelay $0x3  }
0x94: {  	_ =	strace s2  }
0x95: {  	s2 =	sld [smem:$0x3FFD];
	_ =	sdelay $0x3  }
0x96: {  	_ =	strace s2  }
0x97: {  	_ =	strace $0x8FFFFFFF  }
0x98: {  	s20 =	sld [smem:$0x3FDB];
	_ =	sdelay $0x1  }
0x99: {  	s4 =	simm.s32 $_scs_section_size  }
0x9a: {  	s5 =	simm.s32 $_size__tile_overlayer_lowered;
	s6 =	simm.s32 $_tile_overlayer_lowered  }
0x9b: {  	s7 =	simm.s32 $0x1BFF;
	s21 =	sshll.u32 s6, $0x1;
	s4 =	sadd.s32 s4, s20  }
0x9c: {  	s22 =	simm.s32 $0x0;
	s5 =	sshll.u32 s5, $0x1;
	s6 =	sadd.s32 s21, s4  }
0x9d: {  	[timem:s22], [sflag:s7] =	dma.local [hbm:s6], s5  }
0x9e: {  	_ =	swait.ge [sflag:s7], s5  }
0x9f: {  	s5 =	ssub.s32 $0x0, s5;
	[sflag:s7] =	ssyncset.done $0x0  }
0xa0: {  	[sflag:s7] =	ssyncadd.s32 s5;
	_ =	sdelay $0x1  }
0xa1: {  	s23 =	simm.s32 $0x1B8B  }
0xa2: {  	_ =	swait.ge [sflag:s23], $0x1  }
0xa3: {  	[sflag:s23] =	ssyncset.done $0x0  }
0xa4: {  	[sflag:s23] =	ssyncadd.s32 $0xFFFFFFFF  }
0xa5: {  	s5 =	sld [smem:$0x0]  }
0xa6: {  	s6 =	sand.u32 $0xFFFFFFFE, s1  }
0xa7: {  	p0 =	sne.s32 s1, s6  }
0xa8: {  	s6 =	sshll.u32 @p0 s6, $0xE  }
0xa9: {  	s6 =	sadd.s32 @p0 $0x11B8D, s6;
	s7 =	sshll.u32 @p0 s5, $0x11  }
0xaa: {  	s6 =	sor.u32 @p0 s7, s6  }
0xab: {  	[sflag:s6] =	ssyncadd.remote.s32 @p0 $0x1;
	_ =	sdelay $0x1  }
0xac: {  	s6 =	simm.s32 @p0 $0x1B8D  }
0xad: {  	_ =	swait.eq @p0 [sflag:s6], $0x1  }
0xae: {  	[sflag:s6] =	ssyncadd.s32 @p0 $0xFFFFFFFF  }
0xaf: {  	s7 =	sshll.u32 @!p0 s1, $0xE  }
0xb0: {  	s7 =	sor.u32 @!p0 $0x4000, s7;
	s6 =	simm.s32 @!p0 $0x1B8D  }
0xb1: {  	s5 =	sshll.u32 @!p0 s5, $0x11;
	s7 =	sadd.s32 @!p0 $0x11B8D, s7;
	_ =	swait.eq @!p0 [sflag:s6], $0x1  }
0xb2: {  	s5 =	sor.u32 @!p0 s5, s7;
	[sflag:s6] =	ssyncadd.s32 @!p0 $0xFFFFFFFF  }
0xb3: {  	s25 =	simm.s32 $0x1B8E;
	s24 =	sld [smem:$0x3FFE];
	[sflag:s5] =	ssyncadd.remote.s32 @!p0 $0x1  }
0xb4: {  	s26 =	simm.s32 $execute0_lowered;
	[smem:$0x3FD2] =	sst s25  }
0xb5: {  	s6 =	sshll.u32 s26, $0x1;
	_ =	strace $0x80000052;
	[dreg:$0x1] =	wrdreg $0xFFFFFFFF  }
0xb6: {  	s28 =	simm.s32 $_size_execute0_lowered;
	s4 =	sadd.s32 s4, s6;
	[dreg:$0x0] =	wrdreg $0x0  }
0xb7: {  	s6 =	sshll.u32 s28, $0x1;
	[dreg:$0x2] =	wrdreg s4  }
0xb8: {  	[dreg:$0x3] =	wrdreg s6  }
0xb9: {  	[dreg:$0x4] =	wrdreg $0xC0  }
0xba: {  	_ =	task [dreg:s22], $0x5FFFF  }
0xbb: {  	[dreg:$0x1] =	wrdreg $0xFFFFFFFF  }
0xbc: {  	[dreg:$0x0] =	wrdreg $0x60  }
0xbd: {  	[dreg:$0x2] =	wrdreg s24  }
0xbe: {  	[dreg:$0x3] =	wrdreg s18  }
0xbf: {  	[dreg:$0x4] =	wrdreg $0xBD000  }
0xc0: {  	[dreg:$0x5] =	wrdreg $0xB  }
0xc1: {  	_ =	task.clear_ibuf [dreg:s22], $0x6FFFF;
	_ =	strace $0x90000052  }
0xc2: {  	s29 =	simm.s32 $0xB;
	_ =	strace $0x80000054  }
0xc3: {  	_ =	swait.ge [sflag:s29], $0x1  }
0xc4: {  	[sflag:s29] =	ssyncadd.s32 $0xFFFFFFFF  }
0xc5: {  	_ =	strace $0x90000054  }
0xc6: {  	_ =	sfence  }
0xc7: {  	s30 =	sld [smem:$0x0];
	_ =	sdelay $0x2  }
0xc8: {  	s31 =	sshll.u32 s1, $0xD;
	s1 =	sshrl.u32 s1, $0x2  }
0xc9: {  	s4 =	sand.u32 $0x4000, s31;
	s1 =	sadd.s32 s1, s30  }
0xca: {  	s0 =	sor.u32 s4, s0;
	s1 =	sshll.u32 s1, $0x11  }
0xcb: {  	s0 =	sor.u32 s1, s0  }
0xcc: {  	s0 =	sadd.s32 $0x8F2B, s0  }
0xcd: {  	[sflag:s0] =	ssyncadd.remote.s32 $0x1  }
0xce: {  	_ =	sfence.sel $0xFFFF  }
0xcf: {  	[dreg:$0x0] =	wrdreg $0xFFFFFFFF;
	(pc) =	sbr.abs _section_cstart, $3  }
0xd0: {  	[dreg:$0x1] =	wrdreg $0xFFFFFFFF  }
0xd1: {  	_ =	task.clear_ibuf [dreg:s22], $0x2FFFF;
	_ =	strace $0x9FFFFFFF  }
0xd2: {  	(tm) =	ssettm $0x7FFFFFFF  }
0xd3: {  	_ =	shalt  }
tec
execute0_lowered:
.L_overlay_start_1:
0x0: {  	(tag) =	ssettag $0x1  }
0x1: {  	s1 =	rddreg [dreg:$0x0]  }
0x2: {  	s0 =	srdreg.scid;
	s5 =	rddreg [dreg:$0x1]  }
0x3: {  	s2 =	rddreg [dreg:$0x2];
	s3 =	simm.s32 $0x0;
	s18 =	simm.s32 $0x5  }
0x4: {  	s20 =	simm.s32 $0x3800;
	s21 =	simm.s32 $0x3880;
	s22 =	simm.s32 $0x58  }
0x5: {  	s28 =	simm.s32 $0x3;
	s29 =	simm.s32 $0x9100;
	s30 =	simm.s32 $0x48  }
0x6: {  	s31 =	simm.s32 $0x1;
	s19 =	simm.s32 $0x0;
	s6 =	sand.u32 $0x1, s0  }
0x7: {  	s0 =	stileid.u32;
	s14 =	sadd.s32 $0x191500, s1;
	s4 =	smul.u32 $0x1C000, s6  }
0x8: {  	[smem:$0x7FF] =	sst s3;
	s16 =	sadd.s32 $0x1B8700, s1;
	s7 =	smul.u32 $0x1C00, s0  }
0x9: {  	_ =	strace $0x80000053;
	s9 =	sshll.u32 s6, $0x8;
	s23 =	smul.u32 $0x2700, s0  }
0xa: {  	s10 =	sshll.u32 s0, $0x4;
	s11 =	ssub.s32 $0x2, s6;
	s13 =	smul.u32 $0x4E000, s0  }
0xb: {  	p4 =	seq.s32 s6, $0x1;
	p0 =	seq.s32 s0, $0xF;
	s9 =	sor.u32 s10, s9  }
0xc: {  	s12 =	sshrl.u32 s11, $0x1;
	s10 =	sadd.s32 $0x124800, s2;
	p2 =	seq.s32 @p4 s0, $0xF  }
0xd: {  	p5 =	seq.s32 @!p4 s0, $0xF;
	s7 =	sadd.s32 s7, s4;
	s4 =	sadd.s32 $0xA9200, s1  }
0xe: {  	s9 =	sadd.s32 s9, s1;
	s15 =	sadd.s32 s23, s1;
	s17 =	ssub.s32 s11, s12  }
0xf: {  	s26 =	sshrl.u32 s13, $0x2;
	s12 =	sadd.s32 $0x7F700, s1;
	s23 =	simm.s32 $0x3900  }
0x10: {  	p1 =	por !p2, !p4;
	p2 =	por p2, !p4;
	p3 =	por !p5, p4  }
0x11: {  	p4 =	por p5, p4;
	s7 =	sshrl.u32 s7, $0x3;
	s25 =	sadd.s32 $0x5800, s9  }
.Ltmp0:
0x12: {  	s11 =	sadd.s32 $0x5AE00, s15;
	s13 =	sadd.s32 $0x16CC00, s15;
	(pc) =	sbr.rel .LBB2_1-.Ltmp0, $4  }
0x13: {  	s15 =	sadd.s32 $0x193E00, s15;
	s17 =	smax.u32 s17, $0x1;
	s8 =	sadd.s32 s7, s1  }
0x14: {  	s5 =	sadd.s32 s5, s7;
	[dreg:$0x6] =	wrdreg s25;
	s1 =	simm.s32 $0x2  }
0x15: {  	[dreg:$0x4] =	wrdreg s5;
	s24 =	sadd.s32 $0x5A00, s8;
	s8 =	sadd.s32 $0x5600, s9  }
0x16: {  	s9 =	sadd.s32 s26, s2;
	s26 =	simm.s32 $0x4;
	[dreg:$0x5] =	wrdreg s24  }
.LBB2_9:
0x17: {  	_ =	swait.ge [sflag:s26], $0x2C00  }
0x18: {  	[sflag:s26] =	ssyncset.done $0x0  }
0x19: {  	[sflag:s26] =	ssyncadd.s32 $0xFFFFD400  }
0x1a: {  	[tilespmem:s23], [sflag:$0x1] =	stream.indirect.gather [hbm4b:s4+s30], $0x80, s20, s30, $0xb8;
	[tilespmem:$0x1F580] =	vst v63  }
0x1b: {  	_ =	swait.ge [sflag:s31], $0x2400  }
0x1c: {  	[sflag:s31] =	ssyncset.done $0x0  }
0x1d: {  	[sflag:s31] =	ssyncadd.s32 $0xFFFFDC00  }
0x1e: {  	[spmem:s2] =	stream.indirect.scatter.add.f32 [tilespmem:s23], [sflag:$0x5], $0x80, s21, s30, $0xb8;
	[tilespmem:$0x1F580] =	vst v63  }
0x1f: {  	_ =	swait.ge [sflag:s18], $0x2400  }
0x20: {  	[sflag:s18] =	ssyncset.done $0x0  }
0x21: {  	[sflag:s18] =	ssyncadd.s32 $0xFFFFDC00  }
0x22: {  	s5 =	sshrl.u32 @!p1 s10, $0x3;
	s6 =	simm.s32 @!p1 $0x1FC5;
	[bflag:$0x0] =	sbarrier.arrive $0xFFFF  }
0x23: {  	[hbm:s16], [sflag:s6] =	dma.local @!p1 [spmem:s5], $0x2800  }
0x24: {  	s5 =	simm.s32 @!p1 $0x5  }
0x25: {  	_ =	swait.ge @!p1 [sflag:s5], $0x2800  }
0x26: {  	s6 =	sshll.u32 @!p2 s0, $0x6;
	[sflag:s5] =	ssyncset.done @!p1 $0x0  }
0x27: {  	[sflag:s5] =	ssyncadd.s32 @!p1 $0xFFFFD800;
	s5 =	sor.u32 @!p2 $0x1C05, s6;
	s6 =	sshrl.u32 @!p2 s9, $0x3  }
0x28: {  	[hbm:s15], [sflag:s5] =	dma.local @!p2 [spmem:s6], $0x2700  }
0x29: {  	s5 =	simm.s32 @!p2 $0x5  }
0x2a: {  	_ =	swait.ge @!p2 [sflag:s5], $0x2700  }
0x2b: {  	[sflag:s5] =	ssyncset.done @!p2 $0x0  }
0x2c: {  	s6 =	simm.s32 @!p3 $0x1FC5;
	[sflag:s5] =	ssyncadd.s32 @!p2 $0xFFFFD900;
	s5 =	sshrl.u32 @!p3 s10, $0x3  }
0x2d: {  	[hbm:s14], [sflag:s6] =	dma.local @!p3 [spmem:s5], $0x2800  }
0x2e: {  	s5 =	simm.s32 @!p3 $0x5  }
0x2f: {  	s19 =	sadd.s32 $0x1, s19;
	_ =	swait.ge @!p3 [sflag:s5], $0x2800  }
0x30: {  	p5 =	sne.s32 s19, s17;
	s6 =	sshll.u32 @!p4 s0, $0x6;
	[sflag:s5] =	ssyncset.done @!p3 $0x0  }
0x31: {  	[sflag:s5] =	ssyncadd.s32 @!p3 $0xFFFFD800;
	s5 =	sor.u32 @!p4 $0x1C05, s6;
	s6 =	sshrl.u32 @!p4 s9, $0x3  }
0x32: {  	[hbm:s13], [sflag:s5] =	dma.local @!p4 [spmem:s6], $0x2700  }
.Ltmp1:
0x33: {  	_ = 	snop;
	(pc) =	sbr.rel @!p5 .LBB2_10-.Ltmp1, $4  }
0x34: {  	s5 =	simm.s32 @!p4 $0x5  }
0x35: {  	_ =	swait.ge @!p4 [sflag:s5], $0x2700  }
0x36: {  	[sflag:s5] =	ssyncset.done @!p4 $0x0  }
0x37: {  	[sflag:s5] =	ssyncadd.s32 @!p4 $0xFFFFD900  }
.LBB2_1:
0x38: {  	s5 =	rddreg [dreg:$0x4]  }
0x39: {  	[tilespmem:s3], [sflag:$0x5] =	stream.linear.gather [hbm4b:s5+s3], $0x1C00, $0x38;
	[tilespmem:$0x1F580] =	vst v63  }
0x3a: {  	_ =	swait.ge [sflag:s18], $0x1C00  }
0x3b: {  	[sflag:s18] =	ssyncset.done $0x0  }
0x3c: {  	s6 =	simm.s32 $0x1C00;
	s25 =	rddreg [dreg:$0x5];
	[sflag:s18] =	ssyncadd.s32 $0xFFFFE400  }
0x3d: {  	[tilespmem:s6], [sflag:$0x4] =	stream.linear.gather [hbm4b:s25+s3], $0x1C00, $0x38;
	[tilespmem:$0x1F580] =	vst v63  }
0x3e: {  	s7 =	rddreg [dreg:$0x6]  }
0x3f: {  	[tilespmem:s20], [sflag:$0x4] =	stream.linear.gather [hbm4b:s7+s3], $0x80, $0x38;
	[tilespmem:$0x1F580] =	vst v63  }
0x40: {  	_ = 	snop  }
0x41: {  	[tilespmem:s21], [sflag:$0x4] =	stream.linear.gather [hbm4b:s8+s3], $0x80, $0x38;
	[tilespmem:$0x1F580] =	vst v63  }
0x42: {  	s24 =	simm.s32 $0x80  }
0x43: {  	[tilespmem:s23], [sflag:$0x1] =	stream.indirect.gather [hbm4b:s4+s22], $0x80, s3, s22, $0xb8;
	[tilespmem:$0x1F580] =	vst v63  }
0x44: {  	s5 =	sshrl.u32 @p0 s10, $0x3;
	s25 =	simm.s32 $0x6500;
	s6 =	simm.s32 @p0 $0x1FC5  }
0x45: {  	[tilespmem:s25], [sflag:$0x2] =	stream.indirect.gather [hbm4b:s4+s22], $0x80, s24, s22, $0xb8;
	[tilespmem:$0x1F580] =	vst v63  }
0x46: {  	[spmem:s5], [sflag:s6] =	dma.local @p0 [hbm:s12], $0x2800  }
0x47: {  	s5 =	simm.s32 @p0 $0x5  }
0x48: {  	_ =	swait.ge @p0 [sflag:s5], $0x2800  }
0x49: {  	s6 =	sshll.u32 @!p0 s0, $0x6;
	[sflag:s5] =	ssyncset.done @p0 $0x0  }
0x4a: {  	[sflag:s5] =	ssyncadd.s32 @p0 $0xFFFFD800;
	s5 =	sor.u32 @!p0 $0x1C05, s6;
	s6 =	sshrl.u32 @!p0 s9, $0x3  }
0x4b: {  	[spmem:s6], [sflag:s5] =	dma.local @!p0 [hbm:s11], $0x2700  }
0x4c: {  	s5 =	simm.s32 @!p0 $0x5  }
0x4d: {  	_ =	swait.ge @!p0 [sflag:s5], $0x2700  }
0x4e: {  	[sflag:s5] =	ssyncset.done @!p0 $0x0  }
0x4f: {  	[sflag:s5] =	ssyncadd.s32 @!p0 $0xFFFFD900  }
0x50: {  	_ =	swait.ge [sflag:s26], $0x1C00  }
0x51: {  	[sflag:s26] =	ssyncset.done $0x0  }
0x52: {  	[sflag:s26] =	ssyncadd.s32 $0xFFFFE400  }
0x53: {  	_ =	swait.ge [sflag:s26], $0x80  }
0x54: {  	[sflag:s26] =	ssyncset.done $0x0  }
0x55: {  	[sflag:s26] =	ssyncadd.s32 $0xFFFFFF80  }
.Ltmp2:
0x56: {  	_ =	swait.ge [sflag:s26], $0x80;
	(pc) =	sbr.rel .LBB2_2-.Ltmp2, $4  }
0x57: {  	[sflag:s26] =	ssyncset.done $0x0  }
0x58: {  	[sflag:s26] =	ssyncadd.s32 $0xFFFFFF80  }
0x59: {  	[bflag:$0x0] =	sbarrier.arrive $0xFFFF  }
0x5a: {  	s24 =	simm.s32 $0x100;
	s25 =	simm.s32 $0x1C00;
	s5 =	simm.s32 $0x0  }
.LBB2_7:
0x5b: {  	_ =	swait.ge [sflag:s28], $0x2C00  }
0x5c: {  	[sflag:s28] =	ssyncset.done $0x0  }
0x5d: {  	[sflag:s28] =	ssyncadd.s32 $0xFFFFD400  }
0x5e: {  	_ =	swait.ge [sflag:s26], $0x2C00  }
0x5f: {  	p5 =	sgt.u32 s5, $0x35;
	[sflag:s26] =	ssyncset.done $0x0  }
0x60: {  	s6 =	simm.s32 @!p5 $0x58;
	s7 =	simm.s32 @!p5 $0x6500;
	[sflag:s26] =	ssyncadd.s32 $0xFFFFD400  }
0x61: {  	[tilespmem:s7], [sflag:$0x2] =	stream.indirect.gather @!p5 [hbm4b:s4+s6], $0x80, s24, s6, $0xb8;
	[tilespmem:$0x1F580] =	vst v63  }
0x62: {  	s6 =	simm.s32 @!p5 $0x9100  }
0x63: {  	s6 =	simm.s32 @p5 $0x9100  }
.LBB2_8:
0x64: {  	s5 =	sadd.s32 $0x1, s5  }
0x65: {  	p5 =	sne.s32 s5, $0x38  }
.Ltmp3:
0x66: {  	_ = 	snop;
	(pc) =	sbr.rel @!p5 .LBB2_9-.Ltmp3, $3  }
0x67: {  	_ =	sdelay $0x1  }
0x68: {  	[spmem:s2] =	stream.indirect.scatter.add.f32 [tilespmem:s6], [sflag:$0x4], $0x80, s25, s22, $0xb8;
	[tilespmem:$0x1F580] =	vst v63  }
0x69: {  	s25 =	sadd.s32 $0x80, s25;
	s24 =	sadd.s32 $0x80, s24  }
.LBB2_2:
0x6a: {  	s6 =	smul.u32 $0xAB, s5;
	_ =	sdelay $0x1  }
0x6b: {  	s6 =	sshrl.u32 s6, $0x9  }
0x6c: {  	s6 =	sand.u32 $0x7F, s6  }
0x6d: {  	s6 =	smul.u32 $0x3, s6;
	_ =	sdelay $0x1  }
0x6e: {  	s6 =	ssub.s32 s5, s6  }
0x6f: {  	s6 =	sand.u32 $0xFF, s6  }
0x70: {  	p5 =	seq.s32 s6, $0x2  }
.Ltmp4:
0x71: {  	_ = 	snop;
	(pc) =	sbr.rel @p5 .LBB2_7-.Ltmp4, $1  }
0x72: {  	_ =	sdelay $0x3  }
0x73: {  	p5 =	seq.s32 s6, $0x1  }
.Ltmp5:
0x74: {  	_ = 	snop;
	(pc) =	sbr.rel @!p5 .LBB2_4-.Ltmp5, $1  }
0x75: {  	_ =	sdelay $0x3  }
0x76: {  	_ =	swait.ge [sflag:s1], $0x2C00  }
0x77: {  	[sflag:s1] =	ssyncset.done $0x0  }
0x78: {  	[sflag:s1] =	ssyncadd.s32 $0xFFFFD400  }
0x79: {  	_ =	swait.ge [sflag:s26], $0x2C00  }
.Ltmp6:
0x7a: {  	p5 =	sgt.u32 s5, $0x35;
	[sflag:s26] =	ssyncset.done $0x0;
	(pc) =	sbr.rel .LBB2_8-.Ltmp6, $4  }
0x7b: {  	s6 =	simm.s32 @!p5 $0x58;
	s7 =	simm.s32 @!p5 $0x3900;
	[sflag:s26] =	ssyncadd.s32 $0xFFFFD400  }
0x7c: {  	[tilespmem:s7], [sflag:$0x1] =	stream.indirect.gather @!p5 [hbm4b:s4+s6], $0x80, s24, s6, $0xb8;
	[tilespmem:$0x1F580] =	vst v63  }
0x7d: {  	s6 =	simm.s32 @!p5 $0x6500  }
0x7e: {  	s6 =	simm.s32 @p5 $0x6500  }
.LBB2_4:
0x7f: {  	p5 =	seq.s32 s5, $0x0  }
0x80: {  	p6 =	sgt.u32 @!p5 s5, $0x35  }
0x81: {  	_ =	swait.ge [sflag:s31], $0x2C00;
	p6 =	por p5, !p6  }
.Ltmp7:
0x82: {  	[sflag:s31] =	ssyncset.done $0x0;
	(pc) =	sbr.rel @!p6 .LBB2_8-.Ltmp7, $4  }
0x83: {  	s6 =	simm.s32 @!p5 $0x4;
	[sflag:s31] =	ssyncadd.s32 $0xFFFFD400  }
0x84: {  	_ =	swait.ge @!p5 [sflag:s6], $0x2C00  }
0x85: {  	[sflag:s6] =	ssyncset.done @!p5 $0x0  }
0x86: {  	[sflag:s6] =	ssyncadd.s32 @!p5 $0xFFFFD400;
	s6 =	simm.s32 @!p5 $0x3900  }
.Ltmp8:
0x87: {  	(pc) =	sbr.rel .LBB2_8-.Ltmp8, $3  }
0x88: {  	_ =	sdelay $0x1  }
0x89: {  	[tilespmem:s29], [sflag:$0x3] =	stream.indirect.gather [hbm4b:s4+s22], $0x80, s24, s22, $0xb8;
	[tilespmem:$0x1F580] =	vst v63  }
0x8a: {  	s6 =	simm.s32 $0x3900  }
.LBB2_10:
0x8b: {  	_ =	sfence.sel $0x180000  }
0x8c: {  	[bflag:$0x0] =	sbarrier.arrive $0xFFFF  }
0x8d: {  	_ =	strace $0x90000053  }
0x8e: {  	[bflag:$0x2] =	sbarrier.arrive $0xFFFF  }
0x8f: {  	p0 =	sne.s32 s0, $0x0;
	s0 =	rddreg [dreg:$0x3]  }
0x90: {  	s0 =	sadd.s32 @!p0 $0x100000, s0  }
0x91: {  	[sflag:s0] =	ssyncadd.tile.s32 @!p0 $0x1;
	_ =	shalt  }
.Lfunc_end2:
_tile_overlayer_lowered:
.L_overlay_start_2:
0x92: {  	(tag) =	ssettag $0x2  }
0x93: {  	s0 =	rddreg [dreg:$0x0];
	s2 =	stileid.u32  }
0x94: {  	s1 =	rddreg [dreg:$0x1];
	p0 =	sne.s32 s2, $0x0  }
0x95: {  	s3 =	rddreg [dreg:$0x2];
	[bflag:$0x3] =	sbarrier.arrive $0xFFFF;
	s2 =	simm.s32 @!p0 $0x1C05  }
0x96: {  	[timem:s3], [sflag:s2] =	dma.local @!p0 [hbm:s0], s1  }
0x97: {  	s0 =	simm.s32 @!p0 $0x5  }
0x98: {  	_ =	swait.ge @!p0 [sflag:s0], s1  }
0x99: {  	s1 =	ssub.s32 @!p0 $0x0, s1;
	[sflag:s0] =	ssyncset.done @!p0 $0x0  }
0x9a: {  	[sflag:s0] =	ssyncadd.s32 @!p0 s1  }
0x9b: {  	[bflag:$0x3] =	sbarrier.arrive $0xFFFF  }
0x9c: {  	_ =	shalt  }

// kernel: kernel.9.cloned.1.call-start
scs
__scs_entry_jumppad:
0x0: {  	(pc) =	sbr.rel $0x88, $3  }
0x1: {  	(tag) =	ssettag $0x0;
	lr =	simm.s32 $0x1  }
0x2: {  	[smem:$0x3F99] =	sst lr;
	_ =	strace $0xD0000000  }
0x3: {  	_ = 	snop  }
0x4: {  	_ = 	snop  }
0x5: {  	_ = 	snop  }
0x6: {  	_ = 	snop  }
0x7: {  	_ = 	snop  }
__scs_overlays_trampoline_lowered:
0x8: {  	[smem:$0x3FA8] =	sst s0  }
0x9: {  	[smem:$0x3FA9] =	sst s1  }
0xa: {  	[smem:$0x3FAA] =	sst s2  }
0xb: {  	[smem:$0x3FAB] =	sst s3  }
0xc: {  	[smem:$0x3FAC] =	sst s4  }
0xd: {  	[smem:$0x3FAD] =	sst s5  }
0xe: {  	[smem:$0x3FAE] =	sst s6  }
0xf: {  	[smem:$0x3FAF] =	sst s7  }
0x10: {  	[smem:$0x3FB0] =	sst s8  }
0x11: {  	[smem:$0x3FB1] =	sst s9;
	s0 =	simm.s32 @!p0 $0x0  }
0x12: {  	s1 =	sld [smem:$0x3F97];
	s0 =	simm.s32 @p0 $0x1  }
0x13: {  	[smem:$0x3FB2] =	sst s0;
	s0 =	simm.s32 @!p1 $0x0  }
0x14: {  	s2 =	sld [smem:$0x3F96];
	s0 =	simm.s32 @p1 $0x1  }
0x15: {  	[smem:$0x3FB3] =	sst s0;
	s0 =	simm.s32 @!p2 $0x0  }
0x16: {  	s3 =	sld [smem:$0x3FDB];
	s0 =	simm.s32 @p2 $0x1  }
0x17: {  	s4 =	simm.s32 $0x1BF5;
	[smem:$0x3FB5] =	sst s0  }
0x18: {  	s0 =	sld [smem:$0x3F98];
	_ =	swait.ge [sflag:s4], $0x0  }
0x19: {  	s7 =	sld [smem:$0x3F99]  }
0x1a: {  	s8 =	sadd.s32 $0xFFFFE003, lr  }
0x1b: {  	s9 =	sadd.s32 $0xFFFFFEF7, lr;
	s5 =	simm.s32 $0xFFFFFFFF;
	p2 =	slt.u32 s8, $0xFFFFF086  }
0x1c: {  	p1 =	slt.u32 s9, $0xF7A;
	s5 =	simm.s32 @!p2 $0x0  }
0x1d: {  	s5 =	simm.s32 @p1 $0x1;
	p0 =	seq.s32 s7, s2  }
0x1e: {  	s7 =	smul.u32 @!p0 $0xF7A, s2;
	p2 =	seq.s32 @!p0 s5, $0x0  }
0x1f: {  	s9 =	smul.u32 $0xF7A, s1;
	s8 =	simm.s32 @!p0 $0x1BF5;
	p2 =	por !p2, p0  }
0x20: {  	[sflag:s8] =	ssyncset.s32 @!p0 $0xFFFFF086;
	s6 =	sadd.s32 @!p0 s3, s7;
	s7 =	simm.s32 @!p0 $0x108  }
0x21: {  	s3 =	sadd.s32 s3, s9;
	s6 =	sadd.s32 @!p0 $0x88, s6;
	s7 =	simm.s32 @p2 $0x1082  }
0x22: {  	[simem:s7], [sflag:s8] =	dma.local @!p0 [hbm:s6], $0xF7A  }
0x23: {  	s9 =	sor.u32 $0xD0000000, s2;
	s6 =	simm.s32 $0x108;
	_ =	swait.ge @!p0 [sflag:s8], $0x0  }
0x24: {  	s3 =	sadd.s32 $0x88, s3;
	s6 =	simm.s32 @!p1 $0x1082;
	[sflag:s4] =	ssyncset.s32 $0xFFFFF086  }
0x25: {  	[simem:s6], [sflag:s4] =	dma.local [hbm:s3], $0xF7A  }
0x26: {  	[smem:$0x3F99] =	sst s1;
	(tag) =	ssettag s2;
	_ =	strace s9  }
0x27: {  	s1 =	sld [smem:$0x3FA9]  }
0x28: {  	s2 =	sld [smem:$0x3FAA]  }
0x29: {  	s4 =	sld [smem:$0x3FAC]  }
0x2a: {  	p0 =	seq.s32 s5, $0x0;
	s5 =	sld [smem:$0x3FAD]  }
0x2b: {  	s6 =	sld [smem:$0x3FAE]  }
0x2c: {  	s7 =	sld [smem:$0x3FAF]  }
0x2d: {  	s3 =	simm.s32 $0x108;
	s8 =	sld [smem:$0x3FB0]  }
0x2e: {  	s3 =	simm.s32 @!p0 $0x1082;
	s9 =	sld [smem:$0x3FB1]  }
0x2f: {  	lr =	sadd.s32 s0, s3;
	s0 =	sld [smem:$0x3FA8]  }
0x30: {  	s3 =	sld [smem:$0x3FAB]  }
0x31: {  	[smem:$0x3FB4] =	sst s10  }
0x32: {  	s10 =	sld [smem:$0x3FB2];
	_ =	sdelay $0x3  }
0x33: {  	p0 =	seq.s32 s10, $0x1;
	s10 =	sld [smem:$0x3FB4];
	_ =	sdelay $0x3  }
0x34: {  	[smem:$0x3FB4] =	sst s10  }
0x35: {  	s10 =	sld [smem:$0x3FB3];
	_ =	sdelay $0x3  }
0x36: {  	p1 =	seq.s32 s10, $0x1;
	s10 =	sld [smem:$0x3FB4];
	_ =	sdelay $0x3  }
0x37: {  	[smem:$0x3FB4] =	sst s10  }
0x38: {  	s10 =	sld [smem:$0x3FB5]  }
0x39: {  	_ = 	snop;
	(pc) =	sbr.ind lr, $3  }
0x3a: {  	_ = 	snop  }
0x3b: {  	_ = 	snop  }
0x3c: {  	p2 =	seq.s32 s10, $0x1;
	s10 =	sld [smem:$0x3FB4]  }
0x3d: {  	_ =	shalt  }
0x3e: {  	_ =	shalt  }
0x3f: {  	_ =	shalt  }
0x40: {  	_ =	shalt  }
0x41: {  	_ =	shalt  }
0x42: {  	_ =	shalt  }
0x43: {  	_ =	shalt  }
0x44: {  	_ =	shalt  }
0x45: {  	_ =	shalt  }
0x46: {  	_ =	shalt  }
0x47: {  	_ =	shalt  }
0x48: {  	_ =	shalt  }
0x49: {  	_ =	shalt  }
0x4a: {  	_ =	shalt  }
0x4b: {  	_ =	shalt  }
0x4c: {  	_ =	shalt  }
0x4d: {  	_ =	shalt  }
0x4e: {  	_ =	shalt  }
0x4f: {  	_ =	shalt  }
0x50: {  	_ =	shalt  }
0x51: {  	_ =	shalt  }
0x52: {  	_ =	shalt  }
0x53: {  	_ =	shalt  }
0x54: {  	_ =	shalt  }
0x55: {  	_ =	shalt  }
0x56: {  	_ =	shalt  }
0x57: {  	_ =	shalt  }
0x58: {  	_ =	shalt  }
0x59: {  	_ =	shalt  }
0x5a: {  	_ =	shalt  }
0x5b: {  	_ =	shalt  }
0x5c: {  	_ =	shalt  }
0x5d: {  	_ =	shalt  }
0x5e: {  	_ =	shalt  }
0x5f: {  	_ =	shalt  }
0x60: {  	_ =	shalt  }
0x61: {  	_ =	shalt  }
0x62: {  	_ =	shalt  }
0x63: {  	_ =	shalt  }
0x64: {  	_ =	shalt  }
0x65: {  	_ =	shalt  }
0x66: {  	_ =	shalt  }
0x67: {  	_ =	shalt  }
0x68: {  	_ =	shalt  }
0x69: {  	_ =	shalt  }
0x6a: {  	_ =	shalt  }
0x6b: {  	_ =	shalt  }
0x6c: {  	_ =	shalt  }
0x6d: {  	_ =	shalt  }
0x6e: {  	_ =	shalt  }
0x6f: {  	_ =	shalt  }
0x70: {  	_ =	shalt  }
0x71: {  	_ =	shalt  }
0x72: {  	_ =	shalt  }
0x73: {  	_ =	shalt  }
0x74: {  	_ =	shalt  }
0x75: {  	_ =	shalt  }
0x76: {  	_ =	shalt  }
0x77: {  	_ =	shalt  }
0x78: {  	_ =	shalt  }
0x79: {  	_ =	shalt  }
0x7a: {  	_ =	shalt  }
0x7b: {  	_ =	shalt  }
0x7c: {  	_ =	shalt  }
0x7d: {  	_ =	shalt  }
0x7e: {  	_ =	shalt  }
0x7f: {  	_ =	shalt  }
0x80: {  	_ =	shalt  }
0x81: {  	_ =	shalt  }
0x82: {  	_ =	shalt  }
0x83: {  	_ =	shalt  }
0x84: {  	_ =	shalt  }
0x85: {  	_ =	shalt  }
0x86: {  	_ =	shalt  }
0x87: {  	_ =	shalt  }
.Lfunc_end0:
.L_simem_size_0:
called_computation_lowered:
.L_overlay_start_0:
0x88: {  	s2 =	sld [smem:$0x3FD9]  }
0x89: {  	s3 =	sld [smem:$0x3FFE];
	_ =	sdelay $0x1  }
0x8a: {  	s1 =	srdreg.scid  }
0x8b: {  	s0 =	sand.u32 $0x1, s1  }
0x8c: {  	s17 =	sshll.u32 s0, $0xA;
	s2 =	sadd.s32 s3, s2  }
0x8d: {  	s2 =	sadd.s32 s2, s17  }
0x8e: {  	[smem:$0x3FC0] =	sst s2  }
0x8f: {  	_ = 	snop  }
0x90: {  	s18 =	sld [smem:$0x3FD0];
	(tm) =	ssettm $0x1  }
0x91: {  	s19 =	sld [smem:$0x3FFB];
	_ =	sdelay $0x3  }
0x92: {  	_ =	strace s19  }
0x93: {  	s2 =	sld [smem:$0x3FFC];
	_ =	sdelay $0x3  }
0x94: {  	_ =	strace s2  }
0x95: {  	s2 =	sld [smem:$0x3FFD];
	_ =	sdelay $0x3  }
0x96: {  	_ =	strace s2  }
0x97: {  	_ =	strace $0x8FFFFFFF  }
0x98: {  	s20 =	sld [smem:$0x3FDB];
	_ =	sdelay $0x1  }
0x99: {  	s4 =	simm.s32 $_scs_section_size  }
0x9a: {  	s5 =	simm.s32 $_size__tile_overlayer_lowered;
	s6 =	simm.s32 $_tile_overlayer_lowered  }
0x9b: {  	s7 =	simm.s32 $0x1BFF;
	s21 =	sshll.u32 s6, $0x1;
	s4 =	sadd.s32 s4, s20  }
0x9c: {  	s22 =	simm.s32 $0x0;
	s5 =	sshll.u32 s5, $0x1;
	s6 =	sadd.s32 s21, s4  }
0x9d: {  	[timem:s22], [sflag:s7] =	dma.local [hbm:s6], s5  }
0x9e: {  	_ =	swait.ge [sflag:s7], s5  }
0x9f: {  	s5 =	ssub.s32 $0x0, s5;
	[sflag:s7] =	ssyncset.done $0x0  }
0xa0: {  	[sflag:s7] =	ssyncadd.s32 s5;
	_ =	sdelay $0x1  }
0xa1: {  	s23 =	simm.s32 $0x1B8B  }
0xa2: {  	_ =	swait.ge [sflag:s23], $0x1  }
0xa3: {  	[sflag:s23] =	ssyncset.done $0x0  }
0xa4: {  	[sflag:s23] =	ssyncadd.s32 $0xFFFFFFFF  }
0xa5: {  	s5 =	sld [smem:$0x0]  }
0xa6: {  	s6 =	sand.u32 $0xFFFFFFFE, s1  }
0xa7: {  	p0 =	sne.s32 s1, s6  }
0xa8: {  	s6 =	sshll.u32 @p0 s6, $0xE  }
0xa9: {  	s6 =	sadd.s32 @p0 $0x11B8D, s6;
	s7 =	sshll.u32 @p0 s5, $0x11  }
0xaa: {  	s6 =	sor.u32 @p0 s7, s6  }
0xab: {  	[sflag:s6] =	ssyncadd.remote.s32 @p0 $0x1;
	_ =	sdelay $0x1  }
0xac: {  	s6 =	simm.s32 @p0 $0x1B8D  }
0xad: {  	_ =	swait.eq @p0 [sflag:s6], $0x1  }
0xae: {  	[sflag:s6] =	ssyncadd.s32 @p0 $0xFFFFFFFF  }
0xaf: {  	s7 =	sshll.u32 @!p0 s1, $0xE  }
0xb0: {  	s7 =	sor.u32 @!p0 $0x4000, s7;
	s6 =	simm.s32 @!p0 $0x1B8D  }
0xb1: {  	s5 =	sshll.u32 @!p0 s5, $0x11;
	s7 =	sadd.s32 @!p0 $0x11B8D, s7;
	_ =	swait.eq @!p0 [sflag:s6], $0x1  }
0xb2: {  	s5 =	sor.u32 @!p0 s5, s7;
	[sflag:s6] =	ssyncadd.s32 @!p0 $0xFFFFFFFF  }
0xb3: {  	s25 =	simm.s32 $0x1B8E;
	s24 =	sld [smem:$0x3FFE];
	[sflag:s5] =	ssyncadd.remote.s32 @!p0 $0x1  }
0xb4: {  	s26 =	simm.s32 $execute0_lowered;
	[smem:$0x3FD2] =	sst s25  }
0xb5: {  	s6 =	sshll.u32 s26, $0x1;
	_ =	strace $0x80000049;
	[dreg:$0x1] =	wrdreg $0xFFFFFFFF  }
0xb6: {  	s28 =	simm.s32 $_size_execute0_lowered;
	s4 =	sadd.s32 s4, s6;
	[dreg:$0x0] =	wrdreg $0x0  }
0xb7: {  	s6 =	sshll.u32 s28, $0x1;
	[dreg:$0x2] =	wrdreg s4  }
0xb8: {  	[dreg:$0x3] =	wrdreg s6  }
0xb9: {  	[dreg:$0x4] =	wrdreg $0xC0  }
0xba: {  	_ =	task [dreg:s22], $0x5FFFF  }
0xbb: {  	[dreg:$0x1] =	wrdreg $0xFFFFFFFF  }
0xbc: {  	[dreg:$0x0] =	wrdreg $0x60  }
0xbd: {  	[dreg:$0x2] =	wrdreg s24  }
0xbe: {  	[dreg:$0x3] =	wrdreg s18  }
0xbf: {  	[dreg:$0x4] =	wrdreg $0xBD000  }
0xc0: {  	[dreg:$0x5] =	wrdreg $0x9  }
0xc1: {  	_ =	task.clear_ibuf [dreg:s22], $0x6FFFF;
	_ =	strace $0x90000049  }
0xc2: {  	s29 =	simm.s32 $0x9;
	_ =	strace $0x8000004B  }
0xc3: {  	_ =	swait.ge [sflag:s29], $0x1  }
0xc4: {  	[sflag:s29] =	ssyncadd.s32 $0xFFFFFFFF  }
0xc5: {  	_ =	strace $0x9000004B  }
0xc6: {  	_ =	sfence  }
0xc7: {  	s30 =	sld [smem:$0x0];
	_ =	sdelay $0x2  }
0xc8: {  	s31 =	sshll.u32 s1, $0xD;
	s1 =	sshrl.u32 s1, $0x2  }
0xc9: {  	s4 =	sand.u32 $0x4000, s31;
	s1 =	sadd.s32 s1, s30  }
0xca: {  	s0 =	sor.u32 s4, s0;
	s1 =	sshll.u32 s1, $0x11  }
0xcb: {  	s0 =	sor.u32 s1, s0  }
0xcc: {  	s0 =	sadd.s32 $0x8F2B, s0  }
0xcd: {  	[sflag:s0] =	ssyncadd.remote.s32 $0x1  }
0xce: {  	_ =	sfence.sel $0xFFFF  }
0xcf: {  	[dreg:$0x0] =	wrdreg $0xFFFFFFFF;
	(pc) =	sbr.abs _section_cstart, $3  }
0xd0: {  	[dreg:$0x1] =	wrdreg $0xFFFFFFFF  }
0xd1: {  	_ =	task.clear_ibuf [dreg:s22], $0x2FFFF;
	_ =	strace $0x9FFFFFFF  }
0xd2: {  	(tm) =	ssettm $0x7FFFFFFF  }
0xd3: {  	_ =	shalt  }
tec
execute0_lowered:
.L_overlay_start_1:
0x0: {  	(tag) =	ssettag $0x1  }
0x1: {  	s1 =	rddreg [dreg:$0x0]  }
0x2: {  	s0 =	srdreg.scid;
	s5 =	rddreg [dreg:$0x1]  }
0x3: {  	s2 =	rddreg [dreg:$0x2];
	s3 =	simm.s32 $0x0;
	s18 =	simm.s32 $0x5  }
0x4: {  	s20 =	simm.s32 $0x3800;
	s21 =	simm.s32 $0x3880;
	s22 =	simm.s32 $0x58  }
0x5: {  	s28 =	simm.s32 $0x3;
	s29 =	simm.s32 $0x9100;
	s30 =	simm.s32 $0x48  }
0x6: {  	s31 =	simm.s32 $0x1;
	s6 =	sand.u32 $0x1, s0;
	s0 =	stileid.u32  }
0x7: {  	s19 =	simm.s32 $0x0;
	[smem:$0x7FF] =	sst s3;
	s4 =	smul.u32 $0x1C000, s6  }
0x8: {  	s14 =	sadd.s32 $0xF4D00, s1;
	s16 =	sadd.s32 $0x11BF00, s1;
	s7 =	smul.u32 $0x1C00, s0  }
0x9: {  	_ =	strace $0x8000004A;
	s9 =	sshll.u32 s6, $0x8;
	s23 =	smul.u32 $0x2700, s0  }
0xa: {  	s10 =	sshll.u32 s0, $0x4;
	s11 =	ssub.s32 $0x2, s6;
	s13 =	smul.u32 $0x4E000, s0  }
0xb: {  	p4 =	seq.s32 s6, $0x1;
	p0 =	seq.s32 s0, $0xF;
	s9 =	sor.u32 s10, s9  }
0xc: {  	s12 =	sshrl.u32 s11, $0x1;
	p2 =	seq.s32 @p4 s0, $0xF;
	p5 =	seq.s32 @!p4 s0, $0xF  }
0xd: {  	s7 =	sadd.s32 s7, s4;
	s4 =	sadd.s32 $0x33C00, s1;
	s9 =	sadd.s32 s9, s1  }
0xe: {  	s15 =	sadd.s32 s23, s1;
	s17 =	ssub.s32 s11, s12;
	s26 =	sshrl.u32 s13, $0x2  }
0xf: {  	s11 =	sadd.s32 $0x124800, s2;
	s12 =	sadd.s32 $0x7F700, s1;
	s23 =	simm.s32 $0x3900  }
0x10: {  	p1 =	por !p2, !p4;
	p2 =	por p2, !p4;
	p3 =	por !p5, p4  }
0x11: {  	p4 =	por p5, p4;
	s7 =	sshrl.u32 s7, $0x3;
	s25 =	sadd.s32 $0x5800, s9  }
.Ltmp0:
0x12: {  	s10 =	sadd.s32 $0x5AE00, s15;
	s13 =	sadd.s32 $0xD0400, s15;
	(pc) =	sbr.rel .LBB2_1-.Ltmp0, $4  }
0x13: {  	s15 =	sadd.s32 $0xF7600, s15;
	s17 =	smax.u32 s17, $0x1;
	s8 =	sadd.s32 s7, s1  }
0x14: {  	s5 =	sadd.s32 s5, s7;
	[dreg:$0x6] =	wrdreg s25;
	s1 =	simm.s32 $0x2  }
0x15: {  	[dreg:$0x4] =	wrdreg s5;
	s24 =	sadd.s32 $0x5A00, s8;
	s8 =	sadd.s32 $0x5600, s9  }
0x16: {  	s9 =	sadd.s32 s26, s2;
	s26 =	simm.s32 $0x4;
	[dreg:$0x5] =	wrdreg s24  }
.LBB2_9:
0x17: {  	_ =	swait.ge [sflag:s26], $0x2C00  }
0x18: {  	[sflag:s26] =	ssyncset.done $0x0  }
0x19: {  	[sflag:s26] =	ssyncadd.s32 $0xFFFFD400  }
0x1a: {  	[tilespmem:s23], [sflag:$0x1] =	stream.indirect.gather [hbm4b:s4+s30], $0x80, s20, s30, $0xb8;
	[tilespmem:$0x1F580] =	vst v63  }
0x1b: {  	_ =	swait.ge [sflag:s31], $0x2400  }
0x1c: {  	[sflag:s31] =	ssyncset.done $0x0  }
0x1d: {  	[sflag:s31] =	ssyncadd.s32 $0xFFFFDC00  }
0x1e: {  	[spmem:s2] =	stream.indirect.scatter.add.f32 [tilespmem:s23], [sflag:$0x5], $0x80, s21, s30, $0xb8;
	[tilespmem:$0x1F580] =	vst v63  }
0x1f: {  	_ =	swait.ge [sflag:s18], $0x2400  }
0x20: {  	[sflag:s18] =	ssyncset.done $0x0  }
0x21: {  	[sflag:s18] =	ssyncadd.s32 $0xFFFFDC00  }
0x22: {  	s5 =	sshrl.u32 @!p1 s11, $0x3;
	s6 =	simm.s32 @!p1 $0x1FC5;
	[bflag:$0x0] =	sbarrier.arrive $0xFFFF  }
0x23: {  	[hbm:s16], [sflag:s6] =	dma.local @!p1 [spmem:s5], $0x2800  }
0x24: {  	s5 =	simm.s32 @!p1 $0x5  }
0x25: {  	_ =	swait.ge @!p1 [sflag:s5], $0x2800  }
0x26: {  	s6 =	sshll.u32 @!p2 s0, $0x6;
	[sflag:s5] =	ssyncset.done @!p1 $0x0  }
0x27: {  	[sflag:s5] =	ssyncadd.s32 @!p1 $0xFFFFD800;
	s5 =	sor.u32 @!p2 $0x1C05, s6;
	s6 =	sshrl.u32 @!p2 s9, $0x3  }
0x28: {  	[hbm:s15], [sflag:s5] =	dma.local @!p2 [spmem:s6], $0x2700  }
0x29: {  	s5 =	simm.s32 @!p2 $0x5  }
0x2a: {  	_ =	swait.ge @!p2 [sflag:s5], $0x2700  }
0x2b: {  	[sflag:s5] =	ssyncset.done @!p2 $0x0  }
0x2c: {  	s6 =	simm.s32 @!p3 $0x1FC5;
	[sflag:s5] =	ssyncadd.s32 @!p2 $0xFFFFD900;
	s5 =	sshrl.u32 @!p3 s11, $0x3  }
0x2d: {  	[hbm:s14], [sflag:s6] =	dma.local @!p3 [spmem:s5], $0x2800  }
0x2e: {  	s5 =	simm.s32 @!p3 $0x5  }
0x2f: {  	s19 =	sadd.s32 $0x1, s19;
	_ =	swait.ge @!p3 [sflag:s5], $0x2800  }
0x30: {  	p5 =	sne.s32 s19, s17;
	s6 =	sshll.u32 @!p4 s0, $0x6;
	[sflag:s5] =	ssyncset.done @!p3 $0x0  }
0x31: {  	[sflag:s5] =	ssyncadd.s32 @!p3 $0xFFFFD800;
	s5 =	sor.u32 @!p4 $0x1C05, s6;
	s6 =	sshrl.u32 @!p4 s9, $0x3  }
0x32: {  	[hbm:s13], [sflag:s5] =	dma.local @!p4 [spmem:s6], $0x2700  }
.Ltmp1:
0x33: {  	_ = 	snop;
	(pc) =	sbr.rel @!p5 .LBB2_10-.Ltmp1, $4  }
0x34: {  	s5 =	simm.s32 @!p4 $0x5  }
0x35: {  	_ =	swait.ge @!p4 [sflag:s5], $0x2700  }
0x36: {  	[sflag:s5] =	ssyncset.done @!p4 $0x0  }
0x37: {  	[sflag:s5] =	ssyncadd.s32 @!p4 $0xFFFFD900  }
.LBB2_1:
0x38: {  	s5 =	rddreg [dreg:$0x4]  }
0x39: {  	[tilespmem:s3], [sflag:$0x5] =	stream.linear.gather [hbm4b:s5+s3], $0x1C00, $0x38;
	[tilespmem:$0x1F580] =	vst v63  }
0x3a: {  	_ =	swait.ge [sflag:s18], $0x1C00  }
0x3b: {  	[sflag:s18] =	ssyncset.done $0x0  }
0x3c: {  	s6 =	simm.s32 $0x1C00;
	s25 =	rddreg [dreg:$0x5];
	[sflag:s18] =	ssyncadd.s32 $0xFFFFE400  }
0x3d: {  	[tilespmem:s6], [sflag:$0x4] =	stream.linear.gather [hbm4b:s25+s3], $0x1C00, $0x38;
	[tilespmem:$0x1F580] =	vst v63  }
0x3e: {  	s7 =	rddreg [dreg:$0x6]  }
0x3f: {  	[tilespmem:s20], [sflag:$0x4] =	stream.linear.gather [hbm4b:s7+s3], $0x80, $0x38;
	[tilespmem:$0x1F580] =	vst v63  }
0x40: {  	_ = 	snop  }
0x41: {  	[tilespmem:s21], [sflag:$0x4] =	stream.linear.gather [hbm4b:s8+s3], $0x80, $0x38;
	[tilespmem:$0x1F580] =	vst v63  }
0x42: {  	s24 =	simm.s32 $0x80  }
0x43: {  	[tilespmem:s23], [sflag:$0x1] =	stream.indirect.gather [hbm4b:s4+s22], $0x80, s3, s22, $0xb8;
	[tilespmem:$0x1F580] =	vst v63  }
0x44: {  	s5 =	sshrl.u32 @p0 s11, $0x3;
	s25 =	simm.s32 $0x6500;
	s6 =	simm.s32 @p0 $0x1FC5  }
0x45: {  	[tilespmem:s25], [sflag:$0x2] =	stream.indirect.gather [hbm4b:s4+s22], $0x80, s24, s22, $0xb8;
	[tilespmem:$0x1F580] =	vst v63  }
0x46: {  	[spmem:s5], [sflag:s6] =	dma.local @p0 [hbm:s12], $0x2800  }
0x47: {  	s5 =	simm.s32 @p0 $0x5  }
0x48: {  	_ =	swait.ge @p0 [sflag:s5], $0x2800  }
0x49: {  	s6 =	sshll.u32 @!p0 s0, $0x6;
	[sflag:s5] =	ssyncset.done @p0 $0x0  }
0x4a: {  	[sflag:s5] =	ssyncadd.s32 @p0 $0xFFFFD800;
	s5 =	sor.u32 @!p0 $0x1C05, s6;
	s6 =	sshrl.u32 @!p0 s9, $0x3  }
0x4b: {  	[spmem:s6], [sflag:s5] =	dma.local @!p0 [hbm:s10], $0x2700  }
0x4c: {  	s5 =	simm.s32 @!p0 $0x5  }
0x4d: {  	_ =	swait.ge @!p0 [sflag:s5], $0x2700  }
0x4e: {  	[sflag:s5] =	ssyncset.done @!p0 $0x0  }
0x4f: {  	[sflag:s5] =	ssyncadd.s32 @!p0 $0xFFFFD900  }
0x50: {  	_ =	swait.ge [sflag:s26], $0x1C00  }
0x51: {  	[sflag:s26] =	ssyncset.done $0x0  }
0x52: {  	[sflag:s26] =	ssyncadd.s32 $0xFFFFE400  }
0x53: {  	_ =	swait.ge [sflag:s26], $0x80  }
0x54: {  	[sflag:s26] =	ssyncset.done $0x0  }
0x55: {  	[sflag:s26] =	ssyncadd.s32 $0xFFFFFF80  }
.Ltmp2:
0x56: {  	_ =	swait.ge [sflag:s26], $0x80;
	(pc) =	sbr.rel .LBB2_2-.Ltmp2, $4  }
0x57: {  	[sflag:s26] =	ssyncset.done $0x0  }
0x58: {  	[sflag:s26] =	ssyncadd.s32 $0xFFFFFF80  }
0x59: {  	[bflag:$0x0] =	sbarrier.arrive $0xFFFF  }
0x5a: {  	s24 =	simm.s32 $0x100;
	s25 =	simm.s32 $0x1C00;
	s5 =	simm.s32 $0x0  }
.LBB2_7:
0x5b: {  	_ =	swait.ge [sflag:s28], $0x2C00  }
0x5c: {  	[sflag:s28] =	ssyncset.done $0x0  }
0x5d: {  	[sflag:s28] =	ssyncadd.s32 $0xFFFFD400  }
0x5e: {  	_ =	swait.ge [sflag:s26], $0x2C00  }
0x5f: {  	p5 =	sgt.u32 s5, $0x35;
	[sflag:s26] =	ssyncset.done $0x0  }
0x60: {  	s6 =	simm.s32 @!p5 $0x58;
	s7 =	simm.s32 @!p5 $0x6500;
	[sflag:s26] =	ssyncadd.s32 $0xFFFFD400  }
0x61: {  	[tilespmem:s7], [sflag:$0x2] =	stream.indirect.gather @!p5 [hbm4b:s4+s6], $0x80, s24, s6, $0xb8;
	[tilespmem:$0x1F580] =	vst v63  }
0x62: {  	s6 =	simm.s32 @!p5 $0x9100  }
0x63: {  	s6 =	simm.s32 @p5 $0x9100  }
.LBB2_8:
0x64: {  	s5 =	sadd.s32 $0x1, s5  }
0x65: {  	p5 =	sne.s32 s5, $0x38  }
.Ltmp3:
0x66: {  	_ = 	snop;
	(pc) =	sbr.rel @!p5 .LBB2_9-.Ltmp3, $3  }
0x67: {  	_ =	sdelay $0x1  }
0x68: {  	[spmem:s2] =	stream.indirect.scatter.add.f32 [tilespmem:s6], [sflag:$0x4], $0x80, s25, s22, $0xb8;
	[tilespmem:$0x1F580] =	vst v63  }
0x69: {  	s25 =	sadd.s32 $0x80, s25;
	s24 =	sadd.s32 $0x80, s24  }
.LBB2_2:
0x6a: {  	s6 =	smul.u32 $0xAB, s5;
	_ =	sdelay $0x1  }
0x6b: {  	s6 =	sshrl.u32 s6, $0x9  }
0x6c: {  	s6 =	sand.u32 $0x7F, s6  }
0x6d: {  	s6 =	smul.u32 $0x3, s6;
	_ =	sdelay $0x1  }
0x6e: {  	s6 =	ssub.s32 s5, s6  }
0x6f: {  	s6 =	sand.u32 $0xFF, s6  }
0x70: {  	p5 =	seq.s32 s6, $0x2  }
.Ltmp4:
0x71: {  	_ = 	snop;
	(pc) =	sbr.rel @p5 .LBB2_7-.Ltmp4, $1  }
0x72: {  	_ =	sdelay $0x3  }
0x73: {  	p5 =	seq.s32 s6, $0x1  }
.Ltmp5:
0x74: {  	_ = 	snop;
	(pc) =	sbr.rel @!p5 .LBB2_4-.Ltmp5, $1  }
0x75: {  	_ =	sdelay $0x3  }
0x76: {  	_ =	swait.ge [sflag:s1], $0x2C00  }
0x77: {  	[sflag:s1] =	ssyncset.done $0x0  }
0x78: {  	[sflag:s1] =	ssyncadd.s32 $0xFFFFD400  }
0x79: {  	_ =	swait.ge [sflag:s26], $0x2C00  }
.Ltmp6:
0x7a: {  	p5 =	sgt.u32 s5, $0x35;
	[sflag:s26] =	ssyncset.done $0x0;
	(pc) =	sbr.rel .LBB2_8-.Ltmp6, $4  }
0x7b: {  	s6 =	simm.s32 @!p5 $0x58;
	s7 =	simm.s32 @!p5 $0x3900;
	[sflag:s26] =	ssyncadd.s32 $0xFFFFD400  }
0x7c: {  	[tilespmem:s7], [sflag:$0x1] =	stream.indirect.gather @!p5 [hbm4b:s4+s6], $0x80, s24, s6, $0xb8;
	[tilespmem:$0x1F580] =	vst v63  }
0x7d: {  	s6 =	simm.s32 @!p5 $0x6500  }
0x7e: {  	s6 =	simm.s32 @p5 $0x6500  }
.LBB2_4:
0x7f: {  	p5 =	seq.s32 s5, $0x0  }
0x80: {  	p6 =	sgt.u32 @!p5 s5, $0x35  }
0x81: {  	_ =	swait.ge [sflag:s31], $0x2C00;
	p6 =	por p5, !p6  }
.Ltmp7:
0x82: {  	[sflag:s31] =	ssyncset.done $0x0;
	(pc) =	sbr.rel @!p6 .LBB2_8-.Ltmp7, $4  }
0x83: {  	s6 =	simm.s32 @!p5 $0x4;
	[sflag:s31] =	ssyncadd.s32 $0xFFFFD400  }
0x84: {  	_ =	swait.ge @!p5 [sflag:s6], $0x2C00  }
0x85: {  	[sflag:s6] =	ssyncset.done @!p5 $0x0  }
0x86: {  	[sflag:s6] =	ssyncadd.s32 @!p5 $0xFFFFD400;
	s6 =	simm.s32 @!p5 $0x3900  }
.Ltmp8:
0x87: {  	(pc) =	sbr.rel .LBB2_8-.Ltmp8, $3  }
0x88: {  	_ =	sdelay $0x1  }
0x89: {  	[tilespmem:s29], [sflag:$0x3] =	stream.indirect.gather [hbm4b:s4+s22], $0x80, s24, s22, $0xb8;
	[tilespmem:$0x1F580] =	vst v63  }
0x8a: {  	s6 =	simm.s32 $0x3900  }
.LBB2_10:
0x8b: {  	_ =	sfence.sel $0x180000  }
0x8c: {  	[bflag:$0x0] =	sbarrier.arrive $0xFFFF  }
0x8d: {  	_ =	strace $0x9000004A  }
0x8e: {  	[bflag:$0x2] =	sbarrier.arrive $0xFFFF  }
0x8f: {  	p0 =	sne.s32 s0, $0x0;
	s0 =	rddreg [dreg:$0x3]  }
0x90: {  	s0 =	sadd.s32 @!p0 $0x100000, s0  }
0x91: {  	[sflag:s0] =	ssyncadd.tile.s32 @!p0 $0x1;
	_ =	shalt  }
.Lfunc_end2:
_tile_overlayer_lowered:
.L_overlay_start_2:
0x92: {  	(tag) =	ssettag $0x2  }
0x93: {  	s0 =	rddreg [dreg:$0x0];
	s2 =	stileid.u32  }
0x94: {  	s1 =	rddreg [dreg:$0x1];
	p0 =	sne.s32 s2, $0x0  }
0x95: {  	s3 =	rddreg [dreg:$0x2];
	[bflag:$0x3] =	sbarrier.arrive $0xFFFF;
	s2 =	simm.s32 @!p0 $0x1C05  }
0x96: {  	[timem:s3], [sflag:s2] =	dma.local @!p0 [hbm:s0], s1  }
0x97: {  	s0 =	simm.s32 @!p0 $0x5  }
0x98: {  	_ =	swait.ge @!p0 [sflag:s0], s1  }
0x99: {  	s1 =	ssub.s32 @!p0 $0x0, s1;
	[sflag:s0] =	ssyncset.done @!p0 $0x0  }
0x9a: {  	[sflag:s0] =	ssyncadd.s32 @!p0 s1  }
0x9b: {  	[bflag:$0x3] =	sbarrier.arrive $0xFFFF  }
0x9c: {  	_ =	shalt  }

</sc_bundles>
